<compile_context>
chip_gen: v7x
topology: tpu7x:2x2x1
jax: 0.10.2.dev20260603
libtpu: 0.0.44.dev20260713+nightly
codegen_flags: <defaults>
</compile_context>

<pallas_src>
import functools

import jax
import jax.numpy as jnp
from jax import lax
from jax.experimental import pallas as pl
from jax.experimental.pallas import tpu as pltpu
from jax.experimental.pallas import tpu_sc as plsc

N_NODES = 100000
NUM_TYPES = 128
L = 16
NC, NS = 2, 16
NW = NC * NS
C = 400
NCHUNKS = N_NODES // C
MAXK = (NCHUNKS + NW - 1) // NW

_mesh = plsc.VectorSubcoreMesh(core_axis_name="c", subcore_axis_name="s")


@functools.partial(
    pl.kernel,
    mesh=_mesh,
    compiler_params=pltpu.CompilerParams(needs_layout_passes=False),
    out_type=jax.ShapeDtypeStruct((N_NODES, NUM_TYPES), jnp.float32),
    scratch_types=[
        *[pltpu.VMEM((C,), jnp.int32) for _ in range(MAXK)],
        pltpu.VMEM((C, NUM_TYPES), jnp.float32),
        pltpu.VMEM((C, NUM_TYPES), jnp.float32),
        pltpu.VMEM_SHARED((C, NUM_TYPES), jnp.float32),
        pltpu.SemaphoreType.DMA,
        pltpu.SemaphoreType.DMA,
        pltpu.SemaphoreType.DMA,
    ],
)
def _onehot_sc(idx_hbm, zeros_hbm, out_hbm, *refs):
    idxv = refs[:MAXK]
    buf0, buf1, zshared, sem0, sem1, sem_idx = refs[MAXK:]
    wid = lax.axis_index("s") * NC + lax.axis_index("c")
    bufs, sems = (buf0, buf1), (sem0, sem1)

    lane = lax.iota(jnp.int32, L)
    ones = jnp.full((L,), 1.0, jnp.float32)
    zeros = jnp.full((L,), 0.0, jnp.float32)

    def scatter(buf, k, value):
        for g in range(C // L):
            iv = idxv[k][pl.ds(g * L, L)]
            plsc.store_scatter(buf, [g * L + lane, iv], value)

    for k in range(MAXK):
        c = wid + NW * k

        @pl.when(c < NCHUNKS)
        def _(k=k, c=c):
            pltpu.async_copy(idx_hbm.at[pl.ds(c * C, C)], idxv[k], sem_idx)

    @pl.when(lax.axis_index("s") == 0)
    def _():
        pltpu.sync_copy(zeros_hbm, zshared)

    plsc.subcore_barrier()
    pltpu.async_copy(zshared, buf0, sem0)
    pltpu.async_copy(zshared, buf1, sem1)

    for k in range(MAXK):
        c = wid + NW * k

        @pl.when(c < NCHUNKS)
        def _(k=k, c=c):
            pltpu.make_async_copy(
                idx_hbm.at[pl.ds(c * C, C)], idxv[k], sem_idx
            ).wait()

    for k in range(MAXK):
        b = k % 2
        c = wid + NW * k

        @pl.when(c < NCHUNKS)
        def _(k=k, b=b, c=c):
            if k < 2:
                pltpu.make_async_copy(zshared, bufs[b], sems[b]).wait()
            else:
                pltpu.make_async_copy(
                    bufs[b], out_hbm.at[pl.ds((c - 2 * NW) * C, C)], sems[b]
                ).wait()
                scatter(bufs[b], k - 2, zeros)
            scatter(bufs[b], k, ones)
            pltpu.async_copy(bufs[b], out_hbm.at[pl.ds(c * C, C)], sems[b])

    pltpu.make_async_copy(buf0, out_hbm.at[pl.ds(0, C)], sem0).wait()
    pltpu.make_async_copy(buf1, out_hbm.at[pl.ds(0, C)], sem1).wait()


TC_BLOCK = 8192
IDX_ROWS = 832


def _onehot_tc_body(idx_ref, out_ref):
    idx_tile = idx_ref[...]
    cls = lax.broadcasted_iota(jnp.int32, (NUM_TYPES, 128), 0)
    for s in range(TC_BLOCK // 128):
        row = idx_tile[s:s + 1, :]
        pt = (cls == row).astype(jnp.float32)
        out_ref[pl.ds(s * 128, 128), :] = pt.T


def _onehot_tc(idx_pad):
    return pl.pallas_call(
        _onehot_tc_body,
        grid=(pl.cdiv(N_NODES, TC_BLOCK),),
        in_specs=[pl.BlockSpec((TC_BLOCK // 128, 128), lambda i: (i, 0))],
        out_specs=pl.BlockSpec((TC_BLOCK, NUM_TYPES), lambda i: (i, 0)),
        out_shape=jax.ShapeDtypeStruct((N_NODES, NUM_TYPES), jnp.float32),
    )(idx_pad)


def kernel(atom_type, pos):
    idx = atom_type.reshape(-1).astype(jnp.int32)
    idx_pad = jnp.zeros((IDX_ROWS * 128,), jnp.int32).at[:N_NODES].set(idx)
    zeros_init = jnp.zeros((C, NUM_TYPES), jnp.float32)
    node_attrs = _onehot_sc(idx, zeros_init)
    node_features = _onehot_tc(idx_pad.reshape(IDX_ROWS, 128))
    return (node_attrs, node_features)

# --- scband reference (transcript-rebuilt; emitter-appended) ---
"""Pipeline reference for scband-one-hot-atom-encoding-58574763983803 (READ-ONLY COPY).

The authoritative reference and input builder live on the scoring server;
editing this copy changes nothing except your own understanding.
"""

import jax, jax.numpy as jnp
import numpy as np

NUM_TYPES = 128
N_NODES = 100000

def setup_inputs(seed: int = 0) -> dict:
    key = jax.random.key(seed)
    k1, k2 = jax.random.split(key)
    atom_type = jax.random.randint(k1, (N_NODES, 1), 0, NUM_TYPES)
    pos = jax.random.normal(k2, (N_NODES, 3), dtype=jnp.float32)
    return {"atom_type": atom_type, "pos": pos}

def reference(atom_type, pos):
    # type_numbers = data[ATOM_TYPE_KEY].squeeze(-1)
    type_numbers = jnp.squeeze(atom_type, axis=-1)
    # one_hot = F.one_hot(type_numbers, num_classes=num_types).to(dtype=pos.dtype)
    one_hot = jax.nn.one_hot(type_numbers, NUM_TYPES, dtype=pos.dtype)
    # set_features=True: node_attrs and node_features are both the one-hot encoding
    node_attrs = one_hot
    node_features = one_hot
    return (node_attrs, node_features)

if __name__ == "__main__":
    import jax
    _d = setup_inputs()
    print(jax.jit(kernel)(*tuple(_d.values())))

</pallas_src>

<mosaic_0001>
#map = affine_map<(d0, d1) -> (0)>
#map1 = affine_map<(d0, d1) -> (0, 0)>
module attributes {stable_mosaic.version = 14 : i64} {
  func.func @_onehot_sc(%arg0: i32, %arg1: i32, %arg2: memref<100000xi32, #tpu.memory_space<hbm>>, %arg3: memref<400x128xf32, #tpu.memory_space<hbm>>, %arg4: memref<100000x128xf32, #tpu.memory_space<hbm>>, %arg5: memref<400xi32, #tpu.memory_space<vmem>>, %arg6: memref<400xi32, #tpu.memory_space<vmem>>, %arg7: memref<400xi32, #tpu.memory_space<vmem>>, %arg8: memref<400xi32, #tpu.memory_space<vmem>>, %arg9: memref<400xi32, #tpu.memory_space<vmem>>, %arg10: memref<400xi32, #tpu.memory_space<vmem>>, %arg11: memref<400xi32, #tpu.memory_space<vmem>>, %arg12: memref<400xi32, #tpu.memory_space<vmem>>, %arg13: memref<400x128xf32, #tpu.memory_space<vmem>>, %arg14: memref<400x128xf32, #tpu.memory_space<vmem>>, %arg15: memref<400x128xf32, #tpu.memory_space<vmem_shared>>, %arg16: memref<!tpu.dma_semaphore, #tpu.memory_space<semaphore_mem>>, %arg17: memref<!tpu.dma_semaphore, #tpu.memory_space<semaphore_mem>>, %arg18: memref<!tpu.dma_semaphore, #tpu.memory_space<semaphore_mem>>) attributes {dimension_semantics = [#tpu.dimension_semantics<core_parallel>, #tpu.dimension_semantics<subcore_parallel>], iteration_bounds = array<i64: 2, 16>, scalar_prefetch = 0 : i64, scratch_operands = 14 : i64, tpu.core_type = #tpu.core_type<sc_vector_subcore>, window_params = [{transform_indices = #map}, {transform_indices = #map1}, {transform_indices = #map1}]} {
    %mul3A = arith.constant 2 : i32
    %mul3A_0 = arith.muli %arg1, %mul3A : i32
    %add3A = arith.addi %mul3A_0, %arg0 : i32
    %iota3A = tpu.iota {dimensions = array<i32: 0>} : vector<16xi32>
    %broadcast_in_dim3A = arith.constant 1.000000e+00 : f32
    %broadcast_in_dim3A_1 = vector.broadcast %broadcast_in_dim3A : f32 to vector<16xf32>
    %broadcast_in_dim3A_2 = arith.constant 0.000000e+00 : f32
    %broadcast_in_dim3A_3 = vector.broadcast %broadcast_in_dim3A_2 : f32 to vector<16xf32>
    %add3A_4 = arith.constant 0 : i32
    %add3A_5 = arith.addi %add3A, %add3A_4 : i32
    %lt3A = arith.constant 250 : i32
    %lt3A_6 = arith.cmpi slt, %add3A_5, %lt3A : i32
    %convert_element_type3A = arith.extui %lt3A_6 : i1 to i32
    %cond3A = arith.constant 0 : i32
    %cond3A_7 = arith.cmpi ne, %convert_element_type3A, %cond3A : i32
    scf.if %cond3A_7 {
      %mul3A_184 = arith.constant 400 : i32
      %mul3A_185 = arith.muli %add3A_5, %mul3A_184 : i32
      %dma_start3A = tpu.memref_slice %arg2[%mul3A_185] : memref<100000xi32, #tpu.memory_space<hbm>> -> memref<400xi32, #tpu.memory_space<hbm>>
      %dma_start3A_186 = tpu.memref_slice %arg2[%mul3A_185] : memref<100000xi32, #tpu.memory_space<hbm>> -> memref<400xi32, #tpu.memory_space<hbm>>
      tpu.enqueue_dma source(%dma_start3A_186 : memref<400xi32, #tpu.memory_space<hbm>>) target(%arg5 : memref<400xi32, #tpu.memory_space<vmem>>) target_semaphore(%arg18 : memref<!tpu.dma_semaphore, #tpu.memory_space<semaphore_mem>>)
    } else {
    }
    %add3A_8 = arith.constant 32 : i32
    %add3A_9 = arith.addi %add3A, %add3A_8 : i32
    %lt3A_10 = arith.constant 250 : i32
    %lt3A_11 = arith.cmpi slt, %add3A_9, %lt3A_10 : i32
    %convert_element_type3A_12 = arith.extui %lt3A_11 : i1 to i32
    %cond3A_13 = arith.constant 0 : i32
    %cond3A_14 = arith.cmpi ne, %convert_element_type3A_12, %cond3A_13 : i32
    scf.if %cond3A_14 {
      %mul3A_184 = arith.constant 400 : i32
      %mul3A_185 = arith.muli %add3A_9, %mul3A_184 : i32
      %dma_start3A = tpu.memref_slice %arg2[%mul3A_185] : memref<100000xi32, #tpu.memory_space<hbm>> -> memref<400xi32, #tpu.memory_space<hbm>>
      %dma_start3A_186 = tpu.memref_slice %arg2[%mul3A_185] : memref<100000xi32, #tpu.memory_space<hbm>> -> memref<400xi32, #tpu.memory_space<hbm>>
      tpu.enqueue_dma source(%dma_start3A_186 : memref<400xi32, #tpu.memory_space<hbm>>) target(%arg6 : memref<400xi32, #tpu.memory_space<vmem>>) target_semaphore(%arg18 : memref<!tpu.dma_semaphore, #tpu.memory_space<semaphore_mem>>)
    } else {
    }
    %add3A_15 = arith.constant 64 : i32
    %add3A_16 = arith.addi %add3A, %add3A_15 : i32
    %lt3A_17 = arith.constant 250 : i32
    %lt3A_18 = arith.cmpi slt, %add3A_16, %lt3A_17 : i32
    %convert_element_type3A_19 = arith.extui %lt3A_18 : i1 to i32
    %cond3A_20 = arith.constant 0 : i32
    %cond3A_21 = arith.cmpi ne, %convert_element_type3A_19, %cond3A_20 : i32
    scf.if %cond3A_21 {
      %mul3A_184 = arith.constant 400 : i32
      %mul3A_185 = arith.muli %add3A_16, %mul3A_184 : i32
      %dma_start3A = tpu.memref_slice %arg2[%mul3A_185] : memref<100000xi32, #tpu.memory_space<hbm>> -> memref<400xi32, #tpu.memory_space<hbm>>
      %dma_start3A_186 = tpu.memref_slice %arg2[%mul3A_185] : memref<100000xi32, #tpu.memory_space<hbm>> -> memref<400xi32, #tpu.memory_space<hbm>>
      tpu.enqueue_dma source(%dma_start3A_186 : memref<400xi32, #tpu.memory_space<hbm>>) target(%arg7 : memref<400xi32, #tpu.memory_space<vmem>>) target_semaphore(%arg18 : memref<!tpu.dma_semaphore, #tpu.memory_space<semaphore_mem>>)
    } else {
    }
    %add3A_22 = arith.constant 96 : i32
    %add3A_23 = arith.addi %add3A, %add3A_22 : i32
    %lt3A_24 = arith.constant 250 : i32
    %lt3A_25 = arith.cmpi slt, %add3A_23, %lt3A_24 : i32
    %convert_element_type3A_26 = arith.extui %lt3A_25 : i1 to i32
    %cond3A_27 = arith.constant 0 : i32
    %cond3A_28 = arith.cmpi ne, %convert_element_type3A_26, %cond3A_27 : i32
    scf.if %cond3A_28 {
      %mul3A_184 = arith.constant 400 : i32
      %mul3A_185 = arith.muli %add3A_23, %mul3A_184 : i32
      %dma_start3A = tpu.memref_slice %arg2[%mul3A_185] : memref<100000xi32, #tpu.memory_space<hbm>> -> memref<400xi32, #tpu.memory_space<hbm>>
      %dma_start3A_186 = tpu.memref_slice %arg2[%mul3A_185] : memref<100000xi32, #tpu.memory_space<hbm>> -> memref<400xi32, #tpu.memory_space<hbm>>
      tpu.enqueue_dma source(%dma_start3A_186 : memref<400xi32, #tpu.memory_space<hbm>>) target(%arg8 : memref<400xi32, #tpu.memory_space<vmem>>) target_semaphore(%arg18 : memref<!tpu.dma_semaphore, #tpu.memory_space<semaphore_mem>>)
    } else {
    }
    %add3A_29 = arith.constant 128 : i32
    %add3A_30 = arith.addi %add3A, %add3A_29 : i32
    %lt3A_31 = arith.constant 250 : i32
    %lt3A_32 = arith.cmpi slt, %add3A_30, %lt3A_31 : i32
    %convert_element_type3A_33 = arith.extui %lt3A_32 : i1 to i32
    %cond3A_34 = arith.constant 0 : i32
    %cond3A_35 = arith.cmpi ne, %convert_element_type3A_33, %cond3A_34 : i32
    scf.if %cond3A_35 {
      %mul3A_184 = arith.constant 400 : i32
      %mul3A_185 = arith.muli %add3A_30, %mul3A_184 : i32
      %dma_start3A = tpu.memref_slice %arg2[%mul3A_185] : memref<100000xi32, #tpu.memory_space<hbm>> -> memref<400xi32, #tpu.memory_space<hbm>>
      %dma_start3A_186 = tpu.memref_slice %arg2[%mul3A_185] : memref<100000xi32, #tpu.memory_space<hbm>> -> memref<400xi32, #tpu.memory_space<hbm>>
      tpu.enqueue_dma source(%dma_start3A_186 : memref<400xi32, #tpu.memory_space<hbm>>) target(%arg9 : memref<400xi32, #tpu.memory_space<vmem>>) target_semaphore(%arg18 : memref<!tpu.dma_semaphore, #tpu.memory_space<semaphore_mem>>)
    } else {
    }
    %add3A_36 = arith.constant 160 : i32
    %add3A_37 = arith.addi %add3A, %add3A_36 : i32
    %lt3A_38 = arith.constant 250 : i32
    %lt3A_39 = arith.cmpi slt, %add3A_37, %lt3A_38 : i32
    %convert_element_type3A_40 = arith.extui %lt3A_39 : i1 to i32
    %cond3A_41 = arith.constant 0 : i32
    %cond3A_42 = arith.cmpi ne, %convert_element_type3A_40, %cond3A_41 : i32
    scf.if %cond3A_42 {
      %mul3A_184 = arith.constant 400 : i32
      %mul3A_185 = arith.muli %add3A_37, %mul3A_184 : i32
      %dma_start3A = tpu.memref_slice %arg2[%mul3A_185] : memref<100000xi32, #tpu.memory_space<hbm>> -> memref<400xi32, #tpu.memory_space<hbm>>
      %dma_start3A_186 = tpu.memref_slice %arg2[%mul3A_185] : memref<100000xi32, #tpu.memory_space<hbm>> -> memref<400xi32, #tpu.memory_space<hbm>>
      tpu.enqueue_dma source(%dma_start3A_186 : memref<400xi32, #tpu.memory_space<hbm>>) target(%arg10 : memref<400xi32, #tpu.memory_space<vmem>>) target_semaphore(%arg18 : memref<!tpu.dma_semaphore, #tpu.memory_space<semaphore_mem>>)
    } else {
    }
    %add3A_43 = arith.constant 192 : i32
    %add3A_44 = arith.addi %add3A, %add3A_43 : i32
    %lt3A_45 = arith.constant 250 : i32
    %lt3A_46 = arith.cmpi slt, %add3A_44, %lt3A_45 : i32
    %convert_element_type3A_47 = arith.extui %lt3A_46 : i1 to i32
    %cond3A_48 = arith.constant 0 : i32
    %cond3A_49 = arith.cmpi ne, %convert_element_type3A_47, %cond3A_48 : i32
    scf.if %cond3A_49 {
      %mul3A_184 = arith.constant 400 : i32
      %mul3A_185 = arith.muli %add3A_44, %mul3A_184 : i32
      %dma_start3A = tpu.memref_slice %arg2[%mul3A_185] : memref<100000xi32, #tpu.memory_space<hbm>> -> memref<400xi32, #tpu.memory_space<hbm>>
      %dma_start3A_186 = tpu.memref_slice %arg2[%mul3A_185] : memref<100000xi32, #tpu.memory_space<hbm>> -> memref<400xi32, #tpu.memory_space<hbm>>
      tpu.enqueue_dma source(%dma_start3A_186 : memref<400xi32, #tpu.memory_space<hbm>>) target(%arg11 : memref<400xi32, #tpu.memory_space<vmem>>) target_semaphore(%arg18 : memref<!tpu.dma_semaphore, #tpu.memory_space<semaphore_mem>>)
    } else {
    }
    %add3A_50 = arith.constant 224 : i32
    %add3A_51 = arith.addi %add3A, %add3A_50 : i32
    %lt3A_52 = arith.constant 250 : i32
    %lt3A_53 = arith.cmpi slt, %add3A_51, %lt3A_52 : i32
    %convert_element_type3A_54 = arith.extui %lt3A_53 : i1 to i32
    %cond3A_55 = arith.constant 0 : i32
    %cond3A_56 = arith.cmpi ne, %convert_element_type3A_54, %cond3A_55 : i32
    scf.if %cond3A_56 {
      %mul3A_184 = arith.constant 400 : i32
      %mul3A_185 = arith.muli %add3A_51, %mul3A_184 : i32
      %dma_start3A = tpu.memref_slice %arg2[%mul3A_185] : memref<100000xi32, #tpu.memory_space<hbm>> -> memref<400xi32, #tpu.memory_space<hbm>>
      %dma_start3A_186 = tpu.memref_slice %arg2[%mul3A_185] : memref<100000xi32, #tpu.memory_space<hbm>> -> memref<400xi32, #tpu.memory_space<hbm>>
      tpu.enqueue_dma source(%dma_start3A_186 : memref<400xi32, #tpu.memory_space<hbm>>) target(%arg12 : memref<400xi32, #tpu.memory_space<vmem>>) target_semaphore(%arg18 : memref<!tpu.dma_semaphore, #tpu.memory_space<semaphore_mem>>)
    } else {
    }
    %eq3A = arith.constant 0 : i32
    %eq3A_57 = arith.cmpi eq, %arg1, %eq3A : i32
    %convert_element_type3A_58 = arith.extui %eq3A_57 : i1 to i32
    %cond3A_59 = arith.constant 0 : i32
    %cond3A_60 = arith.cmpi ne, %convert_element_type3A_58, %cond3A_59 : i32
    scf.if %cond3A_60 {
      "tpu.region"() ({
        %run_scoped3A = tpu.sem_alloc : memref<!tpu.dma_semaphore, #tpu.memory_space<semaphore_mem>>
        tpu.enqueue_dma source(%arg3 : memref<400x128xf32, #tpu.memory_space<hbm>>) target(%arg15 : memref<400x128xf32, #tpu.memory_space<vmem_shared>>) target_semaphore(%run_scoped3A : memref<!tpu.dma_semaphore, #tpu.memory_space<semaphore_mem>>)
        tpu.wait_dma2 semaphore(%run_scoped3A : memref<!tpu.dma_semaphore, #tpu.memory_space<semaphore_mem>>) src(%arg3 : memref<400x128xf32, #tpu.memory_space<hbm>>) dst(%arg15 : memref<400x128xf32, #tpu.memory_space<vmem_shared>>)
        tpu.yield
      }) : () -> ()
    } else {
    }
    %barrier3A = arith.constant 0 : index
    tpu.barrier barrier_id(%barrier3A)
    tpu.enqueue_dma source(%arg15 : memref<400x128xf32, #tpu.memory_space<vmem_shared>>) target(%arg13 : memref<400x128xf32, #tpu.memory_space<vmem>>) target_semaphore(%arg16 : memref<!tpu.dma_semaphore, #tpu.memory_space<semaphore_mem>>)
    tpu.enqueue_dma source(%arg15 : memref<400x128xf32, #tpu.memory_space<vmem_shared>>) target(%arg14 : memref<400x128xf32, #tpu.memory_space<vmem>>) target_semaphore(%arg17 : memref<!tpu.dma_semaphore, #tpu.memory_space<semaphore_mem>>)
    %add3A_61 = arith.constant 0 : i32
    %add3A_62 = arith.addi %add3A, %add3A_61 : i32
    %lt3A_63 = arith.constant 250 : i32
    %lt3A_64 = arith.cmpi slt, %add3A_62, %lt3A_63 : i32
    %convert_element_type3A_65 = arith.extui %lt3A_64 : i1 to i32
    %cond3A_66 = arith.constant 0 : i32
    %cond3A_67 = arith.cmpi ne, %convert_element_type3A_65, %cond3A_66 : i32
    scf.if %cond3A_67 {
      %mul3A_184 = arith.constant 400 : i32
      %mul3A_185 = arith.muli %add3A_62, %mul3A_184 : i32
      %dma_wait3A_186 = tpu.memref_slice %arg2[%mul3A_185] : memref<100000xi32, #tpu.memory_space<hbm>> -> memref<400xi32, #tpu.memory_space<hbm>>
      %dma_wait3A_187 = tpu.memref_slice %arg2[%mul3A_185] : memref<100000xi32, #tpu.memory_space<hbm>> -> memref<400xi32, #tpu.memory_space<hbm>>
      tpu.wait_dma2 semaphore(%arg18 : memref<!tpu.dma_semaphore, #tpu.memory_space<semaphore_mem>>) src(%dma_wait3A_187 : memref<400xi32, #tpu.memory_space<hbm>>) dst(%arg5 : memref<400xi32, #tpu.memory_space<vmem>>)
    } else {
    }
    %add3A_68 = arith.constant 32 : i32
    %add3A_69 = arith.addi %add3A, %add3A_68 : i32
    %lt3A_70 = arith.constant 250 : i32
    %lt3A_71 = arith.cmpi slt, %add3A_69, %lt3A_70 : i32
    %convert_element_type3A_72 = arith.extui %lt3A_71 : i1 to i32
    %cond3A_73 = arith.constant 0 : i32
    %cond3A_74 = arith.cmpi ne, %convert_element_type3A_72, %cond3A_73 : i32
    scf.if %cond3A_74 {
      %mul3A_184 = arith.constant 400 : i32
      %mul3A_185 = arith.muli %add3A_69, %mul3A_184 : i32
      %dma_wait3A_186 = tpu.memref_slice %arg2[%mul3A_185] : memref<100000xi32, #tpu.memory_space<hbm>> -> memref<400xi32, #tpu.memory_space<hbm>>
      %dma_wait3A_187 = tpu.memref_slice %arg2[%mul3A_185] : memref<100000xi32, #tpu.memory_space<hbm>> -> memref<400xi32, #tpu.memory_space<hbm>>
      tpu.wait_dma2 semaphore(%arg18 : memref<!tpu.dma_semaphore, #tpu.memory_space<semaphore_mem>>) src(%dma_wait3A_187 : memref<400xi32, #tpu.memory_space<hbm>>) dst(%arg6 : memref<400xi32, #tpu.memory_space<vmem>>)
    } else {
    }
    %add3A_75 = arith.constant 64 : i32
    %add3A_76 = arith.addi %add3A, %add3A_75 : i32
    %lt3A_77 = arith.constant 250 : i32
    %lt3A_78 = arith.cmpi slt, %add3A_76, %lt3A_77 : i32
    %convert_element_type3A_79 = arith.extui %lt3A_78 : i1 to i32
    %cond3A_80 = arith.constant 0 : i32
    %cond3A_81 = arith.cmpi ne, %convert_element_type3A_79, %cond3A_80 : i32
    scf.if %cond3A_81 {
      %mul3A_184 = arith.constant 400 : i32
      %mul3A_185 = arith.muli %add3A_76, %mul3A_184 : i32
      %dma_wait3A_186 = tpu.memref_slice %arg2[%mul3A_185] : memref<100000xi32, #tpu.memory_space<hbm>> -> memref<400xi32, #tpu.memory_space<hbm>>
      %dma_wait3A_187 = tpu.memref_slice %arg2[%mul3A_185] : memref<100000xi32, #tpu.memory_space<hbm>> -> memref<400xi32, #tpu.memory_space<hbm>>
      tpu.wait_dma2 semaphore(%arg18 : memref<!tpu.dma_semaphore, #tpu.memory_space<semaphore_mem>>) src(%dma_wait3A_187 : memref<400xi32, #tpu.memory_space<hbm>>) dst(%arg7 : memref<400xi32, #tpu.memory_space<vmem>>)
    } else {
    }
    %add3A_82 = arith.constant 96 : i32
    %add3A_83 = arith.addi %add3A, %add3A_82 : i32
    %lt3A_84 = arith.constant 250 : i32
    %lt3A_85 = arith.cmpi slt, %add3A_83, %lt3A_84 : i32
    %convert_element_type3A_86 = arith.extui %lt3A_85 : i1 to i32
    %cond3A_87 = arith.constant 0 : i32
    %cond3A_88 = arith.cmpi ne, %convert_element_type3A_86, %cond3A_87 : i32
    scf.if %cond3A_88 {
      %mul3A_184 = arith.constant 400 : i32
      %mul3A_185 = arith.muli %add3A_83, %mul3A_184 : i32
      %dma_wait3A_186 = tpu.memref_slice %arg2[%mul3A_185] : memref<100000xi32, #tpu.memory_space<hbm>> -> memref<400xi32, #tpu.memory_space<hbm>>
      %dma_wait3A_187 = tpu.memref_slice %arg2[%mul3A_185] : memref<100000xi32, #tpu.memory_space<hbm>> -> memref<400xi32, #tpu.memory_space<hbm>>
      tpu.wait_dma2 semaphore(%arg18 : memref<!tpu.dma_semaphore, #tpu.memory_space<semaphore_mem>>) src(%dma_wait3A_187 : memref<400xi32, #tpu.memory_space<hbm>>) dst(%arg8 : memref<400xi32, #tpu.memory_space<vmem>>)
    } else {
    }
    %add3A_89 = arith.constant 128 : i32
    %add3A_90 = arith.addi %add3A, %add3A_89 : i32
    %lt3A_91 = arith.constant 250 : i32
    %lt3A_92 = arith.cmpi slt, %add3A_90, %lt3A_91 : i32
    %convert_element_type3A_93 = arith.extui %lt3A_92 : i1 to i32
    %cond3A_94 = arith.constant 0 : i32
    %cond3A_95 = arith.cmpi ne, %convert_element_type3A_93, %cond3A_94 : i32
    scf.if %cond3A_95 {
      %mul3A_184 = arith.constant 400 : i32
      %mul3A_185 = arith.muli %add3A_90, %mul3A_184 : i32
      %dma_wait3A_186 = tpu.memref_slice %arg2[%mul3A_185] : memref<100000xi32, #tpu.memory_space<hbm>> -> memref<400xi32, #tpu.memory_space<hbm>>
      %dma_wait3A_187 = tpu.memref_slice %arg2[%mul3A_185] : memref<100000xi32, #tpu.memory_space<hbm>> -> memref<400xi32, #tpu.memory_space<hbm>>
      tpu.wait_dma2 semaphore(%arg18 : memref<!tpu.dma_semaphore, #tpu.memory_space<semaphore_mem>>) src(%dma_wait3A_187 : memref<400xi32, #tpu.memory_space<hbm>>) dst(%arg9 : memref<400xi32, #tpu.memory_space<vmem>>)
    } else {
    }
    %add3A_96 = arith.constant 160 : i32
    %add3A_97 = arith.addi %add3A, %add3A_96 : i32
    %lt3A_98 = arith.constant 250 : i32
    %lt3A_99 = arith.cmpi slt, %add3A_97, %lt3A_98 : i32
    %convert_element_type3A_100 = arith.extui %lt3A_99 : i1 to i32
    %cond3A_101 = arith.constant 0 : i32
    %cond3A_102 = arith.cmpi ne, %convert_element_type3A_100, %cond3A_101 : i32
    scf.if %cond3A_102 {
      %mul3A_184 = arith.constant 400 : i32
      %mul3A_185 = arith.muli %add3A_97, %mul3A_184 : i32
      %dma_wait3A_186 = tpu.memref_slice %arg2[%mul3A_185] : memref<100000xi32, #tpu.memory_space<hbm>> -> memref<400xi32, #tpu.memory_space<hbm>>
      %dma_wait3A_187 = tpu.memref_slice %arg2[%mul3A_185] : memref<100000xi32, #tpu.memory_space<hbm>> -> memref<400xi32, #tpu.memory_space<hbm>>
      tpu.wait_dma2 semaphore(%arg18 : memref<!tpu.dma_semaphore, #tpu.memory_space<semaphore_mem>>) src(%dma_wait3A_187 : memref<400xi32, #tpu.memory_space<hbm>>) dst(%arg10 : memref<400xi32, #tpu.memory_space<vmem>>)
    } else {
    }
    %add3A_103 = arith.constant 192 : i32
    %add3A_104 = arith.addi %add3A, %add3A_103 : i32
    %lt3A_105 = arith.constant 250 : i32
    %lt3A_106 = arith.cmpi slt, %add3A_104, %lt3A_105 : i32
    %convert_element_type3A_107 = arith.extui %lt3A_106 : i1 to i32
    %cond3A_108 = arith.constant 0 : i32
    %cond3A_109 = arith.cmpi ne, %convert_element_type3A_107, %cond3A_108 : i32
    scf.if %cond3A_109 {
      %mul3A_184 = arith.constant 400 : i32
      %mul3A_185 = arith.muli %add3A_104, %mul3A_184 : i32
      %dma_wait3A_186 = tpu.memref_slice %arg2[%mul3A_185] : memref<100000xi32, #tpu.memory_space<hbm>> -> memref<400xi32, #tpu.memory_space<hbm>>
      %dma_wait3A_187 = tpu.memref_slice %arg2[%mul3A_185] : memref<100000xi32, #tpu.memory_space<hbm>> -> memref<400xi32, #tpu.memory_space<hbm>>
      tpu.wait_dma2 semaphore(%arg18 : memref<!tpu.dma_semaphore, #tpu.memory_space<semaphore_mem>>) src(%dma_wait3A_187 : memref<400xi32, #tpu.memory_space<hbm>>) dst(%arg11 : memref<400xi32, #tpu.memory_space<vmem>>)
    } else {
    }
    %add3A_110 = arith.constant 224 : i32
    %add3A_111 = arith.addi %add3A, %add3A_110 : i32
    %lt3A_112 = arith.constant 250 : i32
    %lt3A_113 = arith.cmpi slt, %add3A_111, %lt3A_112 : i32
    %convert_element_type3A_114 = arith.extui %lt3A_113 : i1 to i32
    %cond3A_115 = arith.constant 0 : i32
    %cond3A_116 = arith.cmpi ne, %convert_element_type3A_114, %cond3A_115 : i32
    scf.if %cond3A_116 {
      %mul3A_184 = arith.constant 400 : i32
      %mul3A_185 = arith.muli %add3A_111, %mul3A_184 : i32
      %dma_wait3A_186 = tpu.memref_slice %arg2[%mul3A_185] : memref<100000xi32, #tpu.memory_space<hbm>> -> memref<400xi32, #tpu.memory_space<hbm>>
      %dma_wait3A_187 = tpu.memref_slice %arg2[%mul3A_185] : memref<100000xi32, #tpu.memory_space<hbm>> -> memref<400xi32, #tpu.memory_space<hbm>>
      tpu.wait_dma2 semaphore(%arg18 : memref<!tpu.dma_semaphore, #tpu.memory_space<semaphore_mem>>) src(%dma_wait3A_187 : memref<400xi32, #tpu.memory_space<hbm>>) dst(%arg12 : memref<400xi32, #tpu.memory_space<vmem>>)
    } else {
    }
    %add3A_117 = arith.constant 0 : i32
    %add3A_118 = arith.addi %add3A, %add3A_117 : i32
    %lt3A_119 = arith.constant 250 : i32
    %lt3A_120 = arith.cmpi slt, %add3A_118, %lt3A_119 : i32
    %convert_element_type3A_121 = arith.extui %lt3A_120 : i1 to i32
    %cond3A_122 = arith.constant 0 : i32
    %cond3A_123 = arith.cmpi ne, %convert_element_type3A_121, %cond3A_122 : i32
    scf.if %cond3A_123 {
      tpu.wait_dma2 semaphore(%arg16 : memref<!tpu.dma_semaphore, #tpu.memory_space<semaphore_mem>>) src(%arg15 : memref<400x128xf32, #tpu.memory_space<vmem_shared>>) dst(%arg13 : memref<400x128xf32, #tpu.memory_space<vmem>>)
      %get3A = arith.constant 0 : index
      %get3A_184 = tpu.vector_load %arg5[%get3A] {strides = array<i32>} : memref<400xi32, #tpu.memory_space<vmem>>, vector<16xi32>,
      %add3A_185 = arith.constant 0 : i32
      %add3A_186 = vector.broadcast %add3A_185 : i32 to vector<16xi32>
      %add3A_187 = arith.addi %add3A_186, %iota3A : vector<16xi32>
      tpu.vector_store_idx %arg13[%add3A_187, %get3A_184], %broadcast_in_dim3A_1 : memref<400x128xf32, #tpu.memory_space<vmem>>[vector<16xi32>, vector<16xi32>], vector<16xf32>,
      %get3A_188 = arith.constant 16 : index
      %get3A_189 = tpu.vector_load %arg5[%get3A_188] {strides = array<i32>} : memref<400xi32, #tpu.memory_space<vmem>>, vector<16xi32>,
      %add3A_190 = arith.constant 16 : i32
      %add3A_191 = vector.broadcast %add3A_190 : i32 to vector<16xi32>
      %add3A_192 = arith.addi %add3A_191, %iota3A : vector<16xi32>
      tpu.vector_store_idx %arg13[%add3A_192, %get3A_189], %broadcast_in_dim3A_1 : memref<400x128xf32, #tpu.memory_space<vmem>>[vector<16xi32>, vector<16xi32>], vector<16xf32>,
      %get3A_193 = arith.constant 32 : index
      %get3A_194 = tpu.vector_load %arg5[%get3A_193] {strides = array<i32>} : memref<400xi32, #tpu.memory_space<vmem>>, vector<16xi32>,
      %add3A_195 = arith.constant 32 : i32
      %add3A_196 = vector.broadcast %add3A_195 : i32 to vector<16xi32>
      %add3A_197 = arith.addi %add3A_196, %iota3A : vector<16xi32>
      tpu.vector_store_idx %arg13[%add3A_197, %get3A_194], %broadcast_in_dim3A_1 : memref<400x128xf32, #tpu.memory_space<vmem>>[vector<16xi32>, vector<16xi32>], vector<16xf32>,
      %get3A_198 = arith.constant 48 : index
      %get3A_199 = tpu.vector_load %arg5[%get3A_198] {strides = array<i32>} : memref<400xi32, #tpu.memory_space<vmem>>, vector<16xi32>,
      %add3A_200 = arith.constant 48 : i32
      %add3A_201 = vector.broadcast %add3A_200 : i32 to vector<16xi32>
      %add3A_202 = arith.addi %add3A_201, %iota3A : vector<16xi32>
      tpu.vector_store_idx %arg13[%add3A_202, %get3A_199], %broadcast_in_dim3A_1 : memref<400x128xf32, #tpu.memory_space<vmem>>[vector<16xi32>, vector<16xi32>], vector<16xf32>,
      %get3A_203 = arith.constant 64 : index
      %get3A_204 = tpu.vector_load %arg5[%get3A_203] {strides = array<i32>} : memref<400xi32, #tpu.memory_space<vmem>>, vector<16xi32>,
      %add3A_205 = arith.constant 64 : i32
      %add3A_206 = vector.broadcast %add3A_205 : i32 to vector<16xi32>
      %add3A_207 = arith.addi %add3A_206, %iota3A : vector<16xi32>
      tpu.vector_store_idx %arg13[%add3A_207, %get3A_204], %broadcast_in_dim3A_1 : memref<400x128xf32, #tpu.memory_space<vmem>>[vector<16xi32>, vector<16xi32>], vector<16xf32>,
      %get3A_208 = arith.constant 80 : index
      %get3A_209 = tpu.vector_load %arg5[%get3A_208] {strides = array<i32>} : memref<400xi32, #tpu.memory_space<vmem>>, vector<16xi32>,
      %add3A_210 = arith.constant 80 : i32
      %add3A_211 = vector.broadcast %add3A_210 : i32 to vector<16xi32>
      %add3A_212 = arith.addi %add3A_211, %iota3A : vector<16xi32>
      tpu.vector_store_idx %arg13[%add3A_212, %get3A_209], %broadcast_in_dim3A_1 : memref<400x128xf32, #tpu.memory_space<vmem>>[vector<16xi32>, vector<16xi32>], vector<16xf32>,
      %get3A_213 = arith.constant 96 : index
      %get3A_214 = tpu.vector_load %arg5[%get3A_213] {strides = array<i32>} : memref<400xi32, #tpu.memory_space<vmem>>, vector<16xi32>,
      %add3A_215 = arith.constant 96 : i32
      %add3A_216 = vector.broadcast %add3A_215 : i32 to vector<16xi32>
      %add3A_217 = arith.addi %add3A_216, %iota3A : vector<16xi32>
      tpu.vector_store_idx %arg13[%add3A_217, %get3A_214], %broadcast_in_dim3A_1 : memref<400x128xf32, #tpu.memory_space<vmem>>[vector<16xi32>, vector<16xi32>], vector<16xf32>,
      %get3A_218 = arith.constant 112 : index
      %get3A_219 = tpu.vector_load %arg5[%get3A_218] {strides = array<i32>} : memref<400xi32, #tpu.memory_space<vmem>>, vector<16xi32>,
      %add3A_220 = arith.constant 112 : i32
      %add3A_221 = vector.broadcast %add3A_220 : i32 to vector<16xi32>
      %add3A_222 = arith.addi %add3A_221, %iota3A : vector<16xi32>
      tpu.vector_store_idx %arg13[%add3A_222, %get3A_219], %broadcast_in_dim3A_1 : memref<400x128xf32, #tpu.memory_space<vmem>>[vector<16xi32>, vector<16xi32>], vector<16xf32>,
      %get3A_223 = arith.constant 128 : index
      %get3A_224 = tpu.vector_load %arg5[%get3A_223] {strides = array<i32>} : memref<400xi32, #tpu.memory_space<vmem>>, vector<16xi32>,
      %add3A_225 = arith.constant 128 : i32
      %add3A_226 = vector.broadcast %add3A_225 : i32 to vector<16xi32>
      %add3A_227 = arith.addi %add3A_226, %iota3A : vector<16xi32>
      tpu.vector_store_idx %arg13[%add3A_227, %get3A_224], %broadcast_in_dim3A_1 : memref<400x128xf32, #tpu.memory_space<vmem>>[vector<16xi32>, vector<16xi32>], vector<16xf32>,
      %get3A_228 = arith.constant 144 : index
      %get3A_229 = tpu.vector_load %arg5[%get3A_228] {strides = array<i32>} : memref<400xi32, #tpu.memory_space<vmem>>, vector<16xi32>,
      %add3A_230 = arith.constant 144 : i32
      %add3A_231 = vector.broadcast %add3A_230 : i32 to vector<16xi32>
      %add3A_232 = arith.addi %add3A_231, %iota3A : vector<16xi32>
      tpu.vector_store_idx %arg13[%add3A_232, %get3A_229], %broadcast_in_dim3A_1 : memref<400x128xf32, #tpu.memory_space<vmem>>[vector<16xi32>, vector<16xi32>], vector<16xf32>,
      %get3A_233 = arith.constant 160 : index
      %get3A_234 = tpu.vector_load %arg5[%get3A_233] {strides = array<i32>} : memref<400xi32, #tpu.memory_space<vmem>>, vector<16xi32>,
      %add3A_235 = arith.constant 160 : i32
      %add3A_236 = vector.broadcast %add3A_235 : i32 to vector<16xi32>
      %add3A_237 = arith.addi %add3A_236, %iota3A : vector<16xi32>
      tpu.vector_store_idx %arg13[%add3A_237, %get3A_234], %broadcast_in_dim3A_1 : memref<400x128xf32, #tpu.memory_space<vmem>>[vector<16xi32>, vector<16xi32>], vector<16xf32>,
      %get3A_238 = arith.constant 176 : index
      %get3A_239 = tpu.vector_load %arg5[%get3A_238] {strides = array<i32>} : memref<400xi32, #tpu.memory_space<vmem>>, vector<16xi32>,
      %add3A_240 = arith.constant 176 : i32
      %add3A_241 = vector.broadcast %add3A_240 : i32 to vector<16xi32>
      %add3A_242 = arith.addi %add3A_241, %iota3A : vector<16xi32>
      tpu.vector_store_idx %arg13[%add3A_242, %get3A_239], %broadcast_in_dim3A_1 : memref<400x128xf32, #tpu.memory_space<vmem>>[vector<16xi32>, vector<16xi32>], vector<16xf32>,
      %get3A_243 = arith.constant 192 : index
      %get3A_244 = tpu.vector_load %arg5[%get3A_243] {strides = array<i32>} : memref<400xi32, #tpu.memory_space<vmem>>, vector<16xi32>,
      %add3A_245 = arith.constant 192 : i32
      %add3A_246 = vector.broadcast %add3A_245 : i32 to vector<16xi32>
      %add3A_247 = arith.addi %add3A_246, %iota3A : vector<16xi32>
      tpu.vector_store_idx %arg13[%add3A_247, %get3A_244], %broadcast_in_dim3A_1 : memref<400x128xf32, #tpu.memory_space<vmem>>[vector<16xi32>, vector<16xi32>], vector<16xf32>,
      %get3A_248 = arith.constant 208 : index
      %get3A_249 = tpu.vector_load %arg5[%get3A_248] {strides = array<i32>} : memref<400xi32, #tpu.memory_space<vmem>>, vector<16xi32>,
      %add3A_250 = arith.constant 208 : i32
      %add3A_251 = vector.broadcast %add3A_250 : i32 to vector<16xi32>
      %add3A_252 = arith.addi %add3A_251, %iota3A : vector<16xi32>
      tpu.vector_store_idx %arg13[%add3A_252, %get3A_249], %broadcast_in_dim3A_1 : memref<400x128xf32, #tpu.memory_space<vmem>>[vector<16xi32>, vector<16xi32>], vector<16xf32>,
      %get3A_253 = arith.constant 224 : index
      %get3A_254 = tpu.vector_load %arg5[%get3A_253] {strides = array<i32>} : memref<400xi32, #tpu.memory_space<vmem>>, vector<16xi32>,
      %add3A_255 = arith.constant 224 : i32
      %add3A_256 = vector.broadcast %add3A_255 : i32 to vector<16xi32>
      %add3A_257 = arith.addi %add3A_256, %iota3A : vector<16xi32>
      tpu.vector_store_idx %arg13[%add3A_257, %get3A_254], %broadcast_in_dim3A_1 : memref<400x128xf32, #tpu.memory_space<vmem>>[vector<16xi32>, vector<16xi32>], vector<16xf32>,
      %get3A_258 = arith.constant 240 : index
      %get3A_259 = tpu.vector_load %arg5[%get3A_258] {strides = array<i32>} : memref<400xi32, #tpu.memory_space<vmem>>, vector<16xi32>,
      %add3A_260 = arith.constant 240 : i32
      %add3A_261 = vector.broadcast %add3A_260 : i32 to vector<16xi32>
      %add3A_262 = arith.addi %add3A_261, %iota3A : vector<16xi32>
      tpu.vector_store_idx %arg13[%add3A_262, %get3A_259], %broadcast_in_dim3A_1 : memref<400x128xf32, #tpu.memory_space<vmem>>[vector<16xi32>, vector<16xi32>], vector<16xf32>,
      %get3A_263 = arith.constant 256 : index
      %get3A_264 = tpu.vector_load %arg5[%get3A_263] {strides = array<i32>} : memref<400xi32, #tpu.memory_space<vmem>>, vector<16xi32>,
      %add3A_265 = arith.constant 256 : i32
      %add3A_266 = vector.broadcast %add3A_265 : i32 to vector<16xi32>
      %add3A_267 = arith.addi %add3A_266, %iota3A : vector<16xi32>
      tpu.vector_store_idx %arg13[%add3A_267, %get3A_264], %broadcast_in_dim3A_1 : memref<400x128xf32, #tpu.memory_space<vmem>>[vector<16xi32>, vector<16xi32>], vector<16xf32>,
      %get3A_268 = arith.constant 272 : index
      %get3A_269 = tpu.vector_load %arg5[%get3A_268] {strides = array<i32>} : memref<400xi32, #tpu.memory_space<vmem>>, vector<16xi32>,
      %add3A_270 = arith.constant 272 : i32
      %add3A_271 = vector.broadcast %add3A_270 : i32 to vector<16xi32>
      %add3A_272 = arith.addi %add3A_271, %iota3A : vector<16xi32>
      tpu.vector_store_idx %arg13[%add3A_272, %get3A_269], %broadcast_in_dim3A_1 : memref<400x128xf32, #tpu.memory_space<vmem>>[vector<16xi32>, vector<16xi32>], vector<16xf32>,
      %get3A_273 = arith.constant 288 : index
      %get3A_274 = tpu.vector_load %arg5[%get3A_273] {strides = array<i32>} : memref<400xi32, #tpu.memory_space<vmem>>, vector<16xi32>,
      %add3A_275 = arith.constant 288 : i32
      %add3A_276 = vector.broadcast %add3A_275 : i32 to vector<16xi32>
      %add3A_277 = arith.addi %add3A_276, %iota3A : vector<16xi32>
      tpu.vector_store_idx %arg13[%add3A_277, %get3A_274], %broadcast_in_dim3A_1 : memref<400x128xf32, #tpu.memory_space<vmem>>[vector<16xi32>, vector<16xi32>], vector<16xf32>,
      %get3A_278 = arith.constant 304 : index
      %get3A_279 = tpu.vector_load %arg5[%get3A_278] {strides = array<i32>} : memref<400xi32, #tpu.memory_space<vmem>>, vector<16xi32>,
      %add3A_280 = arith.constant 304 : i32
      %add3A_281 = vector.broadcast %add3A_280 : i32 to vector<16xi32>
      %add3A_282 = arith.addi %add3A_281, %iota3A : vector<16xi32>
      tpu.vector_store_idx %arg13[%add3A_282, %get3A_279], %broadcast_in_dim3A_1 : memref<400x128xf32, #tpu.memory_space<vmem>>[vector<16xi32>, vector<16xi32>], vector<16xf32>,
      %get3A_283 = arith.constant 320 : index
      %get3A_284 = tpu.vector_load %arg5[%get3A_283] {strides = array<i32>} : memref<400xi32, #tpu.memory_space<vmem>>, vector<16xi32>,
      %add3A_285 = arith.constant 320 : i32
      %add3A_286 = vector.broadcast %add3A_285 : i32 to vector<16xi32>
      %add3A_287 = arith.addi %add3A_286, %iota3A : vector<16xi32>
      tpu.vector_store_idx %arg13[%add3A_287, %get3A_284], %broadcast_in_dim3A_1 : memref<400x128xf32, #tpu.memory_space<vmem>>[vector<16xi32>, vector<16xi32>], vector<16xf32>,
      %get3A_288 = arith.constant 336 : index
      %get3A_289 = tpu.vector_load %arg5[%get3A_288] {strides = array<i32>} : memref<400xi32, #tpu.memory_space<vmem>>, vector<16xi32>,
      %add3A_290 = arith.constant 336 : i32
      %add3A_291 = vector.broadcast %add3A_290 : i32 to vector<16xi32>
      %add3A_292 = arith.addi %add3A_291, %iota3A : vector<16xi32>
      tpu.vector_store_idx %arg13[%add3A_292, %get3A_289], %broadcast_in_dim3A_1 : memref<400x128xf32, #tpu.memory_space<vmem>>[vector<16xi32>, vector<16xi32>], vector<16xf32>,
      %get3A_293 = arith.constant 352 : index
      %get3A_294 = tpu.vector_load %arg5[%get3A_293] {strides = array<i32>} : memref<400xi32, #tpu.memory_space<vmem>>, vector<16xi32>,
      %add3A_295 = arith.constant 352 : i32
      %add3A_296 = vector.broadcast %add3A_295 : i32 to vector<16xi32>
      %add3A_297 = arith.addi %add3A_296, %iota3A : vector<16xi32>
      tpu.vector_store_idx %arg13[%add3A_297, %get3A_294], %broadcast_in_dim3A_1 : memref<400x128xf32, #tpu.memory_space<vmem>>[vector<16xi32>, vector<16xi32>], vector<16xf32>,
      %get3A_298 = arith.constant 368 : index
      %get3A_299 = tpu.vector_load %arg5[%get3A_298] {strides = array<i32>} : memref<400xi32, #tpu.memory_space<vmem>>, vector<16xi32>,
      %add3A_300 = arith.constant 368 : i32
      %add3A_301 = vector.broadcast %add3A_300 : i32 to vector<16xi32>
      %add3A_302 = arith.addi %add3A_301, %iota3A : vector<16xi32>
      tpu.vector_store_idx %arg13[%add3A_302, %get3A_299], %broadcast_in_dim3A_1 : memref<400x128xf32, #tpu.memory_space<vmem>>[vector<16xi32>, vector<16xi32>], vector<16xf32>,
      %get3A_303 = arith.constant 384 : index
      %get3A_304 = tpu.vector_load %arg5[%get3A_303] {strides = array<i32>} : memref<400xi32, #tpu.memory_space<vmem>>, vector<16xi32>,
      %add3A_305 = arith.constant 384 : i32
      %add3A_306 = vector.broadcast %add3A_305 : i32 to vector<16xi32>
      %add3A_307 = arith.addi %add3A_306, %iota3A : vector<16xi32>
      tpu.vector_store_idx %arg13[%add3A_307, %get3A_304], %broadcast_in_dim3A_1 : memref<400x128xf32, #tpu.memory_space<vmem>>[vector<16xi32>, vector<16xi32>], vector<16xf32>,
      %mul3A_308 = arith.constant 400 : i32
      %mul3A_309 = arith.muli %add3A_118, %mul3A_308 : i32
      %dma_start3A = arith.constant 0 : i32
      %dma_start3A_310 = tpu.memref_slice %arg4[%mul3A_309, %dma_start3A] : memref<100000x128xf32, #tpu.memory_space<hbm>> -> memref<400x128xf32, #tpu.memory_space<hbm>>
      %dma_start3A_311 = arith.constant 0 : i32
      %dma_start3A_312 = tpu.memref_slice %arg4[%mul3A_309, %dma_start3A_311] : memref<100000x128xf32, #tpu.memory_space<hbm>> -> memref<400x128xf32, #tpu.memory_space<hbm>>
      tpu.enqueue_dma source(%arg13 : memref<400x128xf32, #tpu.memory_space<vmem>>) target(%dma_start3A_312 : memref<400x128xf32, #tpu.memory_space<hbm>>) target_semaphore(%arg16 : memref<!tpu.dma_semaphore, #tpu.memory_space<semaphore_mem>>)
    } else {
    }
    %add3A_124 = arith.constant 32 : i32
    %add3A_125 = arith.addi %add3A, %add3A_124 : i32
    %lt3A_126 = arith.constant 250 : i32
    %lt3A_127 = arith.cmpi slt, %add3A_125, %lt3A_126 : i32
    %convert_element_type3A_128 = arith.extui %lt3A_127 : i1 to i32
    %cond3A_129 = arith.constant 0 : i32
    %cond3A_130 = arith.cmpi ne, %convert_element_type3A_128, %cond3A_129 : i32
    scf.if %cond3A_130 {
      tpu.wait_dma2 semaphore(%arg17 : memref<!tpu.dma_semaphore, #tpu.memory_space<semaphore_mem>>) src(%arg15 : memref<400x128xf32, #tpu.memory_space<vmem_shared>>) dst(%arg14 : memref<400x128xf32, #tpu.memory_space<vmem>>)
      %get3A = arith.constant 0 : index
      %get3A_184 = tpu.vector_load %arg6[%get3A] {strides = array<i32>} : memref<400xi32, #tpu.memory_space<vmem>>, vector<16xi32>,
      %add3A_185 = arith.constant 0 : i32
      %add3A_186 = vector.broadcast %add3A_185 : i32 to vector<16xi32>
      %add3A_187 = arith.addi %add3A_186, %iota3A : vector<16xi32>
      tpu.vector_store_idx %arg14[%add3A_187, %get3A_184], %broadcast_in_dim3A_1 : memref<400x128xf32, #tpu.memory_space<vmem>>[vector<16xi32>, vector<16xi32>], vector<16xf32>,
      %get3A_188 = arith.constant 16 : index
      %get3A_189 = tpu.vector_load %arg6[%get3A_188] {strides = array<i32>} : memref<400xi32, #tpu.memory_space<vmem>>, vector<16xi32>,
      %add3A_190 = arith.constant 16 : i32
      %add3A_191 = vector.broadcast %add3A_190 : i32 to vector<16xi32>
      %add3A_192 = arith.addi %add3A_191, %iota3A : vector<16xi32>
      tpu.vector_store_idx %arg14[%add3A_192, %get3A_189], %broadcast_in_dim3A_1 : memref<400x128xf32, #tpu.memory_space<vmem>>[vector<16xi32>, vector<16xi32>], vector<16xf32>,
      %get3A_193 = arith.constant 32 : index
      %get3A_194 = tpu.vector_load %arg6[%get3A_193] {strides = array<i32>} : memref<400xi32, #tpu.memory_space<vmem>>, vector<16xi32>,
      %add3A_195 = arith.constant 32 : i32
      %add3A_196 = vector.broadcast %add3A_195 : i32 to vector<16xi32>
      %add3A_197 = arith.addi %add3A_196, %iota3A : vector<16xi32>
      tpu.vector_store_idx %arg14[%add3A_197, %get3A_194], %broadcast_in_dim3A_1 : memref<400x128xf32, #tpu.memory_space<vmem>>[vector<16xi32>, vector<16xi32>], vector<16xf32>,
      %get3A_198 = arith.constant 48 : index
      %get3A_199 = tpu.vector_load %arg6[%get3A_198] {strides = array<i32>} : memref<400xi32, #tpu.memory_space<vmem>>, vector<16xi32>,
      %add3A_200 = arith.constant 48 : i32
      %add3A_201 = vector.broadcast %add3A_200 : i32 to vector<16xi32>
      %add3A_202 = arith.addi %add3A_201, %iota3A : vector<16xi32>
      tpu.vector_store_idx %arg14[%add3A_202, %get3A_199], %broadcast_in_dim3A_1 : memref<400x128xf32, #tpu.memory_space<vmem>>[vector<16xi32>, vector<16xi32>], vector<16xf32>,
      %get3A_203 = arith.constant 64 : index
      %get3A_204 = tpu.vector_load %arg6[%get3A_203] {strides = array<i32>} : memref<400xi32, #tpu.memory_space<vmem>>, vector<16xi32>,
      %add3A_205 = arith.constant 64 : i32
      %add3A_206 = vector.broadcast %add3A_205 : i32 to vector<16xi32>
      %add3A_207 = arith.addi %add3A_206, %iota3A : vector<16xi32>
      tpu.vector_store_idx %arg14[%add3A_207, %get3A_204], %broadcast_in_dim3A_1 : memref<400x128xf32, #tpu.memory_space<vmem>>[vector<16xi32>, vector<16xi32>], vector<16xf32>,
      %get3A_208 = arith.constant 80 : index
      %get3A_209 = tpu.vector_load %arg6[%get3A_208] {strides = array<i32>} : memref<400xi32, #tpu.memory_space<vmem>>, vector<16xi32>,
      %add3A_210 = arith.constant 80 : i32
      %add3A_211 = vector.broadcast %add3A_210 : i32 to vector<16xi32>
      %add3A_212 = arith.addi %add3A_211, %iota3A : vector<16xi32>
      tpu.vector_store_idx %arg14[%add3A_212, %get3A_209], %broadcast_in_dim3A_1 : memref<400x128xf32, #tpu.memory_space<vmem>>[vector<16xi32>, vector<16xi32>], vector<16xf32>,
      %get3A_213 = arith.constant 96 : index
      %get3A_214 = tpu.vector_load %arg6[%get3A_213] {strides = array<i32>} : memref<400xi32, #tpu.memory_space<vmem>>, vector<16xi32>,
      %add3A_215 = arith.constant 96 : i32
      %add3A_216 = vector.broadcast %add3A_215 : i32 to vector<16xi32>
      %add3A_217 = arith.addi %add3A_216, %iota3A : vector<16xi32>
      tpu.vector_store_idx %arg14[%add3A_217, %get3A_214], %broadcast_in_dim3A_1 : memref<400x128xf32, #tpu.memory_space<vmem>>[vector<16xi32>, vector<16xi32>], vector<16xf32>,
      %get3A_218 = arith.constant 112 : index
      %get3A_219 = tpu.vector_load %arg6[%get3A_218] {strides = array<i32>} : memref<400xi32, #tpu.memory_space<vmem>>, vector<16xi32>,
      %add3A_220 = arith.constant 112 : i32
      %add3A_221 = vector.broadcast %add3A_220 : i32 to vector<16xi32>
      %add3A_222 = arith.addi %add3A_221, %iota3A : vector<16xi32>
      tpu.vector_store_idx %arg14[%add3A_222, %get3A_219], %broadcast_in_dim3A_1 : memref<400x128xf32, #tpu.memory_space<vmem>>[vector<16xi32>, vector<16xi32>], vector<16xf32>,
      %get3A_223 = arith.constant 128 : index
      %get3A_224 = tpu.vector_load %arg6[%get3A_223] {strides = array<i32>} : memref<400xi32, #tpu.memory_space<vmem>>, vector<16xi32>,
      %add3A_225 = arith.constant 128 : i32
      %add3A_226 = vector.broadcast %add3A_225 : i32 to vector<16xi32>
      %add3A_227 = arith.addi %add3A_226, %iota3A : vector<16xi32>
      tpu.vector_store_idx %arg14[%add3A_227, %get3A_224], %broadcast_in_dim3A_1 : memref<400x128xf32, #tpu.memory_space<vmem>>[vector<16xi32>, vector<16xi32>], vector<16xf32>,
      %get3A_228 = arith.constant 144 : index
      %get3A_229 = tpu.vector_load %arg6[%get3A_228] {strides = array<i32>} : memref<400xi32, #tpu.memory_space<vmem>>, vector<16xi32>,
      %add3A_230 = arith.constant 144 : i32
      %add3A_231 = vector.broadcast %add3A_230 : i32 to vector<16xi32>
      %add3A_232 = arith.addi %add3A_231, %iota3A : vector<16xi32>
      tpu.vector_store_idx %arg14[%add3A_232, %get3A_229], %broadcast_in_dim3A_1 : memref<400x128xf32, #tpu.memory_space<vmem>>[vector<16xi32>, vector<16xi32>], vector<16xf32>,
      %get3A_233 = arith.constant 160 : index
      %get3A_234 = tpu.vector_load %arg6[%get3A_233] {strides = array<i32>} : memref<400xi32, #tpu.memory_space<vmem>>, vector<16xi32>,
      %add3A_235 = arith.constant 160 : i32
      %add3A_236 = vector.broadcast %add3A_235 : i32 to vector<16xi32>
      %add3A_237 = arith.addi %add3A_236, %iota3A : vector<16xi32>
      tpu.vector_store_idx %arg14[%add3A_237, %get3A_234], %broadcast_in_dim3A_1 : memref<400x128xf32, #tpu.memory_space<vmem>>[vector<16xi32>, vector<16xi32>], vector<16xf32>,
      %get3A_238 = arith.constant 176 : index
      %get3A_239 = tpu.vector_load %arg6[%get3A_238] {strides = array<i32>} : memref<400xi32, #tpu.memory_space<vmem>>, vector<16xi32>,
      %add3A_240 = arith.constant 176 : i32
      %add3A_241 = vector.broadcast %add3A_240 : i32 to vector<16xi32>
      %add3A_242 = arith.addi %add3A_241, %iota3A : vector<16xi32>
      tpu.vector_store_idx %arg14[%add3A_242, %get3A_239], %broadcast_in_dim3A_1 : memref<400x128xf32, #tpu.memory_space<vmem>>[vector<16xi32>, vector<16xi32>], vector<16xf32>,
      %get3A_243 = arith.constant 192 : index
      %get3A_244 = tpu.vector_load %arg6[%get3A_243] {strides = array<i32>} : memref<400xi32, #tpu.memory_space<vmem>>, vector<16xi32>,
      %add3A_245 = arith.constant 192 : i32
      %add3A_246 = vector.broadcast %add3A_245 : i32 to vector<16xi32>
      %add3A_247 = arith.addi %add3A_246, %iota3A : vector<16xi32>
      tpu.vector_store_idx %arg14[%add3A_247, %get3A_244], %broadcast_in_dim3A_1 : memref<400x128xf32, #tpu.memory_space<vmem>>[vector<16xi32>, vector<16xi32>], vector<16xf32>,
      %get3A_248 = arith.constant 208 : index
      %get3A_249 = tpu.vector_load %arg6[%get3A_248] {strides = array<i32>} : memref<400xi32, #tpu.memory_space<vmem>>, vector<16xi32>,
      %add3A_250 = arith.constant 208 : i32
      %add3A_251 = vector.broadcast %add3A_250 : i32 to vector<16xi32>
      %add3A_252 = arith.addi %add3A_251, %iota3A : vector<16xi32>
      tpu.vector_store_idx %arg14[%add3A_252, %get3A_249], %broadcast_in_dim3A_1 : memref<400x128xf32, #tpu.memory_space<vmem>>[vector<16xi32>, vector<16xi32>], vector<16xf32>,
      %get3A_253 = arith.constant 224 : index
      %get3A_254 = tpu.vector_load %arg6[%get3A_253] {strides = array<i32>} : memref<400xi32, #tpu.memory_space<vmem>>, vector<16xi32>,
      %add3A_255 = arith.constant 224 : i32
      %add3A_256 = vector.broadcast %add3A_255 : i32 to vector<16xi32>
      %add3A_257 = arith.addi %add3A_256, %iota3A : vector<16xi32>
      tpu.vector_store_idx %arg14[%add3A_257, %get3A_254], %broadcast_in_dim3A_1 : memref<400x128xf32, #tpu.memory_space<vmem>>[vector<16xi32>, vector<16xi32>], vector<16xf32>,
      %get3A_258 = arith.constant 240 : index
      %get3A_259 = tpu.vector_load %arg6[%get3A_258] {strides = array<i32>} : memref<400xi32, #tpu.memory_space<vmem>>, vector<16xi32>,
      %add3A_260 = arith.constant 240 : i32
      %add3A_261 = vector.broadcast %add3A_260 : i32 to vector<16xi32>
      %add3A_262 = arith.addi %add3A_261, %iota3A : vector<16xi32>
      tpu.vector_store_idx %arg14[%add3A_262, %get3A_259], %broadcast_in_dim3A_1 : memref<400x128xf32, #tpu.memory_space<vmem>>[vector<16xi32>, vector<16xi32>], vector<16xf32>,
      %get3A_263 = arith.constant 256 : index
      %get3A_264 = tpu.vector_load %arg6[%get3A_263] {strides = array<i32>} : memref<400xi32, #tpu.memory_space<vmem>>, vector<16xi32>,
      %add3A_265 = arith.constant 256 : i32
      %add3A_266 = vector.broadcast %add3A_265 : i32 to vector<16xi32>
      %add3A_267 = arith.addi %add3A_266, %iota3A : vector<16xi32>
      tpu.vector_store_idx %arg14[%add3A_267, %get3A_264], %broadcast_in_dim3A_1 : memref<400x128xf32, #tpu.memory_space<vmem>>[vector<16xi32>, vector<16xi32>], vector<16xf32>,
      %get3A_268 = arith.constant 272 : index
      %get3A_269 = tpu.vector_load %arg6[%get3A_268] {strides = array<i32>} : memref<400xi32, #tpu.memory_space<vmem>>, vector<16xi32>,
      %add3A_270 = arith.constant 272 : i32
      %add3A_271 = vector.broadcast %add3A_270 : i32 to vector<16xi32>
      %add3A_272 = arith.addi %add3A_271, %iota3A : vector<16xi32>
      tpu.vector_store_idx %arg14[%add3A_272, %get3A_269], %broadcast_in_dim3A_1 : memref<400x128xf32, #tpu.memory_space<vmem>>[vector<16xi32>, vector<16xi32>], vector<16xf32>,
      %get3A_273 = arith.constant 288 : index
      %get3A_274 = tpu.vector_load %arg6[%get3A_273] {strides = array<i32>} : memref<400xi32, #tpu.memory_space<vmem>>, vector<16xi32>,
      %add3A_275 = arith.constant 288 : i32
      %add3A_276 = vector.broadcast %add3A_275 : i32 to vector<16xi32>
      %add3A_277 = arith.addi %add3A_276, %iota3A : vector<16xi32>
      tpu.vector_store_idx %arg14[%add3A_277, %get3A_274], %broadcast_in_dim3A_1 : memref<400x128xf32, #tpu.memory_space<vmem>>[vector<16xi32>, vector<16xi32>], vector<16xf32>,
      %get3A_278 = arith.constant 304 : index
      %get3A_279 = tpu.vector_load %arg6[%get3A_278] {strides = array<i32>} : memref<400xi32, #tpu.memory_space<vmem>>, vector<16xi32>,
      %add3A_280 = arith.constant 304 : i32
      %add3A_281 = vector.broadcast %add3A_280 : i32 to vector<16xi32>
      %add3A_282 = arith.addi %add3A_281, %iota3A : vector<16xi32>
      tpu.vector_store_idx %arg14[%add3A_282, %get3A_279], %broadcast_in_dim3A_1 : memref<400x128xf32, #tpu.memory_space<vmem>>[vector<16xi32>, vector<16xi32>], vector<16xf32>,
      %get3A_283 = arith.constant 320 : index
      %get3A_284 = tpu.vector_load %arg6[%get3A_283] {strides = array<i32>} : memref<400xi32, #tpu.memory_space<vmem>>, vector<16xi32>,
      %add3A_285 = arith.constant 320 : i32
      %add3A_286 = vector.broadcast %add3A_285 : i32 to vector<16xi32>
      %add3A_287 = arith.addi %add3A_286, %iota3A : vector<16xi32>
      tpu.vector_store_idx %arg14[%add3A_287, %get3A_284], %broadcast_in_dim3A_1 : memref<400x128xf32, #tpu.memory_space<vmem>>[vector<16xi32>, vector<16xi32>], vector<16xf32>,
      %get3A_288 = arith.constant 336 : index
      %get3A_289 = tpu.vector_load %arg6[%get3A_288] {strides = array<i32>} : memref<400xi32, #tpu.memory_space<vmem>>, vector<16xi32>,
      %add3A_290 = arith.constant 336 : i32
      %add3A_291 = vector.broadcast %add3A_290 : i32 to vector<16xi32>
      %add3A_292 = arith.addi %add3A_291, %iota3A : vector<16xi32>
      tpu.vector_store_idx %arg14[%add3A_292, %get3A_289], %broadcast_in_dim3A_1 : memref<400x128xf32, #tpu.memory_space<vmem>>[vector<16xi32>, vector<16xi32>], vector<16xf32>,
      %get3A_293 = arith.constant 352 : index
      %get3A_294 = tpu.vector_load %arg6[%get3A_293] {strides = array<i32>} : memref<400xi32, #tpu.memory_space<vmem>>, vector<16xi32>,
      %add3A_295 = arith.constant 352 : i32
      %add3A_296 = vector.broadcast %add3A_295 : i32 to vector<16xi32>
      %add3A_297 = arith.addi %add3A_296, %iota3A : vector<16xi32>
      tpu.vector_store_idx %arg14[%add3A_297, %get3A_294], %broadcast_in_dim3A_1 : memref<400x128xf32, #tpu.memory_space<vmem>>[vector<16xi32>, vector<16xi32>], vector<16xf32>,
      %get3A_298 = arith.constant 368 : index
      %get3A_299 = tpu.vector_load %arg6[%get3A_298] {strides = array<i32>} : memref<400xi32, #tpu.memory_space<vmem>>, vector<16xi32>,
      %add3A_300 = arith.constant 368 : i32
      %add3A_301 = vector.broadcast %add3A_300 : i32 to vector<16xi32>
      %add3A_302 = arith.addi %add3A_301, %iota3A : vector<16xi32>
      tpu.vector_store_idx %arg14[%add3A_302, %get3A_299], %broadcast_in_dim3A_1 : memref<400x128xf32, #tpu.memory_space<vmem>>[vector<16xi32>, vector<16xi32>], vector<16xf32>,
      %get3A_303 = arith.constant 384 : index
      %get3A_304 = tpu.vector_load %arg6[%get3A_303] {strides = array<i32>} : memref<400xi32, #tpu.memory_space<vmem>>, vector<16xi32>,
      %add3A_305 = arith.constant 384 : i32
      %add3A_306 = vector.broadcast %add3A_305 : i32 to vector<16xi32>
      %add3A_307 = arith.addi %add3A_306, %iota3A : vector<16xi32>
      tpu.vector_store_idx %arg14[%add3A_307, %get3A_304], %broadcast_in_dim3A_1 : memref<400x128xf32, #tpu.memory_space<vmem>>[vector<16xi32>, vector<16xi32>], vector<16xf32>,
      %mul3A_308 = arith.constant 400 : i32
      %mul3A_309 = arith.muli %add3A_125, %mul3A_308 : i32
      %dma_start3A = arith.constant 0 : i32
      %dma_start3A_310 = tpu.memref_slice %arg4[%mul3A_309, %dma_start3A] : memref<100000x128xf32, #tpu.memory_space<hbm>> -> memref<400x128xf32, #tpu.memory_space<hbm>>
      %dma_start3A_311 = arith.constant 0 : i32
      %dma_start3A_312 = tpu.memref_slice %arg4[%mul3A_309, %dma_start3A_311] : memref<100000x128xf32, #tpu.memory_space<hbm>> -> memref<400x128xf32, #tpu.memory_space<hbm>>
      tpu.enqueue_dma source(%arg14 : memref<400x128xf32, #tpu.memory_space<vmem>>) target(%dma_start3A_312 : memref<400x128xf32, #tpu.memory_space<hbm>>) target_semaphore(%arg17 : memref<!tpu.dma_semaphore, #tpu.memory_space<semaphore_mem>>)
    } else {
    }
    %add3A_131 = arith.constant 64 : i32
    %add3A_132 = arith.addi %add3A, %add3A_131 : i32
    %lt3A_133 = arith.constant 250 : i32
    %lt3A_134 = arith.cmpi slt, %add3A_132, %lt3A_133 : i32
    %convert_element_type3A_135 = arith.extui %lt3A_134 : i1 to i32
    %cond3A_136 = arith.constant 0 : i32
    %cond3A_137 = arith.cmpi ne, %convert_element_type3A_135, %cond3A_136 : i32
    scf.if %cond3A_137 {
      %sub3A = arith.constant 64 : i32
      %sub3A_184 = arith.subi %add3A_132, %sub3A : i32
      %mul3A_185 = arith.constant 400 : i32
      %mul3A_186 = arith.muli %sub3A_184, %mul3A_185 : i32
      %dma_wait3A_187 = arith.constant 0 : i32
      %dma_wait3A_188 = tpu.memref_slice %arg4[%mul3A_186, %dma_wait3A_187] : memref<100000x128xf32, #tpu.memory_space<hbm>> -> memref<400x128xf32, #tpu.memory_space<hbm>>
      %dma_wait3A_189 = arith.constant 0 : i32
      %dma_wait3A_190 = tpu.memref_slice %arg4[%mul3A_186, %dma_wait3A_189] : memref<100000x128xf32, #tpu.memory_space<hbm>> -> memref<400x128xf32, #tpu.memory_space<hbm>>
      tpu.wait_dma2 semaphore(%arg16 : memref<!tpu.dma_semaphore, #tpu.memory_space<semaphore_mem>>) src(%arg13 : memref<400x128xf32, #tpu.memory_space<vmem>>) dst(%dma_wait3A_190 : memref<400x128xf32, #tpu.memory_space<hbm>>)
      %get3A = arith.constant 0 : index
      %get3A_191 = tpu.vector_load %arg5[%get3A] {strides = array<i32>} : memref<400xi32, #tpu.memory_space<vmem>>, vector<16xi32>,
      %add3A_192 = arith.constant 0 : i32
      %add3A_193 = vector.broadcast %add3A_192 : i32 to vector<16xi32>
      %add3A_194 = arith.addi %add3A_193, %iota3A : vector<16xi32>
      tpu.vector_store_idx %arg13[%add3A_194, %get3A_191], %broadcast_in_dim3A_3 : memref<400x128xf32, #tpu.memory_space<vmem>>[vector<16xi32>, vector<16xi32>], vector<16xf32>,
      %get3A_195 = arith.constant 16 : index
      %get3A_196 = tpu.vector_load %arg5[%get3A_195] {strides = array<i32>} : memref<400xi32, #tpu.memory_space<vmem>>, vector<16xi32>,
      %add3A_197 = arith.constant 16 : i32
      %add3A_198 = vector.broadcast %add3A_197 : i32 to vector<16xi32>
      %add3A_199 = arith.addi %add3A_198, %iota3A : vector<16xi32>
      tpu.vector_store_idx %arg13[%add3A_199, %get3A_196], %broadcast_in_dim3A_3 : memref<400x128xf32, #tpu.memory_space<vmem>>[vector<16xi32>, vector<16xi32>], vector<16xf32>,
      %get3A_200 = arith.constant 32 : index
      %get3A_201 = tpu.vector_load %arg5[%get3A_200] {strides = array<i32>} : memref<400xi32, #tpu.memory_space<vmem>>, vector<16xi32>,
      %add3A_202 = arith.constant 32 : i32
      %add3A_203 = vector.broadcast %add3A_202 : i32 to vector<16xi32>
      %add3A_204 = arith.addi %add3A_203, %iota3A : vector<16xi32>
      tpu.vector_store_idx %arg13[%add3A_204, %get3A_201], %broadcast_in_dim3A_3 : memref<400x128xf32, #tpu.memory_space<vmem>>[vector<16xi32>, vector<16xi32>], vector<16xf32>,
      %get3A_205 = arith.constant 48 : index
      %get3A_206 = tpu.vector_load %arg5[%get3A_205] {strides = array<i32>} : memref<400xi32, #tpu.memory_space<vmem>>, vector<16xi32>,
      %add3A_207 = arith.constant 48 : i32
      %add3A_208 = vector.broadcast %add3A_207 : i32 to vector<16xi32>
      %add3A_209 = arith.addi %add3A_208, %iota3A : vector<16xi32>
      tpu.vector_store_idx %arg13[%add3A_209, %get3A_206], %broadcast_in_dim3A_3 : memref<400x128xf32, #tpu.memory_space<vmem>>[vector<16xi32>, vector<16xi32>], vector<16xf32>,
      %get3A_210 = arith.constant 64 : index
      %get3A_211 = tpu.vector_load %arg5[%get3A_210] {strides = array<i32>} : memref<400xi32, #tpu.memory_space<vmem>>, vector<16xi32>,
      %add3A_212 = arith.constant 64 : i32
      %add3A_213 = vector.broadcast %add3A_212 : i32 to vector<16xi32>
      %add3A_214 = arith.addi %add3A_213, %iota3A : vector<16xi32>
      tpu.vector_store_idx %arg13[%add3A_214, %get3A_211], %broadcast_in_dim3A_3 : memref<400x128xf32, #tpu.memory_space<vmem>>[vector<16xi32>, vector<16xi32>], vector<16xf32>,
      %get3A_215 = arith.constant 80 : index
      %get3A_216 = tpu.vector_load %arg5[%get3A_215] {strides = array<i32>} : memref<400xi32, #tpu.memory_space<vmem>>, vector<16xi32>,
      %add3A_217 = arith.constant 80 : i32
      %add3A_218 = vector.broadcast %add3A_217 : i32 to vector<16xi32>
      %add3A_219 = arith.addi %add3A_218, %iota3A : vector<16xi32>
      tpu.vector_store_idx %arg13[%add3A_219, %get3A_216], %broadcast_in_dim3A_3 : memref<400x128xf32, #tpu.memory_space<vmem>>[vector<16xi32>, vector<16xi32>], vector<16xf32>,
      %get3A_220 = arith.constant 96 : index
      %get3A_221 = tpu.vector_load %arg5[%get3A_220] {strides = array<i32>} : memref<400xi32, #tpu.memory_space<vmem>>, vector<16xi32>,
      %add3A_222 = arith.constant 96 : i32
      %add3A_223 = vector.broadcast %add3A_222 : i32 to vector<16xi32>
      %add3A_224 = arith.addi %add3A_223, %iota3A : vector<16xi32>
      tpu.vector_store_idx %arg13[%add3A_224, %get3A_221], %broadcast_in_dim3A_3 : memref<400x128xf32, #tpu.memory_space<vmem>>[vector<16xi32>, vector<16xi32>], vector<16xf32>,
      %get3A_225 = arith.constant 112 : index
      %get3A_226 = tpu.vector_load %arg5[%get3A_225] {strides = array<i32>} : memref<400xi32, #tpu.memory_space<vmem>>, vector<16xi32>,
      %add3A_227 = arith.constant 112 : i32
      %add3A_228 = vector.broadcast %add3A_227 : i32 to vector<16xi32>
      %add3A_229 = arith.addi %add3A_228, %iota3A : vector<16xi32>
      tpu.vector_store_idx %arg13[%add3A_229, %get3A_226], %broadcast_in_dim3A_3 : memref<400x128xf32, #tpu.memory_space<vmem>>[vector<16xi32>, vector<16xi32>], vector<16xf32>,
      %get3A_230 = arith.constant 128 : index
      %get3A_231 = tpu.vector_load %arg5[%get3A_230] {strides = array<i32>} : memref<400xi32, #tpu.memory_space<vmem>>, vector<16xi32>,
      %add3A_232 = arith.constant 128 : i32
      %add3A_233 = vector.broadcast %add3A_232 : i32 to vector<16xi32>
      %add3A_234 = arith.addi %add3A_233, %iota3A : vector<16xi32>
      tpu.vector_store_idx %arg13[%add3A_234, %get3A_231], %broadcast_in_dim3A_3 : memref<400x128xf32, #tpu.memory_space<vmem>>[vector<16xi32>, vector<16xi32>], vector<16xf32>,
      %get3A_235 = arith.constant 144 : index
      %get3A_236 = tpu.vector_load %arg5[%get3A_235] {strides = array<i32>} : memref<400xi32, #tpu.memory_space<vmem>>, vector<16xi32>,
      %add3A_237 = arith.constant 144 : i32
      %add3A_238 = vector.broadcast %add3A_237 : i32 to vector<16xi32>
      %add3A_239 = arith.addi %add3A_238, %iota3A : vector<16xi32>
      tpu.vector_store_idx %arg13[%add3A_239, %get3A_236], %broadcast_in_dim3A_3 : memref<400x128xf32, #tpu.memory_space<vmem>>[vector<16xi32>, vector<16xi32>], vector<16xf32>,
      %get3A_240 = arith.constant 160 : index
      %get3A_241 = tpu.vector_load %arg5[%get3A_240] {strides = array<i32>} : memref<400xi32, #tpu.memory_space<vmem>>, vector<16xi32>,
      %add3A_242 = arith.constant 160 : i32
      %add3A_243 = vector.broadcast %add3A_242 : i32 to vector<16xi32>
      %add3A_244 = arith.addi %add3A_243, %iota3A : vector<16xi32>
      tpu.vector_store_idx %arg13[%add3A_244, %get3A_241], %broadcast_in_dim3A_3 : memref<400x128xf32, #tpu.memory_space<vmem>>[vector<16xi32>, vector<16xi32>], vector<16xf32>,
      %get3A_245 = arith.constant 176 : index
      %get3A_246 = tpu.vector_load %arg5[%get3A_245] {strides = array<i32>} : memref<400xi32, #tpu.memory_space<vmem>>, vector<16xi32>,
      %add3A_247 = arith.constant 176 : i32
      %add3A_248 = vector.broadcast %add3A_247 : i32 to vector<16xi32>
      %add3A_249 = arith.addi %add3A_248, %iota3A : vector<16xi32>
      tpu.vector_store_idx %arg13[%add3A_249, %get3A_246], %broadcast_in_dim3A_3 : memref<400x128xf32, #tpu.memory_space<vmem>>[vector<16xi32>, vector<16xi32>], vector<16xf32>,
      %get3A_250 = arith.constant 192 : index
      %get3A_251 = tpu.vector_load %arg5[%get3A_250] {strides = array<i32>} : memref<400xi32, #tpu.memory_space<vmem>>, vector<16xi32>,
      %add3A_252 = arith.constant 192 : i32
      %add3A_253 = vector.broadcast %add3A_252 : i32 to vector<16xi32>
      %add3A_254 = arith.addi %add3A_253, %iota3A : vector<16xi32>
      tpu.vector_store_idx %arg13[%add3A_254, %get3A_251], %broadcast_in_dim3A_3 : memref<400x128xf32, #tpu.memory_space<vmem>>[vector<16xi32>, vector<16xi32>], vector<16xf32>,
      %get3A_255 = arith.constant 208 : index
      %get3A_256 = tpu.vector_load %arg5[%get3A_255] {strides = array<i32>} : memref<400xi32, #tpu.memory_space<vmem>>, vector<16xi32>,
      %add3A_257 = arith.constant 208 : i32
      %add3A_258 = vector.broadcast %add3A_257 : i32 to vector<16xi32>
      %add3A_259 = arith.addi %add3A_258, %iota3A : vector<16xi32>
      tpu.vector_store_idx %arg13[%add3A_259, %get3A_256], %broadcast_in_dim3A_3 : memref<400x128xf32, #tpu.memory_space<vmem>>[vector<16xi32>, vector<16xi32>], vector<16xf32>,
      %get3A_260 = arith.constant 224 : index
      %get3A_261 = tpu.vector_load %arg5[%get3A_260] {strides = array<i32>} : memref<400xi32, #tpu.memory_space<vmem>>, vector<16xi32>,
      %add3A_262 = arith.constant 224 : i32
      %add3A_263 = vector.broadcast %add3A_262 : i32 to vector<16xi32>
      %add3A_264 = arith.addi %add3A_263, %iota3A : vector<16xi32>
      tpu.vector_store_idx %arg13[%add3A_264, %get3A_261], %broadcast_in_dim3A_3 : memref<400x128xf32, #tpu.memory_space<vmem>>[vector<16xi32>, vector<16xi32>], vector<16xf32>,
      %get3A_265 = arith.constant 240 : index
      %get3A_266 = tpu.vector_load %arg5[%get3A_265] {strides = array<i32>} : memref<400xi32, #tpu.memory_space<vmem>>, vector<16xi32>,
      %add3A_267 = arith.constant 240 : i32
      %add3A_268 = vector.broadcast %add3A_267 : i32 to vector<16xi32>
      %add3A_269 = arith.addi %add3A_268, %iota3A : vector<16xi32>
      tpu.vector_store_idx %arg13[%add3A_269, %get3A_266], %broadcast_in_dim3A_3 : memref<400x128xf32, #tpu.memory_space<vmem>>[vector<16xi32>, vector<16xi32>], vector<16xf32>,
      %get3A_270 = arith.constant 256 : index
      %get3A_271 = tpu.vector_load %arg5[%get3A_270] {strides = array<i32>} : memref<400xi32, #tpu.memory_space<vmem>>, vector<16xi32>,
      %add3A_272 = arith.constant 256 : i32
      %add3A_273 = vector.broadcast %add3A_272 : i32 to vector<16xi32>
      %add3A_274 = arith.addi %add3A_273, %iota3A : vector<16xi32>
      tpu.vector_store_idx %arg13[%add3A_274, %get3A_271], %broadcast_in_dim3A_3 : memref<400x128xf32, #tpu.memory_space<vmem>>[vector<16xi32>, vector<16xi32>], vector<16xf32>,
      %get3A_275 = arith.constant 272 : index
      %get3A_276 = tpu.vector_load %arg5[%get3A_275] {strides = array<i32>} : memref<400xi32, #tpu.memory_space<vmem>>, vector<16xi32>,
      %add3A_277 = arith.constant 272 : i32
      %add3A_278 = vector.broadcast %add3A_277 : i32 to vector<16xi32>
      %add3A_279 = arith.addi %add3A_278, %iota3A : vector<16xi32>
      tpu.vector_store_idx %arg13[%add3A_279, %get3A_276], %broadcast_in_dim3A_3 : memref<400x128xf32, #tpu.memory_space<vmem>>[vector<16xi32>, vector<16xi32>], vector<16xf32>,
      %get3A_280 = arith.constant 288 : index
      %get3A_281 = tpu.vector_load %arg5[%get3A_280] {strides = array<i32>} : memref<400xi32, #tpu.memory_space<vmem>>, vector<16xi32>,
      %add3A_282 = arith.constant 288 : i32
      %add3A_283 = vector.broadcast %add3A_282 : i32 to vector<16xi32>
      %add3A_284 = arith.addi %add3A_283, %iota3A : vector<16xi32>
      tpu.vector_store_idx %arg13[%add3A_284, %get3A_281], %broadcast_in_dim3A_3 : memref<400x128xf32, #tpu.memory_space<vmem>>[vector<16xi32>, vector<16xi32>], vector<16xf32>,
      %get3A_285 = arith.constant 304 : index
      %get3A_286 = tpu.vector_load %arg5[%get3A_285] {strides = array<i32>} : memref<400xi32, #tpu.memory_space<vmem>>, vector<16xi32>,
      %add3A_287 = arith.constant 304 : i32
      %add3A_288 = vector.broadcast %add3A_287 : i32 to vector<16xi32>
      %add3A_289 = arith.addi %add3A_288, %iota3A : vector<16xi32>
      tpu.vector_store_idx %arg13[%add3A_289, %get3A_286], %broadcast_in_dim3A_3 : memref<400x128xf32, #tpu.memory_space<vmem>>[vector<16xi32>, vector<16xi32>], vector<16xf32>,
      %get3A_290 = arith.constant 320 : index
      %get3A_291 = tpu.vector_load %arg5[%get3A_290] {strides = array<i32>} : memref<400xi32, #tpu.memory_space<vmem>>, vector<16xi32>,
      %add3A_292 = arith.constant 320 : i32
      %add3A_293 = vector.broadcast %add3A_292 : i32 to vector<16xi32>
      %add3A_294 = arith.addi %add3A_293, %iota3A : vector<16xi32>
      tpu.vector_store_idx %arg13[%add3A_294, %get3A_291], %broadcast_in_dim3A_3 : memref<400x128xf32, #tpu.memory_space<vmem>>[vector<16xi32>, vector<16xi32>], vector<16xf32>,
      %get3A_295 = arith.constant 336 : index
      %get3A_296 = tpu.vector_load %arg5[%get3A_295] {strides = array<i32>} : memref<400xi32, #tpu.memory_space<vmem>>, vector<16xi32>,
      %add3A_297 = arith.constant 336 : i32
      %add3A_298 = vector.broadcast %add3A_297 : i32 to vector<16xi32>
      %add3A_299 = arith.addi %add3A_298, %iota3A : vector<16xi32>
      tpu.vector_store_idx %arg13[%add3A_299, %get3A_296], %broadcast_in_dim3A_3 : memref<400x128xf32, #tpu.memory_space<vmem>>[vector<16xi32>, vector<16xi32>], vector<16xf32>,
      %get3A_300 = arith.constant 352 : index
      %get3A_301 = tpu.vector_load %arg5[%get3A_300] {strides = array<i32>} : memref<400xi32, #tpu.memory_space<vmem>>, vector<16xi32>,
      %add3A_302 = arith.constant 352 : i32
      %add3A_303 = vector.broadcast %add3A_302 : i32 to vector<16xi32>
      %add3A_304 = arith.addi %add3A_303, %iota3A : vector<16xi32>
      tpu.vector_store_idx %arg13[%add3A_304, %get3A_301], %broadcast_in_dim3A_3 : memref<400x128xf32, #tpu.memory_space<vmem>>[vector<16xi32>, vector<16xi32>], vector<16xf32>,
      %get3A_305 = arith.constant 368 : index
      %get3A_306 = tpu.vector_load %arg5[%get3A_305] {strides = array<i32>} : memref<400xi32, #tpu.memory_space<vmem>>, vector<16xi32>,
      %add3A_307 = arith.constant 368 : i32
      %add3A_308 = vector.broadcast %add3A_307 : i32 to vector<16xi32>
      %add3A_309 = arith.addi %add3A_308, %iota3A : vector<16xi32>
      tpu.vector_store_idx %arg13[%add3A_309, %get3A_306], %broadcast_in_dim3A_3 : memref<400x128xf32, #tpu.memory_space<vmem>>[vector<16xi32>, vector<16xi32>], vector<16xf32>,
      %get3A_310 = arith.constant 384 : index
      %get3A_311 = tpu.vector_load %arg5[%get3A_310] {strides = array<i32>} : memref<400xi32, #tpu.memory_space<vmem>>, vector<16xi32>,
      %add3A_312 = arith.constant 384 : i32
      %add3A_313 = vector.broadcast %add3A_312 : i32 to vector<16xi32>
      %add3A_314 = arith.addi %add3A_313, %iota3A : vector<16xi32>
      tpu.vector_store_idx %arg13[%add3A_314, %get3A_311], %broadcast_in_dim3A_3 : memref<400x128xf32, #tpu.memory_space<vmem>>[vector<16xi32>, vector<16xi32>], vector<16xf32>,
      %get3A_315 = arith.constant 0 : index
      %get3A_316 = tpu.vector_load %arg7[%get3A_315] {strides = array<i32>} : memref<400xi32, #tpu.memory_space<vmem>>, vector<16xi32>,
      %add3A_317 = arith.constant 0 : i32
      %add3A_318 = vector.broadcast %add3A_317 : i32 to vector<16xi32>
      %add3A_319 = arith.addi %add3A_318, %iota3A : vector<16xi32>
      tpu.vector_store_idx %arg13[%add3A_319, %get3A_316], %broadcast_in_dim3A_1 : memref<400x128xf32, #tpu.memory_space<vmem>>[vector<16xi32>, vector<16xi32>], vector<16xf32>,
      %get3A_320 = arith.constant 16 : index
      %get3A_321 = tpu.vector_load %arg7[%get3A_320] {strides = array<i32>} : memref<400xi32, #tpu.memory_space<vmem>>, vector<16xi32>,
      %add3A_322 = arith.constant 16 : i32
      %add3A_323 = vector.broadcast %add3A_322 : i32 to vector<16xi32>
      %add3A_324 = arith.addi %add3A_323, %iota3A : vector<16xi32>
      tpu.vector_store_idx %arg13[%add3A_324, %get3A_321], %broadcast_in_dim3A_1 : memref<400x128xf32, #tpu.memory_space<vmem>>[vector<16xi32>, vector<16xi32>], vector<16xf32>,
      %get3A_325 = arith.constant 32 : index
      %get3A_326 = tpu.vector_load %arg7[%get3A_325] {strides = array<i32>} : memref<400xi32, #tpu.memory_space<vmem>>, vector<16xi32>,
      %add3A_327 = arith.constant 32 : i32
      %add3A_328 = vector.broadcast %add3A_327 : i32 to vector<16xi32>
      %add3A_329 = arith.addi %add3A_328, %iota3A : vector<16xi32>
      tpu.vector_store_idx %arg13[%add3A_329, %get3A_326], %broadcast_in_dim3A_1 : memref<400x128xf32, #tpu.memory_space<vmem>>[vector<16xi32>, vector<16xi32>], vector<16xf32>,
      %get3A_330 = arith.constant 48 : index
      %get3A_331 = tpu.vector_load %arg7[%get3A_330] {strides = array<i32>} : memref<400xi32, #tpu.memory_space<vmem>>, vector<16xi32>,
      %add3A_332 = arith.constant 48 : i32
      %add3A_333 = vector.broadcast %add3A_332 : i32 to vector<16xi32>
      %add3A_334 = arith.addi %add3A_333, %iota3A : vector<16xi32>
      tpu.vector_store_idx %arg13[%add3A_334, %get3A_331], %broadcast_in_dim3A_1 : memref<400x128xf32, #tpu.memory_space<vmem>>[vector<16xi32>, vector<16xi32>], vector<16xf32>,
      %get3A_335 = arith.constant 64 : index
      %get3A_336 = tpu.vector_load %arg7[%get3A_335] {strides = array<i32>} : memref<400xi32, #tpu.memory_space<vmem>>, vector<16xi32>,
      %add3A_337 = arith.constant 64 : i32
      %add3A_338 = vector.broadcast %add3A_337 : i32 to vector<16xi32>
      %add3A_339 = arith.addi %add3A_338, %iota3A : vector<16xi32>
      tpu.vector_store_idx %arg13[%add3A_339, %get3A_336], %broadcast_in_dim3A_1 : memref<400x128xf32, #tpu.memory_space<vmem>>[vector<16xi32>, vector<16xi32>], vector<16xf32>,
      %get3A_340 = arith.constant 80 : index
      %get3A_341 = tpu.vector_load %arg7[%get3A_340] {strides = array<i32>} : memref<400xi32, #tpu.memory_space<vmem>>, vector<16xi32>,
      %add3A_342 = arith.constant 80 : i32
      %add3A_343 = vector.broadcast %add3A_342 : i32 to vector<16xi32>
      %add3A_344 = arith.addi %add3A_343, %iota3A : vector<16xi32>
      tpu.vector_store_idx %arg13[%add3A_344, %get3A_341], %broadcast_in_dim3A_1 : memref<400x128xf32, #tpu.memory_space<vmem>>[vector<16xi32>, vector<16xi32>], vector<16xf32>,
      %get3A_345 = arith.constant 96 : index
      %get3A_346 = tpu.vector_load %arg7[%get3A_345] {strides = array<i32>} : memref<400xi32, #tpu.memory_space<vmem>>, vector<16xi32>,
      %add3A_347 = arith.constant 96 : i32
      %add3A_348 = vector.broadcast %add3A_347 : i32 to vector<16xi32>
      %add3A_349 = arith.addi %add3A_348, %iota3A : vector<16xi32>
      tpu.vector_store_idx %arg13[%add3A_349, %get3A_346], %broadcast_in_dim3A_1 : memref<400x128xf32, #tpu.memory_space<vmem>>[vector<16xi32>, vector<16xi32>], vector<16xf32>,
      %get3A_350 = arith.constant 112 : index
      %get3A_351 = tpu.vector_load %arg7[%get3A_350] {strides = array<i32>} : memref<400xi32, #tpu.memory_space<vmem>>, vector<16xi32>,
      %add3A_352 = arith.constant 112 : i32
      %add3A_353 = vector.broadcast %add3A_352 : i32 to vector<16xi32>
      %add3A_354 = arith.addi %add3A_353, %iota3A : vector<16xi32>
      tpu.vector_store_idx %arg13[%add3A_354, %get3A_351], %broadcast_in_dim3A_1 : memref<400x128xf32, #tpu.memory_space<vmem>>[vector<16xi32>, vector<16xi32>], vector<16xf32>,
      %get3A_355 = arith.constant 128 : index
      %get3A_356 = tpu.vector_load %arg7[%get3A_355] {strides = array<i32>} : memref<400xi32, #tpu.memory_space<vmem>>, vector<16xi32>,
      %add3A_357 = arith.constant 128 : i32
      %add3A_358 = vector.broadcast %add3A_357 : i32 to vector<16xi32>
      %add3A_359 = arith.addi %add3A_358, %iota3A : vector<16xi32>
      tpu.vector_store_idx %arg13[%add3A_359, %get3A_356], %broadcast_in_dim3A_1 : memref<400x128xf32, #tpu.memory_space<vmem>>[vector<16xi32>, vector<16xi32>], vector<16xf32>,
      %get3A_360 = arith.constant 144 : index
      %get3A_361 = tpu.vector_load %arg7[%get3A_360] {strides = array<i32>} : memref<400xi32, #tpu.memory_space<vmem>>, vector<16xi32>,
      %add3A_362 = arith.constant 144 : i32
      %add3A_363 = vector.broadcast %add3A_362 : i32 to vector<16xi32>
      %add3A_364 = arith.addi %add3A_363, %iota3A : vector<16xi32>
      tpu.vector_store_idx %arg13[%add3A_364, %get3A_361], %broadcast_in_dim3A_1 : memref<400x128xf32, #tpu.memory_space<vmem>>[vector<16xi32>, vector<16xi32>], vector<16xf32>,
      %get3A_365 = arith.constant 160 : index
      %get3A_366 = tpu.vector_load %arg7[%get3A_365] {strides = array<i32>} : memref<400xi32, #tpu.memory_space<vmem>>, vector<16xi32>,
      %add3A_367 = arith.constant 160 : i32
      %add3A_368 = vector.broadcast %add3A_367 : i32 to vector<16xi32>
      %add3A_369 = arith.addi %add3A_368, %iota3A : vector<16xi32>
      tpu.vector_store_idx %arg13[%add3A_369, %get3A_366], %broadcast_in_dim3A_1 : memref<400x128xf32, #tpu.memory_space<vmem>>[vector<16xi32>, vector<16xi32>], vector<16xf32>,
      %get3A_370 = arith.constant 176 : index
      %get3A_371 = tpu.vector_load %arg7[%get3A_370] {strides = array<i32>} : memref<400xi32, #tpu.memory_space<vmem>>, vector<16xi32>,
      %add3A_372 = arith.constant 176 : i32
      %add3A_373 = vector.broadcast %add3A_372 : i32 to vector<16xi32>
      %add3A_374 = arith.addi %add3A_373, %iota3A : vector<16xi32>
      tpu.vector_store_idx %arg13[%add3A_374, %get3A_371], %broadcast_in_dim3A_1 : memref<400x128xf32, #tpu.memory_space<vmem>>[vector<16xi32>, vector<16xi32>], vector<16xf32>,
      %get3A_375 = arith.constant 192 : index
      %get3A_376 = tpu.vector_load %arg7[%get3A_375] {strides = array<i32>} : memref<400xi32, #tpu.memory_space<vmem>>, vector<16xi32>,
      %add3A_377 = arith.constant 192 : i32
      %add3A_378 = vector.broadcast %add3A_377 : i32 to vector<16xi32>
      %add3A_379 = arith.addi %add3A_378, %iota3A : vector<16xi32>
      tpu.vector_store_idx %arg13[%add3A_379, %get3A_376], %broadcast_in_dim3A_1 : memref<400x128xf32, #tpu.memory_space<vmem>>[vector<16xi32>, vector<16xi32>], vector<16xf32>,
      %get3A_380 = arith.constant 208 : index
      %get3A_381 = tpu.vector_load %arg7[%get3A_380] {strides = array<i32>} : memref<400xi32, #tpu.memory_space<vmem>>, vector<16xi32>,
      %add3A_382 = arith.constant 208 : i32
      %add3A_383 = vector.broadcast %add3A_382 : i32 to vector<16xi32>
      %add3A_384 = arith.addi %add3A_383, %iota3A : vector<16xi32>
      tpu.vector_store_idx %arg13[%add3A_384, %get3A_381], %broadcast_in_dim3A_1 : memref<400x128xf32, #tpu.memory_space<vmem>>[vector<16xi32>, vector<16xi32>], vector<16xf32>,
      %get3A_385 = arith.constant 224 : index
      %get3A_386 = tpu.vector_load %arg7[%get3A_385] {strides = array<i32>} : memref<400xi32, #tpu.memory_space<vmem>>, vector<16xi32>,
      %add3A_387 = arith.constant 224 : i32
      %add3A_388 = vector.broadcast %add3A_387 : i32 to vector<16xi32>
      %add3A_389 = arith.addi %add3A_388, %iota3A : vector<16xi32>
      tpu.vector_store_idx %arg13[%add3A_389, %get3A_386], %broadcast_in_dim3A_1 : memref<400x128xf32, #tpu.memory_space<vmem>>[vector<16xi32>, vector<16xi32>], vector<16xf32>,
      %get3A_390 = arith.constant 240 : index
      %get3A_391 = tpu.vector_load %arg7[%get3A_390] {strides = array<i32>} : memref<400xi32, #tpu.memory_space<vmem>>, vector<16xi32>,
      %add3A_392 = arith.constant 240 : i32
      %add3A_393 = vector.broadcast %add3A_392 : i32 to vector<16xi32>
      %add3A_394 = arith.addi %add3A_393, %iota3A : vector<16xi32>
      tpu.vector_store_idx %arg13[%add3A_394, %get3A_391], %broadcast_in_dim3A_1 : memref<400x128xf32, #tpu.memory_space<vmem>>[vector<16xi32>, vector<16xi32>], vector<16xf32>,
      %get3A_395 = arith.constant 256 : index
      %get3A_396 = tpu.vector_load %arg7[%get3A_395] {strides = array<i32>} : memref<400xi32, #tpu.memory_space<vmem>>, vector<16xi32>,
      %add3A_397 = arith.constant 256 : i32
      %add3A_398 = vector.broadcast %add3A_397 : i32 to vector<16xi32>
      %add3A_399 = arith.addi %add3A_398, %iota3A : vector<16xi32>
      tpu.vector_store_idx %arg13[%add3A_399, %get3A_396], %broadcast_in_dim3A_1 : memref<400x128xf32, #tpu.memory_space<vmem>>[vector<16xi32>, vector<16xi32>], vector<16xf32>,
      %get3A_400 = arith.constant 272 : index
      %get3A_401 = tpu.vector_load %arg7[%get3A_400] {strides = array<i32>} : memref<400xi32, #tpu.memory_space<vmem>>, vector<16xi32>,
      %add3A_402 = arith.constant 272 : i32
      %add3A_403 = vector.broadcast %add3A_402 : i32 to vector<16xi32>
      %add3A_404 = arith.addi %add3A_403, %iota3A : vector<16xi32>
      tpu.vector_store_idx %arg13[%add3A_404, %get3A_401], %broadcast_in_dim3A_1 : memref<400x128xf32, #tpu.memory_space<vmem>>[vector<16xi32>, vector<16xi32>], vector<16xf32>,
      %get3A_405 = arith.constant 288 : index
      %get3A_406 = tpu.vector_load %arg7[%get3A_405] {strides = array<i32>} : memref<400xi32, #tpu.memory_space<vmem>>, vector<16xi32>,
      %add3A_407 = arith.constant 288 : i32
      %add3A_408 = vector.broadcast %add3A_407 : i32 to vector<16xi32>
      %add3A_409 = arith.addi %add3A_408, %iota3A : vector<16xi32>
      tpu.vector_store_idx %arg13[%add3A_409, %get3A_406], %broadcast_in_dim3A_1 : memref<400x128xf32, #tpu.memory_space<vmem>>[vector<16xi32>, vector<16xi32>], vector<16xf32>,
      %get3A_410 = arith.constant 304 : index
      %get3A_411 = tpu.vector_load %arg7[%get3A_410] {strides = array<i32>} : memref<400xi32, #tpu.memory_space<vmem>>, vector<16xi32>,
      %add3A_412 = arith.constant 304 : i32
      %add3A_413 = vector.broadcast %add3A_412 : i32 to vector<16xi32>
      %add3A_414 = arith.addi %add3A_413, %iota3A : vector<16xi32>
      tpu.vector_store_idx %arg13[%add3A_414, %get3A_411], %broadcast_in_dim3A_1 : memref<400x128xf32, #tpu.memory_space<vmem>>[vector<16xi32>, vector<16xi32>], vector<16xf32>,
      %get3A_415 = arith.constant 320 : index
      %get3A_416 = tpu.vector_load %arg7[%get3A_415] {strides = array<i32>} : memref<400xi32, #tpu.memory_space<vmem>>, vector<16xi32>,
      %add3A_417 = arith.constant 320 : i32
      %add3A_418 = vector.broadcast %add3A_417 : i32 to vector<16xi32>
      %add3A_419 = arith.addi %add3A_418, %iota3A : vector<16xi32>
      tpu.vector_store_idx %arg13[%add3A_419, %get3A_416], %broadcast_in_dim3A_1 : memref<400x128xf32, #tpu.memory_space<vmem>>[vector<16xi32>, vector<16xi32>], vector<16xf32>,
      %get3A_420 = arith.constant 336 : index
      %get3A_421 = tpu.vector_load %arg7[%get3A_420] {strides = array<i32>} : memref<400xi32, #tpu.memory_space<vmem>>, vector<16xi32>,
      %add3A_422 = arith.constant 336 : i32
      %add3A_423 = vector.broadcast %add3A_422 : i32 to vector<16xi32>
      %add3A_424 = arith.addi %add3A_423, %iota3A : vector<16xi32>
      tpu.vector_store_idx %arg13[%add3A_424, %get3A_421], %broadcast_in_dim3A_1 : memref<400x128xf32, #tpu.memory_space<vmem>>[vector<16xi32>, vector<16xi32>], vector<16xf32>,
      %get3A_425 = arith.constant 352 : index
      %get3A_426 = tpu.vector_load %arg7[%get3A_425] {strides = array<i32>} : memref<400xi32, #tpu.memory_space<vmem>>, vector<16xi32>,
      %add3A_427 = arith.constant 352 : i32
      %add3A_428 = vector.broadcast %add3A_427 : i32 to vector<16xi32>
      %add3A_429 = arith.addi %add3A_428, %iota3A : vector<16xi32>
      tpu.vector_store_idx %arg13[%add3A_429, %get3A_426], %broadcast_in_dim3A_1 : memref<400x128xf32, #tpu.memory_space<vmem>>[vector<16xi32>, vector<16xi32>], vector<16xf32>,
      %get3A_430 = arith.constant 368 : index
      %get3A_431 = tpu.vector_load %arg7[%get3A_430] {strides = array<i32>} : memref<400xi32, #tpu.memory_space<vmem>>, vector<16xi32>,
      %add3A_432 = arith.constant 368 : i32
      %add3A_433 = vector.broadcast %add3A_432 : i32 to vector<16xi32>
      %add3A_434 = arith.addi %add3A_433, %iota3A : vector<16xi32>
      tpu.vector_store_idx %arg13[%add3A_434, %get3A_431], %broadcast_in_dim3A_1 : memref<400x128xf32, #tpu.memory_space<vmem>>[vector<16xi32>, vector<16xi32>], vector<16xf32>,
      %get3A_435 = arith.constant 384 : index
      %get3A_436 = tpu.vector_load %arg7[%get3A_435] {strides = array<i32>} : memref<400xi32, #tpu.memory_space<vmem>>, vector<16xi32>,
      %add3A_437 = arith.constant 384 : i32
      %add3A_438 = vector.broadcast %add3A_437 : i32 to vector<16xi32>
      %add3A_439 = arith.addi %add3A_438, %iota3A : vector<16xi32>
      tpu.vector_store_idx %arg13[%add3A_439, %get3A_436], %broadcast_in_dim3A_1 : memref<400x128xf32, #tpu.memory_space<vmem>>[vector<16xi32>, vector<16xi32>], vector<16xf32>,
      %mul3A_440 = arith.constant 400 : i32
      %mul3A_441 = arith.muli %add3A_132, %mul3A_440 : i32
      %dma_start3A = arith.constant 0 : i32
      %dma_start3A_442 = tpu.memref_slice %arg4[%mul3A_441, %dma_start3A] : memref<100000x128xf32, #tpu.memory_space<hbm>> -> memref<400x128xf32, #tpu.memory_space<hbm>>
      %dma_start3A_443 = arith.constant 0 : i32
      %dma_start3A_444 = tpu.memref_slice %arg4[%mul3A_441, %dma_start3A_443] : memref<100000x128xf32, #tpu.memory_space<hbm>> -> memref<400x128xf32, #tpu.memory_space<hbm>>
      tpu.enqueue_dma source(%arg13 : memref<400x128xf32, #tpu.memory_space<vmem>>) target(%dma_start3A_444 : memref<400x128xf32, #tpu.memory_space<hbm>>) target_semaphore(%arg16 : memref<!tpu.dma_semaphore, #tpu.memory_space<semaphore_mem>>)
    } else {
    }
    %add3A_138 = arith.constant 96 : i32
    %add3A_139 = arith.addi %add3A, %add3A_138 : i32
    %lt3A_140 = arith.constant 250 : i32
    %lt3A_141 = arith.cmpi slt, %add3A_139, %lt3A_140 : i32
    %convert_element_type3A_142 = arith.extui %lt3A_141 : i1 to i32
    %cond3A_143 = arith.constant 0 : i32
    %cond3A_144 = arith.cmpi ne, %convert_element_type3A_142, %cond3A_143 : i32
    scf.if %cond3A_144 {
      %sub3A = arith.constant 64 : i32
      %sub3A_184 = arith.subi %add3A_139, %sub3A : i32
      %mul3A_185 = arith.constant 400 : i32
      %mul3A_186 = arith.muli %sub3A_184, %mul3A_185 : i32
      %dma_wait3A_187 = arith.constant 0 : i32
      %dma_wait3A_188 = tpu.memref_slice %arg4[%mul3A_186, %dma_wait3A_187] : memref<100000x128xf32, #tpu.memory_space<hbm>> -> memref<400x128xf32, #tpu.memory_space<hbm>>
      %dma_wait3A_189 = arith.constant 0 : i32
      %dma_wait3A_190 = tpu.memref_slice %arg4[%mul3A_186, %dma_wait3A_189] : memref<100000x128xf32, #tpu.memory_space<hbm>> -> memref<400x128xf32, #tpu.memory_space<hbm>>
      tpu.wait_dma2 semaphore(%arg17 : memref<!tpu.dma_semaphore, #tpu.memory_space<semaphore_mem>>) src(%arg14 : memref<400x128xf32, #tpu.memory_space<vmem>>) dst(%dma_wait3A_190 : memref<400x128xf32, #tpu.memory_space<hbm>>)
      %get3A = arith.constant 0 : index
      %get3A_191 = tpu.vector_load %arg6[%get3A] {strides = array<i32>} : memref<400xi32, #tpu.memory_space<vmem>>, vector<16xi32>,
      %add3A_192 = arith.constant 0 : i32
      %add3A_193 = vector.broadcast %add3A_192 : i32 to vector<16xi32>
      %add3A_194 = arith.addi %add3A_193, %iota3A : vector<16xi32>
      tpu.vector_store_idx %arg14[%add3A_194, %get3A_191], %broadcast_in_dim3A_3 : memref<400x128xf32, #tpu.memory_space<vmem>>[vector<16xi32>, vector<16xi32>], vector<16xf32>,
      %get3A_195 = arith.constant 16 : index
      %get3A_196 = tpu.vector_load %arg6[%get3A_195] {strides = array<i32>} : memref<400xi32, #tpu.memory_space<vmem>>, vector<16xi32>,
      %add3A_197 = arith.constant 16 : i32
      %add3A_198 = vector.broadcast %add3A_197 : i32 to vector<16xi32>
      %add3A_199 = arith.addi %add3A_198, %iota3A : vector<16xi32>
      tpu.vector_store_idx %arg14[%add3A_199, %get3A_196], %broadcast_in_dim3A_3 : memref<400x128xf32, #tpu.memory_space<vmem>>[vector<16xi32>, vector<16xi32>], vector<16xf32>,
      %get3A_200 = arith.constant 32 : index
      %get3A_201 = tpu.vector_load %arg6[%get3A_200] {strides = array<i32>} : memref<400xi32, #tpu.memory_space<vmem>>, vector<16xi32>,
      %add3A_202 = arith.constant 32 : i32
      %add3A_203 = vector.broadcast %add3A_202 : i32 to vector<16xi32>
      %add3A_204 = arith.addi %add3A_203, %iota3A : vector<16xi32>
      tpu.vector_store_idx %arg14[%add3A_204, %get3A_201], %broadcast_in_dim3A_3 : memref<400x128xf32, #tpu.memory_space<vmem>>[vector<16xi32>, vector<16xi32>], vector<16xf32>,
      %get3A_205 = arith.constant 48 : index
      %get3A_206 = tpu.vector_load %arg6[%get3A_205] {strides = array<i32>} : memref<400xi32, #tpu.memory_space<vmem>>, vector<16xi32>,
      %add3A_207 = arith.constant 48 : i32
      %add3A_208 = vector.broadcast %add3A_207 : i32 to vector<16xi32>
      %add3A_209 = arith.addi %add3A_208, %iota3A : vector<16xi32>
      tpu.vector_store_idx %arg14[%add3A_209, %get3A_206], %broadcast_in_dim3A_3 : memref<400x128xf32, #tpu.memory_space<vmem>>[vector<16xi32>, vector<16xi32>], vector<16xf32>,
      %get3A_210 = arith.constant 64 : index
      %get3A_211 = tpu.vector_load %arg6[%get3A_210] {strides = array<i32>} : memref<400xi32, #tpu.memory_space<vmem>>, vector<16xi32>,
      %add3A_212 = arith.constant 64 : i32
      %add3A_213 = vector.broadcast %add3A_212 : i32 to vector<16xi32>
      %add3A_214 = arith.addi %add3A_213, %iota3A : vector<16xi32>
      tpu.vector_store_idx %arg14[%add3A_214, %get3A_211], %broadcast_in_dim3A_3 : memref<400x128xf32, #tpu.memory_space<vmem>>[vector<16xi32>, vector<16xi32>], vector<16xf32>,
      %get3A_215 = arith.constant 80 : index
      %get3A_216 = tpu.vector_load %arg6[%get3A_215] {strides = array<i32>} : memref<400xi32, #tpu.memory_space<vmem>>, vector<16xi32>,
      %add3A_217 = arith.constant 80 : i32
      %add3A_218 = vector.broadcast %add3A_217 : i32 to vector<16xi32>
      %add3A_219 = arith.addi %add3A_218, %iota3A : vector<16xi32>
      tpu.vector_store_idx %arg14[%add3A_219, %get3A_216], %broadcast_in_dim3A_3 : memref<400x128xf32, #tpu.memory_space<vmem>>[vector<16xi32>, vector<16xi32>], vector<16xf32>,
      %get3A_220 = arith.constant 96 : index
      %get3A_221 = tpu.vector_load %arg6[%get3A_220] {strides = array<i32>} : memref<400xi32, #tpu.memory_space<vmem>>, vector<16xi32>,
      %add3A_222 = arith.constant 96 : i32
      %add3A_223 = vector.broadcast %add3A_222 : i32 to vector<16xi32>
      %add3A_224 = arith.addi %add3A_223, %iota3A : vector<16xi32>
      tpu.vector_store_idx %arg14[%add3A_224, %get3A_221], %broadcast_in_dim3A_3 : memref<400x128xf32, #tpu.memory_space<vmem>>[vector<16xi32>, vector<16xi32>], vector<16xf32>,
      %get3A_225 = arith.constant 112 : index
      %get3A_226 = tpu.vector_load %arg6[%get3A_225] {strides = array<i32>} : memref<400xi32, #tpu.memory_space<vmem>>, vector<16xi32>,
      %add3A_227 = arith.constant 112 : i32
      %add3A_228 = vector.broadcast %add3A_227 : i32 to vector<16xi32>
      %add3A_229 = arith.addi %add3A_228, %iota3A : vector<16xi32>
      tpu.vector_store_idx %arg14[%add3A_229, %get3A_226], %broadcast_in_dim3A_3 : memref<400x128xf32, #tpu.memory_space<vmem>>[vector<16xi32>, vector<16xi32>], vector<16xf32>,
      %get3A_230 = arith.constant 128 : index
      %get3A_231 = tpu.vector_load %arg6[%get3A_230] {strides = array<i32>} : memref<400xi32, #tpu.memory_space<vmem>>, vector<16xi32>,
      %add3A_232 = arith.constant 128 : i32
      %add3A_233 = vector.broadcast %add3A_232 : i32 to vector<16xi32>
      %add3A_234 = arith.addi %add3A_233, %iota3A : vector<16xi32>
      tpu.vector_store_idx %arg14[%add3A_234, %get3A_231], %broadcast_in_dim3A_3 : memref<400x128xf32, #tpu.memory_space<vmem>>[vector<16xi32>, vector<16xi32>], vector<16xf32>,
      %get3A_235 = arith.constant 144 : index
      %get3A_236 = tpu.vector_load %arg6[%get3A_235] {strides = array<i32>} : memref<400xi32, #tpu.memory_space<vmem>>, vector<16xi32>,
      %add3A_237 = arith.constant 144 : i32
      %add3A_238 = vector.broadcast %add3A_237 : i32 to vector<16xi32>
      %add3A_239 = arith.addi %add3A_238, %iota3A : vector<16xi32>
      tpu.vector_store_idx %arg14[%add3A_239, %get3A_236], %broadcast_in_dim3A_3 : memref<400x128xf32, #tpu.memory_space<vmem>>[vector<16xi32>, vector<16xi32>], vector<16xf32>,
      %get3A_240 = arith.constant 160 : index
      %get3A_241 = tpu.vector_load %arg6[%get3A_240] {strides = array<i32>} : memref<400xi32, #tpu.memory_space<vmem>>, vector<16xi32>,
      %add3A_242 = arith.constant 160 : i32
      %add3A_243 = vector.broadcast %add3A_242 : i32 to vector<16xi32>
      %add3A_244 = arith.addi %add3A_243, %iota3A : vector<16xi32>
      tpu.vector_store_idx %arg14[%add3A_244, %get3A_241], %broadcast_in_dim3A_3 : memref<400x128xf32, #tpu.memory_space<vmem>>[vector<16xi32>, vector<16xi32>], vector<16xf32>,
      %get3A_245 = arith.constant 176 : index
      %get3A_246 = tpu.vector_load %arg6[%get3A_245] {strides = array<i32>} : memref<400xi32, #tpu.memory_space<vmem>>, vector<16xi32>,
      %add3A_247 = arith.constant 176 : i32
      %add3A_248 = vector.broadcast %add3A_247 : i32 to vector<16xi32>
      %add3A_249 = arith.addi %add3A_248, %iota3A : vector<16xi32>
      tpu.vector_store_idx %arg14[%add3A_249, %get3A_246], %broadcast_in_dim3A_3 : memref<400x128xf32, #tpu.memory_space<vmem>>[vector<16xi32>, vector<16xi32>], vector<16xf32>,
      %get3A_250 = arith.constant 192 : index
      %get3A_251 = tpu.vector_load %arg6[%get3A_250] {strides = array<i32>} : memref<400xi32, #tpu.memory_space<vmem>>, vector<16xi32>,
      %add3A_252 = arith.constant 192 : i32
      %add3A_253 = vector.broadcast %add3A_252 : i32 to vector<16xi32>
      %add3A_254 = arith.addi %add3A_253, %iota3A : vector<16xi32>
      tpu.vector_store_idx %arg14[%add3A_254, %get3A_251], %broadcast_in_dim3A_3 : memref<400x128xf32, #tpu.memory_space<vmem>>[vector<16xi32>, vector<16xi32>], vector<16xf32>,
      %get3A_255 = arith.constant 208 : index
      %get3A_256 = tpu.vector_load %arg6[%get3A_255] {strides = array<i32>} : memref<400xi32, #tpu.memory_space<vmem>>, vector<16xi32>,
      %add3A_257 = arith.constant 208 : i32
      %add3A_258 = vector.broadcast %add3A_257 : i32 to vector<16xi32>
      %add3A_259 = arith.addi %add3A_258, %iota3A : vector<16xi32>
      tpu.vector_store_idx %arg14[%add3A_259, %get3A_256], %broadcast_in_dim3A_3 : memref<400x128xf32, #tpu.memory_space<vmem>>[vector<16xi32>, vector<16xi32>], vector<16xf32>,
      %get3A_260 = arith.constant 224 : index
      %get3A_261 = tpu.vector_load %arg6[%get3A_260] {strides = array<i32>} : memref<400xi32, #tpu.memory_space<vmem>>, vector<16xi32>,
      %add3A_262 = arith.constant 224 : i32
      %add3A_263 = vector.broadcast %add3A_262 : i32 to vector<16xi32>
      %add3A_264 = arith.addi %add3A_263, %iota3A : vector<16xi32>
      tpu.vector_store_idx %arg14[%add3A_264, %get3A_261], %broadcast_in_dim3A_3 : memref<400x128xf32, #tpu.memory_space<vmem>>[vector<16xi32>, vector<16xi32>], vector<16xf32>,
      %get3A_265 = arith.constant 240 : index
      %get3A_266 = tpu.vector_load %arg6[%get3A_265] {strides = array<i32>} : memref<400xi32, #tpu.memory_space<vmem>>, vector<16xi32>,
      %add3A_267 = arith.constant 240 : i32
      %add3A_268 = vector.broadcast %add3A_267 : i32 to vector<16xi32>
      %add3A_269 = arith.addi %add3A_268, %iota3A : vector<16xi32>
      tpu.vector_store_idx %arg14[%add3A_269, %get3A_266], %broadcast_in_dim3A_3 : memref<400x128xf32, #tpu.memory_space<vmem>>[vector<16xi32>, vector<16xi32>], vector<16xf32>,
      %get3A_270 = arith.constant 256 : index
      %get3A_271 = tpu.vector_load %arg6[%get3A_270] {strides = array<i32>} : memref<400xi32, #tpu.memory_space<vmem>>, vector<16xi32>,
      %add3A_272 = arith.constant 256 : i32
      %add3A_273 = vector.broadcast %add3A_272 : i32 to vector<16xi32>
      %add3A_274 = arith.addi %add3A_273, %iota3A : vector<16xi32>
      tpu.vector_store_idx %arg14[%add3A_274, %get3A_271], %broadcast_in_dim3A_3 : memref<400x128xf32, #tpu.memory_space<vmem>>[vector<16xi32>, vector<16xi32>], vector<16xf32>,
      %get3A_275 = arith.constant 272 : index
      %get3A_276 = tpu.vector_load %arg6[%get3A_275] {strides = array<i32>} : memref<400xi32, #tpu.memory_space<vmem>>, vector<16xi32>,
      %add3A_277 = arith.constant 272 : i32
      %add3A_278 = vector.broadcast %add3A_277 : i32 to vector<16xi32>
      %add3A_279 = arith.addi %add3A_278, %iota3A : vector<16xi32>
      tpu.vector_store_idx %arg14[%add3A_279, %get3A_276], %broadcast_in_dim3A_3 : memref<400x128xf32, #tpu.memory_space<vmem>>[vector<16xi32>, vector<16xi32>], vector<16xf32>,
      %get3A_280 = arith.constant 288 : index
      %get3A_281 = tpu.vector_load %arg6[%get3A_280] {strides = array<i32>} : memref<400xi32, #tpu.memory_space<vmem>>, vector<16xi32>,
      %add3A_282 = arith.constant 288 : i32
      %add3A_283 = vector.broadcast %add3A_282 : i32 to vector<16xi32>
      %add3A_284 = arith.addi %add3A_283, %iota3A : vector<16xi32>
      tpu.vector_store_idx %arg14[%add3A_284, %get3A_281], %broadcast_in_dim3A_3 : memref<400x128xf32, #tpu.memory_space<vmem>>[vector<16xi32>, vector<16xi32>], vector<16xf32>,
      %get3A_285 = arith.constant 304 : index
      %get3A_286 = tpu.vector_load %arg6[%get3A_285] {strides = array<i32>} : memref<400xi32, #tpu.memory_space<vmem>>, vector<16xi32>,
      %add3A_287 = arith.constant 304 : i32
      %add3A_288 = vector.broadcast %add3A_287 : i32 to vector<16xi32>
      %add3A_289 = arith.addi %add3A_288, %iota3A : vector<16xi32>
      tpu.vector_store_idx %arg14[%add3A_289, %get3A_286], %broadcast_in_dim3A_3 : memref<400x128xf32, #tpu.memory_space<vmem>>[vector<16xi32>, vector<16xi32>], vector<16xf32>,
      %get3A_290 = arith.constant 320 : index
      %get3A_291 = tpu.vector_load %arg6[%get3A_290] {strides = array<i32>} : memref<400xi32, #tpu.memory_space<vmem>>, vector<16xi32>,
      %add3A_292 = arith.constant 320 : i32
      %add3A_293 = vector.broadcast %add3A_292 : i32 to vector<16xi32>
      %add3A_294 = arith.addi %add3A_293, %iota3A : vector<16xi32>
      tpu.vector_store_idx %arg14[%add3A_294, %get3A_291], %broadcast_in_dim3A_3 : memref<400x128xf32, #tpu.memory_space<vmem>>[vector<16xi32>, vector<16xi32>], vector<16xf32>,
      %get3A_295 = arith.constant 336 : index
      %get3A_296 = tpu.vector_load %arg6[%get3A_295] {strides = array<i32>} : memref<400xi32, #tpu.memory_space<vmem>>, vector<16xi32>,
      %add3A_297 = arith.constant 336 : i32
      %add3A_298 = vector.broadcast %add3A_297 : i32 to vector<16xi32>
      %add3A_299 = arith.addi %add3A_298, %iota3A : vector<16xi32>
      tpu.vector_store_idx %arg14[%add3A_299, %get3A_296], %broadcast_in_dim3A_3 : memref<400x128xf32, #tpu.memory_space<vmem>>[vector<16xi32>, vector<16xi32>], vector<16xf32>,
      %get3A_300 = arith.constant 352 : index
      %get3A_301 = tpu.vector_load %arg6[%get3A_300] {strides = array<i32>} : memref<400xi32, #tpu.memory_space<vmem>>, vector<16xi32>,
      %add3A_302 = arith.constant 352 : i32
      %add3A_303 = vector.broadcast %add3A_302 : i32 to vector<16xi32>
      %add3A_304 = arith.addi %add3A_303, %iota3A : vector<16xi32>
      tpu.vector_store_idx %arg14[%add3A_304, %get3A_301], %broadcast_in_dim3A_3 : memref<400x128xf32, #tpu.memory_space<vmem>>[vector<16xi32>, vector<16xi32>], vector<16xf32>,
      %get3A_305 = arith.constant 368 : index
      %get3A_306 = tpu.vector_load %arg6[%get3A_305] {strides = array<i32>} : memref<400xi32, #tpu.memory_space<vmem>>, vector<16xi32>,
      %add3A_307 = arith.constant 368 : i32
      %add3A_308 = vector.broadcast %add3A_307 : i32 to vector<16xi32>
      %add3A_309 = arith.addi %add3A_308, %iota3A : vector<16xi32>
      tpu.vector_store_idx %arg14[%add3A_309, %get3A_306], %broadcast_in_dim3A_3 : memref<400x128xf32, #tpu.memory_space<vmem>>[vector<16xi32>, vector<16xi32>], vector<16xf32>,
      %get3A_310 = arith.constant 384 : index
      %get3A_311 = tpu.vector_load %arg6[%get3A_310] {strides = array<i32>} : memref<400xi32, #tpu.memory_space<vmem>>, vector<16xi32>,
      %add3A_312 = arith.constant 384 : i32
      %add3A_313 = vector.broadcast %add3A_312 : i32 to vector<16xi32>
      %add3A_314 = arith.addi %add3A_313, %iota3A : vector<16xi32>
      tpu.vector_store_idx %arg14[%add3A_314, %get3A_311], %broadcast_in_dim3A_3 : memref<400x128xf32, #tpu.memory_space<vmem>>[vector<16xi32>, vector<16xi32>], vector<16xf32>,
      %get3A_315 = arith.constant 0 : index
      %get3A_316 = tpu.vector_load %arg8[%get3A_315] {strides = array<i32>} : memref<400xi32, #tpu.memory_space<vmem>>, vector<16xi32>,
      %add3A_317 = arith.constant 0 : i32
      %add3A_318 = vector.broadcast %add3A_317 : i32 to vector<16xi32>
      %add3A_319 = arith.addi %add3A_318, %iota3A : vector<16xi32>
      tpu.vector_store_idx %arg14[%add3A_319, %get3A_316], %broadcast_in_dim3A_1 : memref<400x128xf32, #tpu.memory_space<vmem>>[vector<16xi32>, vector<16xi32>], vector<16xf32>,
      %get3A_320 = arith.constant 16 : index
      %get3A_321 = tpu.vector_load %arg8[%get3A_320] {strides = array<i32>} : memref<400xi32, #tpu.memory_space<vmem>>, vector<16xi32>,
      %add3A_322 = arith.constant 16 : i32
      %add3A_323 = vector.broadcast %add3A_322 : i32 to vector<16xi32>
      %add3A_324 = arith.addi %add3A_323, %iota3A : vector<16xi32>
      tpu.vector_store_idx %arg14[%add3A_324, %get3A_321], %broadcast_in_dim3A_1 : memref<400x128xf32, #tpu.memory_space<vmem>>[vector<16xi32>, vector<16xi32>], vector<16xf32>,
      %get3A_325 = arith.constant 32 : index
      %get3A_326 = tpu.vector_load %arg8[%get3A_325] {strides = array<i32>} : memref<400xi32, #tpu.memory_space<vmem>>, vector<16xi32>,
      %add3A_327 = arith.constant 32 : i32
      %add3A_328 = vector.broadcast %add3A_327 : i32 to vector<16xi32>
      %add3A_329 = arith.addi %add3A_328, %iota3A : vector<16xi32>
      tpu.vector_store_idx %arg14[%add3A_329, %get3A_326], %broadcast_in_dim3A_1 : memref<400x128xf32, #tpu.memory_space<vmem>>[vector<16xi32>, vector<16xi32>], vector<16xf32>,
      %get3A_330 = arith.constant 48 : index
      %get3A_331 = tpu.vector_load %arg8[%get3A_330] {strides = array<i32>} : memref<400xi32, #tpu.memory_space<vmem>>, vector<16xi32>,
      %add3A_332 = arith.constant 48 : i32
      %add3A_333 = vector.broadcast %add3A_332 : i32 to vector<16xi32>
      %add3A_334 = arith.addi %add3A_333, %iota3A : vector<16xi32>
      tpu.vector_store_idx %arg14[%add3A_334, %get3A_331], %broadcast_in_dim3A_1 : memref<400x128xf32, #tpu.memory_space<vmem>>[vector<16xi32>, vector<16xi32>], vector<16xf32>,
      %get3A_335 = arith.constant 64 : index
      %get3A_336 = tpu.vector_load %arg8[%get3A_335] {strides = array<i32>} : memref<400xi32, #tpu.memory_space<vmem>>, vector<16xi32>,
      %add3A_337 = arith.constant 64 : i32
      %add3A_338 = vector.broadcast %add3A_337 : i32 to vector<16xi32>
      %add3A_339 = arith.addi %add3A_338, %iota3A : vector<16xi32>
      tpu.vector_store_idx %arg14[%add3A_339, %get3A_336], %broadcast_in_dim3A_1 : memref<400x128xf32, #tpu.memory_space<vmem>>[vector<16xi32>, vector<16xi32>], vector<16xf32>,
      %get3A_340 = arith.constant 80 : index
      %get3A_341 = tpu.vector_load %arg8[%get3A_340] {strides = array<i32>} : memref<400xi32, #tpu.memory_space<vmem>>, vector<16xi32>,
      %add3A_342 = arith.constant 80 : i32
      %add3A_343 = vector.broadcast %add3A_342 : i32 to vector<16xi32>
      %add3A_344 = arith.addi %add3A_343, %iota3A : vector<16xi32>
      tpu.vector_store_idx %arg14[%add3A_344, %get3A_341], %broadcast_in_dim3A_1 : memref<400x128xf32, #tpu.memory_space<vmem>>[vector<16xi32>, vector<16xi32>], vector<16xf32>,
      %get3A_345 = arith.constant 96 : index
      %get3A_346 = tpu.vector_load %arg8[%get3A_345] {strides = array<i32>} : memref<400xi32, #tpu.memory_space<vmem>>, vector<16xi32>,
      %add3A_347 = arith.constant 96 : i32
      %add3A_348 = vector.broadcast %add3A_347 : i32 to vector<16xi32>
      %add3A_349 = arith.addi %add3A_348, %iota3A : vector<16xi32>
      tpu.vector_store_idx %arg14[%add3A_349, %get3A_346], %broadcast_in_dim3A_1 : memref<400x128xf32, #tpu.memory_space<vmem>>[vector<16xi32>, vector<16xi32>], vector<16xf32>,
      %get3A_350 = arith.constant 112 : index
      %get3A_351 = tpu.vector_load %arg8[%get3A_350] {strides = array<i32>} : memref<400xi32, #tpu.memory_space<vmem>>, vector<16xi32>,
      %add3A_352 = arith.constant 112 : i32
      %add3A_353 = vector.broadcast %add3A_352 : i32 to vector<16xi32>
      %add3A_354 = arith.addi %add3A_353, %iota3A : vector<16xi32>
      tpu.vector_store_idx %arg14[%add3A_354, %get3A_351], %broadcast_in_dim3A_1 : memref<400x128xf32, #tpu.memory_space<vmem>>[vector<16xi32>, vector<16xi32>], vector<16xf32>,
      %get3A_355 = arith.constant 128 : index
      %get3A_356 = tpu.vector_load %arg8[%get3A_355] {strides = array<i32>} : memref<400xi32, #tpu.memory_space<vmem>>, vector<16xi32>,
      %add3A_357 = arith.constant 128 : i32
      %add3A_358 = vector.broadcast %add3A_357 : i32 to vector<16xi32>
      %add3A_359 = arith.addi %add3A_358, %iota3A : vector<16xi32>
      tpu.vector_store_idx %arg14[%add3A_359, %get3A_356], %broadcast_in_dim3A_1 : memref<400x128xf32, #tpu.memory_space<vmem>>[vector<16xi32>, vector<16xi32>], vector<16xf32>,
      %get3A_360 = arith.constant 144 : index
      %get3A_361 = tpu.vector_load %arg8[%get3A_360] {strides = array<i32>} : memref<400xi32, #tpu.memory_space<vmem>>, vector<16xi32>,
      %add3A_362 = arith.constant 144 : i32
      %add3A_363 = vector.broadcast %add3A_362 : i32 to vector<16xi32>
      %add3A_364 = arith.addi %add3A_363, %iota3A : vector<16xi32>
      tpu.vector_store_idx %arg14[%add3A_364, %get3A_361], %broadcast_in_dim3A_1 : memref<400x128xf32, #tpu.memory_space<vmem>>[vector<16xi32>, vector<16xi32>], vector<16xf32>,
      %get3A_365 = arith.constant 160 : index
      %get3A_366 = tpu.vector_load %arg8[%get3A_365] {strides = array<i32>} : memref<400xi32, #tpu.memory_space<vmem>>, vector<16xi32>,
      %add3A_367 = arith.constant 160 : i32
      %add3A_368 = vector.broadcast %add3A_367 : i32 to vector<16xi32>
      %add3A_369 = arith.addi %add3A_368, %iota3A : vector<16xi32>
      tpu.vector_store_idx %arg14[%add3A_369, %get3A_366], %broadcast_in_dim3A_1 : memref<400x128xf32, #tpu.memory_space<vmem>>[vector<16xi32>, vector<16xi32>], vector<16xf32>,
      %get3A_370 = arith.constant 176 : index
      %get3A_371 = tpu.vector_load %arg8[%get3A_370] {strides = array<i32>} : memref<400xi32, #tpu.memory_space<vmem>>, vector<16xi32>,
      %add3A_372 = arith.constant 176 : i32
      %add3A_373 = vector.broadcast %add3A_372 : i32 to vector<16xi32>
      %add3A_374 = arith.addi %add3A_373, %iota3A : vector<16xi32>
      tpu.vector_store_idx %arg14[%add3A_374, %get3A_371], %broadcast_in_dim3A_1 : memref<400x128xf32, #tpu.memory_space<vmem>>[vector<16xi32>, vector<16xi32>], vector<16xf32>,
      %get3A_375 = arith.constant 192 : index
      %get3A_376 = tpu.vector_load %arg8[%get3A_375] {strides = array<i32>} : memref<400xi32, #tpu.memory_space<vmem>>, vector<16xi32>,
      %add3A_377 = arith.constant 192 : i32
      %add3A_378 = vector.broadcast %add3A_377 : i32 to vector<16xi32>
      %add3A_379 = arith.addi %add3A_378, %iota3A : vector<16xi32>
      tpu.vector_store_idx %arg14[%add3A_379, %get3A_376], %broadcast_in_dim3A_1 : memref<400x128xf32, #tpu.memory_space<vmem>>[vector<16xi32>, vector<16xi32>], vector<16xf32>,
      %get3A_380 = arith.constant 208 : index
      %get3A_381 = tpu.vector_load %arg8[%get3A_380] {strides = array<i32>} : memref<400xi32, #tpu.memory_space<vmem>>, vector<16xi32>,
      %add3A_382 = arith.constant 208 : i32
      %add3A_383 = vector.broadcast %add3A_382 : i32 to vector<16xi32>
      %add3A_384 = arith.addi %add3A_383, %iota3A : vector<16xi32>
      tpu.vector_store_idx %arg14[%add3A_384, %get3A_381], %broadcast_in_dim3A_1 : memref<400x128xf32, #tpu.memory_space<vmem>>[vector<16xi32>, vector<16xi32>], vector<16xf32>,
      %get3A_385 = arith.constant 224 : index
      %get3A_386 = tpu.vector_load %arg8[%get3A_385] {strides = array<i32>} : memref<400xi32, #tpu.memory_space<vmem>>, vector<16xi32>,
      %add3A_387 = arith.constant 224 : i32
      %add3A_388 = vector.broadcast %add3A_387 : i32 to vector<16xi32>
      %add3A_389 = arith.addi %add3A_388, %iota3A : vector<16xi32>
      tpu.vector_store_idx %arg14[%add3A_389, %get3A_386], %broadcast_in_dim3A_1 : memref<400x128xf32, #tpu.memory_space<vmem>>[vector<16xi32>, vector<16xi32>], vector<16xf32>,
      %get3A_390 = arith.constant 240 : index
      %get3A_391 = tpu.vector_load %arg8[%get3A_390] {strides = array<i32>} : memref<400xi32, #tpu.memory_space<vmem>>, vector<16xi32>,
      %add3A_392 = arith.constant 240 : i32
      %add3A_393 = vector.broadcast %add3A_392 : i32 to vector<16xi32>
      %add3A_394 = arith.addi %add3A_393, %iota3A : vector<16xi32>
      tpu.vector_store_idx %arg14[%add3A_394, %get3A_391], %broadcast_in_dim3A_1 : memref<400x128xf32, #tpu.memory_space<vmem>>[vector<16xi32>, vector<16xi32>], vector<16xf32>,
      %get3A_395 = arith.constant 256 : index
      %get3A_396 = tpu.vector_load %arg8[%get3A_395] {strides = array<i32>} : memref<400xi32, #tpu.memory_space<vmem>>, vector<16xi32>,
      %add3A_397 = arith.constant 256 : i32
      %add3A_398 = vector.broadcast %add3A_397 : i32 to vector<16xi32>
      %add3A_399 = arith.addi %add3A_398, %iota3A : vector<16xi32>
      tpu.vector_store_idx %arg14[%add3A_399, %get3A_396], %broadcast_in_dim3A_1 : memref<400x128xf32, #tpu.memory_space<vmem>>[vector<16xi32>, vector<16xi32>], vector<16xf32>,
      %get3A_400 = arith.constant 272 : index
      %get3A_401 = tpu.vector_load %arg8[%get3A_400] {strides = array<i32>} : memref<400xi32, #tpu.memory_space<vmem>>, vector<16xi32>,
      %add3A_402 = arith.constant 272 : i32
      %add3A_403 = vector.broadcast %add3A_402 : i32 to vector<16xi32>
      %add3A_404 = arith.addi %add3A_403, %iota3A : vector<16xi32>
      tpu.vector_store_idx %arg14[%add3A_404, %get3A_401], %broadcast_in_dim3A_1 : memref<400x128xf32, #tpu.memory_space<vmem>>[vector<16xi32>, vector<16xi32>], vector<16xf32>,
      %get3A_405 = arith.constant 288 : index
      %get3A_406 = tpu.vector_load %arg8[%get3A_405] {strides = array<i32>} : memref<400xi32, #tpu.memory_space<vmem>>, vector<16xi32>,
      %add3A_407 = arith.constant 288 : i32
      %add3A_408 = vector.broadcast %add3A_407 : i32 to vector<16xi32>
      %add3A_409 = arith.addi %add3A_408, %iota3A : vector<16xi32>
      tpu.vector_store_idx %arg14[%add3A_409, %get3A_406], %broadcast_in_dim3A_1 : memref<400x128xf32, #tpu.memory_space<vmem>>[vector<16xi32>, vector<16xi32>], vector<16xf32>,
      %get3A_410 = arith.constant 304 : index
      %get3A_411 = tpu.vector_load %arg8[%get3A_410] {strides = array<i32>} : memref<400xi32, #tpu.memory_space<vmem>>, vector<16xi32>,
      %add3A_412 = arith.constant 304 : i32
      %add3A_413 = vector.broadcast %add3A_412 : i32 to vector<16xi32>
      %add3A_414 = arith.addi %add3A_413, %iota3A : vector<16xi32>
      tpu.vector_store_idx %arg14[%add3A_414, %get3A_411], %broadcast_in_dim3A_1 : memref<400x128xf32, #tpu.memory_space<vmem>>[vector<16xi32>, vector<16xi32>], vector<16xf32>,
      %get3A_415 = arith.constant 320 : index
      %get3A_416 = tpu.vector_load %arg8[%get3A_415] {strides = array<i32>} : memref<400xi32, #tpu.memory_space<vmem>>, vector<16xi32>,
      %add3A_417 = arith.constant 320 : i32
      %add3A_418 = vector.broadcast %add3A_417 : i32 to vector<16xi32>
      %add3A_419 = arith.addi %add3A_418, %iota3A : vector<16xi32>
      tpu.vector_store_idx %arg14[%add3A_419, %get3A_416], %broadcast_in_dim3A_1 : memref<400x128xf32, #tpu.memory_space<vmem>>[vector<16xi32>, vector<16xi32>], vector<16xf32>,
      %get3A_420 = arith.constant 336 : index
      %get3A_421 = tpu.vector_load %arg8[%get3A_420] {strides = array<i32>} : memref<400xi32, #tpu.memory_space<vmem>>, vector<16xi32>,
      %add3A_422 = arith.constant 336 : i32
      %add3A_423 = vector.broadcast %add3A_422 : i32 to vector<16xi32>
      %add3A_424 = arith.addi %add3A_423, %iota3A : vector<16xi32>
      tpu.vector_store_idx %arg14[%add3A_424, %get3A_421], %broadcast_in_dim3A_1 : memref<400x128xf32, #tpu.memory_space<vmem>>[vector<16xi32>, vector<16xi32>], vector<16xf32>,
      %get3A_425 = arith.constant 352 : index
      %get3A_426 = tpu.vector_load %arg8[%get3A_425] {strides = array<i32>} : memref<400xi32, #tpu.memory_space<vmem>>, vector<16xi32>,
      %add3A_427 = arith.constant 352 : i32
      %add3A_428 = vector.broadcast %add3A_427 : i32 to vector<16xi32>
      %add3A_429 = arith.addi %add3A_428, %iota3A : vector<16xi32>
      tpu.vector_store_idx %arg14[%add3A_429, %get3A_426], %broadcast_in_dim3A_1 : memref<400x128xf32, #tpu.memory_space<vmem>>[vector<16xi32>, vector<16xi32>], vector<16xf32>,
      %get3A_430 = arith.constant 368 : index
      %get3A_431 = tpu.vector_load %arg8[%get3A_430] {strides = array<i32>} : memref<400xi32, #tpu.memory_space<vmem>>, vector<16xi32>,
      %add3A_432 = arith.constant 368 : i32
      %add3A_433 = vector.broadcast %add3A_432 : i32 to vector<16xi32>
      %add3A_434 = arith.addi %add3A_433, %iota3A : vector<16xi32>
      tpu.vector_store_idx %arg14[%add3A_434, %get3A_431], %broadcast_in_dim3A_1 : memref<400x128xf32, #tpu.memory_space<vmem>>[vector<16xi32>, vector<16xi32>], vector<16xf32>,
      %get3A_435 = arith.constant 384 : index
      %get3A_436 = tpu.vector_load %arg8[%get3A_435] {strides = array<i32>} : memref<400xi32, #tpu.memory_space<vmem>>, vector<16xi32>,
      %add3A_437 = arith.constant 384 : i32
      %add3A_438 = vector.broadcast %add3A_437 : i32 to vector<16xi32>
      %add3A_439 = arith.addi %add3A_438, %iota3A : vector<16xi32>
      tpu.vector_store_idx %arg14[%add3A_439, %get3A_436], %broadcast_in_dim3A_1 : memref<400x128xf32, #tpu.memory_space<vmem>>[vector<16xi32>, vector<16xi32>], vector<16xf32>,
      %mul3A_440 = arith.constant 400 : i32
      %mul3A_441 = arith.muli %add3A_139, %mul3A_440 : i32
      %dma_start3A = arith.constant 0 : i32
      %dma_start3A_442 = tpu.memref_slice %arg4[%mul3A_441, %dma_start3A] : memref<100000x128xf32, #tpu.memory_space<hbm>> -> memref<400x128xf32, #tpu.memory_space<hbm>>
      %dma_start3A_443 = arith.constant 0 : i32
      %dma_start3A_444 = tpu.memref_slice %arg4[%mul3A_441, %dma_start3A_443] : memref<100000x128xf32, #tpu.memory_space<hbm>> -> memref<400x128xf32, #tpu.memory_space<hbm>>
      tpu.enqueue_dma source(%arg14 : memref<400x128xf32, #tpu.memory_space<vmem>>) target(%dma_start3A_444 : memref<400x128xf32, #tpu.memory_space<hbm>>) target_semaphore(%arg17 : memref<!tpu.dma_semaphore, #tpu.memory_space<semaphore_mem>>)
    } else {
    }
    %add3A_145 = arith.constant 128 : i32
    %add3A_146 = arith.addi %add3A, %add3A_145 : i32
    %lt3A_147 = arith.constant 250 : i32
    %lt3A_148 = arith.cmpi slt, %add3A_146, %lt3A_147 : i32
    %convert_element_type3A_149 = arith.extui %lt3A_148 : i1 to i32
    %cond3A_150 = arith.constant 0 : i32
    %cond3A_151 = arith.cmpi ne, %convert_element_type3A_149, %cond3A_150 : i32
    scf.if %cond3A_151 {
      %sub3A = arith.constant 64 : i32
      %sub3A_184 = arith.subi %add3A_146, %sub3A : i32
      %mul3A_185 = arith.constant 400 : i32
      %mul3A_186 = arith.muli %sub3A_184, %mul3A_185 : i32
      %dma_wait3A_187 = arith.constant 0 : i32
      %dma_wait3A_188 = tpu.memref_slice %arg4[%mul3A_186, %dma_wait3A_187] : memref<100000x128xf32, #tpu.memory_space<hbm>> -> memref<400x128xf32, #tpu.memory_space<hbm>>
      %dma_wait3A_189 = arith.constant 0 : i32
      %dma_wait3A_190 = tpu.memref_slice %arg4[%mul3A_186, %dma_wait3A_189] : memref<100000x128xf32, #tpu.memory_space<hbm>> -> memref<400x128xf32, #tpu.memory_space<hbm>>
      tpu.wait_dma2 semaphore(%arg16 : memref<!tpu.dma_semaphore, #tpu.memory_space<semaphore_mem>>) src(%arg13 : memref<400x128xf32, #tpu.memory_space<vmem>>) dst(%dma_wait3A_190 : memref<400x128xf32, #tpu.memory_space<hbm>>)
      %get3A = arith.constant 0 : index
      %get3A_191 = tpu.vector_load %arg7[%get3A] {strides = array<i32>} : memref<400xi32, #tpu.memory_space<vmem>>, vector<16xi32>,
      %add3A_192 = arith.constant 0 : i32
      %add3A_193 = vector.broadcast %add3A_192 : i32 to vector<16xi32>
      %add3A_194 = arith.addi %add3A_193, %iota3A : vector<16xi32>
      tpu.vector_store_idx %arg13[%add3A_194, %get3A_191], %broadcast_in_dim3A_3 : memref<400x128xf32, #tpu.memory_space<vmem>>[vector<16xi32>, vector<16xi32>], vector<16xf32>,
      %get3A_195 = arith.constant 16 : index
      %get3A_196 = tpu.vector_load %arg7[%get3A_195] {strides = array<i32>} : memref<400xi32, #tpu.memory_space<vmem>>, vector<16xi32>,
      %add3A_197 = arith.constant 16 : i32
      %add3A_198 = vector.broadcast %add3A_197 : i32 to vector<16xi32>
      %add3A_199 = arith.addi %add3A_198, %iota3A : vector<16xi32>
      tpu.vector_store_idx %arg13[%add3A_199, %get3A_196], %broadcast_in_dim3A_3 : memref<400x128xf32, #tpu.memory_space<vmem>>[vector<16xi32>, vector<16xi32>], vector<16xf32>,
      %get3A_200 = arith.constant 32 : index
      %get3A_201 = tpu.vector_load %arg7[%get3A_200] {strides = array<i32>} : memref<400xi32, #tpu.memory_space<vmem>>, vector<16xi32>,
      %add3A_202 = arith.constant 32 : i32
      %add3A_203 = vector.broadcast %add3A_202 : i32 to vector<16xi32>
      %add3A_204 = arith.addi %add3A_203, %iota3A : vector<16xi32>
      tpu.vector_store_idx %arg13[%add3A_204, %get3A_201], %broadcast_in_dim3A_3 : memref<400x128xf32, #tpu.memory_space<vmem>>[vector<16xi32>, vector<16xi32>], vector<16xf32>,
      %get3A_205 = arith.constant 48 : index
      %get3A_206 = tpu.vector_load %arg7[%get3A_205] {strides = array<i32>} : memref<400xi32, #tpu.memory_space<vmem>>, vector<16xi32>,
      %add3A_207 = arith.constant 48 : i32
      %add3A_208 = vector.broadcast %add3A_207 : i32 to vector<16xi32>
      %add3A_209 = arith.addi %add3A_208, %iota3A : vector<16xi32>
      tpu.vector_store_idx %arg13[%add3A_209, %get3A_206], %broadcast_in_dim3A_3 : memref<400x128xf32, #tpu.memory_space<vmem>>[vector<16xi32>, vector<16xi32>], vector<16xf32>,
      %get3A_210 = arith.constant 64 : index
      %get3A_211 = tpu.vector_load %arg7[%get3A_210] {strides = array<i32>} : memref<400xi32, #tpu.memory_space<vmem>>, vector<16xi32>,
      %add3A_212 = arith.constant 64 : i32
      %add3A_213 = vector.broadcast %add3A_212 : i32 to vector<16xi32>
      %add3A_214 = arith.addi %add3A_213, %iota3A : vector<16xi32>
      tpu.vector_store_idx %arg13[%add3A_214, %get3A_211], %broadcast_in_dim3A_3 : memref<400x128xf32, #tpu.memory_space<vmem>>[vector<16xi32>, vector<16xi32>], vector<16xf32>,
      %get3A_215 = arith.constant 80 : index
      %get3A_216 = tpu.vector_load %arg7[%get3A_215] {strides = array<i32>} : memref<400xi32, #tpu.memory_space<vmem>>, vector<16xi32>,
      %add3A_217 = arith.constant 80 : i32
      %add3A_218 = vector.broadcast %add3A_217 : i32 to vector<16xi32>
      %add3A_219 = arith.addi %add3A_218, %iota3A : vector<16xi32>
      tpu.vector_store_idx %arg13[%add3A_219, %get3A_216], %broadcast_in_dim3A_3 : memref<400x128xf32, #tpu.memory_space<vmem>>[vector<16xi32>, vector<16xi32>], vector<16xf32>,
      %get3A_220 = arith.constant 96 : index
      %get3A_221 = tpu.vector_load %arg7[%get3A_220] {strides = array<i32>} : memref<400xi32, #tpu.memory_space<vmem>>, vector<16xi32>,
      %add3A_222 = arith.constant 96 : i32
      %add3A_223 = vector.broadcast %add3A_222 : i32 to vector<16xi32>
      %add3A_224 = arith.addi %add3A_223, %iota3A : vector<16xi32>
      tpu.vector_store_idx %arg13[%add3A_224, %get3A_221], %broadcast_in_dim3A_3 : memref<400x128xf32, #tpu.memory_space<vmem>>[vector<16xi32>, vector<16xi32>], vector<16xf32>,
      %get3A_225 = arith.constant 112 : index
      %get3A_226 = tpu.vector_load %arg7[%get3A_225] {strides = array<i32>} : memref<400xi32, #tpu.memory_space<vmem>>, vector<16xi32>,
      %add3A_227 = arith.constant 112 : i32
      %add3A_228 = vector.broadcast %add3A_227 : i32 to vector<16xi32>
      %add3A_229 = arith.addi %add3A_228, %iota3A : vector<16xi32>
      tpu.vector_store_idx %arg13[%add3A_229, %get3A_226], %broadcast_in_dim3A_3 : memref<400x128xf32, #tpu.memory_space<vmem>>[vector<16xi32>, vector<16xi32>], vector<16xf32>,
      %get3A_230 = arith.constant 128 : index
      %get3A_231 = tpu.vector_load %arg7[%get3A_230] {strides = array<i32>} : memref<400xi32, #tpu.memory_space<vmem>>, vector<16xi32>,
      %add3A_232 = arith.constant 128 : i32
      %add3A_233 = vector.broadcast %add3A_232 : i32 to vector<16xi32>
      %add3A_234 = arith.addi %add3A_233, %iota3A : vector<16xi32>
      tpu.vector_store_idx %arg13[%add3A_234, %get3A_231], %broadcast_in_dim3A_3 : memref<400x128xf32, #tpu.memory_space<vmem>>[vector<16xi32>, vector<16xi32>], vector<16xf32>,
      %get3A_235 = arith.constant 144 : index
      %get3A_236 = tpu.vector_load %arg7[%get3A_235] {strides = array<i32>} : memref<400xi32, #tpu.memory_space<vmem>>, vector<16xi32>,
      %add3A_237 = arith.constant 144 : i32
      %add3A_238 = vector.broadcast %add3A_237 : i32 to vector<16xi32>
      %add3A_239 = arith.addi %add3A_238, %iota3A : vector<16xi32>
      tpu.vector_store_idx %arg13[%add3A_239, %get3A_236], %broadcast_in_dim3A_3 : memref<400x128xf32, #tpu.memory_space<vmem>>[vector<16xi32>, vector<16xi32>], vector<16xf32>,
      %get3A_240 = arith.constant 160 : index
      %get3A_241 = tpu.vector_load %arg7[%get3A_240] {strides = array<i32>} : memref<400xi32, #tpu.memory_space<vmem>>, vector<16xi32>,
      %add3A_242 = arith.constant 160 : i32
      %add3A_243 = vector.broadcast %add3A_242 : i32 to vector<16xi32>
      %add3A_244 = arith.addi %add3A_243, %iota3A : vector<16xi32>
      tpu.vector_store_idx %arg13[%add3A_244, %get3A_241], %broadcast_in_dim3A_3 : memref<400x128xf32, #tpu.memory_space<vmem>>[vector<16xi32>, vector<16xi32>], vector<16xf32>,
      %get3A_245 = arith.constant 176 : index
      %get3A_246 = tpu.vector_load %arg7[%get3A_245] {strides = array<i32>} : memref<400xi32, #tpu.memory_space<vmem>>, vector<16xi32>,
      %add3A_247 = arith.constant 176 : i32
      %add3A_248 = vector.broadcast %add3A_247 : i32 to vector<16xi32>
      %add3A_249 = arith.addi %add3A_248, %iota3A : vector<16xi32>
      tpu.vector_store_idx %arg13[%add3A_249, %get3A_246], %broadcast_in_dim3A_3 : memref<400x128xf32, #tpu.memory_space<vmem>>[vector<16xi32>, vector<16xi32>], vector<16xf32>,
      %get3A_250 = arith.constant 192 : index
      %get3A_251 = tpu.vector_load %arg7[%get3A_250] {strides = array<i32>} : memref<400xi32, #tpu.memory_space<vmem>>, vector<16xi32>,
      %add3A_252 = arith.constant 192 : i32
      %add3A_253 = vector.broadcast %add3A_252 : i32 to vector<16xi32>
      %add3A_254 = arith.addi %add3A_253, %iota3A : vector<16xi32>
      tpu.vector_store_idx %arg13[%add3A_254, %get3A_251], %broadcast_in_dim3A_3 : memref<400x128xf32, #tpu.memory_space<vmem>>[vector<16xi32>, vector<16xi32>], vector<16xf32>,
      %get3A_255 = arith.constant 208 : index
      %get3A_256 = tpu.vector_load %arg7[%get3A_255] {strides = array<i32>} : memref<400xi32, #tpu.memory_space<vmem>>, vector<16xi32>,
      %add3A_257 = arith.constant 208 : i32
      %add3A_258 = vector.broadcast %add3A_257 : i32 to vector<16xi32>
      %add3A_259 = arith.addi %add3A_258, %iota3A : vector<16xi32>
      tpu.vector_store_idx %arg13[%add3A_259, %get3A_256], %broadcast_in_dim3A_3 : memref<400x128xf32, #tpu.memory_space<vmem>>[vector<16xi32>, vector<16xi32>], vector<16xf32>,
      %get3A_260 = arith.constant 224 : index
      %get3A_261 = tpu.vector_load %arg7[%get3A_260] {strides = array<i32>} : memref<400xi32, #tpu.memory_space<vmem>>, vector<16xi32>,
      %add3A_262 = arith.constant 224 : i32
      %add3A_263 = vector.broadcast %add3A_262 : i32 to vector<16xi32>
      %add3A_264 = arith.addi %add3A_263, %iota3A : vector<16xi32>
      tpu.vector_store_idx %arg13[%add3A_264, %get3A_261], %broadcast_in_dim3A_3 : memref<400x128xf32, #tpu.memory_space<vmem>>[vector<16xi32>, vector<16xi32>], vector<16xf32>,
      %get3A_265 = arith.constant 240 : index
      %get3A_266 = tpu.vector_load %arg7[%get3A_265] {strides = array<i32>} : memref<400xi32, #tpu.memory_space<vmem>>, vector<16xi32>,
      %add3A_267 = arith.constant 240 : i32
      %add3A_268 = vector.broadcast %add3A_267 : i32 to vector<16xi32>
      %add3A_269 = arith.addi %add3A_268, %iota3A : vector<16xi32>
      tpu.vector_store_idx %arg13[%add3A_269, %get3A_266], %broadcast_in_dim3A_3 : memref<400x128xf32, #tpu.memory_space<vmem>>[vector<16xi32>, vector<16xi32>], vector<16xf32>,
      %get3A_270 = arith.constant 256 : index
      %get3A_271 = tpu.vector_load %arg7[%get3A_270] {strides = array<i32>} : memref<400xi32, #tpu.memory_space<vmem>>, vector<16xi32>,
      %add3A_272 = arith.constant 256 : i32
      %add3A_273 = vector.broadcast %add3A_272 : i32 to vector<16xi32>
      %add3A_274 = arith.addi %add3A_273, %iota3A : vector<16xi32>
      tpu.vector_store_idx %arg13[%add3A_274, %get3A_271], %broadcast_in_dim3A_3 : memref<400x128xf32, #tpu.memory_space<vmem>>[vector<16xi32>, vector<16xi32>], vector<16xf32>,
      %get3A_275 = arith.constant 272 : index
      %get3A_276 = tpu.vector_load %arg7[%get3A_275] {strides = array<i32>} : memref<400xi32, #tpu.memory_space<vmem>>, vector<16xi32>,
      %add3A_277 = arith.constant 272 : i32
      %add3A_278 = vector.broadcast %add3A_277 : i32 to vector<16xi32>
      %add3A_279 = arith.addi %add3A_278, %iota3A : vector<16xi32>
      tpu.vector_store_idx %arg13[%add3A_279, %get3A_276], %broadcast_in_dim3A_3 : memref<400x128xf32, #tpu.memory_space<vmem>>[vector<16xi32>, vector<16xi32>], vector<16xf32>,
      %get3A_280 = arith.constant 288 : index
      %get3A_281 = tpu.vector_load %arg7[%get3A_280] {strides = array<i32>} : memref<400xi32, #tpu.memory_space<vmem>>, vector<16xi32>,
      %add3A_282 = arith.constant 288 : i32
      %add3A_283 = vector.broadcast %add3A_282 : i32 to vector<16xi32>
      %add3A_284 = arith.addi %add3A_283, %iota3A : vector<16xi32>
      tpu.vector_store_idx %arg13[%add3A_284, %get3A_281], %broadcast_in_dim3A_3 : memref<400x128xf32, #tpu.memory_space<vmem>>[vector<16xi32>, vector<16xi32>], vector<16xf32>,
      %get3A_285 = arith.constant 304 : index
      %get3A_286 = tpu.vector_load %arg7[%get3A_285] {strides = array<i32>} : memref<400xi32, #tpu.memory_space<vmem>>, vector<16xi32>,
      %add3A_287 = arith.constant 304 : i32
      %add3A_288 = vector.broadcast %add3A_287 : i32 to vector<16xi32>
      %add3A_289 = arith.addi %add3A_288, %iota3A : vector<16xi32>
      tpu.vector_store_idx %arg13[%add3A_289, %get3A_286], %broadcast_in_dim3A_3 : memref<400x128xf32, #tpu.memory_space<vmem>>[vector<16xi32>, vector<16xi32>], vector<16xf32>,
      %get3A_290 = arith.constant 320 : index
      %get3A_291 = tpu.vector_load %arg7[%get3A_290] {strides = array<i32>} : memref<400xi32, #tpu.memory_space<vmem>>, vector<16xi32>,
      %add3A_292 = arith.constant 320 : i32
      %add3A_293 = vector.broadcast %add3A_292 : i32 to vector<16xi32>
      %add3A_294 = arith.addi %add3A_293, %iota3A : vector<16xi32>
      tpu.vector_store_idx %arg13[%add3A_294, %get3A_291], %broadcast_in_dim3A_3 : memref<400x128xf32, #tpu.memory_space<vmem>>[vector<16xi32>, vector<16xi32>], vector<16xf32>,
      %get3A_295 = arith.constant 336 : index
      %get3A_296 = tpu.vector_load %arg7[%get3A_295] {strides = array<i32>} : memref<400xi32, #tpu.memory_space<vmem>>, vector<16xi32>,
      %add3A_297 = arith.constant 336 : i32
      %add3A_298 = vector.broadcast %add3A_297 : i32 to vector<16xi32>
      %add3A_299 = arith.addi %add3A_298, %iota3A : vector<16xi32>
      tpu.vector_store_idx %arg13[%add3A_299, %get3A_296], %broadcast_in_dim3A_3 : memref<400x128xf32, #tpu.memory_space<vmem>>[vector<16xi32>, vector<16xi32>], vector<16xf32>,
      %get3A_300 = arith.constant 352 : index
      %get3A_301 = tpu.vector_load %arg7[%get3A_300] {strides = array<i32>} : memref<400xi32, #tpu.memory_space<vmem>>, vector<16xi32>,
      %add3A_302 = arith.constant 352 : i32
      %add3A_303 = vector.broadcast %add3A_302 : i32 to vector<16xi32>
      %add3A_304 = arith.addi %add3A_303, %iota3A : vector<16xi32>
      tpu.vector_store_idx %arg13[%add3A_304, %get3A_301], %broadcast_in_dim3A_3 : memref<400x128xf32, #tpu.memory_space<vmem>>[vector<16xi32>, vector<16xi32>], vector<16xf32>,
      %get3A_305 = arith.constant 368 : index
      %get3A_306 = tpu.vector_load %arg7[%get3A_305] {strides = array<i32>} : memref<400xi32, #tpu.memory_space<vmem>>, vector<16xi32>,
      %add3A_307 = arith.constant 368 : i32
      %add3A_308 = vector.broadcast %add3A_307 : i32 to vector<16xi32>
      %add3A_309 = arith.addi %add3A_308, %iota3A : vector<16xi32>
      tpu.vector_store_idx %arg13[%add3A_309, %get3A_306], %broadcast_in_dim3A_3 : memref<400x128xf32, #tpu.memory_space<vmem>>[vector<16xi32>, vector<16xi32>], vector<16xf32>,
      %get3A_310 = arith.constant 384 : index
      %get3A_311 = tpu.vector_load %arg7[%get3A_310] {strides = array<i32>} : memref<400xi32, #tpu.memory_space<vmem>>, vector<16xi32>,
      %add3A_312 = arith.constant 384 : i32
      %add3A_313 = vector.broadcast %add3A_312 : i32 to vector<16xi32>
      %add3A_314 = arith.addi %add3A_313, %iota3A : vector<16xi32>
      tpu.vector_store_idx %arg13[%add3A_314, %get3A_311], %broadcast_in_dim3A_3 : memref<400x128xf32, #tpu.memory_space<vmem>>[vector<16xi32>, vector<16xi32>], vector<16xf32>,
      %get3A_315 = arith.constant 0 : index
      %get3A_316 = tpu.vector_load %arg9[%get3A_315] {strides = array<i32>} : memref<400xi32, #tpu.memory_space<vmem>>, vector<16xi32>,
      %add3A_317 = arith.constant 0 : i32
      %add3A_318 = vector.broadcast %add3A_317 : i32 to vector<16xi32>
      %add3A_319 = arith.addi %add3A_318, %iota3A : vector<16xi32>
      tpu.vector_store_idx %arg13[%add3A_319, %get3A_316], %broadcast_in_dim3A_1 : memref<400x128xf32, #tpu.memory_space<vmem>>[vector<16xi32>, vector<16xi32>], vector<16xf32>,
      %get3A_320 = arith.constant 16 : index
      %get3A_321 = tpu.vector_load %arg9[%get3A_320] {strides = array<i32>} : memref<400xi32, #tpu.memory_space<vmem>>, vector<16xi32>,
      %add3A_322 = arith.constant 16 : i32
      %add3A_323 = vector.broadcast %add3A_322 : i32 to vector<16xi32>
      %add3A_324 = arith.addi %add3A_323, %iota3A : vector<16xi32>
      tpu.vector_store_idx %arg13[%add3A_324, %get3A_321], %broadcast_in_dim3A_1 : memref<400x128xf32, #tpu.memory_space<vmem>>[vector<16xi32>, vector<16xi32>], vector<16xf32>,
      %get3A_325 = arith.constant 32 : index
      %get3A_326 = tpu.vector_load %arg9[%get3A_325] {strides = array<i32>} : memref<400xi32, #tpu.memory_space<vmem>>, vector<16xi32>,
      %add3A_327 = arith.constant 32 : i32
      %add3A_328 = vector.broadcast %add3A_327 : i32 to vector<16xi32>
      %add3A_329 = arith.addi %add3A_328, %iota3A : vector<16xi32>
      tpu.vector_store_idx %arg13[%add3A_329, %get3A_326], %broadcast_in_dim3A_1 : memref<400x128xf32, #tpu.memory_space<vmem>>[vector<16xi32>, vector<16xi32>], vector<16xf32>,
      %get3A_330 = arith.constant 48 : index
      %get3A_331 = tpu.vector_load %arg9[%get3A_330] {strides = array<i32>} : memref<400xi32, #tpu.memory_space<vmem>>, vector<16xi32>,
      %add3A_332 = arith.constant 48 : i32
      %add3A_333 = vector.broadcast %add3A_332 : i32 to vector<16xi32>
      %add3A_334 = arith.addi %add3A_333, %iota3A : vector<16xi32>
      tpu.vector_store_idx %arg13[%add3A_334, %get3A_331], %broadcast_in_dim3A_1 : memref<400x128xf32, #tpu.memory_space<vmem>>[vector<16xi32>, vector<16xi32>], vector<16xf32>,
      %get3A_335 = arith.constant 64 : index
      %get3A_336 = tpu.vector_load %arg9[%get3A_335] {strides = array<i32>} : memref<400xi32, #tpu.memory_space<vmem>>, vector<16xi32>,
      %add3A_337 = arith.constant 64 : i32
      %add3A_338 = vector.broadcast %add3A_337 : i32 to vector<16xi32>
      %add3A_339 = arith.addi %add3A_338, %iota3A : vector<16xi32>
      tpu.vector_store_idx %arg13[%add3A_339, %get3A_336], %broadcast_in_dim3A_1 : memref<400x128xf32, #tpu.memory_space<vmem>>[vector<16xi32>, vector<16xi32>], vector<16xf32>,
      %get3A_340 = arith.constant 80 : index
      %get3A_341 = tpu.vector_load %arg9[%get3A_340] {strides = array<i32>} : memref<400xi32, #tpu.memory_space<vmem>>, vector<16xi32>,
      %add3A_342 = arith.constant 80 : i32
      %add3A_343 = vector.broadcast %add3A_342 : i32 to vector<16xi32>
      %add3A_344 = arith.addi %add3A_343, %iota3A : vector<16xi32>
      tpu.vector_store_idx %arg13[%add3A_344, %get3A_341], %broadcast_in_dim3A_1 : memref<400x128xf32, #tpu.memory_space<vmem>>[vector<16xi32>, vector<16xi32>], vector<16xf32>,
      %get3A_345 = arith.constant 96 : index
      %get3A_346 = tpu.vector_load %arg9[%get3A_345] {strides = array<i32>} : memref<400xi32, #tpu.memory_space<vmem>>, vector<16xi32>,
      %add3A_347 = arith.constant 96 : i32
      %add3A_348 = vector.broadcast %add3A_347 : i32 to vector<16xi32>
      %add3A_349 = arith.addi %add3A_348, %iota3A : vector<16xi32>
      tpu.vector_store_idx %arg13[%add3A_349, %get3A_346], %broadcast_in_dim3A_1 : memref<400x128xf32, #tpu.memory_space<vmem>>[vector<16xi32>, vector<16xi32>], vector<16xf32>,
      %get3A_350 = arith.constant 112 : index
      %get3A_351 = tpu.vector_load %arg9[%get3A_350] {strides = array<i32>} : memref<400xi32, #tpu.memory_space<vmem>>, vector<16xi32>,
      %add3A_352 = arith.constant 112 : i32
      %add3A_353 = vector.broadcast %add3A_352 : i32 to vector<16xi32>
      %add3A_354 = arith.addi %add3A_353, %iota3A : vector<16xi32>
      tpu.vector_store_idx %arg13[%add3A_354, %get3A_351], %broadcast_in_dim3A_1 : memref<400x128xf32, #tpu.memory_space<vmem>>[vector<16xi32>, vector<16xi32>], vector<16xf32>,
      %get3A_355 = arith.constant 128 : index
      %get3A_356 = tpu.vector_load %arg9[%get3A_355] {strides = array<i32>} : memref<400xi32, #tpu.memory_space<vmem>>, vector<16xi32>,
      %add3A_357 = arith.constant 128 : i32
      %add3A_358 = vector.broadcast %add3A_357 : i32 to vector<16xi32>
      %add3A_359 = arith.addi %add3A_358, %iota3A : vector<16xi32>
      tpu.vector_store_idx %arg13[%add3A_359, %get3A_356], %broadcast_in_dim3A_1 : memref<400x128xf32, #tpu.memory_space<vmem>>[vector<16xi32>, vector<16xi32>], vector<16xf32>,
      %get3A_360 = arith.constant 144 : index
      %get3A_361 = tpu.vector_load %arg9[%get3A_360] {strides = array<i32>} : memref<400xi32, #tpu.memory_space<vmem>>, vector<16xi32>,
      %add3A_362 = arith.constant 144 : i32
      %add3A_363 = vector.broadcast %add3A_362 : i32 to vector<16xi32>
      %add3A_364 = arith.addi %add3A_363, %iota3A : vector<16xi32>
      tpu.vector_store_idx %arg13[%add3A_364, %get3A_361], %broadcast_in_dim3A_1 : memref<400x128xf32, #tpu.memory_space<vmem>>[vector<16xi32>, vector<16xi32>], vector<16xf32>,
      %get3A_365 = arith.constant 160 : index
      %get3A_366 = tpu.vector_load %arg9[%get3A_365] {strides = array<i32>} : memref<400xi32, #tpu.memory_space<vmem>>, vector<16xi32>,
      %add3A_367 = arith.constant 160 : i32
      %add3A_368 = vector.broadcast %add3A_367 : i32 to vector<16xi32>
      %add3A_369 = arith.addi %add3A_368, %iota3A : vector<16xi32>
      tpu.vector_store_idx %arg13[%add3A_369, %get3A_366], %broadcast_in_dim3A_1 : memref<400x128xf32, #tpu.memory_space<vmem>>[vector<16xi32>, vector<16xi32>], vector<16xf32>,
      %get3A_370 = arith.constant 176 : index
      %get3A_371 = tpu.vector_load %arg9[%get3A_370] {strides = array<i32>} : memref<400xi32, #tpu.memory_space<vmem>>, vector<16xi32>,
      %add3A_372 = arith.constant 176 : i32
      %add3A_373 = vector.broadcast %add3A_372 : i32 to vector<16xi32>
      %add3A_374 = arith.addi %add3A_373, %iota3A : vector<16xi32>
      tpu.vector_store_idx %arg13[%add3A_374, %get3A_371], %broadcast_in_dim3A_1 : memref<400x128xf32, #tpu.memory_space<vmem>>[vector<16xi32>, vector<16xi32>], vector<16xf32>,
      %get3A_375 = arith.constant 192 : index
      %get3A_376 = tpu.vector_load %arg9[%get3A_375] {strides = array<i32>} : memref<400xi32, #tpu.memory_space<vmem>>, vector<16xi32>,
      %add3A_377 = arith.constant 192 : i32
      %add3A_378 = vector.broadcast %add3A_377 : i32 to vector<16xi32>
      %add3A_379 = arith.addi %add3A_378, %iota3A : vector<16xi32>
      tpu.vector_store_idx %arg13[%add3A_379, %get3A_376], %broadcast_in_dim3A_1 : memref<400x128xf32, #tpu.memory_space<vmem>>[vector<16xi32>, vector<16xi32>], vector<16xf32>,
      %get3A_380 = arith.constant 208 : index
      %get3A_381 = tpu.vector_load %arg9[%get3A_380] {strides = array<i32>} : memref<400xi32, #tpu.memory_space<vmem>>, vector<16xi32>,
      %add3A_382 = arith.constant 208 : i32
      %add3A_383 = vector.broadcast %add3A_382 : i32 to vector<16xi32>
      %add3A_384 = arith.addi %add3A_383, %iota3A : vector<16xi32>
      tpu.vector_store_idx %arg13[%add3A_384, %get3A_381], %broadcast_in_dim3A_1 : memref<400x128xf32, #tpu.memory_space<vmem>>[vector<16xi32>, vector<16xi32>], vector<16xf32>,
      %get3A_385 = arith.constant 224 : index
      %get3A_386 = tpu.vector_load %arg9[%get3A_385] {strides = array<i32>} : memref<400xi32, #tpu.memory_space<vmem>>, vector<16xi32>,
      %add3A_387 = arith.constant 224 : i32
      %add3A_388 = vector.broadcast %add3A_387 : i32 to vector<16xi32>
      %add3A_389 = arith.addi %add3A_388, %iota3A : vector<16xi32>
      tpu.vector_store_idx %arg13[%add3A_389, %get3A_386], %broadcast_in_dim3A_1 : memref<400x128xf32, #tpu.memory_space<vmem>>[vector<16xi32>, vector<16xi32>], vector<16xf32>,
      %get3A_390 = arith.constant 240 : index
      %get3A_391 = tpu.vector_load %arg9[%get3A_390] {strides = array<i32>} : memref<400xi32, #tpu.memory_space<vmem>>, vector<16xi32>,
      %add3A_392 = arith.constant 240 : i32
      %add3A_393 = vector.broadcast %add3A_392 : i32 to vector<16xi32>
      %add3A_394 = arith.addi %add3A_393, %iota3A : vector<16xi32>
      tpu.vector_store_idx %arg13[%add3A_394, %get3A_391], %broadcast_in_dim3A_1 : memref<400x128xf32, #tpu.memory_space<vmem>>[vector<16xi32>, vector<16xi32>], vector<16xf32>,
      %get3A_395 = arith.constant 256 : index
      %get3A_396 = tpu.vector_load %arg9[%get3A_395] {strides = array<i32>} : memref<400xi32, #tpu.memory_space<vmem>>, vector<16xi32>,
      %add3A_397 = arith.constant 256 : i32
      %add3A_398 = vector.broadcast %add3A_397 : i32 to vector<16xi32>
      %add3A_399 = arith.addi %add3A_398, %iota3A : vector<16xi32>
      tpu.vector_store_idx %arg13[%add3A_399, %get3A_396], %broadcast_in_dim3A_1 : memref<400x128xf32, #tpu.memory_space<vmem>>[vector<16xi32>, vector<16xi32>], vector<16xf32>,
      %get3A_400 = arith.constant 272 : index
      %get3A_401 = tpu.vector_load %arg9[%get3A_400] {strides = array<i32>} : memref<400xi32, #tpu.memory_space<vmem>>, vector<16xi32>,
      %add3A_402 = arith.constant 272 : i32
      %add3A_403 = vector.broadcast %add3A_402 : i32 to vector<16xi32>
      %add3A_404 = arith.addi %add3A_403, %iota3A : vector<16xi32>
      tpu.vector_store_idx %arg13[%add3A_404, %get3A_401], %broadcast_in_dim3A_1 : memref<400x128xf32, #tpu.memory_space<vmem>>[vector<16xi32>, vector<16xi32>], vector<16xf32>,
      %get3A_405 = arith.constant 288 : index
      %get3A_406 = tpu.vector_load %arg9[%get3A_405] {strides = array<i32>} : memref<400xi32, #tpu.memory_space<vmem>>, vector<16xi32>,
      %add3A_407 = arith.constant 288 : i32
      %add3A_408 = vector.broadcast %add3A_407 : i32 to vector<16xi32>
      %add3A_409 = arith.addi %add3A_408, %iota3A : vector<16xi32>
      tpu.vector_store_idx %arg13[%add3A_409, %get3A_406], %broadcast_in_dim3A_1 : memref<400x128xf32, #tpu.memory_space<vmem>>[vector<16xi32>, vector<16xi32>], vector<16xf32>,
      %get3A_410 = arith.constant 304 : index
      %get3A_411 = tpu.vector_load %arg9[%get3A_410] {strides = array<i32>} : memref<400xi32, #tpu.memory_space<vmem>>, vector<16xi32>,
      %add3A_412 = arith.constant 304 : i32
      %add3A_413 = vector.broadcast %add3A_412 : i32 to vector<16xi32>
      %add3A_414 = arith.addi %add3A_413, %iota3A : vector<16xi32>
      tpu.vector_store_idx %arg13[%add3A_414, %get3A_411], %broadcast_in_dim3A_1 : memref<400x128xf32, #tpu.memory_space<vmem>>[vector<16xi32>, vector<16xi32>], vector<16xf32>,
      %get3A_415 = arith.constant 320 : index
      %get3A_416 = tpu.vector_load %arg9[%get3A_415] {strides = array<i32>} : memref<400xi32, #tpu.memory_space<vmem>>, vector<16xi32>,
      %add3A_417 = arith.constant 320 : i32
      %add3A_418 = vector.broadcast %add3A_417 : i32 to vector<16xi32>
      %add3A_419 = arith.addi %add3A_418, %iota3A : vector<16xi32>
      tpu.vector_store_idx %arg13[%add3A_419, %get3A_416], %broadcast_in_dim3A_1 : memref<400x128xf32, #tpu.memory_space<vmem>>[vector<16xi32>, vector<16xi32>], vector<16xf32>,
      %get3A_420 = arith.constant 336 : index
      %get3A_421 = tpu.vector_load %arg9[%get3A_420] {strides = array<i32>} : memref<400xi32, #tpu.memory_space<vmem>>, vector<16xi32>,
      %add3A_422 = arith.constant 336 : i32
      %add3A_423 = vector.broadcast %add3A_422 : i32 to vector<16xi32>
      %add3A_424 = arith.addi %add3A_423, %iota3A : vector<16xi32>
      tpu.vector_store_idx %arg13[%add3A_424, %get3A_421], %broadcast_in_dim3A_1 : memref<400x128xf32, #tpu.memory_space<vmem>>[vector<16xi32>, vector<16xi32>], vector<16xf32>,
      %get3A_425 = arith.constant 352 : index
      %get3A_426 = tpu.vector_load %arg9[%get3A_425] {strides = array<i32>} : memref<400xi32, #tpu.memory_space<vmem>>, vector<16xi32>,
      %add3A_427 = arith.constant 352 : i32
      %add3A_428 = vector.broadcast %add3A_427 : i32 to vector<16xi32>
      %add3A_429 = arith.addi %add3A_428, %iota3A : vector<16xi32>
      tpu.vector_store_idx %arg13[%add3A_429, %get3A_426], %broadcast_in_dim3A_1 : memref<400x128xf32, #tpu.memory_space<vmem>>[vector<16xi32>, vector<16xi32>], vector<16xf32>,
      %get3A_430 = arith.constant 368 : index
      %get3A_431 = tpu.vector_load %arg9[%get3A_430] {strides = array<i32>} : memref<400xi32, #tpu.memory_space<vmem>>, vector<16xi32>,
      %add3A_432 = arith.constant 368 : i32
      %add3A_433 = vector.broadcast %add3A_432 : i32 to vector<16xi32>
      %add3A_434 = arith.addi %add3A_433, %iota3A : vector<16xi32>
      tpu.vector_store_idx %arg13[%add3A_434, %get3A_431], %broadcast_in_dim3A_1 : memref<400x128xf32, #tpu.memory_space<vmem>>[vector<16xi32>, vector<16xi32>], vector<16xf32>,
      %get3A_435 = arith.constant 384 : index
      %get3A_436 = tpu.vector_load %arg9[%get3A_435] {strides = array<i32>} : memref<400xi32, #tpu.memory_space<vmem>>, vector<16xi32>,
      %add3A_437 = arith.constant 384 : i32
      %add3A_438 = vector.broadcast %add3A_437 : i32 to vector<16xi32>
      %add3A_439 = arith.addi %add3A_438, %iota3A : vector<16xi32>
      tpu.vector_store_idx %arg13[%add3A_439, %get3A_436], %broadcast_in_dim3A_1 : memref<400x128xf32, #tpu.memory_space<vmem>>[vector<16xi32>, vector<16xi32>], vector<16xf32>,
      %mul3A_440 = arith.constant 400 : i32
      %mul3A_441 = arith.muli %add3A_146, %mul3A_440 : i32
      %dma_start3A = arith.constant 0 : i32
      %dma_start3A_442 = tpu.memref_slice %arg4[%mul3A_441, %dma_start3A] : memref<100000x128xf32, #tpu.memory_space<hbm>> -> memref<400x128xf32, #tpu.memory_space<hbm>>
      %dma_start3A_443 = arith.constant 0 : i32
      %dma_start3A_444 = tpu.memref_slice %arg4[%mul3A_441, %dma_start3A_443] : memref<100000x128xf32, #tpu.memory_space<hbm>> -> memref<400x128xf32, #tpu.memory_space<hbm>>
      tpu.enqueue_dma source(%arg13 : memref<400x128xf32, #tpu.memory_space<vmem>>) target(%dma_start3A_444 : memref<400x128xf32, #tpu.memory_space<hbm>>) target_semaphore(%arg16 : memref<!tpu.dma_semaphore, #tpu.memory_space<semaphore_mem>>)
    } else {
    }
    %add3A_152 = arith.constant 160 : i32
    %add3A_153 = arith.addi %add3A, %add3A_152 : i32
    %lt3A_154 = arith.constant 250 : i32
    %lt3A_155 = arith.cmpi slt, %add3A_153, %lt3A_154 : i32
    %convert_element_type3A_156 = arith.extui %lt3A_155 : i1 to i32
    %cond3A_157 = arith.constant 0 : i32
    %cond3A_158 = arith.cmpi ne, %convert_element_type3A_156, %cond3A_157 : i32
    scf.if %cond3A_158 {
      %sub3A = arith.constant 64 : i32
      %sub3A_184 = arith.subi %add3A_153, %sub3A : i32
      %mul3A_185 = arith.constant 400 : i32
      %mul3A_186 = arith.muli %sub3A_184, %mul3A_185 : i32
      %dma_wait3A_187 = arith.constant 0 : i32
      %dma_wait3A_188 = tpu.memref_slice %arg4[%mul3A_186, %dma_wait3A_187] : memref<100000x128xf32, #tpu.memory_space<hbm>> -> memref<400x128xf32, #tpu.memory_space<hbm>>
      %dma_wait3A_189 = arith.constant 0 : i32
      %dma_wait3A_190 = tpu.memref_slice %arg4[%mul3A_186, %dma_wait3A_189] : memref<100000x128xf32, #tpu.memory_space<hbm>> -> memref<400x128xf32, #tpu.memory_space<hbm>>
      tpu.wait_dma2 semaphore(%arg17 : memref<!tpu.dma_semaphore, #tpu.memory_space<semaphore_mem>>) src(%arg14 : memref<400x128xf32, #tpu.memory_space<vmem>>) dst(%dma_wait3A_190 : memref<400x128xf32, #tpu.memory_space<hbm>>)
      %get3A = arith.constant 0 : index
      %get3A_191 = tpu.vector_load %arg8[%get3A] {strides = array<i32>} : memref<400xi32, #tpu.memory_space<vmem>>, vector<16xi32>,
      %add3A_192 = arith.constant 0 : i32
      %add3A_193 = vector.broadcast %add3A_192 : i32 to vector<16xi32>
      %add3A_194 = arith.addi %add3A_193, %iota3A : vector<16xi32>
      tpu.vector_store_idx %arg14[%add3A_194, %get3A_191], %broadcast_in_dim3A_3 : memref<400x128xf32, #tpu.memory_space<vmem>>[vector<16xi32>, vector<16xi32>], vector<16xf32>,
      %get3A_195 = arith.constant 16 : index
      %get3A_196 = tpu.vector_load %arg8[%get3A_195] {strides = array<i32>} : memref<400xi32, #tpu.memory_space<vmem>>, vector<16xi32>,
      %add3A_197 = arith.constant 16 : i32
      %add3A_198 = vector.broadcast %add3A_197 : i32 to vector<16xi32>
      %add3A_199 = arith.addi %add3A_198, %iota3A : vector<16xi32>
      tpu.vector_store_idx %arg14[%add3A_199, %get3A_196], %broadcast_in_dim3A_3 : memref<400x128xf32, #tpu.memory_space<vmem>>[vector<16xi32>, vector<16xi32>], vector<16xf32>,
      %get3A_200 = arith.constant 32 : index
      %get3A_201 = tpu.vector_load %arg8[%get3A_200] {strides = array<i32>} : memref<400xi32, #tpu.memory_space<vmem>>, vector<16xi32>,
      %add3A_202 = arith.constant 32 : i32
      %add3A_203 = vector.broadcast %add3A_202 : i32 to vector<16xi32>
      %add3A_204 = arith.addi %add3A_203, %iota3A : vector<16xi32>
      tpu.vector_store_idx %arg14[%add3A_204, %get3A_201], %broadcast_in_dim3A_3 : memref<400x128xf32, #tpu.memory_space<vmem>>[vector<16xi32>, vector<16xi32>], vector<16xf32>,
      %get3A_205 = arith.constant 48 : index
      %get3A_206 = tpu.vector_load %arg8[%get3A_205] {strides = array<i32>} : memref<400xi32, #tpu.memory_space<vmem>>, vector<16xi32>,
      %add3A_207 = arith.constant 48 : i32
      %add3A_208 = vector.broadcast %add3A_207 : i32 to vector<16xi32>
      %add3A_209 = arith.addi %add3A_208, %iota3A : vector<16xi32>
      tpu.vector_store_idx %arg14[%add3A_209, %get3A_206], %broadcast_in_dim3A_3 : memref<400x128xf32, #tpu.memory_space<vmem>>[vector<16xi32>, vector<16xi32>], vector<16xf32>,
      %get3A_210 = arith.constant 64 : index
      %get3A_211 = tpu.vector_load %arg8[%get3A_210] {strides = array<i32>} : memref<400xi32, #tpu.memory_space<vmem>>, vector<16xi32>,
      %add3A_212 = arith.constant 64 : i32
      %add3A_213 = vector.broadcast %add3A_212 : i32 to vector<16xi32>
      %add3A_214 = arith.addi %add3A_213, %iota3A : vector<16xi32>
      tpu.vector_store_idx %arg14[%add3A_214, %get3A_211], %broadcast_in_dim3A_3 : memref<400x128xf32, #tpu.memory_space<vmem>>[vector<16xi32>, vector<16xi32>], vector<16xf32>,
      %get3A_215 = arith.constant 80 : index
      %get3A_216 = tpu.vector_load %arg8[%get3A_215] {strides = array<i32>} : memref<400xi32, #tpu.memory_space<vmem>>, vector<16xi32>,
      %add3A_217 = arith.constant 80 : i32
      %add3A_218 = vector.broadcast %add3A_217 : i32 to vector<16xi32>
      %add3A_219 = arith.addi %add3A_218, %iota3A : vector<16xi32>
      tpu.vector_store_idx %arg14[%add3A_219, %get3A_216], %broadcast_in_dim3A_3 : memref<400x128xf32, #tpu.memory_space<vmem>>[vector<16xi32>, vector<16xi32>], vector<16xf32>,
      %get3A_220 = arith.constant 96 : index
      %get3A_221 = tpu.vector_load %arg8[%get3A_220] {strides = array<i32>} : memref<400xi32, #tpu.memory_space<vmem>>, vector<16xi32>,
      %add3A_222 = arith.constant 96 : i32
      %add3A_223 = vector.broadcast %add3A_222 : i32 to vector<16xi32>
      %add3A_224 = arith.addi %add3A_223, %iota3A : vector<16xi32>
      tpu.vector_store_idx %arg14[%add3A_224, %get3A_221], %broadcast_in_dim3A_3 : memref<400x128xf32, #tpu.memory_space<vmem>>[vector<16xi32>, vector<16xi32>], vector<16xf32>,
      %get3A_225 = arith.constant 112 : index
      %get3A_226 = tpu.vector_load %arg8[%get3A_225] {strides = array<i32>} : memref<400xi32, #tpu.memory_space<vmem>>, vector<16xi32>,
      %add3A_227 = arith.constant 112 : i32
      %add3A_228 = vector.broadcast %add3A_227 : i32 to vector<16xi32>
      %add3A_229 = arith.addi %add3A_228, %iota3A : vector<16xi32>
      tpu.vector_store_idx %arg14[%add3A_229, %get3A_226], %broadcast_in_dim3A_3 : memref<400x128xf32, #tpu.memory_space<vmem>>[vector<16xi32>, vector<16xi32>], vector<16xf32>,
      %get3A_230 = arith.constant 128 : index
      %get3A_231 = tpu.vector_load %arg8[%get3A_230] {strides = array<i32>} : memref<400xi32, #tpu.memory_space<vmem>>, vector<16xi32>,
      %add3A_232 = arith.constant 128 : i32
      %add3A_233 = vector.broadcast %add3A_232 : i32 to vector<16xi32>
      %add3A_234 = arith.addi %add3A_233, %iota3A : vector<16xi32>
      tpu.vector_store_idx %arg14[%add3A_234, %get3A_231], %broadcast_in_dim3A_3 : memref<400x128xf32, #tpu.memory_space<vmem>>[vector<16xi32>, vector<16xi32>], vector<16xf32>,
      %get3A_235 = arith.constant 144 : index
      %get3A_236 = tpu.vector_load %arg8[%get3A_235] {strides = array<i32>} : memref<400xi32, #tpu.memory_space<vmem>>, vector<16xi32>,
      %add3A_237 = arith.constant 144 : i32
      %add3A_238 = vector.broadcast %add3A_237 : i32 to vector<16xi32>
      %add3A_239 = arith.addi %add3A_238, %iota3A : vector<16xi32>
      tpu.vector_store_idx %arg14[%add3A_239, %get3A_236], %broadcast_in_dim3A_3 : memref<400x128xf32, #tpu.memory_space<vmem>>[vector<16xi32>, vector<16xi32>], vector<16xf32>,
      %get3A_240 = arith.constant 160 : index
      %get3A_241 = tpu.vector_load %arg8[%get3A_240] {strides = array<i32>} : memref<400xi32, #tpu.memory_space<vmem>>, vector<16xi32>,
      %add3A_242 = arith.constant 160 : i32
      %add3A_243 = vector.broadcast %add3A_242 : i32 to vector<16xi32>
      %add3A_244 = arith.addi %add3A_243, %iota3A : vector<16xi32>
      tpu.vector_store_idx %arg14[%add3A_244, %get3A_241], %broadcast_in_dim3A_3 : memref<400x128xf32, #tpu.memory_space<vmem>>[vector<16xi32>, vector<16xi32>], vector<16xf32>,
      %get3A_245 = arith.constant 176 : index
      %get3A_246 = tpu.vector_load %arg8[%get3A_245] {strides = array<i32>} : memref<400xi32, #tpu.memory_space<vmem>>, vector<16xi32>,
      %add3A_247 = arith.constant 176 : i32
      %add3A_248 = vector.broadcast %add3A_247 : i32 to vector<16xi32>
      %add3A_249 = arith.addi %add3A_248, %iota3A : vector<16xi32>
      tpu.vector_store_idx %arg14[%add3A_249, %get3A_246], %broadcast_in_dim3A_3 : memref<400x128xf32, #tpu.memory_space<vmem>>[vector<16xi32>, vector<16xi32>], vector<16xf32>,
      %get3A_250 = arith.constant 192 : index
      %get3A_251 = tpu.vector_load %arg8[%get3A_250] {strides = array<i32>} : memref<400xi32, #tpu.memory_space<vmem>>, vector<16xi32>,
      %add3A_252 = arith.constant 192 : i32
      %add3A_253 = vector.broadcast %add3A_252 : i32 to vector<16xi32>
      %add3A_254 = arith.addi %add3A_253, %iota3A : vector<16xi32>
      tpu.vector_store_idx %arg14[%add3A_254, %get3A_251], %broadcast_in_dim3A_3 : memref<400x128xf32, #tpu.memory_space<vmem>>[vector<16xi32>, vector<16xi32>], vector<16xf32>,
      %get3A_255 = arith.constant 208 : index
      %get3A_256 = tpu.vector_load %arg8[%get3A_255] {strides = array<i32>} : memref<400xi32, #tpu.memory_space<vmem>>, vector<16xi32>,
      %add3A_257 = arith.constant 208 : i32
      %add3A_258 = vector.broadcast %add3A_257 : i32 to vector<16xi32>
      %add3A_259 = arith.addi %add3A_258, %iota3A : vector<16xi32>
      tpu.vector_store_idx %arg14[%add3A_259, %get3A_256], %broadcast_in_dim3A_3 : memref<400x128xf32, #tpu.memory_space<vmem>>[vector<16xi32>, vector<16xi32>], vector<16xf32>,
      %get3A_260 = arith.constant 224 : index
      %get3A_261 = tpu.vector_load %arg8[%get3A_260] {strides = array<i32>} : memref<400xi32, #tpu.memory_space<vmem>>, vector<16xi32>,
      %add3A_262 = arith.constant 224 : i32
      %add3A_263 = vector.broadcast %add3A_262 : i32 to vector<16xi32>
      %add3A_264 = arith.addi %add3A_263, %iota3A : vector<16xi32>
      tpu.vector_store_idx %arg14[%add3A_264, %get3A_261], %broadcast_in_dim3A_3 : memref<400x128xf32, #tpu.memory_space<vmem>>[vector<16xi32>, vector<16xi32>], vector<16xf32>,
      %get3A_265 = arith.constant 240 : index
      %get3A_266 = tpu.vector_load %arg8[%get3A_265] {strides = array<i32>} : memref<400xi32, #tpu.memory_space<vmem>>, vector<16xi32>,
      %add3A_267 = arith.constant 240 : i32
      %add3A_268 = vector.broadcast %add3A_267 : i32 to vector<16xi32>
      %add3A_269 = arith.addi %add3A_268, %iota3A : vector<16xi32>
      tpu.vector_store_idx %arg14[%add3A_269, %get3A_266], %broadcast_in_dim3A_3 : memref<400x128xf32, #tpu.memory_space<vmem>>[vector<16xi32>, vector<16xi32>], vector<16xf32>,
      %get3A_270 = arith.constant 256 : index
      %get3A_271 = tpu.vector_load %arg8[%get3A_270] {strides = array<i32>} : memref<400xi32, #tpu.memory_space<vmem>>, vector<16xi32>,
      %add3A_272 = arith.constant 256 : i32
      %add3A_273 = vector.broadcast %add3A_272 : i32 to vector<16xi32>
      %add3A_274 = arith.addi %add3A_273, %iota3A : vector<16xi32>
      tpu.vector_store_idx %arg14[%add3A_274, %get3A_271], %broadcast_in_dim3A_3 : memref<400x128xf32, #tpu.memory_space<vmem>>[vector<16xi32>, vector<16xi32>], vector<16xf32>,
      %get3A_275 = arith.constant 272 : index
      %get3A_276 = tpu.vector_load %arg8[%get3A_275] {strides = array<i32>} : memref<400xi32, #tpu.memory_space<vmem>>, vector<16xi32>,
      %add3A_277 = arith.constant 272 : i32
      %add3A_278 = vector.broadcast %add3A_277 : i32 to vector<16xi32>
      %add3A_279 = arith.addi %add3A_278, %iota3A : vector<16xi32>
      tpu.vector_store_idx %arg14[%add3A_279, %get3A_276], %broadcast_in_dim3A_3 : memref<400x128xf32, #tpu.memory_space<vmem>>[vector<16xi32>, vector<16xi32>], vector<16xf32>,
      %get3A_280 = arith.constant 288 : index
      %get3A_281 = tpu.vector_load %arg8[%get3A_280] {strides = array<i32>} : memref<400xi32, #tpu.memory_space<vmem>>, vector<16xi32>,
      %add3A_282 = arith.constant 288 : i32
      %add3A_283 = vector.broadcast %add3A_282 : i32 to vector<16xi32>
      %add3A_284 = arith.addi %add3A_283, %iota3A : vector<16xi32>
      tpu.vector_store_idx %arg14[%add3A_284, %get3A_281], %broadcast_in_dim3A_3 : memref<400x128xf32, #tpu.memory_space<vmem>>[vector<16xi32>, vector<16xi32>], vector<16xf32>,
      %get3A_285 = arith.constant 304 : index
      %get3A_286 = tpu.vector_load %arg8[%get3A_285] {strides = array<i32>} : memref<400xi32, #tpu.memory_space<vmem>>, vector<16xi32>,
      %add3A_287 = arith.constant 304 : i32
      %add3A_288 = vector.broadcast %add3A_287 : i32 to vector<16xi32>
      %add3A_289 = arith.addi %add3A_288, %iota3A : vector<16xi32>
      tpu.vector_store_idx %arg14[%add3A_289, %get3A_286], %broadcast_in_dim3A_3 : memref<400x128xf32, #tpu.memory_space<vmem>>[vector<16xi32>, vector<16xi32>], vector<16xf32>,
      %get3A_290 = arith.constant 320 : index
      %get3A_291 = tpu.vector_load %arg8[%get3A_290] {strides = array<i32>} : memref<400xi32, #tpu.memory_space<vmem>>, vector<16xi32>,
      %add3A_292 = arith.constant 320 : i32
      %add3A_293 = vector.broadcast %add3A_292 : i32 to vector<16xi32>
      %add3A_294 = arith.addi %add3A_293, %iota3A : vector<16xi32>
      tpu.vector_store_idx %arg14[%add3A_294, %get3A_291], %broadcast_in_dim3A_3 : memref<400x128xf32, #tpu.memory_space<vmem>>[vector<16xi32>, vector<16xi32>], vector<16xf32>,
      %get3A_295 = arith.constant 336 : index
      %get3A_296 = tpu.vector_load %arg8[%get3A_295] {strides = array<i32>} : memref<400xi32, #tpu.memory_space<vmem>>, vector<16xi32>,
      %add3A_297 = arith.constant 336 : i32
      %add3A_298 = vector.broadcast %add3A_297 : i32 to vector<16xi32>
      %add3A_299 = arith.addi %add3A_298, %iota3A : vector<16xi32>
      tpu.vector_store_idx %arg14[%add3A_299, %get3A_296], %broadcast_in_dim3A_3 : memref<400x128xf32, #tpu.memory_space<vmem>>[vector<16xi32>, vector<16xi32>], vector<16xf32>,
      %get3A_300 = arith.constant 352 : index
      %get3A_301 = tpu.vector_load %arg8[%get3A_300] {strides = array<i32>} : memref<400xi32, #tpu.memory_space<vmem>>, vector<16xi32>,
      %add3A_302 = arith.constant 352 : i32
      %add3A_303 = vector.broadcast %add3A_302 : i32 to vector<16xi32>
      %add3A_304 = arith.addi %add3A_303, %iota3A : vector<16xi32>
      tpu.vector_store_idx %arg14[%add3A_304, %get3A_301], %broadcast_in_dim3A_3 : memref<400x128xf32, #tpu.memory_space<vmem>>[vector<16xi32>, vector<16xi32>], vector<16xf32>,
      %get3A_305 = arith.constant 368 : index
      %get3A_306 = tpu.vector_load %arg8[%get3A_305] {strides = array<i32>} : memref<400xi32, #tpu.memory_space<vmem>>, vector<16xi32>,
      %add3A_307 = arith.constant 368 : i32
      %add3A_308 = vector.broadcast %add3A_307 : i32 to vector<16xi32>
      %add3A_309 = arith.addi %add3A_308, %iota3A : vector<16xi32>
      tpu.vector_store_idx %arg14[%add3A_309, %get3A_306], %broadcast_in_dim3A_3 : memref<400x128xf32, #tpu.memory_space<vmem>>[vector<16xi32>, vector<16xi32>], vector<16xf32>,
      %get3A_310 = arith.constant 384 : index
      %get3A_311 = tpu.vector_load %arg8[%get3A_310] {strides = array<i32>} : memref<400xi32, #tpu.memory_space<vmem>>, vector<16xi32>,
      %add3A_312 = arith.constant 384 : i32
      %add3A_313 = vector.broadcast %add3A_312 : i32 to vector<16xi32>
      %add3A_314 = arith.addi %add3A_313, %iota3A : vector<16xi32>
      tpu.vector_store_idx %arg14[%add3A_314, %get3A_311], %broadcast_in_dim3A_3 : memref<400x128xf32, #tpu.memory_space<vmem>>[vector<16xi32>, vector<16xi32>], vector<16xf32>,
      %get3A_315 = arith.constant 0 : index
      %get3A_316 = tpu.vector_load %arg10[%get3A_315] {strides = array<i32>} : memref<400xi32, #tpu.memory_space<vmem>>, vector<16xi32>,
      %add3A_317 = arith.constant 0 : i32
      %add3A_318 = vector.broadcast %add3A_317 : i32 to vector<16xi32>
      %add3A_319 = arith.addi %add3A_318, %iota3A : vector<16xi32>
      tpu.vector_store_idx %arg14[%add3A_319, %get3A_316], %broadcast_in_dim3A_1 : memref<400x128xf32, #tpu.memory_space<vmem>>[vector<16xi32>, vector<16xi32>], vector<16xf32>,
      %get3A_320 = arith.constant 16 : index
      %get3A_321 = tpu.vector_load %arg10[%get3A_320] {strides = array<i32>} : memref<400xi32, #tpu.memory_space<vmem>>, vector<16xi32>,
      %add3A_322 = arith.constant 16 : i32
      %add3A_323 = vector.broadcast %add3A_322 : i32 to vector<16xi32>
      %add3A_324 = arith.addi %add3A_323, %iota3A : vector<16xi32>
      tpu.vector_store_idx %arg14[%add3A_324, %get3A_321], %broadcast_in_dim3A_1 : memref<400x128xf32, #tpu.memory_space<vmem>>[vector<16xi32>, vector<16xi32>], vector<16xf32>,
      %get3A_325 = arith.constant 32 : index
      %get3A_326 = tpu.vector_load %arg10[%get3A_325] {strides = array<i32>} : memref<400xi32, #tpu.memory_space<vmem>>, vector<16xi32>,
      %add3A_327 = arith.constant 32 : i32
      %add3A_328 = vector.broadcast %add3A_327 : i32 to vector<16xi32>
      %add3A_329 = arith.addi %add3A_328, %iota3A : vector<16xi32>
      tpu.vector_store_idx %arg14[%add3A_329, %get3A_326], %broadcast_in_dim3A_1 : memref<400x128xf32, #tpu.memory_space<vmem>>[vector<16xi32>, vector<16xi32>], vector<16xf32>,
      %get3A_330 = arith.constant 48 : index
      %get3A_331 = tpu.vector_load %arg10[%get3A_330] {strides = array<i32>} : memref<400xi32, #tpu.memory_space<vmem>>, vector<16xi32>,
      %add3A_332 = arith.constant 48 : i32
      %add3A_333 = vector.broadcast %add3A_332 : i32 to vector<16xi32>
      %add3A_334 = arith.addi %add3A_333, %iota3A : vector<16xi32>
      tpu.vector_store_idx %arg14[%add3A_334, %get3A_331], %broadcast_in_dim3A_1 : memref<400x128xf32, #tpu.memory_space<vmem>>[vector<16xi32>, vector<16xi32>], vector<16xf32>,
      %get3A_335 = arith.constant 64 : index
      %get3A_336 = tpu.vector_load %arg10[%get3A_335] {strides = array<i32>} : memref<400xi32, #tpu.memory_space<vmem>>, vector<16xi32>,
      %add3A_337 = arith.constant 64 : i32
      %add3A_338 = vector.broadcast %add3A_337 : i32 to vector<16xi32>
      %add3A_339 = arith.addi %add3A_338, %iota3A : vector<16xi32>
      tpu.vector_store_idx %arg14[%add3A_339, %get3A_336], %broadcast_in_dim3A_1 : memref<400x128xf32, #tpu.memory_space<vmem>>[vector<16xi32>, vector<16xi32>], vector<16xf32>,
      %get3A_340 = arith.constant 80 : index
      %get3A_341 = tpu.vector_load %arg10[%get3A_340] {strides = array<i32>} : memref<400xi32, #tpu.memory_space<vmem>>, vector<16xi32>,
      %add3A_342 = arith.constant 80 : i32
      %add3A_343 = vector.broadcast %add3A_342 : i32 to vector<16xi32>
      %add3A_344 = arith.addi %add3A_343, %iota3A : vector<16xi32>
      tpu.vector_store_idx %arg14[%add3A_344, %get3A_341], %broadcast_in_dim3A_1 : memref<400x128xf32, #tpu.memory_space<vmem>>[vector<16xi32>, vector<16xi32>], vector<16xf32>,
      %get3A_345 = arith.constant 96 : index
      %get3A_346 = tpu.vector_load %arg10[%get3A_345] {strides = array<i32>} : memref<400xi32, #tpu.memory_space<vmem>>, vector<16xi32>,
      %add3A_347 = arith.constant 96 : i32
      %add3A_348 = vector.broadcast %add3A_347 : i32 to vector<16xi32>
      %add3A_349 = arith.addi %add3A_348, %iota3A : vector<16xi32>
      tpu.vector_store_idx %arg14[%add3A_349, %get3A_346], %broadcast_in_dim3A_1 : memref<400x128xf32, #tpu.memory_space<vmem>>[vector<16xi32>, vector<16xi32>], vector<16xf32>,
      %get3A_350 = arith.constant 112 : index
      %get3A_351 = tpu.vector_load %arg10[%get3A_350] {strides = array<i32>} : memref<400xi32, #tpu.memory_space<vmem>>, vector<16xi32>,
      %add3A_352 = arith.constant 112 : i32
      %add3A_353 = vector.broadcast %add3A_352 : i32 to vector<16xi32>
      %add3A_354 = arith.addi %add3A_353, %iota3A : vector<16xi32>
      tpu.vector_store_idx %arg14[%add3A_354, %get3A_351], %broadcast_in_dim3A_1 : memref<400x128xf32, #tpu.memory_space<vmem>>[vector<16xi32>, vector<16xi32>], vector<16xf32>,
      %get3A_355 = arith.constant 128 : index
      %get3A_356 = tpu.vector_load %arg10[%get3A_355] {strides = array<i32>} : memref<400xi32, #tpu.memory_space<vmem>>, vector<16xi32>,
      %add3A_357 = arith.constant 128 : i32
      %add3A_358 = vector.broadcast %add3A_357 : i32 to vector<16xi32>
      %add3A_359 = arith.addi %add3A_358, %iota3A : vector<16xi32>
      tpu.vector_store_idx %arg14[%add3A_359, %get3A_356], %broadcast_in_dim3A_1 : memref<400x128xf32, #tpu.memory_space<vmem>>[vector<16xi32>, vector<16xi32>], vector<16xf32>,
      %get3A_360 = arith.constant 144 : index
      %get3A_361 = tpu.vector_load %arg10[%get3A_360] {strides = array<i32>} : memref<400xi32, #tpu.memory_space<vmem>>, vector<16xi32>,
      %add3A_362 = arith.constant 144 : i32
      %add3A_363 = vector.broadcast %add3A_362 : i32 to vector<16xi32>
      %add3A_364 = arith.addi %add3A_363, %iota3A : vector<16xi32>
      tpu.vector_store_idx %arg14[%add3A_364, %get3A_361], %broadcast_in_dim3A_1 : memref<400x128xf32, #tpu.memory_space<vmem>>[vector<16xi32>, vector<16xi32>], vector<16xf32>,
      %get3A_365 = arith.constant 160 : index
      %get3A_366 = tpu.vector_load %arg10[%get3A_365] {strides = array<i32>} : memref<400xi32, #tpu.memory_space<vmem>>, vector<16xi32>,
      %add3A_367 = arith.constant 160 : i32
      %add3A_368 = vector.broadcast %add3A_367 : i32 to vector<16xi32>
      %add3A_369 = arith.addi %add3A_368, %iota3A : vector<16xi32>
      tpu.vector_store_idx %arg14[%add3A_369, %get3A_366], %broadcast_in_dim3A_1 : memref<400x128xf32, #tpu.memory_space<vmem>>[vector<16xi32>, vector<16xi32>], vector<16xf32>,
      %get3A_370 = arith.constant 176 : index
      %get3A_371 = tpu.vector_load %arg10[%get3A_370] {strides = array<i32>} : memref<400xi32, #tpu.memory_space<vmem>>, vector<16xi32>,
      %add3A_372 = arith.constant 176 : i32
      %add3A_373 = vector.broadcast %add3A_372 : i32 to vector<16xi32>
      %add3A_374 = arith.addi %add3A_373, %iota3A : vector<16xi32>
      tpu.vector_store_idx %arg14[%add3A_374, %get3A_371], %broadcast_in_dim3A_1 : memref<400x128xf32, #tpu.memory_space<vmem>>[vector<16xi32>, vector<16xi32>], vector<16xf32>,
      %get3A_375 = arith.constant 192 : index
      %get3A_376 = tpu.vector_load %arg10[%get3A_375] {strides = array<i32>} : memref<400xi32, #tpu.memory_space<vmem>>, vector<16xi32>,
      %add3A_377 = arith.constant 192 : i32
      %add3A_378 = vector.broadcast %add3A_377 : i32 to vector<16xi32>
      %add3A_379 = arith.addi %add3A_378, %iota3A : vector<16xi32>
      tpu.vector_store_idx %arg14[%add3A_379, %get3A_376], %broadcast_in_dim3A_1 : memref<400x128xf32, #tpu.memory_space<vmem>>[vector<16xi32>, vector<16xi32>], vector<16xf32>,
      %get3A_380 = arith.constant 208 : index
      %get3A_381 = tpu.vector_load %arg10[%get3A_380] {strides = array<i32>} : memref<400xi32, #tpu.memory_space<vmem>>, vector<16xi32>,
      %add3A_382 = arith.constant 208 : i32
      %add3A_383 = vector.broadcast %add3A_382 : i32 to vector<16xi32>
      %add3A_384 = arith.addi %add3A_383, %iota3A : vector<16xi32>
      tpu.vector_store_idx %arg14[%add3A_384, %get3A_381], %broadcast_in_dim3A_1 : memref<400x128xf32, #tpu.memory_space<vmem>>[vector<16xi32>, vector<16xi32>], vector<16xf32>,
      %get3A_385 = arith.constant 224 : index
      %get3A_386 = tpu.vector_load %arg10[%get3A_385] {strides = array<i32>} : memref<400xi32, #tpu.memory_space<vmem>>, vector<16xi32>,
      %add3A_387 = arith.constant 224 : i32
      %add3A_388 = vector.broadcast %add3A_387 : i32 to vector<16xi32>
      %add3A_389 = arith.addi %add3A_388, %iota3A : vector<16xi32>
      tpu.vector_store_idx %arg14[%add3A_389, %get3A_386], %broadcast_in_dim3A_1 : memref<400x128xf32, #tpu.memory_space<vmem>>[vector<16xi32>, vector<16xi32>], vector<16xf32>,
      %get3A_390 = arith.constant 240 : index
      %get3A_391 = tpu.vector_load %arg10[%get3A_390] {strides = array<i32>} : memref<400xi32, #tpu.memory_space<vmem>>, vector<16xi32>,
      %add3A_392 = arith.constant 240 : i32
      %add3A_393 = vector.broadcast %add3A_392 : i32 to vector<16xi32>
      %add3A_394 = arith.addi %add3A_393, %iota3A : vector<16xi32>
      tpu.vector_store_idx %arg14[%add3A_394, %get3A_391], %broadcast_in_dim3A_1 : memref<400x128xf32, #tpu.memory_space<vmem>>[vector<16xi32>, vector<16xi32>], vector<16xf32>,
      %get3A_395 = arith.constant 256 : index
      %get3A_396 = tpu.vector_load %arg10[%get3A_395] {strides = array<i32>} : memref<400xi32, #tpu.memory_space<vmem>>, vector<16xi32>,
      %add3A_397 = arith.constant 256 : i32
      %add3A_398 = vector.broadcast %add3A_397 : i32 to vector<16xi32>
      %add3A_399 = arith.addi %add3A_398, %iota3A : vector<16xi32>
      tpu.vector_store_idx %arg14[%add3A_399, %get3A_396], %broadcast_in_dim3A_1 : memref<400x128xf32, #tpu.memory_space<vmem>>[vector<16xi32>, vector<16xi32>], vector<16xf32>,
      %get3A_400 = arith.constant 272 : index
      %get3A_401 = tpu.vector_load %arg10[%get3A_400] {strides = array<i32>} : memref<400xi32, #tpu.memory_space<vmem>>, vector<16xi32>,
      %add3A_402 = arith.constant 272 : i32
      %add3A_403 = vector.broadcast %add3A_402 : i32 to vector<16xi32>
      %add3A_404 = arith.addi %add3A_403, %iota3A : vector<16xi32>
      tpu.vector_store_idx %arg14[%add3A_404, %get3A_401], %broadcast_in_dim3A_1 : memref<400x128xf32, #tpu.memory_space<vmem>>[vector<16xi32>, vector<16xi32>], vector<16xf32>,
      %get3A_405 = arith.constant 288 : index
      %get3A_406 = tpu.vector_load %arg10[%get3A_405] {strides = array<i32>} : memref<400xi32, #tpu.memory_space<vmem>>, vector<16xi32>,
      %add3A_407 = arith.constant 288 : i32
      %add3A_408 = vector.broadcast %add3A_407 : i32 to vector<16xi32>
      %add3A_409 = arith.addi %add3A_408, %iota3A : vector<16xi32>
      tpu.vector_store_idx %arg14[%add3A_409, %get3A_406], %broadcast_in_dim3A_1 : memref<400x128xf32, #tpu.memory_space<vmem>>[vector<16xi32>, vector<16xi32>], vector<16xf32>,
      %get3A_410 = arith.constant 304 : index
      %get3A_411 = tpu.vector_load %arg10[%get3A_410] {strides = array<i32>} : memref<400xi32, #tpu.memory_space<vmem>>, vector<16xi32>,
      %add3A_412 = arith.constant 304 : i32
      %add3A_413 = vector.broadcast %add3A_412 : i32 to vector<16xi32>
      %add3A_414 = arith.addi %add3A_413, %iota3A : vector<16xi32>
      tpu.vector_store_idx %arg14[%add3A_414, %get3A_411], %broadcast_in_dim3A_1 : memref<400x128xf32, #tpu.memory_space<vmem>>[vector<16xi32>, vector<16xi32>], vector<16xf32>,
      %get3A_415 = arith.constant 320 : index
      %get3A_416 = tpu.vector_load %arg10[%get3A_415] {strides = array<i32>} : memref<400xi32, #tpu.memory_space<vmem>>, vector<16xi32>,
      %add3A_417 = arith.constant 320 : i32
      %add3A_418 = vector.broadcast %add3A_417 : i32 to vector<16xi32>
      %add3A_419 = arith.addi %add3A_418, %iota3A : vector<16xi32>
      tpu.vector_store_idx %arg14[%add3A_419, %get3A_416], %broadcast_in_dim3A_1 : memref<400x128xf32, #tpu.memory_space<vmem>>[vector<16xi32>, vector<16xi32>], vector<16xf32>,
      %get3A_420 = arith.constant 336 : index
      %get3A_421 = tpu.vector_load %arg10[%get3A_420] {strides = array<i32>} : memref<400xi32, #tpu.memory_space<vmem>>, vector<16xi32>,
      %add3A_422 = arith.constant 336 : i32
      %add3A_423 = vector.broadcast %add3A_422 : i32 to vector<16xi32>
      %add3A_424 = arith.addi %add3A_423, %iota3A : vector<16xi32>
      tpu.vector_store_idx %arg14[%add3A_424, %get3A_421], %broadcast_in_dim3A_1 : memref<400x128xf32, #tpu.memory_space<vmem>>[vector<16xi32>, vector<16xi32>], vector<16xf32>,
      %get3A_425 = arith.constant 352 : index
      %get3A_426 = tpu.vector_load %arg10[%get3A_425] {strides = array<i32>} : memref<400xi32, #tpu.memory_space<vmem>>, vector<16xi32>,
      %add3A_427 = arith.constant 352 : i32
      %add3A_428 = vector.broadcast %add3A_427 : i32 to vector<16xi32>
      %add3A_429 = arith.addi %add3A_428, %iota3A : vector<16xi32>
      tpu.vector_store_idx %arg14[%add3A_429, %get3A_426], %broadcast_in_dim3A_1 : memref<400x128xf32, #tpu.memory_space<vmem>>[vector<16xi32>, vector<16xi32>], vector<16xf32>,
      %get3A_430 = arith.constant 368 : index
      %get3A_431 = tpu.vector_load %arg10[%get3A_430] {strides = array<i32>} : memref<400xi32, #tpu.memory_space<vmem>>, vector<16xi32>,
      %add3A_432 = arith.constant 368 : i32
      %add3A_433 = vector.broadcast %add3A_432 : i32 to vector<16xi32>
      %add3A_434 = arith.addi %add3A_433, %iota3A : vector<16xi32>
      tpu.vector_store_idx %arg14[%add3A_434, %get3A_431], %broadcast_in_dim3A_1 : memref<400x128xf32, #tpu.memory_space<vmem>>[vector<16xi32>, vector<16xi32>], vector<16xf32>,
      %get3A_435 = arith.constant 384 : index
      %get3A_436 = tpu.vector_load %arg10[%get3A_435] {strides = array<i32>} : memref<400xi32, #tpu.memory_space<vmem>>, vector<16xi32>,
      %add3A_437 = arith.constant 384 : i32
      %add3A_438 = vector.broadcast %add3A_437 : i32 to vector<16xi32>
      %add3A_439 = arith.addi %add3A_438, %iota3A : vector<16xi32>
      tpu.vector_store_idx %arg14[%add3A_439, %get3A_436], %broadcast_in_dim3A_1 : memref<400x128xf32, #tpu.memory_space<vmem>>[vector<16xi32>, vector<16xi32>], vector<16xf32>,
      %mul3A_440 = arith.constant 400 : i32
      %mul3A_441 = arith.muli %add3A_153, %mul3A_440 : i32
      %dma_start3A = arith.constant 0 : i32
      %dma_start3A_442 = tpu.memref_slice %arg4[%mul3A_441, %dma_start3A] : memref<100000x128xf32, #tpu.memory_space<hbm>> -> memref<400x128xf32, #tpu.memory_space<hbm>>
      %dma_start3A_443 = arith.constant 0 : i32
      %dma_start3A_444 = tpu.memref_slice %arg4[%mul3A_441, %dma_start3A_443] : memref<100000x128xf32, #tpu.memory_space<hbm>> -> memref<400x128xf32, #tpu.memory_space<hbm>>
      tpu.enqueue_dma source(%arg14 : memref<400x128xf32, #tpu.memory_space<vmem>>) target(%dma_start3A_444 : memref<400x128xf32, #tpu.memory_space<hbm>>) target_semaphore(%arg17 : memref<!tpu.dma_semaphore, #tpu.memory_space<semaphore_mem>>)
    } else {
    }
    %add3A_159 = arith.constant 192 : i32
    %add3A_160 = arith.addi %add3A, %add3A_159 : i32
    %lt3A_161 = arith.constant 250 : i32
    %lt3A_162 = arith.cmpi slt, %add3A_160, %lt3A_161 : i32
    %convert_element_type3A_163 = arith.extui %lt3A_162 : i1 to i32
    %cond3A_164 = arith.constant 0 : i32
    %cond3A_165 = arith.cmpi ne, %convert_element_type3A_163, %cond3A_164 : i32
    scf.if %cond3A_165 {
      %sub3A = arith.constant 64 : i32
      %sub3A_184 = arith.subi %add3A_160, %sub3A : i32
      %mul3A_185 = arith.constant 400 : i32
      %mul3A_186 = arith.muli %sub3A_184, %mul3A_185 : i32
      %dma_wait3A_187 = arith.constant 0 : i32
      %dma_wait3A_188 = tpu.memref_slice %arg4[%mul3A_186, %dma_wait3A_187] : memref<100000x128xf32, #tpu.memory_space<hbm>> -> memref<400x128xf32, #tpu.memory_space<hbm>>
      %dma_wait3A_189 = arith.constant 0 : i32
      %dma_wait3A_190 = tpu.memref_slice %arg4[%mul3A_186, %dma_wait3A_189] : memref<100000x128xf32, #tpu.memory_space<hbm>> -> memref<400x128xf32, #tpu.memory_space<hbm>>
      tpu.wait_dma2 semaphore(%arg16 : memref<!tpu.dma_semaphore, #tpu.memory_space<semaphore_mem>>) src(%arg13 : memref<400x128xf32, #tpu.memory_space<vmem>>) dst(%dma_wait3A_190 : memref<400x128xf32, #tpu.memory_space<hbm>>)
      %get3A = arith.constant 0 : index
      %get3A_191 = tpu.vector_load %arg9[%get3A] {strides = array<i32>} : memref<400xi32, #tpu.memory_space<vmem>>, vector<16xi32>,
      %add3A_192 = arith.constant 0 : i32
      %add3A_193 = vector.broadcast %add3A_192 : i32 to vector<16xi32>
      %add3A_194 = arith.addi %add3A_193, %iota3A : vector<16xi32>
      tpu.vector_store_idx %arg13[%add3A_194, %get3A_191], %broadcast_in_dim3A_3 : memref<400x128xf32, #tpu.memory_space<vmem>>[vector<16xi32>, vector<16xi32>], vector<16xf32>,
      %get3A_195 = arith.constant 16 : index
      %get3A_196 = tpu.vector_load %arg9[%get3A_195] {strides = array<i32>} : memref<400xi32, #tpu.memory_space<vmem>>, vector<16xi32>,
      %add3A_197 = arith.constant 16 : i32
      %add3A_198 = vector.broadcast %add3A_197 : i32 to vector<16xi32>
      %add3A_199 = arith.addi %add3A_198, %iota3A : vector<16xi32>
      tpu.vector_store_idx %arg13[%add3A_199, %get3A_196], %broadcast_in_dim3A_3 : memref<400x128xf32, #tpu.memory_space<vmem>>[vector<16xi32>, vector<16xi32>], vector<16xf32>,
      %get3A_200 = arith.constant 32 : index
      %get3A_201 = tpu.vector_load %arg9[%get3A_200] {strides = array<i32>} : memref<400xi32, #tpu.memory_space<vmem>>, vector<16xi32>,
      %add3A_202 = arith.constant 32 : i32
      %add3A_203 = vector.broadcast %add3A_202 : i32 to vector<16xi32>
      %add3A_204 = arith.addi %add3A_203, %iota3A : vector<16xi32>
      tpu.vector_store_idx %arg13[%add3A_204, %get3A_201], %broadcast_in_dim3A_3 : memref<400x128xf32, #tpu.memory_space<vmem>>[vector<16xi32>, vector<16xi32>], vector<16xf32>,
      %get3A_205 = arith.constant 48 : index
      %get3A_206 = tpu.vector_load %arg9[%get3A_205] {strides = array<i32>} : memref<400xi32, #tpu.memory_space<vmem>>, vector<16xi32>,
      %add3A_207 = arith.constant 48 : i32
      %add3A_208 = vector.broadcast %add3A_207 : i32 to vector<16xi32>
      %add3A_209 = arith.addi %add3A_208, %iota3A : vector<16xi32>
      tpu.vector_store_idx %arg13[%add3A_209, %get3A_206], %broadcast_in_dim3A_3 : memref<400x128xf32, #tpu.memory_space<vmem>>[vector<16xi32>, vector<16xi32>], vector<16xf32>,
      %get3A_210 = arith.constant 64 : index
      %get3A_211 = tpu.vector_load %arg9[%get3A_210] {strides = array<i32>} : memref<400xi32, #tpu.memory_space<vmem>>, vector<16xi32>,
      %add3A_212 = arith.constant 64 : i32
      %add3A_213 = vector.broadcast %add3A_212 : i32 to vector<16xi32>
      %add3A_214 = arith.addi %add3A_213, %iota3A : vector<16xi32>
      tpu.vector_store_idx %arg13[%add3A_214, %get3A_211], %broadcast_in_dim3A_3 : memref<400x128xf32, #tpu.memory_space<vmem>>[vector<16xi32>, vector<16xi32>], vector<16xf32>,
      %get3A_215 = arith.constant 80 : index
      %get3A_216 = tpu.vector_load %arg9[%get3A_215] {strides = array<i32>} : memref<400xi32, #tpu.memory_space<vmem>>, vector<16xi32>,
      %add3A_217 = arith.constant 80 : i32
      %add3A_218 = vector.broadcast %add3A_217 : i32 to vector<16xi32>
      %add3A_219 = arith.addi %add3A_218, %iota3A : vector<16xi32>
      tpu.vector_store_idx %arg13[%add3A_219, %get3A_216], %broadcast_in_dim3A_3 : memref<400x128xf32, #tpu.memory_space<vmem>>[vector<16xi32>, vector<16xi32>], vector<16xf32>,
      %get3A_220 = arith.constant 96 : index
      %get3A_221 = tpu.vector_load %arg9[%get3A_220] {strides = array<i32>} : memref<400xi32, #tpu.memory_space<vmem>>, vector<16xi32>,
      %add3A_222 = arith.constant 96 : i32
      %add3A_223 = vector.broadcast %add3A_222 : i32 to vector<16xi32>
      %add3A_224 = arith.addi %add3A_223, %iota3A : vector<16xi32>
      tpu.vector_store_idx %arg13[%add3A_224, %get3A_221], %broadcast_in_dim3A_3 : memref<400x128xf32, #tpu.memory_space<vmem>>[vector<16xi32>, vector<16xi32>], vector<16xf32>,
      %get3A_225 = arith.constant 112 : index
      %get3A_226 = tpu.vector_load %arg9[%get3A_225] {strides = array<i32>} : memref<400xi32, #tpu.memory_space<vmem>>, vector<16xi32>,
      %add3A_227 = arith.constant 112 : i32
      %add3A_228 = vector.broadcast %add3A_227 : i32 to vector<16xi32>
      %add3A_229 = arith.addi %add3A_228, %iota3A : vector<16xi32>
      tpu.vector_store_idx %arg13[%add3A_229, %get3A_226], %broadcast_in_dim3A_3 : memref<400x128xf32, #tpu.memory_space<vmem>>[vector<16xi32>, vector<16xi32>], vector<16xf32>,
      %get3A_230 = arith.constant 128 : index
      %get3A_231 = tpu.vector_load %arg9[%get3A_230] {strides = array<i32>} : memref<400xi32, #tpu.memory_space<vmem>>, vector<16xi32>,
      %add3A_232 = arith.constant 128 : i32
      %add3A_233 = vector.broadcast %add3A_232 : i32 to vector<16xi32>
      %add3A_234 = arith.addi %add3A_233, %iota3A : vector<16xi32>
      tpu.vector_store_idx %arg13[%add3A_234, %get3A_231], %broadcast_in_dim3A_3 : memref<400x128xf32, #tpu.memory_space<vmem>>[vector<16xi32>, vector<16xi32>], vector<16xf32>,
      %get3A_235 = arith.constant 144 : index
      %get3A_236 = tpu.vector_load %arg9[%get3A_235] {strides = array<i32>} : memref<400xi32, #tpu.memory_space<vmem>>, vector<16xi32>,
      %add3A_237 = arith.constant 144 : i32
      %add3A_238 = vector.broadcast %add3A_237 : i32 to vector<16xi32>
      %add3A_239 = arith.addi %add3A_238, %iota3A : vector<16xi32>
      tpu.vector_store_idx %arg13[%add3A_239, %get3A_236], %broadcast_in_dim3A_3 : memref<400x128xf32, #tpu.memory_space<vmem>>[vector<16xi32>, vector<16xi32>], vector<16xf32>,
      %get3A_240 = arith.constant 160 : index
      %get3A_241 = tpu.vector_load %arg9[%get3A_240] {strides = array<i32>} : memref<400xi32, #tpu.memory_space<vmem>>, vector<16xi32>,
      %add3A_242 = arith.constant 160 : i32
      %add3A_243 = vector.broadcast %add3A_242 : i32 to vector<16xi32>
      %add3A_244 = arith.addi %add3A_243, %iota3A : vector<16xi32>
      tpu.vector_store_idx %arg13[%add3A_244, %get3A_241], %broadcast_in_dim3A_3 : memref<400x128xf32, #tpu.memory_space<vmem>>[vector<16xi32>, vector<16xi32>], vector<16xf32>,
      %get3A_245 = arith.constant 176 : index
      %get3A_246 = tpu.vector_load %arg9[%get3A_245] {strides = array<i32>} : memref<400xi32, #tpu.memory_space<vmem>>, vector<16xi32>,
      %add3A_247 = arith.constant 176 : i32
      %add3A_248 = vector.broadcast %add3A_247 : i32 to vector<16xi32>
      %add3A_249 = arith.addi %add3A_248, %iota3A : vector<16xi32>
      tpu.vector_store_idx %arg13[%add3A_249, %get3A_246], %broadcast_in_dim3A_3 : memref<400x128xf32, #tpu.memory_space<vmem>>[vector<16xi32>, vector<16xi32>], vector<16xf32>,
      %get3A_250 = arith.constant 192 : index
      %get3A_251 = tpu.vector_load %arg9[%get3A_250] {strides = array<i32>} : memref<400xi32, #tpu.memory_space<vmem>>, vector<16xi32>,
      %add3A_252 = arith.constant 192 : i32
      %add3A_253 = vector.broadcast %add3A_252 : i32 to vector<16xi32>
      %add3A_254 = arith.addi %add3A_253, %iota3A : vector<16xi32>
      tpu.vector_store_idx %arg13[%add3A_254, %get3A_251], %broadcast_in_dim3A_3 : memref<400x128xf32, #tpu.memory_space<vmem>>[vector<16xi32>, vector<16xi32>], vector<16xf32>,
      %get3A_255 = arith.constant 208 : index
      %get3A_256 = tpu.vector_load %arg9[%get3A_255] {strides = array<i32>} : memref<400xi32, #tpu.memory_space<vmem>>, vector<16xi32>,
      %add3A_257 = arith.constant 208 : i32
      %add3A_258 = vector.broadcast %add3A_257 : i32 to vector<16xi32>
      %add3A_259 = arith.addi %add3A_258, %iota3A : vector<16xi32>
      tpu.vector_store_idx %arg13[%add3A_259, %get3A_256], %broadcast_in_dim3A_3 : memref<400x128xf32, #tpu.memory_space<vmem>>[vector<16xi32>, vector<16xi32>], vector<16xf32>,
      %get3A_260 = arith.constant 224 : index
      %get3A_261 = tpu.vector_load %arg9[%get3A_260] {strides = array<i32>} : memref<400xi32, #tpu.memory_space<vmem>>, vector<16xi32>,
      %add3A_262 = arith.constant 224 : i32
      %add3A_263 = vector.broadcast %add3A_262 : i32 to vector<16xi32>
      %add3A_264 = arith.addi %add3A_263, %iota3A : vector<16xi32>
      tpu.vector_store_idx %arg13[%add3A_264, %get3A_261], %broadcast_in_dim3A_3 : memref<400x128xf32, #tpu.memory_space<vmem>>[vector<16xi32>, vector<16xi32>], vector<16xf32>,
      %get3A_265 = arith.constant 240 : index
      %get3A_266 = tpu.vector_load %arg9[%get3A_265] {strides = array<i32>} : memref<400xi32, #tpu.memory_space<vmem>>, vector<16xi32>,
      %add3A_267 = arith.constant 240 : i32
      %add3A_268 = vector.broadcast %add3A_267 : i32 to vector<16xi32>
      %add3A_269 = arith.addi %add3A_268, %iota3A : vector<16xi32>
      tpu.vector_store_idx %arg13[%add3A_269, %get3A_266], %broadcast_in_dim3A_3 : memref<400x128xf32, #tpu.memory_space<vmem>>[vector<16xi32>, vector<16xi32>], vector<16xf32>,
      %get3A_270 = arith.constant 256 : index
      %get3A_271 = tpu.vector_load %arg9[%get3A_270] {strides = array<i32>} : memref<400xi32, #tpu.memory_space<vmem>>, vector<16xi32>,
      %add3A_272 = arith.constant 256 : i32
      %add3A_273 = vector.broadcast %add3A_272 : i32 to vector<16xi32>
      %add3A_274 = arith.addi %add3A_273, %iota3A : vector<16xi32>
      tpu.vector_store_idx %arg13[%add3A_274, %get3A_271], %broadcast_in_dim3A_3 : memref<400x128xf32, #tpu.memory_space<vmem>>[vector<16xi32>, vector<16xi32>], vector<16xf32>,
      %get3A_275 = arith.constant 272 : index
      %get3A_276 = tpu.vector_load %arg9[%get3A_275] {strides = array<i32>} : memref<400xi32, #tpu.memory_space<vmem>>, vector<16xi32>,
      %add3A_277 = arith.constant 272 : i32
      %add3A_278 = vector.broadcast %add3A_277 : i32 to vector<16xi32>
      %add3A_279 = arith.addi %add3A_278, %iota3A : vector<16xi32>
      tpu.vector_store_idx %arg13[%add3A_279, %get3A_276], %broadcast_in_dim3A_3 : memref<400x128xf32, #tpu.memory_space<vmem>>[vector<16xi32>, vector<16xi32>], vector<16xf32>,
      %get3A_280 = arith.constant 288 : index
      %get3A_281 = tpu.vector_load %arg9[%get3A_280] {strides = array<i32>} : memref<400xi32, #tpu.memory_space<vmem>>, vector<16xi32>,
      %add3A_282 = arith.constant 288 : i32
      %add3A_283 = vector.broadcast %add3A_282 : i32 to vector<16xi32>
      %add3A_284 = arith.addi %add3A_283, %iota3A : vector<16xi32>
      tpu.vector_store_idx %arg13[%add3A_284, %get3A_281], %broadcast_in_dim3A_3 : memref<400x128xf32, #tpu.memory_space<vmem>>[vector<16xi32>, vector<16xi32>], vector<16xf32>,
      %get3A_285 = arith.constant 304 : index
      %get3A_286 = tpu.vector_load %arg9[%get3A_285] {strides = array<i32>} : memref<400xi32, #tpu.memory_space<vmem>>, vector<16xi32>,
      %add3A_287 = arith.constant 304 : i32
      %add3A_288 = vector.broadcast %add3A_287 : i32 to vector<16xi32>
      %add3A_289 = arith.addi %add3A_288, %iota3A : vector<16xi32>
      tpu.vector_store_idx %arg13[%add3A_289, %get3A_286], %broadcast_in_dim3A_3 : memref<400x128xf32, #tpu.memory_space<vmem>>[vector<16xi32>, vector<16xi32>], vector<16xf32>,
      %get3A_290 = arith.constant 320 : index
      %get3A_291 = tpu.vector_load %arg9[%get3A_290] {strides = array<i32>} : memref<400xi32, #tpu.memory_space<vmem>>, vector<16xi32>,
      %add3A_292 = arith.constant 320 : i32
      %add3A_293 = vector.broadcast %add3A_292 : i32 to vector<16xi32>
      %add3A_294 = arith.addi %add3A_293, %iota3A : vector<16xi32>
      tpu.vector_store_idx %arg13[%add3A_294, %get3A_291], %broadcast_in_dim3A_3 : memref<400x128xf32, #tpu.memory_space<vmem>>[vector<16xi32>, vector<16xi32>], vector<16xf32>,
      %get3A_295 = arith.constant 336 : index
      %get3A_296 = tpu.vector_load %arg9[%get3A_295] {strides = array<i32>} : memref<400xi32, #tpu.memory_space<vmem>>, vector<16xi32>,
      %add3A_297 = arith.constant 336 : i32
      %add3A_298 = vector.broadcast %add3A_297 : i32 to vector<16xi32>
      %add3A_299 = arith.addi %add3A_298, %iota3A : vector<16xi32>
      tpu.vector_store_idx %arg13[%add3A_299, %get3A_296], %broadcast_in_dim3A_3 : memref<400x128xf32, #tpu.memory_space<vmem>>[vector<16xi32>, vector<16xi32>], vector<16xf32>,
      %get3A_300 = arith.constant 352 : index
      %get3A_301 = tpu.vector_load %arg9[%get3A_300] {strides = array<i32>} : memref<400xi32, #tpu.memory_space<vmem>>, vector<16xi32>,
      %add3A_302 = arith.constant 352 : i32
      %add3A_303 = vector.broadcast %add3A_302 : i32 to vector<16xi32>
      %add3A_304 = arith.addi %add3A_303, %iota3A : vector<16xi32>
      tpu.vector_store_idx %arg13[%add3A_304, %get3A_301], %broadcast_in_dim3A_3 : memref<400x128xf32, #tpu.memory_space<vmem>>[vector<16xi32>, vector<16xi32>], vector<16xf32>,
      %get3A_305 = arith.constant 368 : index
      %get3A_306 = tpu.vector_load %arg9[%get3A_305] {strides = array<i32>} : memref<400xi32, #tpu.memory_space<vmem>>, vector<16xi32>,
      %add3A_307 = arith.constant 368 : i32
      %add3A_308 = vector.broadcast %add3A_307 : i32 to vector<16xi32>
      %add3A_309 = arith.addi %add3A_308, %iota3A : vector<16xi32>
      tpu.vector_store_idx %arg13[%add3A_309, %get3A_306], %broadcast_in_dim3A_3 : memref<400x128xf32, #tpu.memory_space<vmem>>[vector<16xi32>, vector<16xi32>], vector<16xf32>,
      %get3A_310 = arith.constant 384 : index
      %get3A_311 = tpu.vector_load %arg9[%get3A_310] {strides = array<i32>} : memref<400xi32, #tpu.memory_space<vmem>>, vector<16xi32>,
      %add3A_312 = arith.constant 384 : i32
      %add3A_313 = vector.broadcast %add3A_312 : i32 to vector<16xi32>
      %add3A_314 = arith.addi %add3A_313, %iota3A : vector<16xi32>
      tpu.vector_store_idx %arg13[%add3A_314, %get3A_311], %broadcast_in_dim3A_3 : memref<400x128xf32, #tpu.memory_space<vmem>>[vector<16xi32>, vector<16xi32>], vector<16xf32>,
      %get3A_315 = arith.constant 0 : index
      %get3A_316 = tpu.vector_load %arg11[%get3A_315] {strides = array<i32>} : memref<400xi32, #tpu.memory_space<vmem>>, vector<16xi32>,
      %add3A_317 = arith.constant 0 : i32
      %add3A_318 = vector.broadcast %add3A_317 : i32 to vector<16xi32>
      %add3A_319 = arith.addi %add3A_318, %iota3A : vector<16xi32>
      tpu.vector_store_idx %arg13[%add3A_319, %get3A_316], %broadcast_in_dim3A_1 : memref<400x128xf32, #tpu.memory_space<vmem>>[vector<16xi32>, vector<16xi32>], vector<16xf32>,
      %get3A_320 = arith.constant 16 : index
      %get3A_321 = tpu.vector_load %arg11[%get3A_320] {strides = array<i32>} : memref<400xi32, #tpu.memory_space<vmem>>, vector<16xi32>,
      %add3A_322 = arith.constant 16 : i32
      %add3A_323 = vector.broadcast %add3A_322 : i32 to vector<16xi32>
      %add3A_324 = arith.addi %add3A_323, %iota3A : vector<16xi32>
      tpu.vector_store_idx %arg13[%add3A_324, %get3A_321], %broadcast_in_dim3A_1 : memref<400x128xf32, #tpu.memory_space<vmem>>[vector<16xi32>, vector<16xi32>], vector<16xf32>,
      %get3A_325 = arith.constant 32 : index
      %get3A_326 = tpu.vector_load %arg11[%get3A_325] {strides = array<i32>} : memref<400xi32, #tpu.memory_space<vmem>>, vector<16xi32>,
      %add3A_327 = arith.constant 32 : i32
      %add3A_328 = vector.broadcast %add3A_327 : i32 to vector<16xi32>
      %add3A_329 = arith.addi %add3A_328, %iota3A : vector<16xi32>
      tpu.vector_store_idx %arg13[%add3A_329, %get3A_326], %broadcast_in_dim3A_1 : memref<400x128xf32, #tpu.memory_space<vmem>>[vector<16xi32>, vector<16xi32>], vector<16xf32>,
      %get3A_330 = arith.constant 48 : index
      %get3A_331 = tpu.vector_load %arg11[%get3A_330] {strides = array<i32>} : memref<400xi32, #tpu.memory_space<vmem>>, vector<16xi32>,
      %add3A_332 = arith.constant 48 : i32
      %add3A_333 = vector.broadcast %add3A_332 : i32 to vector<16xi32>
      %add3A_334 = arith.addi %add3A_333, %iota3A : vector<16xi32>
      tpu.vector_store_idx %arg13[%add3A_334, %get3A_331], %broadcast_in_dim3A_1 : memref<400x128xf32, #tpu.memory_space<vmem>>[vector<16xi32>, vector<16xi32>], vector<16xf32>,
      %get3A_335 = arith.constant 64 : index
      %get3A_336 = tpu.vector_load %arg11[%get3A_335] {strides = array<i32>} : memref<400xi32, #tpu.memory_space<vmem>>, vector<16xi32>,
      %add3A_337 = arith.constant 64 : i32
      %add3A_338 = vector.broadcast %add3A_337 : i32 to vector<16xi32>
      %add3A_339 = arith.addi %add3A_338, %iota3A : vector<16xi32>
      tpu.vector_store_idx %arg13[%add3A_339, %get3A_336], %broadcast_in_dim3A_1 : memref<400x128xf32, #tpu.memory_space<vmem>>[vector<16xi32>, vector<16xi32>], vector<16xf32>,
      %get3A_340 = arith.constant 80 : index
      %get3A_341 = tpu.vector_load %arg11[%get3A_340] {strides = array<i32>} : memref<400xi32, #tpu.memory_space<vmem>>, vector<16xi32>,
      %add3A_342 = arith.constant 80 : i32
      %add3A_343 = vector.broadcast %add3A_342 : i32 to vector<16xi32>
      %add3A_344 = arith.addi %add3A_343, %iota3A : vector<16xi32>
      tpu.vector_store_idx %arg13[%add3A_344, %get3A_341], %broadcast_in_dim3A_1 : memref<400x128xf32, #tpu.memory_space<vmem>>[vector<16xi32>, vector<16xi32>], vector<16xf32>,
      %get3A_345 = arith.constant 96 : index
      %get3A_346 = tpu.vector_load %arg11[%get3A_345] {strides = array<i32>} : memref<400xi32, #tpu.memory_space<vmem>>, vector<16xi32>,
      %add3A_347 = arith.constant 96 : i32
      %add3A_348 = vector.broadcast %add3A_347 : i32 to vector<16xi32>
      %add3A_349 = arith.addi %add3A_348, %iota3A : vector<16xi32>
      tpu.vector_store_idx %arg13[%add3A_349, %get3A_346], %broadcast_in_dim3A_1 : memref<400x128xf32, #tpu.memory_space<vmem>>[vector<16xi32>, vector<16xi32>], vector<16xf32>,
      %get3A_350 = arith.constant 112 : index
      %get3A_351 = tpu.vector_load %arg11[%get3A_350] {strides = array<i32>} : memref<400xi32, #tpu.memory_space<vmem>>, vector<16xi32>,
      %add3A_352 = arith.constant 112 : i32
      %add3A_353 = vector.broadcast %add3A_352 : i32 to vector<16xi32>
      %add3A_354 = arith.addi %add3A_353, %iota3A : vector<16xi32>
      tpu.vector_store_idx %arg13[%add3A_354, %get3A_351], %broadcast_in_dim3A_1 : memref<400x128xf32, #tpu.memory_space<vmem>>[vector<16xi32>, vector<16xi32>], vector<16xf32>,
      %get3A_355 = arith.constant 128 : index
      %get3A_356 = tpu.vector_load %arg11[%get3A_355] {strides = array<i32>} : memref<400xi32, #tpu.memory_space<vmem>>, vector<16xi32>,
      %add3A_357 = arith.constant 128 : i32
      %add3A_358 = vector.broadcast %add3A_357 : i32 to vector<16xi32>
      %add3A_359 = arith.addi %add3A_358, %iota3A : vector<16xi32>
      tpu.vector_store_idx %arg13[%add3A_359, %get3A_356], %broadcast_in_dim3A_1 : memref<400x128xf32, #tpu.memory_space<vmem>>[vector<16xi32>, vector<16xi32>], vector<16xf32>,
      %get3A_360 = arith.constant 144 : index
      %get3A_361 = tpu.vector_load %arg11[%get3A_360] {strides = array<i32>} : memref<400xi32, #tpu.memory_space<vmem>>, vector<16xi32>,
      %add3A_362 = arith.constant 144 : i32
      %add3A_363 = vector.broadcast %add3A_362 : i32 to vector<16xi32>
      %add3A_364 = arith.addi %add3A_363, %iota3A : vector<16xi32>
      tpu.vector_store_idx %arg13[%add3A_364, %get3A_361], %broadcast_in_dim3A_1 : memref<400x128xf32, #tpu.memory_space<vmem>>[vector<16xi32>, vector<16xi32>], vector<16xf32>,
      %get3A_365 = arith.constant 160 : index
      %get3A_366 = tpu.vector_load %arg11[%get3A_365] {strides = array<i32>} : memref<400xi32, #tpu.memory_space<vmem>>, vector<16xi32>,
      %add3A_367 = arith.constant 160 : i32
      %add3A_368 = vector.broadcast %add3A_367 : i32 to vector<16xi32>
      %add3A_369 = arith.addi %add3A_368, %iota3A : vector<16xi32>
      tpu.vector_store_idx %arg13[%add3A_369, %get3A_366], %broadcast_in_dim3A_1 : memref<400x128xf32, #tpu.memory_space<vmem>>[vector<16xi32>, vector<16xi32>], vector<16xf32>,
      %get3A_370 = arith.constant 176 : index
      %get3A_371 = tpu.vector_load %arg11[%get3A_370] {strides = array<i32>} : memref<400xi32, #tpu.memory_space<vmem>>, vector<16xi32>,
      %add3A_372 = arith.constant 176 : i32
      %add3A_373 = vector.broadcast %add3A_372 : i32 to vector<16xi32>
      %add3A_374 = arith.addi %add3A_373, %iota3A : vector<16xi32>
      tpu.vector_store_idx %arg13[%add3A_374, %get3A_371], %broadcast_in_dim3A_1 : memref<400x128xf32, #tpu.memory_space<vmem>>[vector<16xi32>, vector<16xi32>], vector<16xf32>,
      %get3A_375 = arith.constant 192 : index
      %get3A_376 = tpu.vector_load %arg11[%get3A_375] {strides = array<i32>} : memref<400xi32, #tpu.memory_space<vmem>>, vector<16xi32>,
      %add3A_377 = arith.constant 192 : i32
      %add3A_378 = vector.broadcast %add3A_377 : i32 to vector<16xi32>
      %add3A_379 = arith.addi %add3A_378, %iota3A : vector<16xi32>
      tpu.vector_store_idx %arg13[%add3A_379, %get3A_376], %broadcast_in_dim3A_1 : memref<400x128xf32, #tpu.memory_space<vmem>>[vector<16xi32>, vector<16xi32>], vector<16xf32>,
      %get3A_380 = arith.constant 208 : index
      %get3A_381 = tpu.vector_load %arg11[%get3A_380] {strides = array<i32>} : memref<400xi32, #tpu.memory_space<vmem>>, vector<16xi32>,
      %add3A_382 = arith.constant 208 : i32
      %add3A_383 = vector.broadcast %add3A_382 : i32 to vector<16xi32>
      %add3A_384 = arith.addi %add3A_383, %iota3A : vector<16xi32>
      tpu.vector_store_idx %arg13[%add3A_384, %get3A_381], %broadcast_in_dim3A_1 : memref<400x128xf32, #tpu.memory_space<vmem>>[vector<16xi32>, vector<16xi32>], vector<16xf32>,
      %get3A_385 = arith.constant 224 : index
      %get3A_386 = tpu.vector_load %arg11[%get3A_385] {strides = array<i32>} : memref<400xi32, #tpu.memory_space<vmem>>, vector<16xi32>,
      %add3A_387 = arith.constant 224 : i32
      %add3A_388 = vector.broadcast %add3A_387 : i32 to vector<16xi32>
      %add3A_389 = arith.addi %add3A_388, %iota3A : vector<16xi32>
      tpu.vector_store_idx %arg13[%add3A_389, %get3A_386], %broadcast_in_dim3A_1 : memref<400x128xf32, #tpu.memory_space<vmem>>[vector<16xi32>, vector<16xi32>], vector<16xf32>,
      %get3A_390 = arith.constant 240 : index
      %get3A_391 = tpu.vector_load %arg11[%get3A_390] {strides = array<i32>} : memref<400xi32, #tpu.memory_space<vmem>>, vector<16xi32>,
      %add3A_392 = arith.constant 240 : i32
      %add3A_393 = vector.broadcast %add3A_392 : i32 to vector<16xi32>
      %add3A_394 = arith.addi %add3A_393, %iota3A : vector<16xi32>
      tpu.vector_store_idx %arg13[%add3A_394, %get3A_391], %broadcast_in_dim3A_1 : memref<400x128xf32, #tpu.memory_space<vmem>>[vector<16xi32>, vector<16xi32>], vector<16xf32>,
      %get3A_395 = arith.constant 256 : index
      %get3A_396 = tpu.vector_load %arg11[%get3A_395] {strides = array<i32>} : memref<400xi32, #tpu.memory_space<vmem>>, vector<16xi32>,
      %add3A_397 = arith.constant 256 : i32
      %add3A_398 = vector.broadcast %add3A_397 : i32 to vector<16xi32>
      %add3A_399 = arith.addi %add3A_398, %iota3A : vector<16xi32>
      tpu.vector_store_idx %arg13[%add3A_399, %get3A_396], %broadcast_in_dim3A_1 : memref<400x128xf32, #tpu.memory_space<vmem>>[vector<16xi32>, vector<16xi32>], vector<16xf32>,
      %get3A_400 = arith.constant 272 : index
      %get3A_401 = tpu.vector_load %arg11[%get3A_400] {strides = array<i32>} : memref<400xi32, #tpu.memory_space<vmem>>, vector<16xi32>,
      %add3A_402 = arith.constant 272 : i32
      %add3A_403 = vector.broadcast %add3A_402 : i32 to vector<16xi32>
      %add3A_404 = arith.addi %add3A_403, %iota3A : vector<16xi32>
      tpu.vector_store_idx %arg13[%add3A_404, %get3A_401], %broadcast_in_dim3A_1 : memref<400x128xf32, #tpu.memory_space<vmem>>[vector<16xi32>, vector<16xi32>], vector<16xf32>,
      %get3A_405 = arith.constant 288 : index
      %get3A_406 = tpu.vector_load %arg11[%get3A_405] {strides = array<i32>} : memref<400xi32, #tpu.memory_space<vmem>>, vector<16xi32>,
      %add3A_407 = arith.constant 288 : i32
      %add3A_408 = vector.broadcast %add3A_407 : i32 to vector<16xi32>
      %add3A_409 = arith.addi %add3A_408, %iota3A : vector<16xi32>
      tpu.vector_store_idx %arg13[%add3A_409, %get3A_406], %broadcast_in_dim3A_1 : memref<400x128xf32, #tpu.memory_space<vmem>>[vector<16xi32>, vector<16xi32>], vector<16xf32>,
      %get3A_410 = arith.constant 304 : index
      %get3A_411 = tpu.vector_load %arg11[%get3A_410] {strides = array<i32>} : memref<400xi32, #tpu.memory_space<vmem>>, vector<16xi32>,
      %add3A_412 = arith.constant 304 : i32
      %add3A_413 = vector.broadcast %add3A_412 : i32 to vector<16xi32>
      %add3A_414 = arith.addi %add3A_413, %iota3A : vector<16xi32>
      tpu.vector_store_idx %arg13[%add3A_414, %get3A_411], %broadcast_in_dim3A_1 : memref<400x128xf32, #tpu.memory_space<vmem>>[vector<16xi32>, vector<16xi32>], vector<16xf32>,
      %get3A_415 = arith.constant 320 : index
      %get3A_416 = tpu.vector_load %arg11[%get3A_415] {strides = array<i32>} : memref<400xi32, #tpu.memory_space<vmem>>, vector<16xi32>,
      %add3A_417 = arith.constant 320 : i32
      %add3A_418 = vector.broadcast %add3A_417 : i32 to vector<16xi32>
      %add3A_419 = arith.addi %add3A_418, %iota3A : vector<16xi32>
      tpu.vector_store_idx %arg13[%add3A_419, %get3A_416], %broadcast_in_dim3A_1 : memref<400x128xf32, #tpu.memory_space<vmem>>[vector<16xi32>, vector<16xi32>], vector<16xf32>,
      %get3A_420 = arith.constant 336 : index
      %get3A_421 = tpu.vector_load %arg11[%get3A_420] {strides = array<i32>} : memref<400xi32, #tpu.memory_space<vmem>>, vector<16xi32>,
      %add3A_422 = arith.constant 336 : i32
      %add3A_423 = vector.broadcast %add3A_422 : i32 to vector<16xi32>
      %add3A_424 = arith.addi %add3A_423, %iota3A : vector<16xi32>
      tpu.vector_store_idx %arg13[%add3A_424, %get3A_421], %broadcast_in_dim3A_1 : memref<400x128xf32, #tpu.memory_space<vmem>>[vector<16xi32>, vector<16xi32>], vector<16xf32>,
      %get3A_425 = arith.constant 352 : index
      %get3A_426 = tpu.vector_load %arg11[%get3A_425] {strides = array<i32>} : memref<400xi32, #tpu.memory_space<vmem>>, vector<16xi32>,
      %add3A_427 = arith.constant 352 : i32
      %add3A_428 = vector.broadcast %add3A_427 : i32 to vector<16xi32>
      %add3A_429 = arith.addi %add3A_428, %iota3A : vector<16xi32>
      tpu.vector_store_idx %arg13[%add3A_429, %get3A_426], %broadcast_in_dim3A_1 : memref<400x128xf32, #tpu.memory_space<vmem>>[vector<16xi32>, vector<16xi32>], vector<16xf32>,
      %get3A_430 = arith.constant 368 : index
      %get3A_431 = tpu.vector_load %arg11[%get3A_430] {strides = array<i32>} : memref<400xi32, #tpu.memory_space<vmem>>, vector<16xi32>,
      %add3A_432 = arith.constant 368 : i32
      %add3A_433 = vector.broadcast %add3A_432 : i32 to vector<16xi32>
      %add3A_434 = arith.addi %add3A_433, %iota3A : vector<16xi32>
      tpu.vector_store_idx %arg13[%add3A_434, %get3A_431], %broadcast_in_dim3A_1 : memref<400x128xf32, #tpu.memory_space<vmem>>[vector<16xi32>, vector<16xi32>], vector<16xf32>,
      %get3A_435 = arith.constant 384 : index
      %get3A_436 = tpu.vector_load %arg11[%get3A_435] {strides = array<i32>} : memref<400xi32, #tpu.memory_space<vmem>>, vector<16xi32>,
      %add3A_437 = arith.constant 384 : i32
      %add3A_438 = vector.broadcast %add3A_437 : i32 to vector<16xi32>
      %add3A_439 = arith.addi %add3A_438, %iota3A : vector<16xi32>
      tpu.vector_store_idx %arg13[%add3A_439, %get3A_436], %broadcast_in_dim3A_1 : memref<400x128xf32, #tpu.memory_space<vmem>>[vector<16xi32>, vector<16xi32>], vector<16xf32>,
      %mul3A_440 = arith.constant 400 : i32
      %mul3A_441 = arith.muli %add3A_160, %mul3A_440 : i32
      %dma_start3A = arith.constant 0 : i32
      %dma_start3A_442 = tpu.memref_slice %arg4[%mul3A_441, %dma_start3A] : memref<100000x128xf32, #tpu.memory_space<hbm>> -> memref<400x128xf32, #tpu.memory_space<hbm>>
      %dma_start3A_443 = arith.constant 0 : i32
      %dma_start3A_444 = tpu.memref_slice %arg4[%mul3A_441, %dma_start3A_443] : memref<100000x128xf32, #tpu.memory_space<hbm>> -> memref<400x128xf32, #tpu.memory_space<hbm>>
      tpu.enqueue_dma source(%arg13 : memref<400x128xf32, #tpu.memory_space<vmem>>) target(%dma_start3A_444 : memref<400x128xf32, #tpu.memory_space<hbm>>) target_semaphore(%arg16 : memref<!tpu.dma_semaphore, #tpu.memory_space<semaphore_mem>>)
    } else {
    }
    %add3A_166 = arith.constant 224 : i32
    %add3A_167 = arith.addi %add3A, %add3A_166 : i32
    %lt3A_168 = arith.constant 250 : i32
    %lt3A_169 = arith.cmpi slt, %add3A_167, %lt3A_168 : i32
    %convert_element_type3A_170 = arith.extui %lt3A_169 : i1 to i32
    %cond3A_171 = arith.constant 0 : i32
    %cond3A_172 = arith.cmpi ne, %convert_element_type3A_170, %cond3A_171 : i32
    scf.if %cond3A_172 {
      %sub3A = arith.constant 64 : i32
      %sub3A_184 = arith.subi %add3A_167, %sub3A : i32
      %mul3A_185 = arith.constant 400 : i32
      %mul3A_186 = arith.muli %sub3A_184, %mul3A_185 : i32
      %dma_wait3A_187 = arith.constant 0 : i32
      %dma_wait3A_188 = tpu.memref_slice %arg4[%mul3A_186, %dma_wait3A_187] : memref<100000x128xf32, #tpu.memory_space<hbm>> -> memref<400x128xf32, #tpu.memory_space<hbm>>
      %dma_wait3A_189 = arith.constant 0 : i32
      %dma_wait3A_190 = tpu.memref_slice %arg4[%mul3A_186, %dma_wait3A_189] : memref<100000x128xf32, #tpu.memory_space<hbm>> -> memref<400x128xf32, #tpu.memory_space<hbm>>
      tpu.wait_dma2 semaphore(%arg17 : memref<!tpu.dma_semaphore, #tpu.memory_space<semaphore_mem>>) src(%arg14 : memref<400x128xf32, #tpu.memory_space<vmem>>) dst(%dma_wait3A_190 : memref<400x128xf32, #tpu.memory_space<hbm>>)
      %get3A = arith.constant 0 : index
      %get3A_191 = tpu.vector_load %arg10[%get3A] {strides = array<i32>} : memref<400xi32, #tpu.memory_space<vmem>>, vector<16xi32>,
      %add3A_192 = arith.constant 0 : i32
      %add3A_193 = vector.broadcast %add3A_192 : i32 to vector<16xi32>
      %add3A_194 = arith.addi %add3A_193, %iota3A : vector<16xi32>
      tpu.vector_store_idx %arg14[%add3A_194, %get3A_191], %broadcast_in_dim3A_3 : memref<400x128xf32, #tpu.memory_space<vmem>>[vector<16xi32>, vector<16xi32>], vector<16xf32>,
      %get3A_195 = arith.constant 16 : index
      %get3A_196 = tpu.vector_load %arg10[%get3A_195] {strides = array<i32>} : memref<400xi32, #tpu.memory_space<vmem>>, vector<16xi32>,
      %add3A_197 = arith.constant 16 : i32
      %add3A_198 = vector.broadcast %add3A_197 : i32 to vector<16xi32>
      %add3A_199 = arith.addi %add3A_198, %iota3A : vector<16xi32>
      tpu.vector_store_idx %arg14[%add3A_199, %get3A_196], %broadcast_in_dim3A_3 : memref<400x128xf32, #tpu.memory_space<vmem>>[vector<16xi32>, vector<16xi32>], vector<16xf32>,
      %get3A_200 = arith.constant 32 : index
      %get3A_201 = tpu.vector_load %arg10[%get3A_200] {strides = array<i32>} : memref<400xi32, #tpu.memory_space<vmem>>, vector<16xi32>,
      %add3A_202 = arith.constant 32 : i32
      %add3A_203 = vector.broadcast %add3A_202 : i32 to vector<16xi32>
      %add3A_204 = arith.addi %add3A_203, %iota3A : vector<16xi32>
      tpu.vector_store_idx %arg14[%add3A_204, %get3A_201], %broadcast_in_dim3A_3 : memref<400x128xf32, #tpu.memory_space<vmem>>[vector<16xi32>, vector<16xi32>], vector<16xf32>,
      %get3A_205 = arith.constant 48 : index
      %get3A_206 = tpu.vector_load %arg10[%get3A_205] {strides = array<i32>} : memref<400xi32, #tpu.memory_space<vmem>>, vector<16xi32>,
      %add3A_207 = arith.constant 48 : i32
      %add3A_208 = vector.broadcast %add3A_207 : i32 to vector<16xi32>
      %add3A_209 = arith.addi %add3A_208, %iota3A : vector<16xi32>
      tpu.vector_store_idx %arg14[%add3A_209, %get3A_206], %broadcast_in_dim3A_3 : memref<400x128xf32, #tpu.memory_space<vmem>>[vector<16xi32>, vector<16xi32>], vector<16xf32>,
      %get3A_210 = arith.constant 64 : index
      %get3A_211 = tpu.vector_load %arg10[%get3A_210] {strides = array<i32>} : memref<400xi32, #tpu.memory_space<vmem>>, vector<16xi32>,
      %add3A_212 = arith.constant 64 : i32
      %add3A_213 = vector.broadcast %add3A_212 : i32 to vector<16xi32>
      %add3A_214 = arith.addi %add3A_213, %iota3A : vector<16xi32>
      tpu.vector_store_idx %arg14[%add3A_214, %get3A_211], %broadcast_in_dim3A_3 : memref<400x128xf32, #tpu.memory_space<vmem>>[vector<16xi32>, vector<16xi32>], vector<16xf32>,
      %get3A_215 = arith.constant 80 : index
      %get3A_216 = tpu.vector_load %arg10[%get3A_215] {strides = array<i32>} : memref<400xi32, #tpu.memory_space<vmem>>, vector<16xi32>,
      %add3A_217 = arith.constant 80 : i32
      %add3A_218 = vector.broadcast %add3A_217 : i32 to vector<16xi32>
      %add3A_219 = arith.addi %add3A_218, %iota3A : vector<16xi32>
      tpu.vector_store_idx %arg14[%add3A_219, %get3A_216], %broadcast_in_dim3A_3 : memref<400x128xf32, #tpu.memory_space<vmem>>[vector<16xi32>, vector<16xi32>], vector<16xf32>,
      %get3A_220 = arith.constant 96 : index
      %get3A_221 = tpu.vector_load %arg10[%get3A_220] {strides = array<i32>} : memref<400xi32, #tpu.memory_space<vmem>>, vector<16xi32>,
      %add3A_222 = arith.constant 96 : i32
      %add3A_223 = vector.broadcast %add3A_222 : i32 to vector<16xi32>
      %add3A_224 = arith.addi %add3A_223, %iota3A : vector<16xi32>
      tpu.vector_store_idx %arg14[%add3A_224, %get3A_221], %broadcast_in_dim3A_3 : memref<400x128xf32, #tpu.memory_space<vmem>>[vector<16xi32>, vector<16xi32>], vector<16xf32>,
      %get3A_225 = arith.constant 112 : index
      %get3A_226 = tpu.vector_load %arg10[%get3A_225] {strides = array<i32>} : memref<400xi32, #tpu.memory_space<vmem>>, vector<16xi32>,
      %add3A_227 = arith.constant 112 : i32
      %add3A_228 = vector.broadcast %add3A_227 : i32 to vector<16xi32>
      %add3A_229 = arith.addi %add3A_228, %iota3A : vector<16xi32>
      tpu.vector_store_idx %arg14[%add3A_229, %get3A_226], %broadcast_in_dim3A_3 : memref<400x128xf32, #tpu.memory_space<vmem>>[vector<16xi32>, vector<16xi32>], vector<16xf32>,
      %get3A_230 = arith.constant 128 : index
      %get3A_231 = tpu.vector_load %arg10[%get3A_230] {strides = array<i32>} : memref<400xi32, #tpu.memory_space<vmem>>, vector<16xi32>,
      %add3A_232 = arith.constant 128 : i32
      %add3A_233 = vector.broadcast %add3A_232 : i32 to vector<16xi32>
      %add3A_234 = arith.addi %add3A_233, %iota3A : vector<16xi32>
      tpu.vector_store_idx %arg14[%add3A_234, %get3A_231], %broadcast_in_dim3A_3 : memref<400x128xf32, #tpu.memory_space<vmem>>[vector<16xi32>, vector<16xi32>], vector<16xf32>,
      %get3A_235 = arith.constant 144 : index
      %get3A_236 = tpu.vector_load %arg10[%get3A_235] {strides = array<i32>} : memref<400xi32, #tpu.memory_space<vmem>>, vector<16xi32>,
      %add3A_237 = arith.constant 144 : i32
      %add3A_238 = vector.broadcast %add3A_237 : i32 to vector<16xi32>
      %add3A_239 = arith.addi %add3A_238, %iota3A : vector<16xi32>
      tpu.vector_store_idx %arg14[%add3A_239, %get3A_236], %broadcast_in_dim3A_3 : memref<400x128xf32, #tpu.memory_space<vmem>>[vector<16xi32>, vector<16xi32>], vector<16xf32>,
      %get3A_240 = arith.constant 160 : index
      %get3A_241 = tpu.vector_load %arg10[%get3A_240] {strides = array<i32>} : memref<400xi32, #tpu.memory_space<vmem>>, vector<16xi32>,
      %add3A_242 = arith.constant 160 : i32
      %add3A_243 = vector.broadcast %add3A_242 : i32 to vector<16xi32>
      %add3A_244 = arith.addi %add3A_243, %iota3A : vector<16xi32>
      tpu.vector_store_idx %arg14[%add3A_244, %get3A_241], %broadcast_in_dim3A_3 : memref<400x128xf32, #tpu.memory_space<vmem>>[vector<16xi32>, vector<16xi32>], vector<16xf32>,
      %get3A_245 = arith.constant 176 : index
      %get3A_246 = tpu.vector_load %arg10[%get3A_245] {strides = array<i32>} : memref<400xi32, #tpu.memory_space<vmem>>, vector<16xi32>,
      %add3A_247 = arith.constant 176 : i32
      %add3A_248 = vector.broadcast %add3A_247 : i32 to vector<16xi32>
      %add3A_249 = arith.addi %add3A_248, %iota3A : vector<16xi32>
      tpu.vector_store_idx %arg14[%add3A_249, %get3A_246], %broadcast_in_dim3A_3 : memref<400x128xf32, #tpu.memory_space<vmem>>[vector<16xi32>, vector<16xi32>], vector<16xf32>,
      %get3A_250 = arith.constant 192 : index
      %get3A_251 = tpu.vector_load %arg10[%get3A_250] {strides = array<i32>} : memref<400xi32, #tpu.memory_space<vmem>>, vector<16xi32>,
      %add3A_252 = arith.constant 192 : i32
      %add3A_253 = vector.broadcast %add3A_252 : i32 to vector<16xi32>
      %add3A_254 = arith.addi %add3A_253, %iota3A : vector<16xi32>
      tpu.vector_store_idx %arg14[%add3A_254, %get3A_251], %broadcast_in_dim3A_3 : memref<400x128xf32, #tpu.memory_space<vmem>>[vector<16xi32>, vector<16xi32>], vector<16xf32>,
      %get3A_255 = arith.constant 208 : index
      %get3A_256 = tpu.vector_load %arg10[%get3A_255] {strides = array<i32>} : memref<400xi32, #tpu.memory_space<vmem>>, vector<16xi32>,
      %add3A_257 = arith.constant 208 : i32
      %add3A_258 = vector.broadcast %add3A_257 : i32 to vector<16xi32>
      %add3A_259 = arith.addi %add3A_258, %iota3A : vector<16xi32>
      tpu.vector_store_idx %arg14[%add3A_259, %get3A_256], %broadcast_in_dim3A_3 : memref<400x128xf32, #tpu.memory_space<vmem>>[vector<16xi32>, vector<16xi32>], vector<16xf32>,
      %get3A_260 = arith.constant 224 : index
      %get3A_261 = tpu.vector_load %arg10[%get3A_260] {strides = array<i32>} : memref<400xi32, #tpu.memory_space<vmem>>, vector<16xi32>,
      %add3A_262 = arith.constant 224 : i32
      %add3A_263 = vector.broadcast %add3A_262 : i32 to vector<16xi32>
      %add3A_264 = arith.addi %add3A_263, %iota3A : vector<16xi32>
      tpu.vector_store_idx %arg14[%add3A_264, %get3A_261], %broadcast_in_dim3A_3 : memref<400x128xf32, #tpu.memory_space<vmem>>[vector<16xi32>, vector<16xi32>], vector<16xf32>,
      %get3A_265 = arith.constant 240 : index
      %get3A_266 = tpu.vector_load %arg10[%get3A_265] {strides = array<i32>} : memref<400xi32, #tpu.memory_space<vmem>>, vector<16xi32>,
      %add3A_267 = arith.constant 240 : i32
      %add3A_268 = vector.broadcast %add3A_267 : i32 to vector<16xi32>
      %add3A_269 = arith.addi %add3A_268, %iota3A : vector<16xi32>
      tpu.vector_store_idx %arg14[%add3A_269, %get3A_266], %broadcast_in_dim3A_3 : memref<400x128xf32, #tpu.memory_space<vmem>>[vector<16xi32>, vector<16xi32>], vector<16xf32>,
      %get3A_270 = arith.constant 256 : index
      %get3A_271 = tpu.vector_load %arg10[%get3A_270] {strides = array<i32>} : memref<400xi32, #tpu.memory_space<vmem>>, vector<16xi32>,
      %add3A_272 = arith.constant 256 : i32
      %add3A_273 = vector.broadcast %add3A_272 : i32 to vector<16xi32>
      %add3A_274 = arith.addi %add3A_273, %iota3A : vector<16xi32>
      tpu.vector_store_idx %arg14[%add3A_274, %get3A_271], %broadcast_in_dim3A_3 : memref<400x128xf32, #tpu.memory_space<vmem>>[vector<16xi32>, vector<16xi32>], vector<16xf32>,
      %get3A_275 = arith.constant 272 : index
      %get3A_276 = tpu.vector_load %arg10[%get3A_275] {strides = array<i32>} : memref<400xi32, #tpu.memory_space<vmem>>, vector<16xi32>,
      %add3A_277 = arith.constant 272 : i32
      %add3A_278 = vector.broadcast %add3A_277 : i32 to vector<16xi32>
      %add3A_279 = arith.addi %add3A_278, %iota3A : vector<16xi32>
      tpu.vector_store_idx %arg14[%add3A_279, %get3A_276], %broadcast_in_dim3A_3 : memref<400x128xf32, #tpu.memory_space<vmem>>[vector<16xi32>, vector<16xi32>], vector<16xf32>,
      %get3A_280 = arith.constant 288 : index
      %get3A_281 = tpu.vector_load %arg10[%get3A_280] {strides = array<i32>} : memref<400xi32, #tpu.memory_space<vmem>>, vector<16xi32>,
      %add3A_282 = arith.constant 288 : i32
      %add3A_283 = vector.broadcast %add3A_282 : i32 to vector<16xi32>
      %add3A_284 = arith.addi %add3A_283, %iota3A : vector<16xi32>
      tpu.vector_store_idx %arg14[%add3A_284, %get3A_281], %broadcast_in_dim3A_3 : memref<400x128xf32, #tpu.memory_space<vmem>>[vector<16xi32>, vector<16xi32>], vector<16xf32>,
      %get3A_285 = arith.constant 304 : index
      %get3A_286 = tpu.vector_load %arg10[%get3A_285] {strides = array<i32>} : memref<400xi32, #tpu.memory_space<vmem>>, vector<16xi32>,
      %add3A_287 = arith.constant 304 : i32
      %add3A_288 = vector.broadcast %add3A_287 : i32 to vector<16xi32>
      %add3A_289 = arith.addi %add3A_288, %iota3A : vector<16xi32>
      tpu.vector_store_idx %arg14[%add3A_289, %get3A_286], %broadcast_in_dim3A_3 : memref<400x128xf32, #tpu.memory_space<vmem>>[vector<16xi32>, vector<16xi32>], vector<16xf32>,
      %get3A_290 = arith.constant 320 : index
      %get3A_291 = tpu.vector_load %arg10[%get3A_290] {strides = array<i32>} : memref<400xi32, #tpu.memory_space<vmem>>, vector<16xi32>,
      %add3A_292 = arith.constant 320 : i32
      %add3A_293 = vector.broadcast %add3A_292 : i32 to vector<16xi32>
      %add3A_294 = arith.addi %add3A_293, %iota3A : vector<16xi32>
      tpu.vector_store_idx %arg14[%add3A_294, %get3A_291], %broadcast_in_dim3A_3 : memref<400x128xf32, #tpu.memory_space<vmem>>[vector<16xi32>, vector<16xi32>], vector<16xf32>,
      %get3A_295 = arith.constant 336 : index
      %get3A_296 = tpu.vector_load %arg10[%get3A_295] {strides = array<i32>} : memref<400xi32, #tpu.memory_space<vmem>>, vector<16xi32>,
      %add3A_297 = arith.constant 336 : i32
      %add3A_298 = vector.broadcast %add3A_297 : i32 to vector<16xi32>
      %add3A_299 = arith.addi %add3A_298, %iota3A : vector<16xi32>
      tpu.vector_store_idx %arg14[%add3A_299, %get3A_296], %broadcast_in_dim3A_3 : memref<400x128xf32, #tpu.memory_space<vmem>>[vector<16xi32>, vector<16xi32>], vector<16xf32>,
      %get3A_300 = arith.constant 352 : index
      %get3A_301 = tpu.vector_load %arg10[%get3A_300] {strides = array<i32>} : memref<400xi32, #tpu.memory_space<vmem>>, vector<16xi32>,
      %add3A_302 = arith.constant 352 : i32
      %add3A_303 = vector.broadcast %add3A_302 : i32 to vector<16xi32>
      %add3A_304 = arith.addi %add3A_303, %iota3A : vector<16xi32>
      tpu.vector_store_idx %arg14[%add3A_304, %get3A_301], %broadcast_in_dim3A_3 : memref<400x128xf32, #tpu.memory_space<vmem>>[vector<16xi32>, vector<16xi32>], vector<16xf32>,
      %get3A_305 = arith.constant 368 : index
      %get3A_306 = tpu.vector_load %arg10[%get3A_305] {strides = array<i32>} : memref<400xi32, #tpu.memory_space<vmem>>, vector<16xi32>,
      %add3A_307 = arith.constant 368 : i32
      %add3A_308 = vector.broadcast %add3A_307 : i32 to vector<16xi32>
      %add3A_309 = arith.addi %add3A_308, %iota3A : vector<16xi32>
      tpu.vector_store_idx %arg14[%add3A_309, %get3A_306], %broadcast_in_dim3A_3 : memref<400x128xf32, #tpu.memory_space<vmem>>[vector<16xi32>, vector<16xi32>], vector<16xf32>,
      %get3A_310 = arith.constant 384 : index
      %get3A_311 = tpu.vector_load %arg10[%get3A_310] {strides = array<i32>} : memref<400xi32, #tpu.memory_space<vmem>>, vector<16xi32>,
      %add3A_312 = arith.constant 384 : i32
      %add3A_313 = vector.broadcast %add3A_312 : i32 to vector<16xi32>
      %add3A_314 = arith.addi %add3A_313, %iota3A : vector<16xi32>
      tpu.vector_store_idx %arg14[%add3A_314, %get3A_311], %broadcast_in_dim3A_3 : memref<400x128xf32, #tpu.memory_space<vmem>>[vector<16xi32>, vector<16xi32>], vector<16xf32>,
      %get3A_315 = arith.constant 0 : index
      %get3A_316 = tpu.vector_load %arg12[%get3A_315] {strides = array<i32>} : memref<400xi32, #tpu.memory_space<vmem>>, vector<16xi32>,
      %add3A_317 = arith.constant 0 : i32
      %add3A_318 = vector.broadcast %add3A_317 : i32 to vector<16xi32>
      %add3A_319 = arith.addi %add3A_318, %iota3A : vector<16xi32>
      tpu.vector_store_idx %arg14[%add3A_319, %get3A_316], %broadcast_in_dim3A_1 : memref<400x128xf32, #tpu.memory_space<vmem>>[vector<16xi32>, vector<16xi32>], vector<16xf32>,
      %get3A_320 = arith.constant 16 : index
      %get3A_321 = tpu.vector_load %arg12[%get3A_320] {strides = array<i32>} : memref<400xi32, #tpu.memory_space<vmem>>, vector<16xi32>,
      %add3A_322 = arith.constant 16 : i32
      %add3A_323 = vector.broadcast %add3A_322 : i32 to vector<16xi32>
      %add3A_324 = arith.addi %add3A_323, %iota3A : vector<16xi32>
      tpu.vector_store_idx %arg14[%add3A_324, %get3A_321], %broadcast_in_dim3A_1 : memref<400x128xf32, #tpu.memory_space<vmem>>[vector<16xi32>, vector<16xi32>], vector<16xf32>,
      %get3A_325 = arith.constant 32 : index
      %get3A_326 = tpu.vector_load %arg12[%get3A_325] {strides = array<i32>} : memref<400xi32, #tpu.memory_space<vmem>>, vector<16xi32>,
      %add3A_327 = arith.constant 32 : i32
      %add3A_328 = vector.broadcast %add3A_327 : i32 to vector<16xi32>
      %add3A_329 = arith.addi %add3A_328, %iota3A : vector<16xi32>
      tpu.vector_store_idx %arg14[%add3A_329, %get3A_326], %broadcast_in_dim3A_1 : memref<400x128xf32, #tpu.memory_space<vmem>>[vector<16xi32>, vector<16xi32>], vector<16xf32>,
      %get3A_330 = arith.constant 48 : index
      %get3A_331 = tpu.vector_load %arg12[%get3A_330] {strides = array<i32>} : memref<400xi32, #tpu.memory_space<vmem>>, vector<16xi32>,
      %add3A_332 = arith.constant 48 : i32
      %add3A_333 = vector.broadcast %add3A_332 : i32 to vector<16xi32>
      %add3A_334 = arith.addi %add3A_333, %iota3A : vector<16xi32>
      tpu.vector_store_idx %arg14[%add3A_334, %get3A_331], %broadcast_in_dim3A_1 : memref<400x128xf32, #tpu.memory_space<vmem>>[vector<16xi32>, vector<16xi32>], vector<16xf32>,
      %get3A_335 = arith.constant 64 : index
      %get3A_336 = tpu.vector_load %arg12[%get3A_335] {strides = array<i32>} : memref<400xi32, #tpu.memory_space<vmem>>, vector<16xi32>,
      %add3A_337 = arith.constant 64 : i32
      %add3A_338 = vector.broadcast %add3A_337 : i32 to vector<16xi32>
      %add3A_339 = arith.addi %add3A_338, %iota3A : vector<16xi32>
      tpu.vector_store_idx %arg14[%add3A_339, %get3A_336], %broadcast_in_dim3A_1 : memref<400x128xf32, #tpu.memory_space<vmem>>[vector<16xi32>, vector<16xi32>], vector<16xf32>,
      %get3A_340 = arith.constant 80 : index
      %get3A_341 = tpu.vector_load %arg12[%get3A_340] {strides = array<i32>} : memref<400xi32, #tpu.memory_space<vmem>>, vector<16xi32>,
      %add3A_342 = arith.constant 80 : i32
      %add3A_343 = vector.broadcast %add3A_342 : i32 to vector<16xi32>
      %add3A_344 = arith.addi %add3A_343, %iota3A : vector<16xi32>
      tpu.vector_store_idx %arg14[%add3A_344, %get3A_341], %broadcast_in_dim3A_1 : memref<400x128xf32, #tpu.memory_space<vmem>>[vector<16xi32>, vector<16xi32>], vector<16xf32>,
      %get3A_345 = arith.constant 96 : index
      %get3A_346 = tpu.vector_load %arg12[%get3A_345] {strides = array<i32>} : memref<400xi32, #tpu.memory_space<vmem>>, vector<16xi32>,
      %add3A_347 = arith.constant 96 : i32
      %add3A_348 = vector.broadcast %add3A_347 : i32 to vector<16xi32>
      %add3A_349 = arith.addi %add3A_348, %iota3A : vector<16xi32>
      tpu.vector_store_idx %arg14[%add3A_349, %get3A_346], %broadcast_in_dim3A_1 : memref<400x128xf32, #tpu.memory_space<vmem>>[vector<16xi32>, vector<16xi32>], vector<16xf32>,
      %get3A_350 = arith.constant 112 : index
      %get3A_351 = tpu.vector_load %arg12[%get3A_350] {strides = array<i32>} : memref<400xi32, #tpu.memory_space<vmem>>, vector<16xi32>,
      %add3A_352 = arith.constant 112 : i32
      %add3A_353 = vector.broadcast %add3A_352 : i32 to vector<16xi32>
      %add3A_354 = arith.addi %add3A_353, %iota3A : vector<16xi32>
      tpu.vector_store_idx %arg14[%add3A_354, %get3A_351], %broadcast_in_dim3A_1 : memref<400x128xf32, #tpu.memory_space<vmem>>[vector<16xi32>, vector<16xi32>], vector<16xf32>,
      %get3A_355 = arith.constant 128 : index
      %get3A_356 = tpu.vector_load %arg12[%get3A_355] {strides = array<i32>} : memref<400xi32, #tpu.memory_space<vmem>>, vector<16xi32>,
      %add3A_357 = arith.constant 128 : i32
      %add3A_358 = vector.broadcast %add3A_357 : i32 to vector<16xi32>
      %add3A_359 = arith.addi %add3A_358, %iota3A : vector<16xi32>
      tpu.vector_store_idx %arg14[%add3A_359, %get3A_356], %broadcast_in_dim3A_1 : memref<400x128xf32, #tpu.memory_space<vmem>>[vector<16xi32>, vector<16xi32>], vector<16xf32>,
      %get3A_360 = arith.constant 144 : index
      %get3A_361 = tpu.vector_load %arg12[%get3A_360] {strides = array<i32>} : memref<400xi32, #tpu.memory_space<vmem>>, vector<16xi32>,
      %add3A_362 = arith.constant 144 : i32
      %add3A_363 = vector.broadcast %add3A_362 : i32 to vector<16xi32>
      %add3A_364 = arith.addi %add3A_363, %iota3A : vector<16xi32>
      tpu.vector_store_idx %arg14[%add3A_364, %get3A_361], %broadcast_in_dim3A_1 : memref<400x128xf32, #tpu.memory_space<vmem>>[vector<16xi32>, vector<16xi32>], vector<16xf32>,
      %get3A_365 = arith.constant 160 : index
      %get3A_366 = tpu.vector_load %arg12[%get3A_365] {strides = array<i32>} : memref<400xi32, #tpu.memory_space<vmem>>, vector<16xi32>,
      %add3A_367 = arith.constant 160 : i32
      %add3A_368 = vector.broadcast %add3A_367 : i32 to vector<16xi32>
      %add3A_369 = arith.addi %add3A_368, %iota3A : vector<16xi32>
      tpu.vector_store_idx %arg14[%add3A_369, %get3A_366], %broadcast_in_dim3A_1 : memref<400x128xf32, #tpu.memory_space<vmem>>[vector<16xi32>, vector<16xi32>], vector<16xf32>,
      %get3A_370 = arith.constant 176 : index
      %get3A_371 = tpu.vector_load %arg12[%get3A_370] {strides = array<i32>} : memref<400xi32, #tpu.memory_space<vmem>>, vector<16xi32>,
      %add3A_372 = arith.constant 176 : i32
      %add3A_373 = vector.broadcast %add3A_372 : i32 to vector<16xi32>
      %add3A_374 = arith.addi %add3A_373, %iota3A : vector<16xi32>
      tpu.vector_store_idx %arg14[%add3A_374, %get3A_371], %broadcast_in_dim3A_1 : memref<400x128xf32, #tpu.memory_space<vmem>>[vector<16xi32>, vector<16xi32>], vector<16xf32>,
      %get3A_375 = arith.constant 192 : index
      %get3A_376 = tpu.vector_load %arg12[%get3A_375] {strides = array<i32>} : memref<400xi32, #tpu.memory_space<vmem>>, vector<16xi32>,
      %add3A_377 = arith.constant 192 : i32
      %add3A_378 = vector.broadcast %add3A_377 : i32 to vector<16xi32>
      %add3A_379 = arith.addi %add3A_378, %iota3A : vector<16xi32>
      tpu.vector_store_idx %arg14[%add3A_379, %get3A_376], %broadcast_in_dim3A_1 : memref<400x128xf32, #tpu.memory_space<vmem>>[vector<16xi32>, vector<16xi32>], vector<16xf32>,
      %get3A_380 = arith.constant 208 : index
      %get3A_381 = tpu.vector_load %arg12[%get3A_380] {strides = array<i32>} : memref<400xi32, #tpu.memory_space<vmem>>, vector<16xi32>,
      %add3A_382 = arith.constant 208 : i32
      %add3A_383 = vector.broadcast %add3A_382 : i32 to vector<16xi32>
      %add3A_384 = arith.addi %add3A_383, %iota3A : vector<16xi32>
      tpu.vector_store_idx %arg14[%add3A_384, %get3A_381], %broadcast_in_dim3A_1 : memref<400x128xf32, #tpu.memory_space<vmem>>[vector<16xi32>, vector<16xi32>], vector<16xf32>,
      %get3A_385 = arith.constant 224 : index
      %get3A_386 = tpu.vector_load %arg12[%get3A_385] {strides = array<i32>} : memref<400xi32, #tpu.memory_space<vmem>>, vector<16xi32>,
      %add3A_387 = arith.constant 224 : i32
      %add3A_388 = vector.broadcast %add3A_387 : i32 to vector<16xi32>
      %add3A_389 = arith.addi %add3A_388, %iota3A : vector<16xi32>
      tpu.vector_store_idx %arg14[%add3A_389, %get3A_386], %broadcast_in_dim3A_1 : memref<400x128xf32, #tpu.memory_space<vmem>>[vector<16xi32>, vector<16xi32>], vector<16xf32>,
      %get3A_390 = arith.constant 240 : index
      %get3A_391 = tpu.vector_load %arg12[%get3A_390] {strides = array<i32>} : memref<400xi32, #tpu.memory_space<vmem>>, vector<16xi32>,
      %add3A_392 = arith.constant 240 : i32
      %add3A_393 = vector.broadcast %add3A_392 : i32 to vector<16xi32>
      %add3A_394 = arith.addi %add3A_393, %iota3A : vector<16xi32>
      tpu.vector_store_idx %arg14[%add3A_394, %get3A_391], %broadcast_in_dim3A_1 : memref<400x128xf32, #tpu.memory_space<vmem>>[vector<16xi32>, vector<16xi32>], vector<16xf32>,
      %get3A_395 = arith.constant 256 : index
      %get3A_396 = tpu.vector_load %arg12[%get3A_395] {strides = array<i32>} : memref<400xi32, #tpu.memory_space<vmem>>, vector<16xi32>,
      %add3A_397 = arith.constant 256 : i32
      %add3A_398 = vector.broadcast %add3A_397 : i32 to vector<16xi32>
      %add3A_399 = arith.addi %add3A_398, %iota3A : vector<16xi32>
      tpu.vector_store_idx %arg14[%add3A_399, %get3A_396], %broadcast_in_dim3A_1 : memref<400x128xf32, #tpu.memory_space<vmem>>[vector<16xi32>, vector<16xi32>], vector<16xf32>,
      %get3A_400 = arith.constant 272 : index
      %get3A_401 = tpu.vector_load %arg12[%get3A_400] {strides = array<i32>} : memref<400xi32, #tpu.memory_space<vmem>>, vector<16xi32>,
      %add3A_402 = arith.constant 272 : i32
      %add3A_403 = vector.broadcast %add3A_402 : i32 to vector<16xi32>
      %add3A_404 = arith.addi %add3A_403, %iota3A : vector<16xi32>
      tpu.vector_store_idx %arg14[%add3A_404, %get3A_401], %broadcast_in_dim3A_1 : memref<400x128xf32, #tpu.memory_space<vmem>>[vector<16xi32>, vector<16xi32>], vector<16xf32>,
      %get3A_405 = arith.constant 288 : index
      %get3A_406 = tpu.vector_load %arg12[%get3A_405] {strides = array<i32>} : memref<400xi32, #tpu.memory_space<vmem>>, vector<16xi32>,
      %add3A_407 = arith.constant 288 : i32
      %add3A_408 = vector.broadcast %add3A_407 : i32 to vector<16xi32>
      %add3A_409 = arith.addi %add3A_408, %iota3A : vector<16xi32>
      tpu.vector_store_idx %arg14[%add3A_409, %get3A_406], %broadcast_in_dim3A_1 : memref<400x128xf32, #tpu.memory_space<vmem>>[vector<16xi32>, vector<16xi32>], vector<16xf32>,
      %get3A_410 = arith.constant 304 : index
      %get3A_411 = tpu.vector_load %arg12[%get3A_410] {strides = array<i32>} : memref<400xi32, #tpu.memory_space<vmem>>, vector<16xi32>,
      %add3A_412 = arith.constant 304 : i32
      %add3A_413 = vector.broadcast %add3A_412 : i32 to vector<16xi32>
      %add3A_414 = arith.addi %add3A_413, %iota3A : vector<16xi32>
      tpu.vector_store_idx %arg14[%add3A_414, %get3A_411], %broadcast_in_dim3A_1 : memref<400x128xf32, #tpu.memory_space<vmem>>[vector<16xi32>, vector<16xi32>], vector<16xf32>,
      %get3A_415 = arith.constant 320 : index
      %get3A_416 = tpu.vector_load %arg12[%get3A_415] {strides = array<i32>} : memref<400xi32, #tpu.memory_space<vmem>>, vector<16xi32>,
      %add3A_417 = arith.constant 320 : i32
      %add3A_418 = vector.broadcast %add3A_417 : i32 to vector<16xi32>
      %add3A_419 = arith.addi %add3A_418, %iota3A : vector<16xi32>
      tpu.vector_store_idx %arg14[%add3A_419, %get3A_416], %broadcast_in_dim3A_1 : memref<400x128xf32, #tpu.memory_space<vmem>>[vector<16xi32>, vector<16xi32>], vector<16xf32>,
      %get3A_420 = arith.constant 336 : index
      %get3A_421 = tpu.vector_load %arg12[%get3A_420] {strides = array<i32>} : memref<400xi32, #tpu.memory_space<vmem>>, vector<16xi32>,
      %add3A_422 = arith.constant 336 : i32
      %add3A_423 = vector.broadcast %add3A_422 : i32 to vector<16xi32>
      %add3A_424 = arith.addi %add3A_423, %iota3A : vector<16xi32>
      tpu.vector_store_idx %arg14[%add3A_424, %get3A_421], %broadcast_in_dim3A_1 : memref<400x128xf32, #tpu.memory_space<vmem>>[vector<16xi32>, vector<16xi32>], vector<16xf32>,
      %get3A_425 = arith.constant 352 : index
      %get3A_426 = tpu.vector_load %arg12[%get3A_425] {strides = array<i32>} : memref<400xi32, #tpu.memory_space<vmem>>, vector<16xi32>,
      %add3A_427 = arith.constant 352 : i32
      %add3A_428 = vector.broadcast %add3A_427 : i32 to vector<16xi32>
      %add3A_429 = arith.addi %add3A_428, %iota3A : vector<16xi32>
      tpu.vector_store_idx %arg14[%add3A_429, %get3A_426], %broadcast_in_dim3A_1 : memref<400x128xf32, #tpu.memory_space<vmem>>[vector<16xi32>, vector<16xi32>], vector<16xf32>,
      %get3A_430 = arith.constant 368 : index
      %get3A_431 = tpu.vector_load %arg12[%get3A_430] {strides = array<i32>} : memref<400xi32, #tpu.memory_space<vmem>>, vector<16xi32>,
      %add3A_432 = arith.constant 368 : i32
      %add3A_433 = vector.broadcast %add3A_432 : i32 to vector<16xi32>
      %add3A_434 = arith.addi %add3A_433, %iota3A : vector<16xi32>
      tpu.vector_store_idx %arg14[%add3A_434, %get3A_431], %broadcast_in_dim3A_1 : memref<400x128xf32, #tpu.memory_space<vmem>>[vector<16xi32>, vector<16xi32>], vector<16xf32>,
      %get3A_435 = arith.constant 384 : index
      %get3A_436 = tpu.vector_load %arg12[%get3A_435] {strides = array<i32>} : memref<400xi32, #tpu.memory_space<vmem>>, vector<16xi32>,
      %add3A_437 = arith.constant 384 : i32
      %add3A_438 = vector.broadcast %add3A_437 : i32 to vector<16xi32>
      %add3A_439 = arith.addi %add3A_438, %iota3A : vector<16xi32>
      tpu.vector_store_idx %arg14[%add3A_439, %get3A_436], %broadcast_in_dim3A_1 : memref<400x128xf32, #tpu.memory_space<vmem>>[vector<16xi32>, vector<16xi32>], vector<16xf32>,
      %mul3A_440 = arith.constant 400 : i32
      %mul3A_441 = arith.muli %add3A_167, %mul3A_440 : i32
      %dma_start3A = arith.constant 0 : i32
      %dma_start3A_442 = tpu.memref_slice %arg4[%mul3A_441, %dma_start3A] : memref<100000x128xf32, #tpu.memory_space<hbm>> -> memref<400x128xf32, #tpu.memory_space<hbm>>
      %dma_start3A_443 = arith.constant 0 : i32
      %dma_start3A_444 = tpu.memref_slice %arg4[%mul3A_441, %dma_start3A_443] : memref<100000x128xf32, #tpu.memory_space<hbm>> -> memref<400x128xf32, #tpu.memory_space<hbm>>
      tpu.enqueue_dma source(%arg14 : memref<400x128xf32, #tpu.memory_space<vmem>>) target(%dma_start3A_444 : memref<400x128xf32, #tpu.memory_space<hbm>>) target_semaphore(%arg17 : memref<!tpu.dma_semaphore, #tpu.memory_space<semaphore_mem>>)
    } else {
    }
    %dma_wait3A = arith.constant 0 : i32
    %dma_wait3A_173 = arith.constant 0 : i32
    %dma_wait3A_174 = tpu.memref_slice %arg4[%dma_wait3A, %dma_wait3A_173] : memref<100000x128xf32, #tpu.memory_space<hbm>> -> memref<400x128xf32, #tpu.memory_space<hbm>>
    %dma_wait3A_175 = arith.constant 0 : i32
    %dma_wait3A_176 = arith.constant 0 : i32
    %dma_wait3A_177 = tpu.memref_slice %arg4[%dma_wait3A_175, %dma_wait3A_176] : memref<100000x128xf32, #tpu.memory_space<hbm>> -> memref<400x128xf32, #tpu.memory_space<hbm>>
    tpu.wait_dma2 semaphore(%arg16 : memref<!tpu.dma_semaphore, #tpu.memory_space<semaphore_mem>>) src(%arg13 : memref<400x128xf32, #tpu.memory_space<vmem>>) dst(%dma_wait3A_177 : memref<400x128xf32, #tpu.memory_space<hbm>>)
    %dma_wait3A_178 = arith.constant 0 : i32
    %dma_wait3A_179 = arith.constant 0 : i32
    %dma_wait3A_180 = tpu.memref_slice %arg4[%dma_wait3A_178, %dma_wait3A_179] : memref<100000x128xf32, #tpu.memory_space<hbm>> -> memref<400x128xf32, #tpu.memory_space<hbm>>
    %dma_wait3A_181 = arith.constant 0 : i32
    %dma_wait3A_182 = arith.constant 0 : i32
    %dma_wait3A_183 = tpu.memref_slice %arg4[%dma_wait3A_181, %dma_wait3A_182] : memref<100000x128xf32, #tpu.memory_space<hbm>> -> memref<400x128xf32, #tpu.memory_space<hbm>>
    tpu.wait_dma2 semaphore(%arg17 : memref<!tpu.dma_semaphore, #tpu.memory_space<semaphore_mem>>) src(%arg14 : memref<400x128xf32, #tpu.memory_space<vmem>>) dst(%dma_wait3A_183 : memref<400x128xf32, #tpu.memory_space<hbm>>)
    return
  }
}

module attributes {stable_mosaic.version = 14 : i64} {
  func.func @_onehot_tc_body(%arg0: i32, %arg1: memref<64x128xi32, #tpu.memory_space<vmem>>, %arg2: memref<8192x128xf32, #tpu.memory_space<vmem>>) attributes {dimension_semantics = [#tpu.dimension_semantics<arbitrary>], iteration_bounds = array<i64: 13>, scalar_prefetch = 0 : i64, scratch_operands = 0 : i64, tpu.core_type = #tpu.core_type<tc>, window_params = [{transform_indices = @transform_0, window_bounds = array<i64: 64, 128>}, {transform_indices = @transform_1, window_bounds = array<i64: 8192, 128>}]} {
    %get3A = arith.constant 0 : index
    %get3A_0 = arith.constant 0 : index
    %get3A_1 = vector.load %arg1[%get3A, %get3A_0] : memref<64x128xi32, #tpu.memory_space<vmem>>, vector<64x128xi32>
    %iota3A = tpu.iota {dimensions = array<i32: 0>} : vector<128x128xi32>
    %slice3A = vector.extract_strided_slice %get3A_1 {offsets = [0, 0], sizes = [1, 128], strides = [1, 1]} : vector<64x128xi32> to vector<1x128xi32>
    %eq3A = vector.broadcast %slice3A : vector<1x128xi32> to vector<128x128xi32>
    %eq3A_2 = arith.cmpi eq, %iota3A, %eq3A : vector<128x128xi32>
    %convert_element_type3A = arith.extui %eq3A_2 : vector<128x128xi1> to vector<128x128xi32>
    %convert_element_type3A_3 = arith.sitofp %convert_element_type3A : vector<128x128xi32> to vector<128x128xf32>
    %transpose3A = tpu.transpose %convert_element_type3A_3, [1, 0] : vector<128x128xf32> -> vector<128x128xf32>
    %swap3A = arith.constant 0 : index
    %swap3A_4 = arith.constant 0 : index
    %swap3A_5 = vector.load %arg2[%swap3A, %swap3A_4] : memref<8192x128xf32, #tpu.memory_space<vmem>>, vector<128x128xf32>
    tpu.vector_store %arg2[%swap3A, %swap3A_4], %transpose3A {strides = array<i32>} : memref<8192x128xf32, #tpu.memory_space<vmem>>, vector<128x128xf32>,
    %slice3A_6 = vector.extract_strided_slice %get3A_1 {offsets = [1, 0], sizes = [1, 128], strides = [1, 1]} : vector<64x128xi32> to vector<1x128xi32>
    %eq3A_7 = vector.broadcast %slice3A_6 : vector<1x128xi32> to vector<128x128xi32>
    %eq3A_8 = arith.cmpi eq, %iota3A, %eq3A_7 : vector<128x128xi32>
    %convert_element_type3A_9 = arith.extui %eq3A_8 : vector<128x128xi1> to vector<128x128xi32>
    %convert_element_type3A_10 = arith.sitofp %convert_element_type3A_9 : vector<128x128xi32> to vector<128x128xf32>
    %transpose3A_11 = tpu.transpose %convert_element_type3A_10, [1, 0] : vector<128x128xf32> -> vector<128x128xf32>
    %swap3A_12 = arith.constant 128 : index
    %swap3A_13 = arith.constant 0 : index
    %swap3A_14 = vector.load %arg2[%swap3A_12, %swap3A_13] : memref<8192x128xf32, #tpu.memory_space<vmem>>, vector<128x128xf32>
    tpu.vector_store %arg2[%swap3A_12, %swap3A_13], %transpose3A_11 {strides = array<i32>} : memref<8192x128xf32, #tpu.memory_space<vmem>>, vector<128x128xf32>,
    %slice3A_15 = vector.extract_strided_slice %get3A_1 {offsets = [2, 0], sizes = [1, 128], strides = [1, 1]} : vector<64x128xi32> to vector<1x128xi32>
    %eq3A_16 = vector.broadcast %slice3A_15 : vector<1x128xi32> to vector<128x128xi32>
    %eq3A_17 = arith.cmpi eq, %iota3A, %eq3A_16 : vector<128x128xi32>
    %convert_element_type3A_18 = arith.extui %eq3A_17 : vector<128x128xi1> to vector<128x128xi32>
    %convert_element_type3A_19 = arith.sitofp %convert_element_type3A_18 : vector<128x128xi32> to vector<128x128xf32>
    %transpose3A_20 = tpu.transpose %convert_element_type3A_19, [1, 0] : vector<128x128xf32> -> vector<128x128xf32>
    %swap3A_21 = arith.constant 256 : index
    %swap3A_22 = arith.constant 0 : index
    %swap3A_23 = vector.load %arg2[%swap3A_21, %swap3A_22] : memref<8192x128xf32, #tpu.memory_space<vmem>>, vector<128x128xf32>
    tpu.vector_store %arg2[%swap3A_21, %swap3A_22], %transpose3A_20 {strides = array<i32>} : memref<8192x128xf32, #tpu.memory_space<vmem>>, vector<128x128xf32>,
    %slice3A_24 = vector.extract_strided_slice %get3A_1 {offsets = [3, 0], sizes = [1, 128], strides = [1, 1]} : vector<64x128xi32> to vector<1x128xi32>
    %eq3A_25 = vector.broadcast %slice3A_24 : vector<1x128xi32> to vector<128x128xi32>
    %eq3A_26 = arith.cmpi eq, %iota3A, %eq3A_25 : vector<128x128xi32>
    %convert_element_type3A_27 = arith.extui %eq3A_26 : vector<128x128xi1> to vector<128x128xi32>
    %convert_element_type3A_28 = arith.sitofp %convert_element_type3A_27 : vector<128x128xi32> to vector<128x128xf32>
    %transpose3A_29 = tpu.transpose %convert_element_type3A_28, [1, 0] : vector<128x128xf32> -> vector<128x128xf32>
    %swap3A_30 = arith.constant 384 : index
    %swap3A_31 = arith.constant 0 : index
    %swap3A_32 = vector.load %arg2[%swap3A_30, %swap3A_31] : memref<8192x128xf32, #tpu.memory_space<vmem>>, vector<128x128xf32>
    tpu.vector_store %arg2[%swap3A_30, %swap3A_31], %transpose3A_29 {strides = array<i32>} : memref<8192x128xf32, #tpu.memory_space<vmem>>, vector<128x128xf32>,
    %slice3A_33 = vector.extract_strided_slice %get3A_1 {offsets = [4, 0], sizes = [1, 128], strides = [1, 1]} : vector<64x128xi32> to vector<1x128xi32>
    %eq3A_34 = vector.broadcast %slice3A_33 : vector<1x128xi32> to vector<128x128xi32>
    %eq3A_35 = arith.cmpi eq, %iota3A, %eq3A_34 : vector<128x128xi32>
    %convert_element_type3A_36 = arith.extui %eq3A_35 : vector<128x128xi1> to vector<128x128xi32>
    %convert_element_type3A_37 = arith.sitofp %convert_element_type3A_36 : vector<128x128xi32> to vector<128x128xf32>
    %transpose3A_38 = tpu.transpose %convert_element_type3A_37, [1, 0] : vector<128x128xf32> -> vector<128x128xf32>
    %swap3A_39 = arith.constant 512 : index
    %swap3A_40 = arith.constant 0 : index
    %swap3A_41 = vector.load %arg2[%swap3A_39, %swap3A_40] : memref<8192x128xf32, #tpu.memory_space<vmem>>, vector<128x128xf32>
    tpu.vector_store %arg2[%swap3A_39, %swap3A_40], %transpose3A_38 {strides = array<i32>} : memref<8192x128xf32, #tpu.memory_space<vmem>>, vector<128x128xf32>,
    %slice3A_42 = vector.extract_strided_slice %get3A_1 {offsets = [5, 0], sizes = [1, 128], strides = [1, 1]} : vector<64x128xi32> to vector<1x128xi32>
    %eq3A_43 = vector.broadcast %slice3A_42 : vector<1x128xi32> to vector<128x128xi32>
    %eq3A_44 = arith.cmpi eq, %iota3A, %eq3A_43 : vector<128x128xi32>
    %convert_element_type3A_45 = arith.extui %eq3A_44 : vector<128x128xi1> to vector<128x128xi32>
    %convert_element_type3A_46 = arith.sitofp %convert_element_type3A_45 : vector<128x128xi32> to vector<128x128xf32>
    %transpose3A_47 = tpu.transpose %convert_element_type3A_46, [1, 0] : vector<128x128xf32> -> vector<128x128xf32>
    %swap3A_48 = arith.constant 640 : index
    %swap3A_49 = arith.constant 0 : index
    %swap3A_50 = vector.load %arg2[%swap3A_48, %swap3A_49] : memref<8192x128xf32, #tpu.memory_space<vmem>>, vector<128x128xf32>
    tpu.vector_store %arg2[%swap3A_48, %swap3A_49], %transpose3A_47 {strides = array<i32>} : memref<8192x128xf32, #tpu.memory_space<vmem>>, vector<128x128xf32>,
    %slice3A_51 = vector.extract_strided_slice %get3A_1 {offsets = [6, 0], sizes = [1, 128], strides = [1, 1]} : vector<64x128xi32> to vector<1x128xi32>
    %eq3A_52 = vector.broadcast %slice3A_51 : vector<1x128xi32> to vector<128x128xi32>
    %eq3A_53 = arith.cmpi eq, %iota3A, %eq3A_52 : vector<128x128xi32>
    %convert_element_type3A_54 = arith.extui %eq3A_53 : vector<128x128xi1> to vector<128x128xi32>
    %convert_element_type3A_55 = arith.sitofp %convert_element_type3A_54 : vector<128x128xi32> to vector<128x128xf32>
    %transpose3A_56 = tpu.transpose %convert_element_type3A_55, [1, 0] : vector<128x128xf32> -> vector<128x128xf32>
    %swap3A_57 = arith.constant 768 : index
    %swap3A_58 = arith.constant 0 : index
    %swap3A_59 = vector.load %arg2[%swap3A_57, %swap3A_58] : memref<8192x128xf32, #tpu.memory_space<vmem>>, vector<128x128xf32>
    tpu.vector_store %arg2[%swap3A_57, %swap3A_58], %transpose3A_56 {strides = array<i32>} : memref<8192x128xf32, #tpu.memory_space<vmem>>, vector<128x128xf32>,
    %slice3A_60 = vector.extract_strided_slice %get3A_1 {offsets = [7, 0], sizes = [1, 128], strides = [1, 1]} : vector<64x128xi32> to vector<1x128xi32>
    %eq3A_61 = vector.broadcast %slice3A_60 : vector<1x128xi32> to vector<128x128xi32>
    %eq3A_62 = arith.cmpi eq, %iota3A, %eq3A_61 : vector<128x128xi32>
    %convert_element_type3A_63 = arith.extui %eq3A_62 : vector<128x128xi1> to vector<128x128xi32>
    %convert_element_type3A_64 = arith.sitofp %convert_element_type3A_63 : vector<128x128xi32> to vector<128x128xf32>
    %transpose3A_65 = tpu.transpose %convert_element_type3A_64, [1, 0] : vector<128x128xf32> -> vector<128x128xf32>
    %swap3A_66 = arith.constant 896 : index
    %swap3A_67 = arith.constant 0 : index
    %swap3A_68 = vector.load %arg2[%swap3A_66, %swap3A_67] : memref<8192x128xf32, #tpu.memory_space<vmem>>, vector<128x128xf32>
    tpu.vector_store %arg2[%swap3A_66, %swap3A_67], %transpose3A_65 {strides = array<i32>} : memref<8192x128xf32, #tpu.memory_space<vmem>>, vector<128x128xf32>,
    %slice3A_69 = vector.extract_strided_slice %get3A_1 {offsets = [8, 0], sizes = [1, 128], strides = [1, 1]} : vector<64x128xi32> to vector<1x128xi32>
    %eq3A_70 = vector.broadcast %slice3A_69 : vector<1x128xi32> to vector<128x128xi32>
    %eq3A_71 = arith.cmpi eq, %iota3A, %eq3A_70 : vector<128x128xi32>
    %convert_element_type3A_72 = arith.extui %eq3A_71 : vector<128x128xi1> to vector<128x128xi32>
    %convert_element_type3A_73 = arith.sitofp %convert_element_type3A_72 : vector<128x128xi32> to vector<128x128xf32>
    %transpose3A_74 = tpu.transpose %convert_element_type3A_73, [1, 0] : vector<128x128xf32> -> vector<128x128xf32>
    %swap3A_75 = arith.constant 1024 : index
    %swap3A_76 = arith.constant 0 : index
    %swap3A_77 = vector.load %arg2[%swap3A_75, %swap3A_76] : memref<8192x128xf32, #tpu.memory_space<vmem>>, vector<128x128xf32>
    tpu.vector_store %arg2[%swap3A_75, %swap3A_76], %transpose3A_74 {strides = array<i32>} : memref<8192x128xf32, #tpu.memory_space<vmem>>, vector<128x128xf32>,
    %slice3A_78 = vector.extract_strided_slice %get3A_1 {offsets = [9, 0], sizes = [1, 128], strides = [1, 1]} : vector<64x128xi32> to vector<1x128xi32>
    %eq3A_79 = vector.broadcast %slice3A_78 : vector<1x128xi32> to vector<128x128xi32>
    %eq3A_80 = arith.cmpi eq, %iota3A, %eq3A_79 : vector<128x128xi32>
    %convert_element_type3A_81 = arith.extui %eq3A_80 : vector<128x128xi1> to vector<128x128xi32>
    %convert_element_type3A_82 = arith.sitofp %convert_element_type3A_81 : vector<128x128xi32> to vector<128x128xf32>
    %transpose3A_83 = tpu.transpose %convert_element_type3A_82, [1, 0] : vector<128x128xf32> -> vector<128x128xf32>
    %swap3A_84 = arith.constant 1152 : index
    %swap3A_85 = arith.constant 0 : index
    %swap3A_86 = vector.load %arg2[%swap3A_84, %swap3A_85] : memref<8192x128xf32, #tpu.memory_space<vmem>>, vector<128x128xf32>
    tpu.vector_store %arg2[%swap3A_84, %swap3A_85], %transpose3A_83 {strides = array<i32>} : memref<8192x128xf32, #tpu.memory_space<vmem>>, vector<128x128xf32>,
    %slice3A_87 = vector.extract_strided_slice %get3A_1 {offsets = [10, 0], sizes = [1, 128], strides = [1, 1]} : vector<64x128xi32> to vector<1x128xi32>
    %eq3A_88 = vector.broadcast %slice3A_87 : vector<1x128xi32> to vector<128x128xi32>
    %eq3A_89 = arith.cmpi eq, %iota3A, %eq3A_88 : vector<128x128xi32>
    %convert_element_type3A_90 = arith.extui %eq3A_89 : vector<128x128xi1> to vector<128x128xi32>
    %convert_element_type3A_91 = arith.sitofp %convert_element_type3A_90 : vector<128x128xi32> to vector<128x128xf32>
    %transpose3A_92 = tpu.transpose %convert_element_type3A_91, [1, 0] : vector<128x128xf32> -> vector<128x128xf32>
    %swap3A_93 = arith.constant 1280 : index
    %swap3A_94 = arith.constant 0 : index
    %swap3A_95 = vector.load %arg2[%swap3A_93, %swap3A_94] : memref<8192x128xf32, #tpu.memory_space<vmem>>, vector<128x128xf32>
    tpu.vector_store %arg2[%swap3A_93, %swap3A_94], %transpose3A_92 {strides = array<i32>} : memref<8192x128xf32, #tpu.memory_space<vmem>>, vector<128x128xf32>,
    %slice3A_96 = vector.extract_strided_slice %get3A_1 {offsets = [11, 0], sizes = [1, 128], strides = [1, 1]} : vector<64x128xi32> to vector<1x128xi32>
    %eq3A_97 = vector.broadcast %slice3A_96 : vector<1x128xi32> to vector<128x128xi32>
    %eq3A_98 = arith.cmpi eq, %iota3A, %eq3A_97 : vector<128x128xi32>
    %convert_element_type3A_99 = arith.extui %eq3A_98 : vector<128x128xi1> to vector<128x128xi32>
    %convert_element_type3A_100 = arith.sitofp %convert_element_type3A_99 : vector<128x128xi32> to vector<128x128xf32>
    %transpose3A_101 = tpu.transpose %convert_element_type3A_100, [1, 0] : vector<128x128xf32> -> vector<128x128xf32>
    %swap3A_102 = arith.constant 1408 : index
    %swap3A_103 = arith.constant 0 : index
    %swap3A_104 = vector.load %arg2[%swap3A_102, %swap3A_103] : memref<8192x128xf32, #tpu.memory_space<vmem>>, vector<128x128xf32>
    tpu.vector_store %arg2[%swap3A_102, %swap3A_103], %transpose3A_101 {strides = array<i32>} : memref<8192x128xf32, #tpu.memory_space<vmem>>, vector<128x128xf32>,
    %slice3A_105 = vector.extract_strided_slice %get3A_1 {offsets = [12, 0], sizes = [1, 128], strides = [1, 1]} : vector<64x128xi32> to vector<1x128xi32>
    %eq3A_106 = vector.broadcast %slice3A_105 : vector<1x128xi32> to vector<128x128xi32>
    %eq3A_107 = arith.cmpi eq, %iota3A, %eq3A_106 : vector<128x128xi32>
    %convert_element_type3A_108 = arith.extui %eq3A_107 : vector<128x128xi1> to vector<128x128xi32>
    %convert_element_type3A_109 = arith.sitofp %convert_element_type3A_108 : vector<128x128xi32> to vector<128x128xf32>
    %transpose3A_110 = tpu.transpose %convert_element_type3A_109, [1, 0] : vector<128x128xf32> -> vector<128x128xf32>
    %swap3A_111 = arith.constant 1536 : index
    %swap3A_112 = arith.constant 0 : index
    %swap3A_113 = vector.load %arg2[%swap3A_111, %swap3A_112] : memref<8192x128xf32, #tpu.memory_space<vmem>>, vector<128x128xf32>
    tpu.vector_store %arg2[%swap3A_111, %swap3A_112], %transpose3A_110 {strides = array<i32>} : memref<8192x128xf32, #tpu.memory_space<vmem>>, vector<128x128xf32>,
    %slice3A_114 = vector.extract_strided_slice %get3A_1 {offsets = [13, 0], sizes = [1, 128], strides = [1, 1]} : vector<64x128xi32> to vector<1x128xi32>
    %eq3A_115 = vector.broadcast %slice3A_114 : vector<1x128xi32> to vector<128x128xi32>
    %eq3A_116 = arith.cmpi eq, %iota3A, %eq3A_115 : vector<128x128xi32>
    %convert_element_type3A_117 = arith.extui %eq3A_116 : vector<128x128xi1> to vector<128x128xi32>
    %convert_element_type3A_118 = arith.sitofp %convert_element_type3A_117 : vector<128x128xi32> to vector<128x128xf32>
    %transpose3A_119 = tpu.transpose %convert_element_type3A_118, [1, 0] : vector<128x128xf32> -> vector<128x128xf32>
    %swap3A_120 = arith.constant 1664 : index
    %swap3A_121 = arith.constant 0 : index
    %swap3A_122 = vector.load %arg2[%swap3A_120, %swap3A_121] : memref<8192x128xf32, #tpu.memory_space<vmem>>, vector<128x128xf32>
    tpu.vector_store %arg2[%swap3A_120, %swap3A_121], %transpose3A_119 {strides = array<i32>} : memref<8192x128xf32, #tpu.memory_space<vmem>>, vector<128x128xf32>,
    %slice3A_123 = vector.extract_strided_slice %get3A_1 {offsets = [14, 0], sizes = [1, 128], strides = [1, 1]} : vector<64x128xi32> to vector<1x128xi32>
    %eq3A_124 = vector.broadcast %slice3A_123 : vector<1x128xi32> to vector<128x128xi32>
    %eq3A_125 = arith.cmpi eq, %iota3A, %eq3A_124 : vector<128x128xi32>
    %convert_element_type3A_126 = arith.extui %eq3A_125 : vector<128x128xi1> to vector<128x128xi32>
    %convert_element_type3A_127 = arith.sitofp %convert_element_type3A_126 : vector<128x128xi32> to vector<128x128xf32>
    %transpose3A_128 = tpu.transpose %convert_element_type3A_127, [1, 0] : vector<128x128xf32> -> vector<128x128xf32>
    %swap3A_129 = arith.constant 1792 : index
    %swap3A_130 = arith.constant 0 : index
    %swap3A_131 = vector.load %arg2[%swap3A_129, %swap3A_130] : memref<8192x128xf32, #tpu.memory_space<vmem>>, vector<128x128xf32>
    tpu.vector_store %arg2[%swap3A_129, %swap3A_130], %transpose3A_128 {strides = array<i32>} : memref<8192x128xf32, #tpu.memory_space<vmem>>, vector<128x128xf32>,
    %slice3A_132 = vector.extract_strided_slice %get3A_1 {offsets = [15, 0], sizes = [1, 128], strides = [1, 1]} : vector<64x128xi32> to vector<1x128xi32>
    %eq3A_133 = vector.broadcast %slice3A_132 : vector<1x128xi32> to vector<128x128xi32>
    %eq3A_134 = arith.cmpi eq, %iota3A, %eq3A_133 : vector<128x128xi32>
    %convert_element_type3A_135 = arith.extui %eq3A_134 : vector<128x128xi1> to vector<128x128xi32>
    %convert_element_type3A_136 = arith.sitofp %convert_element_type3A_135 : vector<128x128xi32> to vector<128x128xf32>
    %transpose3A_137 = tpu.transpose %convert_element_type3A_136, [1, 0] : vector<128x128xf32> -> vector<128x128xf32>
    %swap3A_138 = arith.constant 1920 : index
    %swap3A_139 = arith.constant 0 : index
    %swap3A_140 = vector.load %arg2[%swap3A_138, %swap3A_139] : memref<8192x128xf32, #tpu.memory_space<vmem>>, vector<128x128xf32>
    tpu.vector_store %arg2[%swap3A_138, %swap3A_139], %transpose3A_137 {strides = array<i32>} : memref<8192x128xf32, #tpu.memory_space<vmem>>, vector<128x128xf32>,
    %slice3A_141 = vector.extract_strided_slice %get3A_1 {offsets = [16, 0], sizes = [1, 128], strides = [1, 1]} : vector<64x128xi32> to vector<1x128xi32>
    %eq3A_142 = vector.broadcast %slice3A_141 : vector<1x128xi32> to vector<128x128xi32>
    %eq3A_143 = arith.cmpi eq, %iota3A, %eq3A_142 : vector<128x128xi32>
    %convert_element_type3A_144 = arith.extui %eq3A_143 : vector<128x128xi1> to vector<128x128xi32>
    %convert_element_type3A_145 = arith.sitofp %convert_element_type3A_144 : vector<128x128xi32> to vector<128x128xf32>
    %transpose3A_146 = tpu.transpose %convert_element_type3A_145, [1, 0] : vector<128x128xf32> -> vector<128x128xf32>
    %swap3A_147 = arith.constant 2048 : index
    %swap3A_148 = arith.constant 0 : index
    %swap3A_149 = vector.load %arg2[%swap3A_147, %swap3A_148] : memref<8192x128xf32, #tpu.memory_space<vmem>>, vector<128x128xf32>
    tpu.vector_store %arg2[%swap3A_147, %swap3A_148], %transpose3A_146 {strides = array<i32>} : memref<8192x128xf32, #tpu.memory_space<vmem>>, vector<128x128xf32>,
    %slice3A_150 = vector.extract_strided_slice %get3A_1 {offsets = [17, 0], sizes = [1, 128], strides = [1, 1]} : vector<64x128xi32> to vector<1x128xi32>
    %eq3A_151 = vector.broadcast %slice3A_150 : vector<1x128xi32> to vector<128x128xi32>
    %eq3A_152 = arith.cmpi eq, %iota3A, %eq3A_151 : vector<128x128xi32>
    %convert_element_type3A_153 = arith.extui %eq3A_152 : vector<128x128xi1> to vector<128x128xi32>
    %convert_element_type3A_154 = arith.sitofp %convert_element_type3A_153 : vector<128x128xi32> to vector<128x128xf32>
    %transpose3A_155 = tpu.transpose %convert_element_type3A_154, [1, 0] : vector<128x128xf32> -> vector<128x128xf32>
    %swap3A_156 = arith.constant 2176 : index
    %swap3A_157 = arith.constant 0 : index
    %swap3A_158 = vector.load %arg2[%swap3A_156, %swap3A_157] : memref<8192x128xf32, #tpu.memory_space<vmem>>, vector<128x128xf32>
    tpu.vector_store %arg2[%swap3A_156, %swap3A_157], %transpose3A_155 {strides = array<i32>} : memref<8192x128xf32, #tpu.memory_space<vmem>>, vector<128x128xf32>,
    %slice3A_159 = vector.extract_strided_slice %get3A_1 {offsets = [18, 0], sizes = [1, 128], strides = [1, 1]} : vector<64x128xi32> to vector<1x128xi32>
    %eq3A_160 = vector.broadcast %slice3A_159 : vector<1x128xi32> to vector<128x128xi32>
    %eq3A_161 = arith.cmpi eq, %iota3A, %eq3A_160 : vector<128x128xi32>
    %convert_element_type3A_162 = arith.extui %eq3A_161 : vector<128x128xi1> to vector<128x128xi32>
    %convert_element_type3A_163 = arith.sitofp %convert_element_type3A_162 : vector<128x128xi32> to vector<128x128xf32>
    %transpose3A_164 = tpu.transpose %convert_element_type3A_163, [1, 0] : vector<128x128xf32> -> vector<128x128xf32>
    %swap3A_165 = arith.constant 2304 : index
    %swap3A_166 = arith.constant 0 : index
    %swap3A_167 = vector.load %arg2[%swap3A_165, %swap3A_166] : memref<8192x128xf32, #tpu.memory_space<vmem>>, vector<128x128xf32>
    tpu.vector_store %arg2[%swap3A_165, %swap3A_166], %transpose3A_164 {strides = array<i32>} : memref<8192x128xf32, #tpu.memory_space<vmem>>, vector<128x128xf32>,
    %slice3A_168 = vector.extract_strided_slice %get3A_1 {offsets = [19, 0], sizes = [1, 128], strides = [1, 1]} : vector<64x128xi32> to vector<1x128xi32>
    %eq3A_169 = vector.broadcast %slice3A_168 : vector<1x128xi32> to vector<128x128xi32>
    %eq3A_170 = arith.cmpi eq, %iota3A, %eq3A_169 : vector<128x128xi32>
    %convert_element_type3A_171 = arith.extui %eq3A_170 : vector<128x128xi1> to vector<128x128xi32>
    %convert_element_type3A_172 = arith.sitofp %convert_element_type3A_171 : vector<128x128xi32> to vector<128x128xf32>
    %transpose3A_173 = tpu.transpose %convert_element_type3A_172, [1, 0] : vector<128x128xf32> -> vector<128x128xf32>
    %swap3A_174 = arith.constant 2432 : index
    %swap3A_175 = arith.constant 0 : index
    %swap3A_176 = vector.load %arg2[%swap3A_174, %swap3A_175] : memref<8192x128xf32, #tpu.memory_space<vmem>>, vector<128x128xf32>
    tpu.vector_store %arg2[%swap3A_174, %swap3A_175], %transpose3A_173 {strides = array<i32>} : memref<8192x128xf32, #tpu.memory_space<vmem>>, vector<128x128xf32>,
    %slice3A_177 = vector.extract_strided_slice %get3A_1 {offsets = [20, 0], sizes = [1, 128], strides = [1, 1]} : vector<64x128xi32> to vector<1x128xi32>
    %eq3A_178 = vector.broadcast %slice3A_177 : vector<1x128xi32> to vector<128x128xi32>
    %eq3A_179 = arith.cmpi eq, %iota3A, %eq3A_178 : vector<128x128xi32>
    %convert_element_type3A_180 = arith.extui %eq3A_179 : vector<128x128xi1> to vector<128x128xi32>
    %convert_element_type3A_181 = arith.sitofp %convert_element_type3A_180 : vector<128x128xi32> to vector<128x128xf32>
    %transpose3A_182 = tpu.transpose %convert_element_type3A_181, [1, 0] : vector<128x128xf32> -> vector<128x128xf32>
    %swap3A_183 = arith.constant 2560 : index
    %swap3A_184 = arith.constant 0 : index
    %swap3A_185 = vector.load %arg2[%swap3A_183, %swap3A_184] : memref<8192x128xf32, #tpu.memory_space<vmem>>, vector<128x128xf32>
    tpu.vector_store %arg2[%swap3A_183, %swap3A_184], %transpose3A_182 {strides = array<i32>} : memref<8192x128xf32, #tpu.memory_space<vmem>>, vector<128x128xf32>,
    %slice3A_186 = vector.extract_strided_slice %get3A_1 {offsets = [21, 0], sizes = [1, 128], strides = [1, 1]} : vector<64x128xi32> to vector<1x128xi32>
    %eq3A_187 = vector.broadcast %slice3A_186 : vector<1x128xi32> to vector<128x128xi32>
    %eq3A_188 = arith.cmpi eq, %iota3A, %eq3A_187 : vector<128x128xi32>
    %convert_element_type3A_189 = arith.extui %eq3A_188 : vector<128x128xi1> to vector<128x128xi32>
    %convert_element_type3A_190 = arith.sitofp %convert_element_type3A_189 : vector<128x128xi32> to vector<128x128xf32>
    %transpose3A_191 = tpu.transpose %convert_element_type3A_190, [1, 0] : vector<128x128xf32> -> vector<128x128xf32>
    %swap3A_192 = arith.constant 2688 : index
    %swap3A_193 = arith.constant 0 : index
    %swap3A_194 = vector.load %arg2[%swap3A_192, %swap3A_193] : memref<8192x128xf32, #tpu.memory_space<vmem>>, vector<128x128xf32>
    tpu.vector_store %arg2[%swap3A_192, %swap3A_193], %transpose3A_191 {strides = array<i32>} : memref<8192x128xf32, #tpu.memory_space<vmem>>, vector<128x128xf32>,
    %slice3A_195 = vector.extract_strided_slice %get3A_1 {offsets = [22, 0], sizes = [1, 128], strides = [1, 1]} : vector<64x128xi32> to vector<1x128xi32>
    %eq3A_196 = vector.broadcast %slice3A_195 : vector<1x128xi32> to vector<128x128xi32>
    %eq3A_197 = arith.cmpi eq, %iota3A, %eq3A_196 : vector<128x128xi32>
    %convert_element_type3A_198 = arith.extui %eq3A_197 : vector<128x128xi1> to vector<128x128xi32>
    %convert_element_type3A_199 = arith.sitofp %convert_element_type3A_198 : vector<128x128xi32> to vector<128x128xf32>
    %transpose3A_200 = tpu.transpose %convert_element_type3A_199, [1, 0] : vector<128x128xf32> -> vector<128x128xf32>
    %swap3A_201 = arith.constant 2816 : index
    %swap3A_202 = arith.constant 0 : index
    %swap3A_203 = vector.load %arg2[%swap3A_201, %swap3A_202] : memref<8192x128xf32, #tpu.memory_space<vmem>>, vector<128x128xf32>
    tpu.vector_store %arg2[%swap3A_201, %swap3A_202], %transpose3A_200 {strides = array<i32>} : memref<8192x128xf32, #tpu.memory_space<vmem>>, vector<128x128xf32>,
    %slice3A_204 = vector.extract_strided_slice %get3A_1 {offsets = [23, 0], sizes = [1, 128], strides = [1, 1]} : vector<64x128xi32> to vector<1x128xi32>
    %eq3A_205 = vector.broadcast %slice3A_204 : vector<1x128xi32> to vector<128x128xi32>
    %eq3A_206 = arith.cmpi eq, %iota3A, %eq3A_205 : vector<128x128xi32>
    %convert_element_type3A_207 = arith.extui %eq3A_206 : vector<128x128xi1> to vector<128x128xi32>
    %convert_element_type3A_208 = arith.sitofp %convert_element_type3A_207 : vector<128x128xi32> to vector<128x128xf32>
    %transpose3A_209 = tpu.transpose %convert_element_type3A_208, [1, 0] : vector<128x128xf32> -> vector<128x128xf32>
    %swap3A_210 = arith.constant 2944 : index
    %swap3A_211 = arith.constant 0 : index
    %swap3A_212 = vector.load %arg2[%swap3A_210, %swap3A_211] : memref<8192x128xf32, #tpu.memory_space<vmem>>, vector<128x128xf32>
    tpu.vector_store %arg2[%swap3A_210, %swap3A_211], %transpose3A_209 {strides = array<i32>} : memref<8192x128xf32, #tpu.memory_space<vmem>>, vector<128x128xf32>,
    %slice3A_213 = vector.extract_strided_slice %get3A_1 {offsets = [24, 0], sizes = [1, 128], strides = [1, 1]} : vector<64x128xi32> to vector<1x128xi32>
    %eq3A_214 = vector.broadcast %slice3A_213 : vector<1x128xi32> to vector<128x128xi32>
    %eq3A_215 = arith.cmpi eq, %iota3A, %eq3A_214 : vector<128x128xi32>
    %convert_element_type3A_216 = arith.extui %eq3A_215 : vector<128x128xi1> to vector<128x128xi32>
    %convert_element_type3A_217 = arith.sitofp %convert_element_type3A_216 : vector<128x128xi32> to vector<128x128xf32>
    %transpose3A_218 = tpu.transpose %convert_element_type3A_217, [1, 0] : vector<128x128xf32> -> vector<128x128xf32>
    %swap3A_219 = arith.constant 3072 : index
    %swap3A_220 = arith.constant 0 : index
    %swap3A_221 = vector.load %arg2[%swap3A_219, %swap3A_220] : memref<8192x128xf32, #tpu.memory_space<vmem>>, vector<128x128xf32>
    tpu.vector_store %arg2[%swap3A_219, %swap3A_220], %transpose3A_218 {strides = array<i32>} : memref<8192x128xf32, #tpu.memory_space<vmem>>, vector<128x128xf32>,
    %slice3A_222 = vector.extract_strided_slice %get3A_1 {offsets = [25, 0], sizes = [1, 128], strides = [1, 1]} : vector<64x128xi32> to vector<1x128xi32>
    %eq3A_223 = vector.broadcast %slice3A_222 : vector<1x128xi32> to vector<128x128xi32>
    %eq3A_224 = arith.cmpi eq, %iota3A, %eq3A_223 : vector<128x128xi32>
    %convert_element_type3A_225 = arith.extui %eq3A_224 : vector<128x128xi1> to vector<128x128xi32>
    %convert_element_type3A_226 = arith.sitofp %convert_element_type3A_225 : vector<128x128xi32> to vector<128x128xf32>
    %transpose3A_227 = tpu.transpose %convert_element_type3A_226, [1, 0] : vector<128x128xf32> -> vector<128x128xf32>
    %swap3A_228 = arith.constant 3200 : index
    %swap3A_229 = arith.constant 0 : index
    %swap3A_230 = vector.load %arg2[%swap3A_228, %swap3A_229] : memref<8192x128xf32, #tpu.memory_space<vmem>>, vector<128x128xf32>
    tpu.vector_store %arg2[%swap3A_228, %swap3A_229], %transpose3A_227 {strides = array<i32>} : memref<8192x128xf32, #tpu.memory_space<vmem>>, vector<128x128xf32>,
    %slice3A_231 = vector.extract_strided_slice %get3A_1 {offsets = [26, 0], sizes = [1, 128], strides = [1, 1]} : vector<64x128xi32> to vector<1x128xi32>
    %eq3A_232 = vector.broadcast %slice3A_231 : vector<1x128xi32> to vector<128x128xi32>
    %eq3A_233 = arith.cmpi eq, %iota3A, %eq3A_232 : vector<128x128xi32>
    %convert_element_type3A_234 = arith.extui %eq3A_233 : vector<128x128xi1> to vector<128x128xi32>
    %convert_element_type3A_235 = arith.sitofp %convert_element_type3A_234 : vector<128x128xi32> to vector<128x128xf32>
    %transpose3A_236 = tpu.transpose %convert_element_type3A_235, [1, 0] : vector<128x128xf32> -> vector<128x128xf32>
    %swap3A_237 = arith.constant 3328 : index
    %swap3A_238 = arith.constant 0 : index
    %swap3A_239 = vector.load %arg2[%swap3A_237, %swap3A_238] : memref<8192x128xf32, #tpu.memory_space<vmem>>, vector<128x128xf32>
    tpu.vector_store %arg2[%swap3A_237, %swap3A_238], %transpose3A_236 {strides = array<i32>} : memref<8192x128xf32, #tpu.memory_space<vmem>>, vector<128x128xf32>,
    %slice3A_240 = vector.extract_strided_slice %get3A_1 {offsets = [27, 0], sizes = [1, 128], strides = [1, 1]} : vector<64x128xi32> to vector<1x128xi32>
    %eq3A_241 = vector.broadcast %slice3A_240 : vector<1x128xi32> to vector<128x128xi32>
    %eq3A_242 = arith.cmpi eq, %iota3A, %eq3A_241 : vector<128x128xi32>
    %convert_element_type3A_243 = arith.extui %eq3A_242 : vector<128x128xi1> to vector<128x128xi32>
    %convert_element_type3A_244 = arith.sitofp %convert_element_type3A_243 : vector<128x128xi32> to vector<128x128xf32>
    %transpose3A_245 = tpu.transpose %convert_element_type3A_244, [1, 0] : vector<128x128xf32> -> vector<128x128xf32>
    %swap3A_246 = arith.constant 3456 : index
    %swap3A_247 = arith.constant 0 : index
    %swap3A_248 = vector.load %arg2[%swap3A_246, %swap3A_247] : memref<8192x128xf32, #tpu.memory_space<vmem>>, vector<128x128xf32>
    tpu.vector_store %arg2[%swap3A_246, %swap3A_247], %transpose3A_245 {strides = array<i32>} : memref<8192x128xf32, #tpu.memory_space<vmem>>, vector<128x128xf32>,
    %slice3A_249 = vector.extract_strided_slice %get3A_1 {offsets = [28, 0], sizes = [1, 128], strides = [1, 1]} : vector<64x128xi32> to vector<1x128xi32>
    %eq3A_250 = vector.broadcast %slice3A_249 : vector<1x128xi32> to vector<128x128xi32>
    %eq3A_251 = arith.cmpi eq, %iota3A, %eq3A_250 : vector<128x128xi32>
    %convert_element_type3A_252 = arith.extui %eq3A_251 : vector<128x128xi1> to vector<128x128xi32>
    %convert_element_type3A_253 = arith.sitofp %convert_element_type3A_252 : vector<128x128xi32> to vector<128x128xf32>
    %transpose3A_254 = tpu.transpose %convert_element_type3A_253, [1, 0] : vector<128x128xf32> -> vector<128x128xf32>
    %swap3A_255 = arith.constant 3584 : index
    %swap3A_256 = arith.constant 0 : index
    %swap3A_257 = vector.load %arg2[%swap3A_255, %swap3A_256] : memref<8192x128xf32, #tpu.memory_space<vmem>>, vector<128x128xf32>
    tpu.vector_store %arg2[%swap3A_255, %swap3A_256], %transpose3A_254 {strides = array<i32>} : memref<8192x128xf32, #tpu.memory_space<vmem>>, vector<128x128xf32>,
    %slice3A_258 = vector.extract_strided_slice %get3A_1 {offsets = [29, 0], sizes = [1, 128], strides = [1, 1]} : vector<64x128xi32> to vector<1x128xi32>
    %eq3A_259 = vector.broadcast %slice3A_258 : vector<1x128xi32> to vector<128x128xi32>
    %eq3A_260 = arith.cmpi eq, %iota3A, %eq3A_259 : vector<128x128xi32>
    %convert_element_type3A_261 = arith.extui %eq3A_260 : vector<128x128xi1> to vector<128x128xi32>
    %convert_element_type3A_262 = arith.sitofp %convert_element_type3A_261 : vector<128x128xi32> to vector<128x128xf32>
    %transpose3A_263 = tpu.transpose %convert_element_type3A_262, [1, 0] : vector<128x128xf32> -> vector<128x128xf32>
    %swap3A_264 = arith.constant 3712 : index
    %swap3A_265 = arith.constant 0 : index
    %swap3A_266 = vector.load %arg2[%swap3A_264, %swap3A_265] : memref<8192x128xf32, #tpu.memory_space<vmem>>, vector<128x128xf32>
    tpu.vector_store %arg2[%swap3A_264, %swap3A_265], %transpose3A_263 {strides = array<i32>} : memref<8192x128xf32, #tpu.memory_space<vmem>>, vector<128x128xf32>,
    %slice3A_267 = vector.extract_strided_slice %get3A_1 {offsets = [30, 0], sizes = [1, 128], strides = [1, 1]} : vector<64x128xi32> to vector<1x128xi32>
    %eq3A_268 = vector.broadcast %slice3A_267 : vector<1x128xi32> to vector<128x128xi32>
    %eq3A_269 = arith.cmpi eq, %iota3A, %eq3A_268 : vector<128x128xi32>
    %convert_element_type3A_270 = arith.extui %eq3A_269 : vector<128x128xi1> to vector<128x128xi32>
    %convert_element_type3A_271 = arith.sitofp %convert_element_type3A_270 : vector<128x128xi32> to vector<128x128xf32>
    %transpose3A_272 = tpu.transpose %convert_element_type3A_271, [1, 0] : vector<128x128xf32> -> vector<128x128xf32>
    %swap3A_273 = arith.constant 3840 : index
    %swap3A_274 = arith.constant 0 : index
    %swap3A_275 = vector.load %arg2[%swap3A_273, %swap3A_274] : memref<8192x128xf32, #tpu.memory_space<vmem>>, vector<128x128xf32>
    tpu.vector_store %arg2[%swap3A_273, %swap3A_274], %transpose3A_272 {strides = array<i32>} : memref<8192x128xf32, #tpu.memory_space<vmem>>, vector<128x128xf32>,
    %slice3A_276 = vector.extract_strided_slice %get3A_1 {offsets = [31, 0], sizes = [1, 128], strides = [1, 1]} : vector<64x128xi32> to vector<1x128xi32>
    %eq3A_277 = vector.broadcast %slice3A_276 : vector<1x128xi32> to vector<128x128xi32>
    %eq3A_278 = arith.cmpi eq, %iota3A, %eq3A_277 : vector<128x128xi32>
    %convert_element_type3A_279 = arith.extui %eq3A_278 : vector<128x128xi1> to vector<128x128xi32>
    %convert_element_type3A_280 = arith.sitofp %convert_element_type3A_279 : vector<128x128xi32> to vector<128x128xf32>
    %transpose3A_281 = tpu.transpose %convert_element_type3A_280, [1, 0] : vector<128x128xf32> -> vector<128x128xf32>
    %swap3A_282 = arith.constant 3968 : index
    %swap3A_283 = arith.constant 0 : index
    %swap3A_284 = vector.load %arg2[%swap3A_282, %swap3A_283] : memref<8192x128xf32, #tpu.memory_space<vmem>>, vector<128x128xf32>
    tpu.vector_store %arg2[%swap3A_282, %swap3A_283], %transpose3A_281 {strides = array<i32>} : memref<8192x128xf32, #tpu.memory_space<vmem>>, vector<128x128xf32>,
    %slice3A_285 = vector.extract_strided_slice %get3A_1 {offsets = [32, 0], sizes = [1, 128], strides = [1, 1]} : vector<64x128xi32> to vector<1x128xi32>
    %eq3A_286 = vector.broadcast %slice3A_285 : vector<1x128xi32> to vector<128x128xi32>
    %eq3A_287 = arith.cmpi eq, %iota3A, %eq3A_286 : vector<128x128xi32>
    %convert_element_type3A_288 = arith.extui %eq3A_287 : vector<128x128xi1> to vector<128x128xi32>
    %convert_element_type3A_289 = arith.sitofp %convert_element_type3A_288 : vector<128x128xi32> to vector<128x128xf32>
    %transpose3A_290 = tpu.transpose %convert_element_type3A_289, [1, 0] : vector<128x128xf32> -> vector<128x128xf32>
    %swap3A_291 = arith.constant 4096 : index
    %swap3A_292 = arith.constant 0 : index
    %swap3A_293 = vector.load %arg2[%swap3A_291, %swap3A_292] : memref<8192x128xf32, #tpu.memory_space<vmem>>, vector<128x128xf32>
    tpu.vector_store %arg2[%swap3A_291, %swap3A_292], %transpose3A_290 {strides = array<i32>} : memref<8192x128xf32, #tpu.memory_space<vmem>>, vector<128x128xf32>,
    %slice3A_294 = vector.extract_strided_slice %get3A_1 {offsets = [33, 0], sizes = [1, 128], strides = [1, 1]} : vector<64x128xi32> to vector<1x128xi32>
    %eq3A_295 = vector.broadcast %slice3A_294 : vector<1x128xi32> to vector<128x128xi32>
    %eq3A_296 = arith.cmpi eq, %iota3A, %eq3A_295 : vector<128x128xi32>
    %convert_element_type3A_297 = arith.extui %eq3A_296 : vector<128x128xi1> to vector<128x128xi32>
    %convert_element_type3A_298 = arith.sitofp %convert_element_type3A_297 : vector<128x128xi32> to vector<128x128xf32>
    %transpose3A_299 = tpu.transpose %convert_element_type3A_298, [1, 0] : vector<128x128xf32> -> vector<128x128xf32>
    %swap3A_300 = arith.constant 4224 : index
    %swap3A_301 = arith.constant 0 : index
    %swap3A_302 = vector.load %arg2[%swap3A_300, %swap3A_301] : memref<8192x128xf32, #tpu.memory_space<vmem>>, vector<128x128xf32>
    tpu.vector_store %arg2[%swap3A_300, %swap3A_301], %transpose3A_299 {strides = array<i32>} : memref<8192x128xf32, #tpu.memory_space<vmem>>, vector<128x128xf32>,
    %slice3A_303 = vector.extract_strided_slice %get3A_1 {offsets = [34, 0], sizes = [1, 128], strides = [1, 1]} : vector<64x128xi32> to vector<1x128xi32>
    %eq3A_304 = vector.broadcast %slice3A_303 : vector<1x128xi32> to vector<128x128xi32>
    %eq3A_305 = arith.cmpi eq, %iota3A, %eq3A_304 : vector<128x128xi32>
    %convert_element_type3A_306 = arith.extui %eq3A_305 : vector<128x128xi1> to vector<128x128xi32>
    %convert_element_type3A_307 = arith.sitofp %convert_element_type3A_306 : vector<128x128xi32> to vector<128x128xf32>
    %transpose3A_308 = tpu.transpose %convert_element_type3A_307, [1, 0] : vector<128x128xf32> -> vector<128x128xf32>
    %swap3A_309 = arith.constant 4352 : index
    %swap3A_310 = arith.constant 0 : index
    %swap3A_311 = vector.load %arg2[%swap3A_309, %swap3A_310] : memref<8192x128xf32, #tpu.memory_space<vmem>>, vector<128x128xf32>
    tpu.vector_store %arg2[%swap3A_309, %swap3A_310], %transpose3A_308 {strides = array<i32>} : memref<8192x128xf32, #tpu.memory_space<vmem>>, vector<128x128xf32>,
    %slice3A_312 = vector.extract_strided_slice %get3A_1 {offsets = [35, 0], sizes = [1, 128], strides = [1, 1]} : vector<64x128xi32> to vector<1x128xi32>
    %eq3A_313 = vector.broadcast %slice3A_312 : vector<1x128xi32> to vector<128x128xi32>
    %eq3A_314 = arith.cmpi eq, %iota3A, %eq3A_313 : vector<128x128xi32>
    %convert_element_type3A_315 = arith.extui %eq3A_314 : vector<128x128xi1> to vector<128x128xi32>
    %convert_element_type3A_316 = arith.sitofp %convert_element_type3A_315 : vector<128x128xi32> to vector<128x128xf32>
    %transpose3A_317 = tpu.transpose %convert_element_type3A_316, [1, 0] : vector<128x128xf32> -> vector<128x128xf32>
    %swap3A_318 = arith.constant 4480 : index
    %swap3A_319 = arith.constant 0 : index
    %swap3A_320 = vector.load %arg2[%swap3A_318, %swap3A_319] : memref<8192x128xf32, #tpu.memory_space<vmem>>, vector<128x128xf32>
    tpu.vector_store %arg2[%swap3A_318, %swap3A_319], %transpose3A_317 {strides = array<i32>} : memref<8192x128xf32, #tpu.memory_space<vmem>>, vector<128x128xf32>,
    %slice3A_321 = vector.extract_strided_slice %get3A_1 {offsets = [36, 0], sizes = [1, 128], strides = [1, 1]} : vector<64x128xi32> to vector<1x128xi32>
    %eq3A_322 = vector.broadcast %slice3A_321 : vector<1x128xi32> to vector<128x128xi32>
    %eq3A_323 = arith.cmpi eq, %iota3A, %eq3A_322 : vector<128x128xi32>
    %convert_element_type3A_324 = arith.extui %eq3A_323 : vector<128x128xi1> to vector<128x128xi32>
    %convert_element_type3A_325 = arith.sitofp %convert_element_type3A_324 : vector<128x128xi32> to vector<128x128xf32>
    %transpose3A_326 = tpu.transpose %convert_element_type3A_325, [1, 0] : vector<128x128xf32> -> vector<128x128xf32>
    %swap3A_327 = arith.constant 4608 : index
    %swap3A_328 = arith.constant 0 : index
    %swap3A_329 = vector.load %arg2[%swap3A_327, %swap3A_328] : memref<8192x128xf32, #tpu.memory_space<vmem>>, vector<128x128xf32>
    tpu.vector_store %arg2[%swap3A_327, %swap3A_328], %transpose3A_326 {strides = array<i32>} : memref<8192x128xf32, #tpu.memory_space<vmem>>, vector<128x128xf32>,
    %slice3A_330 = vector.extract_strided_slice %get3A_1 {offsets = [37, 0], sizes = [1, 128], strides = [1, 1]} : vector<64x128xi32> to vector<1x128xi32>
    %eq3A_331 = vector.broadcast %slice3A_330 : vector<1x128xi32> to vector<128x128xi32>
    %eq3A_332 = arith.cmpi eq, %iota3A, %eq3A_331 : vector<128x128xi32>
    %convert_element_type3A_333 = arith.extui %eq3A_332 : vector<128x128xi1> to vector<128x128xi32>
    %convert_element_type3A_334 = arith.sitofp %convert_element_type3A_333 : vector<128x128xi32> to vector<128x128xf32>
    %transpose3A_335 = tpu.transpose %convert_element_type3A_334, [1, 0] : vector<128x128xf32> -> vector<128x128xf32>
    %swap3A_336 = arith.constant 4736 : index
    %swap3A_337 = arith.constant 0 : index
    %swap3A_338 = vector.load %arg2[%swap3A_336, %swap3A_337] : memref<8192x128xf32, #tpu.memory_space<vmem>>, vector<128x128xf32>
    tpu.vector_store %arg2[%swap3A_336, %swap3A_337], %transpose3A_335 {strides = array<i32>} : memref<8192x128xf32, #tpu.memory_space<vmem>>, vector<128x128xf32>,
    %slice3A_339 = vector.extract_strided_slice %get3A_1 {offsets = [38, 0], sizes = [1, 128], strides = [1, 1]} : vector<64x128xi32> to vector<1x128xi32>
    %eq3A_340 = vector.broadcast %slice3A_339 : vector<1x128xi32> to vector<128x128xi32>
    %eq3A_341 = arith.cmpi eq, %iota3A, %eq3A_340 : vector<128x128xi32>
    %convert_element_type3A_342 = arith.extui %eq3A_341 : vector<128x128xi1> to vector<128x128xi32>
    %convert_element_type3A_343 = arith.sitofp %convert_element_type3A_342 : vector<128x128xi32> to vector<128x128xf32>
    %transpose3A_344 = tpu.transpose %convert_element_type3A_343, [1, 0] : vector<128x128xf32> -> vector<128x128xf32>
    %swap3A_345 = arith.constant 4864 : index
    %swap3A_346 = arith.constant 0 : index
    %swap3A_347 = vector.load %arg2[%swap3A_345, %swap3A_346] : memref<8192x128xf32, #tpu.memory_space<vmem>>, vector<128x128xf32>
    tpu.vector_store %arg2[%swap3A_345, %swap3A_346], %transpose3A_344 {strides = array<i32>} : memref<8192x128xf32, #tpu.memory_space<vmem>>, vector<128x128xf32>,
    %slice3A_348 = vector.extract_strided_slice %get3A_1 {offsets = [39, 0], sizes = [1, 128], strides = [1, 1]} : vector<64x128xi32> to vector<1x128xi32>
    %eq3A_349 = vector.broadcast %slice3A_348 : vector<1x128xi32> to vector<128x128xi32>
    %eq3A_350 = arith.cmpi eq, %iota3A, %eq3A_349 : vector<128x128xi32>
    %convert_element_type3A_351 = arith.extui %eq3A_350 : vector<128x128xi1> to vector<128x128xi32>
    %convert_element_type3A_352 = arith.sitofp %convert_element_type3A_351 : vector<128x128xi32> to vector<128x128xf32>
    %transpose3A_353 = tpu.transpose %convert_element_type3A_352, [1, 0] : vector<128x128xf32> -> vector<128x128xf32>
    %swap3A_354 = arith.constant 4992 : index
    %swap3A_355 = arith.constant 0 : index
    %swap3A_356 = vector.load %arg2[%swap3A_354, %swap3A_355] : memref<8192x128xf32, #tpu.memory_space<vmem>>, vector<128x128xf32>
    tpu.vector_store %arg2[%swap3A_354, %swap3A_355], %transpose3A_353 {strides = array<i32>} : memref<8192x128xf32, #tpu.memory_space<vmem>>, vector<128x128xf32>,
    %slice3A_357 = vector.extract_strided_slice %get3A_1 {offsets = [40, 0], sizes = [1, 128], strides = [1, 1]} : vector<64x128xi32> to vector<1x128xi32>
    %eq3A_358 = vector.broadcast %slice3A_357 : vector<1x128xi32> to vector<128x128xi32>
    %eq3A_359 = arith.cmpi eq, %iota3A, %eq3A_358 : vector<128x128xi32>
    %convert_element_type3A_360 = arith.extui %eq3A_359 : vector<128x128xi1> to vector<128x128xi32>
    %convert_element_type3A_361 = arith.sitofp %convert_element_type3A_360 : vector<128x128xi32> to vector<128x128xf32>
    %transpose3A_362 = tpu.transpose %convert_element_type3A_361, [1, 0] : vector<128x128xf32> -> vector<128x128xf32>
    %swap3A_363 = arith.constant 5120 : index
    %swap3A_364 = arith.constant 0 : index
    %swap3A_365 = vector.load %arg2[%swap3A_363, %swap3A_364] : memref<8192x128xf32, #tpu.memory_space<vmem>>, vector<128x128xf32>
    tpu.vector_store %arg2[%swap3A_363, %swap3A_364], %transpose3A_362 {strides = array<i32>} : memref<8192x128xf32, #tpu.memory_space<vmem>>, vector<128x128xf32>,
    %slice3A_366 = vector.extract_strided_slice %get3A_1 {offsets = [41, 0], sizes = [1, 128], strides = [1, 1]} : vector<64x128xi32> to vector<1x128xi32>
    %eq3A_367 = vector.broadcast %slice3A_366 : vector<1x128xi32> to vector<128x128xi32>
    %eq3A_368 = arith.cmpi eq, %iota3A, %eq3A_367 : vector<128x128xi32>
    %convert_element_type3A_369 = arith.extui %eq3A_368 : vector<128x128xi1> to vector<128x128xi32>
    %convert_element_type3A_370 = arith.sitofp %convert_element_type3A_369 : vector<128x128xi32> to vector<128x128xf32>
    %transpose3A_371 = tpu.transpose %convert_element_type3A_370, [1, 0] : vector<128x128xf32> -> vector<128x128xf32>
    %swap3A_372 = arith.constant 5248 : index
    %swap3A_373 = arith.constant 0 : index
    %swap3A_374 = vector.load %arg2[%swap3A_372, %swap3A_373] : memref<8192x128xf32, #tpu.memory_space<vmem>>, vector<128x128xf32>
    tpu.vector_store %arg2[%swap3A_372, %swap3A_373], %transpose3A_371 {strides = array<i32>} : memref<8192x128xf32, #tpu.memory_space<vmem>>, vector<128x128xf32>,
    %slice3A_375 = vector.extract_strided_slice %get3A_1 {offsets = [42, 0], sizes = [1, 128], strides = [1, 1]} : vector<64x128xi32> to vector<1x128xi32>
    %eq3A_376 = vector.broadcast %slice3A_375 : vector<1x128xi32> to vector<128x128xi32>
    %eq3A_377 = arith.cmpi eq, %iota3A, %eq3A_376 : vector<128x128xi32>
    %convert_element_type3A_378 = arith.extui %eq3A_377 : vector<128x128xi1> to vector<128x128xi32>
    %convert_element_type3A_379 = arith.sitofp %convert_element_type3A_378 : vector<128x128xi32> to vector<128x128xf32>
    %transpose3A_380 = tpu.transpose %convert_element_type3A_379, [1, 0] : vector<128x128xf32> -> vector<128x128xf32>
    %swap3A_381 = arith.constant 5376 : index
    %swap3A_382 = arith.constant 0 : index
    %swap3A_383 = vector.load %arg2[%swap3A_381, %swap3A_382] : memref<8192x128xf32, #tpu.memory_space<vmem>>, vector<128x128xf32>
    tpu.vector_store %arg2[%swap3A_381, %swap3A_382], %transpose3A_380 {strides = array<i32>} : memref<8192x128xf32, #tpu.memory_space<vmem>>, vector<128x128xf32>,
    %slice3A_384 = vector.extract_strided_slice %get3A_1 {offsets = [43, 0], sizes = [1, 128], strides = [1, 1]} : vector<64x128xi32> to vector<1x128xi32>
    %eq3A_385 = vector.broadcast %slice3A_384 : vector<1x128xi32> to vector<128x128xi32>
    %eq3A_386 = arith.cmpi eq, %iota3A, %eq3A_385 : vector<128x128xi32>
    %convert_element_type3A_387 = arith.extui %eq3A_386 : vector<128x128xi1> to vector<128x128xi32>
    %convert_element_type3A_388 = arith.sitofp %convert_element_type3A_387 : vector<128x128xi32> to vector<128x128xf32>
    %transpose3A_389 = tpu.transpose %convert_element_type3A_388, [1, 0] : vector<128x128xf32> -> vector<128x128xf32>
    %swap3A_390 = arith.constant 5504 : index
    %swap3A_391 = arith.constant 0 : index
    %swap3A_392 = vector.load %arg2[%swap3A_390, %swap3A_391] : memref<8192x128xf32, #tpu.memory_space<vmem>>, vector<128x128xf32>
    tpu.vector_store %arg2[%swap3A_390, %swap3A_391], %transpose3A_389 {strides = array<i32>} : memref<8192x128xf32, #tpu.memory_space<vmem>>, vector<128x128xf32>,
    %slice3A_393 = vector.extract_strided_slice %get3A_1 {offsets = [44, 0], sizes = [1, 128], strides = [1, 1]} : vector<64x128xi32> to vector<1x128xi32>
    %eq3A_394 = vector.broadcast %slice3A_393 : vector<1x128xi32> to vector<128x128xi32>
    %eq3A_395 = arith.cmpi eq, %iota3A, %eq3A_394 : vector<128x128xi32>
    %convert_element_type3A_396 = arith.extui %eq3A_395 : vector<128x128xi1> to vector<128x128xi32>
    %convert_element_type3A_397 = arith.sitofp %convert_element_type3A_396 : vector<128x128xi32> to vector<128x128xf32>
    %transpose3A_398 = tpu.transpose %convert_element_type3A_397, [1, 0] : vector<128x128xf32> -> vector<128x128xf32>
    %swap3A_399 = arith.constant 5632 : index
    %swap3A_400 = arith.constant 0 : index
    %swap3A_401 = vector.load %arg2[%swap3A_399, %swap3A_400] : memref<8192x128xf32, #tpu.memory_space<vmem>>, vector<128x128xf32>
    tpu.vector_store %arg2[%swap3A_399, %swap3A_400], %transpose3A_398 {strides = array<i32>} : memref<8192x128xf32, #tpu.memory_space<vmem>>, vector<128x128xf32>,
    %slice3A_402 = vector.extract_strided_slice %get3A_1 {offsets = [45, 0], sizes = [1, 128], strides = [1, 1]} : vector<64x128xi32> to vector<1x128xi32>
    %eq3A_403 = vector.broadcast %slice3A_402 : vector<1x128xi32> to vector<128x128xi32>
    %eq3A_404 = arith.cmpi eq, %iota3A, %eq3A_403 : vector<128x128xi32>
    %convert_element_type3A_405 = arith.extui %eq3A_404 : vector<128x128xi1> to vector<128x128xi32>
    %convert_element_type3A_406 = arith.sitofp %convert_element_type3A_405 : vector<128x128xi32> to vector<128x128xf32>
    %transpose3A_407 = tpu.transpose %convert_element_type3A_406, [1, 0] : vector<128x128xf32> -> vector<128x128xf32>
    %swap3A_408 = arith.constant 5760 : index
    %swap3A_409 = arith.constant 0 : index
    %swap3A_410 = vector.load %arg2[%swap3A_408, %swap3A_409] : memref<8192x128xf32, #tpu.memory_space<vmem>>, vector<128x128xf32>
    tpu.vector_store %arg2[%swap3A_408, %swap3A_409], %transpose3A_407 {strides = array<i32>} : memref<8192x128xf32, #tpu.memory_space<vmem>>, vector<128x128xf32>,
    %slice3A_411 = vector.extract_strided_slice %get3A_1 {offsets = [46, 0], sizes = [1, 128], strides = [1, 1]} : vector<64x128xi32> to vector<1x128xi32>
    %eq3A_412 = vector.broadcast %slice3A_411 : vector<1x128xi32> to vector<128x128xi32>
    %eq3A_413 = arith.cmpi eq, %iota3A, %eq3A_412 : vector<128x128xi32>
    %convert_element_type3A_414 = arith.extui %eq3A_413 : vector<128x128xi1> to vector<128x128xi32>
    %convert_element_type3A_415 = arith.sitofp %convert_element_type3A_414 : vector<128x128xi32> to vector<128x128xf32>
    %transpose3A_416 = tpu.transpose %convert_element_type3A_415, [1, 0] : vector<128x128xf32> -> vector<128x128xf32>
    %swap3A_417 = arith.constant 5888 : index
    %swap3A_418 = arith.constant 0 : index
    %swap3A_419 = vector.load %arg2[%swap3A_417, %swap3A_418] : memref<8192x128xf32, #tpu.memory_space<vmem>>, vector<128x128xf32>
    tpu.vector_store %arg2[%swap3A_417, %swap3A_418], %transpose3A_416 {strides = array<i32>} : memref<8192x128xf32, #tpu.memory_space<vmem>>, vector<128x128xf32>,
    %slice3A_420 = vector.extract_strided_slice %get3A_1 {offsets = [47, 0], sizes = [1, 128], strides = [1, 1]} : vector<64x128xi32> to vector<1x128xi32>
    %eq3A_421 = vector.broadcast %slice3A_420 : vector<1x128xi32> to vector<128x128xi32>
    %eq3A_422 = arith.cmpi eq, %iota3A, %eq3A_421 : vector<128x128xi32>
    %convert_element_type3A_423 = arith.extui %eq3A_422 : vector<128x128xi1> to vector<128x128xi32>
    %convert_element_type3A_424 = arith.sitofp %convert_element_type3A_423 : vector<128x128xi32> to vector<128x128xf32>
    %transpose3A_425 = tpu.transpose %convert_element_type3A_424, [1, 0] : vector<128x128xf32> -> vector<128x128xf32>
    %swap3A_426 = arith.constant 6016 : index
    %swap3A_427 = arith.constant 0 : index
    %swap3A_428 = vector.load %arg2[%swap3A_426, %swap3A_427] : memref<8192x128xf32, #tpu.memory_space<vmem>>, vector<128x128xf32>
    tpu.vector_store %arg2[%swap3A_426, %swap3A_427], %transpose3A_425 {strides = array<i32>} : memref<8192x128xf32, #tpu.memory_space<vmem>>, vector<128x128xf32>,
    %slice3A_429 = vector.extract_strided_slice %get3A_1 {offsets = [48, 0], sizes = [1, 128], strides = [1, 1]} : vector<64x128xi32> to vector<1x128xi32>
    %eq3A_430 = vector.broadcast %slice3A_429 : vector<1x128xi32> to vector<128x128xi32>
    %eq3A_431 = arith.cmpi eq, %iota3A, %eq3A_430 : vector<128x128xi32>
    %convert_element_type3A_432 = arith.extui %eq3A_431 : vector<128x128xi1> to vector<128x128xi32>
    %convert_element_type3A_433 = arith.sitofp %convert_element_type3A_432 : vector<128x128xi32> to vector<128x128xf32>
    %transpose3A_434 = tpu.transpose %convert_element_type3A_433, [1, 0] : vector<128x128xf32> -> vector<128x128xf32>
    %swap3A_435 = arith.constant 6144 : index
    %swap3A_436 = arith.constant 0 : index
    %swap3A_437 = vector.load %arg2[%swap3A_435, %swap3A_436] : memref<8192x128xf32, #tpu.memory_space<vmem>>, vector<128x128xf32>
    tpu.vector_store %arg2[%swap3A_435, %swap3A_436], %transpose3A_434 {strides = array<i32>} : memref<8192x128xf32, #tpu.memory_space<vmem>>, vector<128x128xf32>,
    %slice3A_438 = vector.extract_strided_slice %get3A_1 {offsets = [49, 0], sizes = [1, 128], strides = [1, 1]} : vector<64x128xi32> to vector<1x128xi32>
    %eq3A_439 = vector.broadcast %slice3A_438 : vector<1x128xi32> to vector<128x128xi32>
    %eq3A_440 = arith.cmpi eq, %iota3A, %eq3A_439 : vector<128x128xi32>
    %convert_element_type3A_441 = arith.extui %eq3A_440 : vector<128x128xi1> to vector<128x128xi32>
    %convert_element_type3A_442 = arith.sitofp %convert_element_type3A_441 : vector<128x128xi32> to vector<128x128xf32>
    %transpose3A_443 = tpu.transpose %convert_element_type3A_442, [1, 0] : vector<128x128xf32> -> vector<128x128xf32>
    %swap3A_444 = arith.constant 6272 : index
    %swap3A_445 = arith.constant 0 : index
    %swap3A_446 = vector.load %arg2[%swap3A_444, %swap3A_445] : memref<8192x128xf32, #tpu.memory_space<vmem>>, vector<128x128xf32>
    tpu.vector_store %arg2[%swap3A_444, %swap3A_445], %transpose3A_443 {strides = array<i32>} : memref<8192x128xf32, #tpu.memory_space<vmem>>, vector<128x128xf32>,
    %slice3A_447 = vector.extract_strided_slice %get3A_1 {offsets = [50, 0], sizes = [1, 128], strides = [1, 1]} : vector<64x128xi32> to vector<1x128xi32>
    %eq3A_448 = vector.broadcast %slice3A_447 : vector<1x128xi32> to vector<128x128xi32>
    %eq3A_449 = arith.cmpi eq, %iota3A, %eq3A_448 : vector<128x128xi32>
    %convert_element_type3A_450 = arith.extui %eq3A_449 : vector<128x128xi1> to vector<128x128xi32>
    %convert_element_type3A_451 = arith.sitofp %convert_element_type3A_450 : vector<128x128xi32> to vector<128x128xf32>
    %transpose3A_452 = tpu.transpose %convert_element_type3A_451, [1, 0] : vector<128x128xf32> -> vector<128x128xf32>
    %swap3A_453 = arith.constant 6400 : index
    %swap3A_454 = arith.constant 0 : index
    %swap3A_455 = vector.load %arg2[%swap3A_453, %swap3A_454] : memref<8192x128xf32, #tpu.memory_space<vmem>>, vector<128x128xf32>
    tpu.vector_store %arg2[%swap3A_453, %swap3A_454], %transpose3A_452 {strides = array<i32>} : memref<8192x128xf32, #tpu.memory_space<vmem>>, vector<128x128xf32>,
    %slice3A_456 = vector.extract_strided_slice %get3A_1 {offsets = [51, 0], sizes = [1, 128], strides = [1, 1]} : vector<64x128xi32> to vector<1x128xi32>
    %eq3A_457 = vector.broadcast %slice3A_456 : vector<1x128xi32> to vector<128x128xi32>
    %eq3A_458 = arith.cmpi eq, %iota3A, %eq3A_457 : vector<128x128xi32>
    %convert_element_type3A_459 = arith.extui %eq3A_458 : vector<128x128xi1> to vector<128x128xi32>
    %convert_element_type3A_460 = arith.sitofp %convert_element_type3A_459 : vector<128x128xi32> to vector<128x128xf32>
    %transpose3A_461 = tpu.transpose %convert_element_type3A_460, [1, 0] : vector<128x128xf32> -> vector<128x128xf32>
    %swap3A_462 = arith.constant 6528 : index
    %swap3A_463 = arith.constant 0 : index
    %swap3A_464 = vector.load %arg2[%swap3A_462, %swap3A_463] : memref<8192x128xf32, #tpu.memory_space<vmem>>, vector<128x128xf32>
    tpu.vector_store %arg2[%swap3A_462, %swap3A_463], %transpose3A_461 {strides = array<i32>} : memref<8192x128xf32, #tpu.memory_space<vmem>>, vector<128x128xf32>,
    %slice3A_465 = vector.extract_strided_slice %get3A_1 {offsets = [52, 0], sizes = [1, 128], strides = [1, 1]} : vector<64x128xi32> to vector<1x128xi32>
    %eq3A_466 = vector.broadcast %slice3A_465 : vector<1x128xi32> to vector<128x128xi32>
    %eq3A_467 = arith.cmpi eq, %iota3A, %eq3A_466 : vector<128x128xi32>
    %convert_element_type3A_468 = arith.extui %eq3A_467 : vector<128x128xi1> to vector<128x128xi32>
    %convert_element_type3A_469 = arith.sitofp %convert_element_type3A_468 : vector<128x128xi32> to vector<128x128xf32>
    %transpose3A_470 = tpu.transpose %convert_element_type3A_469, [1, 0] : vector<128x128xf32> -> vector<128x128xf32>
    %swap3A_471 = arith.constant 6656 : index
    %swap3A_472 = arith.constant 0 : index
    %swap3A_473 = vector.load %arg2[%swap3A_471, %swap3A_472] : memref<8192x128xf32, #tpu.memory_space<vmem>>, vector<128x128xf32>
    tpu.vector_store %arg2[%swap3A_471, %swap3A_472], %transpose3A_470 {strides = array<i32>} : memref<8192x128xf32, #tpu.memory_space<vmem>>, vector<128x128xf32>,
    %slice3A_474 = vector.extract_strided_slice %get3A_1 {offsets = [53, 0], sizes = [1, 128], strides = [1, 1]} : vector<64x128xi32> to vector<1x128xi32>
    %eq3A_475 = vector.broadcast %slice3A_474 : vector<1x128xi32> to vector<128x128xi32>
    %eq3A_476 = arith.cmpi eq, %iota3A, %eq3A_475 : vector<128x128xi32>
    %convert_element_type3A_477 = arith.extui %eq3A_476 : vector<128x128xi1> to vector<128x128xi32>
    %convert_element_type3A_478 = arith.sitofp %convert_element_type3A_477 : vector<128x128xi32> to vector<128x128xf32>
    %transpose3A_479 = tpu.transpose %convert_element_type3A_478, [1, 0] : vector<128x128xf32> -> vector<128x128xf32>
    %swap3A_480 = arith.constant 6784 : index
    %swap3A_481 = arith.constant 0 : index
    %swap3A_482 = vector.load %arg2[%swap3A_480, %swap3A_481] : memref<8192x128xf32, #tpu.memory_space<vmem>>, vector<128x128xf32>
    tpu.vector_store %arg2[%swap3A_480, %swap3A_481], %transpose3A_479 {strides = array<i32>} : memref<8192x128xf32, #tpu.memory_space<vmem>>, vector<128x128xf32>,
    %slice3A_483 = vector.extract_strided_slice %get3A_1 {offsets = [54, 0], sizes = [1, 128], strides = [1, 1]} : vector<64x128xi32> to vector<1x128xi32>
    %eq3A_484 = vector.broadcast %slice3A_483 : vector<1x128xi32> to vector<128x128xi32>
    %eq3A_485 = arith.cmpi eq, %iota3A, %eq3A_484 : vector<128x128xi32>
    %convert_element_type3A_486 = arith.extui %eq3A_485 : vector<128x128xi1> to vector<128x128xi32>
    %convert_element_type3A_487 = arith.sitofp %convert_element_type3A_486 : vector<128x128xi32> to vector<128x128xf32>
    %transpose3A_488 = tpu.transpose %convert_element_type3A_487, [1, 0] : vector<128x128xf32> -> vector<128x128xf32>
    %swap3A_489 = arith.constant 6912 : index
    %swap3A_490 = arith.constant 0 : index
    %swap3A_491 = vector.load %arg2[%swap3A_489, %swap3A_490] : memref<8192x128xf32, #tpu.memory_space<vmem>>, vector<128x128xf32>
    tpu.vector_store %arg2[%swap3A_489, %swap3A_490], %transpose3A_488 {strides = array<i32>} : memref<8192x128xf32, #tpu.memory_space<vmem>>, vector<128x128xf32>,
    %slice3A_492 = vector.extract_strided_slice %get3A_1 {offsets = [55, 0], sizes = [1, 128], strides = [1, 1]} : vector<64x128xi32> to vector<1x128xi32>
    %eq3A_493 = vector.broadcast %slice3A_492 : vector<1x128xi32> to vector<128x128xi32>
    %eq3A_494 = arith.cmpi eq, %iota3A, %eq3A_493 : vector<128x128xi32>
    %convert_element_type3A_495 = arith.extui %eq3A_494 : vector<128x128xi1> to vector<128x128xi32>
    %convert_element_type3A_496 = arith.sitofp %convert_element_type3A_495 : vector<128x128xi32> to vector<128x128xf32>
    %transpose3A_497 = tpu.transpose %convert_element_type3A_496, [1, 0] : vector<128x128xf32> -> vector<128x128xf32>
    %swap3A_498 = arith.constant 7040 : index
    %swap3A_499 = arith.constant 0 : index
    %swap3A_500 = vector.load %arg2[%swap3A_498, %swap3A_499] : memref<8192x128xf32, #tpu.memory_space<vmem>>, vector<128x128xf32>
    tpu.vector_store %arg2[%swap3A_498, %swap3A_499], %transpose3A_497 {strides = array<i32>} : memref<8192x128xf32, #tpu.memory_space<vmem>>, vector<128x128xf32>,
    %slice3A_501 = vector.extract_strided_slice %get3A_1 {offsets = [56, 0], sizes = [1, 128], strides = [1, 1]} : vector<64x128xi32> to vector<1x128xi32>
    %eq3A_502 = vector.broadcast %slice3A_501 : vector<1x128xi32> to vector<128x128xi32>
    %eq3A_503 = arith.cmpi eq, %iota3A, %eq3A_502 : vector<128x128xi32>
    %convert_element_type3A_504 = arith.extui %eq3A_503 : vector<128x128xi1> to vector<128x128xi32>
    %convert_element_type3A_505 = arith.sitofp %convert_element_type3A_504 : vector<128x128xi32> to vector<128x128xf32>
    %transpose3A_506 = tpu.transpose %convert_element_type3A_505, [1, 0] : vector<128x128xf32> -> vector<128x128xf32>
    %swap3A_507 = arith.constant 7168 : index
    %swap3A_508 = arith.constant 0 : index
    %swap3A_509 = vector.load %arg2[%swap3A_507, %swap3A_508] : memref<8192x128xf32, #tpu.memory_space<vmem>>, vector<128x128xf32>
    tpu.vector_store %arg2[%swap3A_507, %swap3A_508], %transpose3A_506 {strides = array<i32>} : memref<8192x128xf32, #tpu.memory_space<vmem>>, vector<128x128xf32>,
    %slice3A_510 = vector.extract_strided_slice %get3A_1 {offsets = [57, 0], sizes = [1, 128], strides = [1, 1]} : vector<64x128xi32> to vector<1x128xi32>
    %eq3A_511 = vector.broadcast %slice3A_510 : vector<1x128xi32> to vector<128x128xi32>
    %eq3A_512 = arith.cmpi eq, %iota3A, %eq3A_511 : vector<128x128xi32>
    %convert_element_type3A_513 = arith.extui %eq3A_512 : vector<128x128xi1> to vector<128x128xi32>
    %convert_element_type3A_514 = arith.sitofp %convert_element_type3A_513 : vector<128x128xi32> to vector<128x128xf32>
    %transpose3A_515 = tpu.transpose %convert_element_type3A_514, [1, 0] : vector<128x128xf32> -> vector<128x128xf32>
    %swap3A_516 = arith.constant 7296 : index
    %swap3A_517 = arith.constant 0 : index
    %swap3A_518 = vector.load %arg2[%swap3A_516, %swap3A_517] : memref<8192x128xf32, #tpu.memory_space<vmem>>, vector<128x128xf32>
    tpu.vector_store %arg2[%swap3A_516, %swap3A_517], %transpose3A_515 {strides = array<i32>} : memref<8192x128xf32, #tpu.memory_space<vmem>>, vector<128x128xf32>,
    %slice3A_519 = vector.extract_strided_slice %get3A_1 {offsets = [58, 0], sizes = [1, 128], strides = [1, 1]} : vector<64x128xi32> to vector<1x128xi32>
    %eq3A_520 = vector.broadcast %slice3A_519 : vector<1x128xi32> to vector<128x128xi32>
    %eq3A_521 = arith.cmpi eq, %iota3A, %eq3A_520 : vector<128x128xi32>
    %convert_element_type3A_522 = arith.extui %eq3A_521 : vector<128x128xi1> to vector<128x128xi32>
    %convert_element_type3A_523 = arith.sitofp %convert_element_type3A_522 : vector<128x128xi32> to vector<128x128xf32>
    %transpose3A_524 = tpu.transpose %convert_element_type3A_523, [1, 0] : vector<128x128xf32> -> vector<128x128xf32>
    %swap3A_525 = arith.constant 7424 : index
    %swap3A_526 = arith.constant 0 : index
    %swap3A_527 = vector.load %arg2[%swap3A_525, %swap3A_526] : memref<8192x128xf32, #tpu.memory_space<vmem>>, vector<128x128xf32>
    tpu.vector_store %arg2[%swap3A_525, %swap3A_526], %transpose3A_524 {strides = array<i32>} : memref<8192x128xf32, #tpu.memory_space<vmem>>, vector<128x128xf32>,
    %slice3A_528 = vector.extract_strided_slice %get3A_1 {offsets = [59, 0], sizes = [1, 128], strides = [1, 1]} : vector<64x128xi32> to vector<1x128xi32>
    %eq3A_529 = vector.broadcast %slice3A_528 : vector<1x128xi32> to vector<128x128xi32>
    %eq3A_530 = arith.cmpi eq, %iota3A, %eq3A_529 : vector<128x128xi32>
    %convert_element_type3A_531 = arith.extui %eq3A_530 : vector<128x128xi1> to vector<128x128xi32>
    %convert_element_type3A_532 = arith.sitofp %convert_element_type3A_531 : vector<128x128xi32> to vector<128x128xf32>
    %transpose3A_533 = tpu.transpose %convert_element_type3A_532, [1, 0] : vector<128x128xf32> -> vector<128x128xf32>
    %swap3A_534 = arith.constant 7552 : index
    %swap3A_535 = arith.constant 0 : index
    %swap3A_536 = vector.load %arg2[%swap3A_534, %swap3A_535] : memref<8192x128xf32, #tpu.memory_space<vmem>>, vector<128x128xf32>
    tpu.vector_store %arg2[%swap3A_534, %swap3A_535], %transpose3A_533 {strides = array<i32>} : memref<8192x128xf32, #tpu.memory_space<vmem>>, vector<128x128xf32>,
    %slice3A_537 = vector.extract_strided_slice %get3A_1 {offsets = [60, 0], sizes = [1, 128], strides = [1, 1]} : vector<64x128xi32> to vector<1x128xi32>
    %eq3A_538 = vector.broadcast %slice3A_537 : vector<1x128xi32> to vector<128x128xi32>
    %eq3A_539 = arith.cmpi eq, %iota3A, %eq3A_538 : vector<128x128xi32>
    %convert_element_type3A_540 = arith.extui %eq3A_539 : vector<128x128xi1> to vector<128x128xi32>
    %convert_element_type3A_541 = arith.sitofp %convert_element_type3A_540 : vector<128x128xi32> to vector<128x128xf32>
    %transpose3A_542 = tpu.transpose %convert_element_type3A_541, [1, 0] : vector<128x128xf32> -> vector<128x128xf32>
    %swap3A_543 = arith.constant 7680 : index
    %swap3A_544 = arith.constant 0 : index
    %swap3A_545 = vector.load %arg2[%swap3A_543, %swap3A_544] : memref<8192x128xf32, #tpu.memory_space<vmem>>, vector<128x128xf32>
    tpu.vector_store %arg2[%swap3A_543, %swap3A_544], %transpose3A_542 {strides = array<i32>} : memref<8192x128xf32, #tpu.memory_space<vmem>>, vector<128x128xf32>,
    %slice3A_546 = vector.extract_strided_slice %get3A_1 {offsets = [61, 0], sizes = [1, 128], strides = [1, 1]} : vector<64x128xi32> to vector<1x128xi32>
    %eq3A_547 = vector.broadcast %slice3A_546 : vector<1x128xi32> to vector<128x128xi32>
    %eq3A_548 = arith.cmpi eq, %iota3A, %eq3A_547 : vector<128x128xi32>
    %convert_element_type3A_549 = arith.extui %eq3A_548 : vector<128x128xi1> to vector<128x128xi32>
    %convert_element_type3A_550 = arith.sitofp %convert_element_type3A_549 : vector<128x128xi32> to vector<128x128xf32>
    %transpose3A_551 = tpu.transpose %convert_element_type3A_550, [1, 0] : vector<128x128xf32> -> vector<128x128xf32>
    %swap3A_552 = arith.constant 7808 : index
    %swap3A_553 = arith.constant 0 : index
    %swap3A_554 = vector.load %arg2[%swap3A_552, %swap3A_553] : memref<8192x128xf32, #tpu.memory_space<vmem>>, vector<128x128xf32>
    tpu.vector_store %arg2[%swap3A_552, %swap3A_553], %transpose3A_551 {strides = array<i32>} : memref<8192x128xf32, #tpu.memory_space<vmem>>, vector<128x128xf32>,
    %slice3A_555 = vector.extract_strided_slice %get3A_1 {offsets = [62, 0], sizes = [1, 128], strides = [1, 1]} : vector<64x128xi32> to vector<1x128xi32>
    %eq3A_556 = vector.broadcast %slice3A_555 : vector<1x128xi32> to vector<128x128xi32>
    %eq3A_557 = arith.cmpi eq, %iota3A, %eq3A_556 : vector<128x128xi32>
    %convert_element_type3A_558 = arith.extui %eq3A_557 : vector<128x128xi1> to vector<128x128xi32>
    %convert_element_type3A_559 = arith.sitofp %convert_element_type3A_558 : vector<128x128xi32> to vector<128x128xf32>
    %transpose3A_560 = tpu.transpose %convert_element_type3A_559, [1, 0] : vector<128x128xf32> -> vector<128x128xf32>
    %swap3A_561 = arith.constant 7936 : index
    %swap3A_562 = arith.constant 0 : index
    %swap3A_563 = vector.load %arg2[%swap3A_561, %swap3A_562] : memref<8192x128xf32, #tpu.memory_space<vmem>>, vector<128x128xf32>
    tpu.vector_store %arg2[%swap3A_561, %swap3A_562], %transpose3A_560 {strides = array<i32>} : memref<8192x128xf32, #tpu.memory_space<vmem>>, vector<128x128xf32>,
    %slice3A_564 = vector.extract_strided_slice %get3A_1 {offsets = [63, 0], sizes = [1, 128], strides = [1, 1]} : vector<64x128xi32> to vector<1x128xi32>
    %eq3A_565 = vector.broadcast %slice3A_564 : vector<1x128xi32> to vector<128x128xi32>
    %eq3A_566 = arith.cmpi eq, %iota3A, %eq3A_565 : vector<128x128xi32>
    %convert_element_type3A_567 = arith.extui %eq3A_566 : vector<128x128xi1> to vector<128x128xi32>
    %convert_element_type3A_568 = arith.sitofp %convert_element_type3A_567 : vector<128x128xi32> to vector<128x128xf32>
    %transpose3A_569 = tpu.transpose %convert_element_type3A_568, [1, 0] : vector<128x128xf32> -> vector<128x128xf32>
    %swap3A_570 = arith.constant 8064 : index
    %swap3A_571 = arith.constant 0 : index
    %swap3A_572 = vector.load %arg2[%swap3A_570, %swap3A_571] : memref<8192x128xf32, #tpu.memory_space<vmem>>, vector<128x128xf32>
    tpu.vector_store %arg2[%swap3A_570, %swap3A_571], %transpose3A_569 {strides = array<i32>} : memref<8192x128xf32, #tpu.memory_space<vmem>>, vector<128x128xf32>,
    return
  }
  func.func @transform_0(%arg0: i32) -> (i32, i32) {
    %c0_i32 = arith.constant 0 : i32
    %c0_i32_0 = arith.constant 0 : i32
    return %arg0, %c0_i32 : i32, i32
  }
  func.func @transform_1(%arg0: i32) -> (i32, i32) {
    %c0_i32 = arith.constant 0 : i32
    %c0_i32_0 = arith.constant 0 : i32
    return %arg0, %c0_i32 : i32, i32
  }
}

</mosaic_0001>

<sc_bundles>
// kernel: kernel.4.cloned.1.call-start
scs
__scs_entry_jumppad:
0x0: {  	(pc) =	sbr.rel $0x88, $3  }
0x1: {  	(tag) =	ssettag $0x0;
	lr =	simm.s32 $0x1  }
0x2: {  	[smem:$0x3FA0] =	sst lr;
	_ =	strace $0xD0000000  }
0x3: {  	_ = 	snop  }
0x4: {  	_ = 	snop  }
0x5: {  	_ = 	snop  }
0x6: {  	_ = 	snop  }
0x7: {  	_ = 	snop  }
__scs_overlays_trampoline_lowered:
0x8: {  	[smem:$0x3FAF] =	sst s0  }
0x9: {  	[smem:$0x3FB0] =	sst s1  }
0xa: {  	[smem:$0x3FB1] =	sst s2  }
0xb: {  	[smem:$0x3FB2] =	sst s3  }
0xc: {  	[smem:$0x3FB3] =	sst s4  }
0xd: {  	[smem:$0x3FB4] =	sst s5  }
0xe: {  	[smem:$0x3FB5] =	sst s6  }
0xf: {  	[smem:$0x3FB6] =	sst s7  }
0x10: {  	[smem:$0x3FB7] =	sst s8  }
0x11: {  	[smem:$0x3FB8] =	sst s9;
	s0 =	simm.s32 @!p0 $0x0  }
0x12: {  	s1 =	sld [smem:$0x3F9E];
	s0 =	simm.s32 @p0 $0x1  }
0x13: {  	[smem:$0x3FB9] =	sst s0;
	s0 =	simm.s32 @!p1 $0x0  }
0x14: {  	s2 =	sld [smem:$0x3F9D];
	s0 =	simm.s32 @p1 $0x1  }
0x15: {  	[smem:$0x3FBA] =	sst s0;
	s0 =	simm.s32 @!p2 $0x0  }
0x16: {  	s3 =	sld [smem:$0x3FDB];
	s0 =	simm.s32 @p2 $0x1  }
0x17: {  	s4 =	simm.s32 $0x1BF5;
	[smem:$0x3FBC] =	sst s0  }
0x18: {  	s0 =	sld [smem:$0x3F9F];
	_ =	swait.ge [sflag:s4], $0x0  }
0x19: {  	s7 =	sld [smem:$0x3FA0]  }
0x1a: {  	s8 =	sadd.s32 $0xFFFFE003, lr  }
0x1b: {  	s9 =	sadd.s32 $0xFFFFFEF7, lr;
	s5 =	simm.s32 $0xFFFFFFFF;
	p2 =	slt.u32 s8, $0xFFFFF086  }
0x1c: {  	p1 =	slt.u32 s9, $0xF7A;
	s5 =	simm.s32 @!p2 $0x0  }
0x1d: {  	s5 =	simm.s32 @p1 $0x1;
	p0 =	seq.s32 s7, s2  }
0x1e: {  	s7 =	smul.u32 @!p0 $0xF7A, s2;
	p2 =	seq.s32 @!p0 s5, $0x0  }
0x1f: {  	s9 =	smul.u32 $0xF7A, s1;
	s8 =	simm.s32 @!p0 $0x1BF5;
	p2 =	por !p2, p0  }
0x20: {  	[sflag:s8] =	ssyncset.s32 @!p0 $0xFFFFF086;
	s6 =	sadd.s32 @!p0 s3, s7;
	s7 =	simm.s32 @!p0 $0x108  }
0x21: {  	s3 =	sadd.s32 s3, s9;
	s6 =	sadd.s32 @!p0 $0x88, s6;
	s7 =	simm.s32 @p2 $0x1082  }
0x22: {  	[simem:s7], [sflag:s8] =	dma.local @!p0 [hbm:s6], $0xF7A  }
0x23: {  	s9 =	sor.u32 $0xD0000000, s2;
	s6 =	simm.s32 $0x108;
	_ =	swait.ge @!p0 [sflag:s8], $0x0  }
0x24: {  	s3 =	sadd.s32 $0x88, s3;
	s6 =	simm.s32 @!p1 $0x1082;
	[sflag:s4] =	ssyncset.s32 $0xFFFFF086  }
0x25: {  	[simem:s6], [sflag:s4] =	dma.local [hbm:s3], $0xF7A  }
0x26: {  	[smem:$0x3FA0] =	sst s1;
	(tag) =	ssettag s2;
	_ =	strace s9  }
0x27: {  	s1 =	sld [smem:$0x3FB0]  }
0x28: {  	s2 =	sld [smem:$0x3FB1]  }
0x29: {  	s4 =	sld [smem:$0x3FB3]  }
0x2a: {  	p0 =	seq.s32 s5, $0x0;
	s5 =	sld [smem:$0x3FB4]  }
0x2b: {  	s6 =	sld [smem:$0x3FB5]  }
0x2c: {  	s7 =	sld [smem:$0x3FB6]  }
0x2d: {  	s3 =	simm.s32 $0x108;
	s8 =	sld [smem:$0x3FB7]  }
0x2e: {  	s3 =	simm.s32 @!p0 $0x1082;
	s9 =	sld [smem:$0x3FB8]  }
0x2f: {  	lr =	sadd.s32 s0, s3;
	s0 =	sld [smem:$0x3FAF]  }
0x30: {  	s3 =	sld [smem:$0x3FB2]  }
0x31: {  	[smem:$0x3FBB] =	sst s10  }
0x32: {  	s10 =	sld [smem:$0x3FB9];
	_ =	sdelay $0x3  }
0x33: {  	p0 =	seq.s32 s10, $0x1;
	s10 =	sld [smem:$0x3FBB];
	_ =	sdelay $0x3  }
0x34: {  	[smem:$0x3FBB] =	sst s10  }
0x35: {  	s10 =	sld [smem:$0x3FBA];
	_ =	sdelay $0x3  }
0x36: {  	p1 =	seq.s32 s10, $0x1;
	s10 =	sld [smem:$0x3FBB];
	_ =	sdelay $0x3  }
0x37: {  	[smem:$0x3FBB] =	sst s10  }
0x38: {  	s10 =	sld [smem:$0x3FBC]  }
0x39: {  	_ = 	snop;
	(pc) =	sbr.ind lr, $3  }
0x3a: {  	_ = 	snop  }
0x3b: {  	_ = 	snop  }
0x3c: {  	p2 =	seq.s32 s10, $0x1;
	s10 =	sld [smem:$0x3FBB]  }
0x3d: {  	_ =	shalt  }
0x3e: {  	_ =	shalt  }
0x3f: {  	_ =	shalt  }
0x40: {  	_ =	shalt  }
0x41: {  	_ =	shalt  }
0x42: {  	_ =	shalt  }
0x43: {  	_ =	shalt  }
0x44: {  	_ =	shalt  }
0x45: {  	_ =	shalt  }
0x46: {  	_ =	shalt  }
0x47: {  	_ =	shalt  }
0x48: {  	_ =	shalt  }
0x49: {  	_ =	shalt  }
0x4a: {  	_ =	shalt  }
0x4b: {  	_ =	shalt  }
0x4c: {  	_ =	shalt  }
0x4d: {  	_ =	shalt  }
0x4e: {  	_ =	shalt  }
0x4f: {  	_ =	shalt  }
0x50: {  	_ =	shalt  }
0x51: {  	_ =	shalt  }
0x52: {  	_ =	shalt  }
0x53: {  	_ =	shalt  }
0x54: {  	_ =	shalt  }
0x55: {  	_ =	shalt  }
0x56: {  	_ =	shalt  }
0x57: {  	_ =	shalt  }
0x58: {  	_ =	shalt  }
0x59: {  	_ =	shalt  }
0x5a: {  	_ =	shalt  }
0x5b: {  	_ =	shalt  }
0x5c: {  	_ =	shalt  }
0x5d: {  	_ =	shalt  }
0x5e: {  	_ =	shalt  }
0x5f: {  	_ =	shalt  }
0x60: {  	_ =	shalt  }
0x61: {  	_ =	shalt  }
0x62: {  	_ =	shalt  }
0x63: {  	_ =	shalt  }
0x64: {  	_ =	shalt  }
0x65: {  	_ =	shalt  }
0x66: {  	_ =	shalt  }
0x67: {  	_ =	shalt  }
0x68: {  	_ =	shalt  }
0x69: {  	_ =	shalt  }
0x6a: {  	_ =	shalt  }
0x6b: {  	_ =	shalt  }
0x6c: {  	_ =	shalt  }
0x6d: {  	_ =	shalt  }
0x6e: {  	_ =	shalt  }
0x6f: {  	_ =	shalt  }
0x70: {  	_ =	shalt  }
0x71: {  	_ =	shalt  }
0x72: {  	_ =	shalt  }
0x73: {  	_ =	shalt  }
0x74: {  	_ =	shalt  }
0x75: {  	_ =	shalt  }
0x76: {  	_ =	shalt  }
0x77: {  	_ =	shalt  }
0x78: {  	_ =	shalt  }
0x79: {  	_ =	shalt  }
0x7a: {  	_ =	shalt  }
0x7b: {  	_ =	shalt  }
0x7c: {  	_ =	shalt  }
0x7d: {  	_ =	shalt  }
0x7e: {  	_ =	shalt  }
0x7f: {  	_ =	shalt  }
0x80: {  	_ =	shalt  }
0x81: {  	_ =	shalt  }
0x82: {  	_ =	shalt  }
0x83: {  	_ =	shalt  }
0x84: {  	_ =	shalt  }
0x85: {  	_ =	shalt  }
0x86: {  	_ =	shalt  }
0x87: {  	_ =	shalt  }
.Lfunc_end0:
.L_simem_size_0:
called_computation_lowered:
.L_overlay_start_0:
0x88: {  	s2 =	sld [smem:$0x3FD9]  }
0x89: {  	s3 =	sld [smem:$0x3FFE];
	_ =	sdelay $0x1  }
0x8a: {  	s1 =	srdreg.scid  }
0x8b: {  	s0 =	sand.u32 $0x1, s1  }
0x8c: {  	s14 =	sshll.u32 s0, $0xA;
	s2 =	sadd.s32 s3, s2  }
0x8d: {  	s2 =	sadd.s32 s2, s14  }
0x8e: {  	[smem:$0x3FC7] =	sst s2  }
0x8f: {  	_ = 	snop  }
0x90: {  	s2 =	sld [smem:$0x3FD0];
	_ =	sdelay $0x2  }
0x91: {  	s15 =	simm.s32 $0xA;
	s4 =	simm.s32 $0x10  }
0x92: {  	[smem:s4], [sflag:s15] =	dma.local [hbm:s2], $0x1  }
0x93: {  	_ =	swait.eq [sflag:s15], $0x1  }
0x94: {  	[sflag:s15] =	ssyncset.done $0x0  }
0x95: {  	[sflag:s15] =	ssyncadd.s32 $0xFFFFFFFF  }
0x96: {  	s16 =	sld [smem:$0x10];
	(tm) =	ssettm $0x1  }
0x97: {  	s17 =	sld [smem:$0x3FFB];
	_ =	sdelay $0x3  }
0x98: {  	_ =	strace s17  }
0x99: {  	s3 =	sld [smem:$0x3FFC];
	_ =	sdelay $0x3  }
0x9a: {  	_ =	strace s3  }
0x9b: {  	s3 =	sld [smem:$0x3FFD];
	_ =	sdelay $0x3  }
0x9c: {  	_ =	strace s3  }
0x9d: {  	_ =	strace $0x8FFFFFFF  }
0x9e: {  	s18 =	sld [smem:$0x3FDB];
	_ =	sdelay $0x1  }
0x9f: {  	s19 =	simm.s32 $_scs_section_size  }
0xa0: {  	s5 =	simm.s32 $_size__tile_overlayer_lowered;
	s6 =	simm.s32 $_tile_overlayer_lowered  }
0xa1: {  	s22 =	simm.s32 $0x1BFF;
	s21 =	sshll.u32 s6, $0x1;
	s3 =	sadd.s32 s19, s18  }
0xa2: {  	s7 =	simm.s32 $0x0;
	s20 =	sshll.u32 s5, $0x1;
	s5 =	sadd.s32 s21, s3  }
0xa3: {  	[timem:s7], [sflag:s22] =	dma.local [hbm:s5], s20  }
0xa4: {  	_ =	swait.ge [sflag:s22], s20  }
0xa5: {  	s4 =	ssub.s32 $0x0, s20;
	[sflag:s22] =	ssyncset.done $0x0  }
0xa6: {  	[sflag:s22] =	ssyncadd.s32 s4;
	_ =	sdelay $0x1  }
0xa7: {  	s23 =	simm.s32 $0x1B8B  }
0xa8: {  	_ =	swait.ge [sflag:s23], $0x1  }
0xa9: {  	[sflag:s23] =	ssyncset.done $0x0  }
0xaa: {  	s25 =	simm.s32 $0x1B8E;
	s24 =	sld [smem:$0x3FFE];
	[sflag:s23] =	ssyncadd.s32 $0xFFFFFFFF  }
0xab: {  	s26 =	simm.s32 $execute0_lowered;
	[smem:$0x3FD2] =	sst s25  }
0xac: {  	s5 =	sshll.u32 s26, $0x1;
	_ =	strace $0x80000046;
	[dreg:$0x1] =	wrdreg $0xFFFFFFFF  }
0xad: {  	s28 =	simm.s32 $_size_execute0_lowered;
	s3 =	sadd.s32 s3, s5;
	[dreg:$0x0] =	wrdreg $0x0  }
0xae: {  	s5 =	sshll.u32 s28, $0x1;
	[dreg:$0x2] =	wrdreg s3  }
0xaf: {  	[dreg:$0x3] =	wrdreg s5  }
0xb0: {  	[dreg:$0x4] =	wrdreg $0xC0  }
0xb1: {  	_ =	task [dreg:s7], $0x5FFFF  }
0xb2: {  	[dreg:$0x1] =	wrdreg $0xFFFFFFFF  }
0xb3: {  	[dreg:$0x0] =	wrdreg $0x60  }
0xb4: {  	[dreg:$0x2] =	wrdreg s24  }
0xb5: {  	[dreg:$0x3] =	wrdreg s16  }
0xb6: {  	[dreg:$0x4] =	wrdreg $0x1A0000  }
0xb7: {  	[dreg:$0x5] =	wrdreg $0x9  }
0xb8: {  	_ =	task.clear_ibuf [dreg:s7], $0x6FFFF;
	_ =	strace $0x90000046  }
0xb9: {  	s29 =	simm.s32 $0x9;
	_ =	strace $0x80000048  }
0xba: {  	_ =	swait.ge [sflag:s29], $0x1  }
0xbb: {  	[sflag:s29] =	ssyncadd.s32 $0xFFFFFFFF  }
0xbc: {  	_ =	strace $0x90000048  }
0xbd: {  	_ =	sfence  }
0xbe: {  	s30 =	sld [smem:$0x0];
	_ =	sdelay $0x2  }
0xbf: {  	s31 =	sshll.u32 s1, $0xD;
	s1 =	sshrl.u32 s1, $0x2  }
0xc0: {  	s3 =	sand.u32 $0x4000, s31;
	s1 =	sadd.s32 s1, s30  }
0xc1: {  	s0 =	sor.u32 s3, s0;
	s1 =	sshll.u32 s1, $0x11  }
0xc2: {  	s0 =	sor.u32 s1, s0  }
0xc3: {  	s0 =	sadd.s32 $0x8F2B, s0  }
0xc4: {  	[sflag:s0] =	ssyncadd.remote.s32 $0x1  }
0xc5: {  	_ =	sfence.sel $0xFFFF  }
0xc6: {  	[dreg:$0x0] =	wrdreg $0xFFFFFFFF;
	(pc) =	sbr.abs _section_cstart, $3  }
0xc7: {  	[dreg:$0x1] =	wrdreg $0xFFFFFFFF  }
0xc8: {  	_ =	task.clear_ibuf [dreg:s7], $0x2FFFF;
	_ =	strace $0x9FFFFFFF  }
0xc9: {  	(tm) =	ssettm $0x7FFFFFFF  }
tec
execute0_lowered:
.L_overlay_start_1:
0x0: {  	(tag) =	ssettag $0x1  }
0x1: {  	s0 =	srdreg.scid;
	s28 =	stileid.u32  }
0x2: {  	s0 =	sand.u32 $0x1, s0;
	s1 =	sshll.u32 s28, $0x1  }
0x3: {  	s1 =	sor.u32 s0, s1  }
0x4: {  	s5 =	smul.u32 $0x32, s1;
	s4 =	sor.u32 $0x20, s1;
	s7 =	sor.u32 $0x40, s1  }
0x5: {  	s10 =	sor.u32 $0x60, s1;
	s12 =	sor.u32 $0x80, s1;
	s14 =	sor.u32 $0xA0, s1  }
0x6: {  	s16 =	sor.u32 $0xC0, s1;
	s18 =	sor.u32 $0xE0, s1;
	s1 =	smul.u32 $0x1900, s1  }
0x7: {  	s6 =	smul.u32 $0x32, s4  }
0x8: {  	s9 =	smul.u32 $0x32, s7  }
0x9: {  	s11 =	smul.u32 $0x32, s10  }
0xa: {  	s8 =	rddreg [dreg:$0x0];
	s13 =	smul.u32 $0x32, s12  }
0xb: {  	s20 =	rddreg [dreg:$0x1];
	s15 =	smul.u32 $0x32, s14  }
0xc: {  	s2 =	rddreg [dreg:$0x2];
	s3 =	simm.s32 $0x0;
	s17 =	smul.u32 $0x32, s16  }
0xd: {  	s29 =	simm.s32 $0x1000;
	s0 =	ssub.s32 $0x2, s0;
	s19 =	smul.u32 $0x32, s18  }
0xe: {  	s30 =	simm.s32 $0xD800;
	s22 =	sshrl.u32 s0, $0x1;
	s23 =	smul.u32 $0x1900, s4  }
0xf: {  	s31 =	simm.s32 $0x3;
	s0 =	ssub.s32 s0, s22;
	s22 =	smul.u32 $0x1900, s7  }
0x10: {  	[smem:$0x7FF] =	sst s3;
	s21 =	sadd.s32 $0x200, s8;
	s24 =	smul.u32 $0x1900, s10  }
0x11: {  	v0 =	vlaneseq.u32;
	p0 =	sgt.u32 s28, $0xC;
	_ =	strace $0x80000047;
	s25 =	smul.u32 $0x1900, s12  }
0x12: {  	v0 =	vmul.u32 $0x80, v0;
	p1 =	sne.s32 @!p0 s28, $0x0;
	s4 =	sadd.s32 $0x3400, s8;
	s26 =	smul.u32 $0x1900, s14  }
0x13: {  	v1 =	vimm.f32 $1.000000000e+00;
	v26 =	vimm.f32 $0.0e+00;
	s5 =	sadd.s32 s21, s5;
	s6 =	sadd.s32 s21, s6;
	s7 =	sadd.s32 s21, s9  }
0x14: {  	v2 =	vor.u32 $0x800, v0;
	v3 =	vor.u32 $0x1000, v0;
	v4 =	vor.u32 $0x1800, v0;
	s8 =	sadd.s32 s21, s11;
	s9 =	sadd.s32 s21, s13;
	s10 =	sadd.s32 s21, s15  }
0x15: {  	v5 =	vor.u32 $0x2000, v0;
	v6 =	vor.u32 $0x2800, v0;
	v7 =	vor.u32 $0x3000, v0;
	s11 =	sadd.s32 s21, s17;
	s12 =	sadd.s32 s21, s19;
	s21 =	smul.u32 $0x1900, s16  }
0x16: {  	s28 =	simm.s32 $0xC00;
	v8 =	vor.u32 $0x3800, v0;
	v9 =	vor.u32 $0x4000, v0;
	v10 =	vor.u32 $0x4800, v0;
	s14 =	sadd.s32 s20, s23;
	s23 =	smul.u32 $0x1900, s18  }
.Ltmp0:
0x17: {  	v11 =	vor.u32 $0x5000, v0;
	v12 =	vor.u32 $0x5800, v0;
	v13 =	vor.u32 $0x6000, v0;
	p1 =	por p1, p0;
	s13 =	sadd.s32 s20, s1;
	(pc) =	sbr.rel .LBB2_1-.Ltmp0, $4  }
0x18: {  	v14 =	vor.u32 $0x6800, v0;
	v15 =	vor.u32 $0x7000, v0;
	v16 =	vor.u32 $0x7800, v0;
	s15 =	sadd.s32 s20, s22;
	s16 =	sadd.s32 s20, s24;
	s17 =	sadd.s32 s20, s25  }
0x19: {  	v17 =	vor.u32 $0x8000, v0;
	v18 =	vor.u32 $0x8800, v0;
	v19 =	vor.u32 $0x9000, v0;
	s18 =	sadd.s32 s20, s26;
	s24 =	simm.s32 $0x600;
	s25 =	simm.s32 $0x800  }
0x1a: {  	v20 =	vor.u32 $0x9800, v0;
	v21 =	vor.u32 $0xA000, v0;
	v22 =	vor.u32 $0xA800, v0;
	s26 =	simm.s32 $0xA00;
	s1 =	simm.s32 $0x1;
	s19 =	sadd.s32 s20, s21  }
0x1b: {  	v23 =	vor.u32 $0xB000, v0;
	v24 =	vor.u32 $0xB800, v0;
	v25 =	vor.u32 $0xC000, v0;
	s20 =	sadd.s32 s20, s23;
	s21 =	smax.u32 s0, $0x1;
	s0 =	simm.s32 $0x2  }
.LBB2_3:
0x1c: {  	s21 =	sadd.s32 $0xFFFFFFFF, s21  }
0x1d: {  	_ =	swait.ge [sflag:s1], $0xC800;
	p2 =	sne.s32 s21, $0x0  }
.Ltmp1:
0x1e: {  	[sflag:s1] =	ssyncset.done $0x0;
	(pc) =	sbr.rel @!p2 .LBB2_4-.Ltmp1, $4  }
0x1f: {  	[sflag:s1] =	ssyncadd.s32 $0xFFFF3800  }
0x20: {  	_ =	swait.ge [sflag:s0], $0xC800  }
0x21: {  	[sflag:s0] =	ssyncset.done $0x0  }
0x22: {  	[sflag:s0] =	ssyncadd.s32 $0xFFFF3800  }
.LBB2_1:
0x23: {  	[tilespmem:s3], [sflag:$0x3] =	stream.linear.gather [hbm4b:s5+s3], $0x190, $0x38;
	[tilespmem:$0x1AC80] =	vst v63  }
0x24: {  	s22 =	simm.s32 $0x200  }
0x25: {  	[tilespmem:s22], [sflag:$0x3] =	stream.linear.gather [hbm4b:s6+s3], $0x190, $0x38;
	[tilespmem:$0x1AC80] =	vst v63  }
0x26: {  	s23 =	simm.s32 $0x400  }
0x27: {  	[tilespmem:s23], [sflag:$0x3] =	stream.linear.gather [hbm4b:s7+s3], $0x190, $0x38;
	[tilespmem:$0x1AC80] =	vst v63  }
0x28: {  	_ = 	snop  }
0x29: {  	[tilespmem:s24], [sflag:$0x3] =	stream.linear.gather [hbm4b:s8+s3], $0x190, $0x38;
	[tilespmem:$0x1AC80] =	vst v63  }
0x2a: {  	_ = 	snop  }
0x2b: {  	[tilespmem:s25], [sflag:$0x3] =	stream.linear.gather [hbm4b:s9+s3], $0x190, $0x38;
	[tilespmem:$0x1AC80] =	vst v63  }
0x2c: {  	_ = 	snop  }
0x2d: {  	[tilespmem:s26], [sflag:$0x3] =	stream.linear.gather [hbm4b:s10+s3], $0x190, $0x38;
	[tilespmem:$0x1AC80] =	vst v63  }
0x2e: {  	_ = 	snop  }
0x2f: {  	[tilespmem:s28], [sflag:$0x3] =	stream.linear.gather [hbm4b:s11+s3], $0x190, $0x38;
	[tilespmem:$0x1AC80] =	vst v63  }
0x30: {  	s22 =	simm.s32 @!p0 $0x0;
	s23 =	simm.s32 @!p0 $0xE00  }
0x31: {  	[tilespmem:s23], [sflag:$0x3] =	stream.linear.gather @!p0 [hbm4b:s12+s22], $0x190, $0x38;
	[tilespmem:$0x1AC80] =	vst v63  }
0x32: {  	s22 =	sshrl.u32 @!p1 s2, $0x3;
	s23 =	simm.s32 @!p1 $0x1C04  }
0x33: {  	[spmem:s22], [sflag:s23] =	dma.local @!p1 [hbm:s4], $0x1900  }
0x34: {  	s22 =	simm.s32 @!p1 $0x4  }
0x35: {  	_ =	swait.ge @!p1 [sflag:s22], $0x1900  }
0x36: {  	[sflag:s22] =	ssyncset.done @!p1 $0x0  }
0x37: {  	[sflag:s22] =	ssyncadd.s32 @!p1 $0xFFFFE700  }
0x38: {  	[bflag:$0x0] =	sbarrier.arrive $0xFFFF  }
0x39: {  	[tilespmem:s29], [sflag:$0x1] =	stream.linear.gather [spmem:s2], $0xC800, $0x38;
	[tilespmem:$0x1AC80] =	vst v63  }
0x3a: {  	_ = 	snop  }
0x3b: {  	[tilespmem:s30], [sflag:$0x2] =	stream.linear.gather [spmem:s2], $0xC800, $0x38;
	[tilespmem:$0x1AC80] =	vst v63  }
0x3c: {  	_ =	swait.ge [sflag:s31], $0x190  }
0x3d: {  	[sflag:s31] =	ssyncset.done $0x0  }
0x3e: {  	[sflag:s31] =	ssyncadd.s32 $0xFFFFFE70  }
0x3f: {  	_ =	swait.ge [sflag:s31], $0x190  }
0x40: {  	[sflag:s31] =	ssyncset.done $0x0  }
0x41: {  	[sflag:s31] =	ssyncadd.s32 $0xFFFFFE70  }
0x42: {  	_ =	swait.ge [sflag:s31], $0x190  }
0x43: {  	[sflag:s31] =	ssyncset.done $0x0  }
0x44: {  	[sflag:s31] =	ssyncadd.s32 $0xFFFFFE70  }
0x45: {  	_ =	swait.ge [sflag:s31], $0x190  }
0x46: {  	[sflag:s31] =	ssyncset.done $0x0  }
0x47: {  	[sflag:s31] =	ssyncadd.s32 $0xFFFFFE70  }
0x48: {  	_ =	swait.ge [sflag:s31], $0x190  }
0x49: {  	[sflag:s31] =	ssyncset.done $0x0  }
0x4a: {  	[sflag:s31] =	ssyncadd.s32 $0xFFFFFE70  }
0x4b: {  	_ =	swait.ge [sflag:s31], $0x190  }
0x4c: {  	[sflag:s31] =	ssyncset.done $0x0  }
0x4d: {  	[sflag:s31] =	ssyncadd.s32 $0xFFFFFE70  }
0x4e: {  	_ =	swait.ge [sflag:s31], $0x190  }
0x4f: {  	[sflag:s31] =	ssyncset.done $0x0  }
0x50: {  	s22 =	simm.s32 @!p0 $0x3;
	[sflag:s31] =	ssyncadd.s32 $0xFFFFFE70  }
0x51: {  	_ =	swait.ge @!p0 [sflag:s22], $0x190  }
0x52: {  	[sflag:s22] =	ssyncset.done @!p0 $0x0  }
0x53: {  	[sflag:s22] =	ssyncadd.s32 @!p0 $0xFFFFFE70  }
0x54: {  	_ =	swait.ge [sflag:s1], $0xC800  }
0x55: {  	[sflag:s1] =	ssyncset.done $0x0  }
0x56: {  	[sflag:s1] =	ssyncadd.s32 $0xFFFF3800  }
0x57: {  	v27 =	vld [tilespmem:$0x0];
	_ =	sdelay $0x4  }
0x58: {  	v27 =	vadd.s32 v0, v27;
	_ =	sdelay $0x4  }
0x59: {  	[tilespmem:v27+s29+$0x0] =	vst.idx.msk $0xffff, v1  }
0x5a: {  	v27 =	vld [tilespmem:$0x10];
	_ =	sdelay $0x4  }
0x5b: {  	v27 =	vadd.s32 v2, v27;
	_ =	sdelay $0x4  }
0x5c: {  	[tilespmem:v27+s29+$0x0] =	vst.idx.msk $0xffff, v1  }
0x5d: {  	v27 =	vld [tilespmem:$0x20];
	_ =	sdelay $0x4  }
0x5e: {  	v27 =	vadd.s32 v3, v27;
	_ =	sdelay $0x4  }
0x5f: {  	[tilespmem:v27+s29+$0x0] =	vst.idx.msk $0xffff, v1  }
0x60: {  	v27 =	vld [tilespmem:$0x30];
	_ =	sdelay $0x4  }
0x61: {  	v27 =	vadd.s32 v4, v27;
	_ =	sdelay $0x4  }
0x62: {  	[tilespmem:v27+s29+$0x0] =	vst.idx.msk $0xffff, v1  }
0x63: {  	v27 =	vld [tilespmem:$0x40];
	_ =	sdelay $0x4  }
0x64: {  	v27 =	vadd.s32 v5, v27;
	_ =	sdelay $0x4  }
0x65: {  	[tilespmem:v27+s29+$0x0] =	vst.idx.msk $0xffff, v1  }
0x66: {  	v27 =	vld [tilespmem:$0x50];
	_ =	sdelay $0x4  }
0x67: {  	v27 =	vadd.s32 v6, v27;
	_ =	sdelay $0x4  }
0x68: {  	[tilespmem:v27+s29+$0x0] =	vst.idx.msk $0xffff, v1  }
0x69: {  	v27 =	vld [tilespmem:$0x60];
	_ =	sdelay $0x4  }
0x6a: {  	v27 =	vadd.s32 v7, v27;
	_ =	sdelay $0x4  }
0x6b: {  	[tilespmem:v27+s29+$0x0] =	vst.idx.msk $0xffff, v1  }
0x6c: {  	v27 =	vld [tilespmem:$0x70];
	_ =	sdelay $0x4  }
0x6d: {  	v27 =	vadd.s32 v8, v27;
	_ =	sdelay $0x4  }
0x6e: {  	[tilespmem:v27+s29+$0x0] =	vst.idx.msk $0xffff, v1  }
0x6f: {  	v27 =	vld [tilespmem:$0x80];
	_ =	sdelay $0x4  }
0x70: {  	v27 =	vadd.s32 v9, v27;
	_ =	sdelay $0x4  }
0x71: {  	[tilespmem:v27+s29+$0x0] =	vst.idx.msk $0xffff, v1  }
0x72: {  	v27 =	vld [tilespmem:$0x90];
	_ =	sdelay $0x4  }
0x73: {  	v27 =	vadd.s32 v10, v27;
	_ =	sdelay $0x4  }
0x74: {  	[tilespmem:v27+s29+$0x0] =	vst.idx.msk $0xffff, v1  }
0x75: {  	v27 =	vld [tilespmem:$0xA0];
	_ =	sdelay $0x4  }
0x76: {  	v27 =	vadd.s32 v11, v27;
	_ =	sdelay $0x4  }
0x77: {  	[tilespmem:v27+s29+$0x0] =	vst.idx.msk $0xffff, v1  }
0x78: {  	v27 =	vld [tilespmem:$0xB0];
	_ =	sdelay $0x4  }
0x79: {  	v27 =	vadd.s32 v12, v27;
	_ =	sdelay $0x4  }
0x7a: {  	[tilespmem:v27+s29+$0x0] =	vst.idx.msk $0xffff, v1  }
0x7b: {  	v27 =	vld [tilespmem:$0xC0];
	_ =	sdelay $0x4  }
0x7c: {  	v27 =	vadd.s32 v13, v27;
	_ =	sdelay $0x4  }
0x7d: {  	[tilespmem:v27+s29+$0x0] =	vst.idx.msk $0xffff, v1  }
0x7e: {  	v27 =	vld [tilespmem:$0xD0];
	_ =	sdelay $0x4  }
0x7f: {  	v27 =	vadd.s32 v14, v27;
	_ =	sdelay $0x4  }
0x80: {  	[tilespmem:v27+s29+$0x0] =	vst.idx.msk $0xffff, v1  }
0x81: {  	v27 =	vld [tilespmem:$0xE0];
	_ =	sdelay $0x4  }
0x82: {  	v27 =	vadd.s32 v15, v27;
	_ =	sdelay $0x4  }
0x83: {  	[tilespmem:v27+s29+$0x0] =	vst.idx.msk $0xffff, v1  }
0x84: {  	v27 =	vld [tilespmem:$0xF0];
	_ =	sdelay $0x4  }
0x85: {  	v27 =	vadd.s32 v16, v27;
	_ =	sdelay $0x4  }
0x86: {  	[tilespmem:v27+s29+$0x0] =	vst.idx.msk $0xffff, v1  }
0x87: {  	v27 =	vld [tilespmem:$0x100];
	_ =	sdelay $0x4  }
0x88: {  	v27 =	vadd.s32 v17, v27;
	_ =	sdelay $0x4  }
0x89: {  	[tilespmem:v27+s29+$0x0] =	vst.idx.msk $0xffff, v1  }
0x8a: {  	v27 =	vld [tilespmem:$0x110];
	_ =	sdelay $0x4  }
0x8b: {  	v27 =	vadd.s32 v18, v27;
	_ =	sdelay $0x4  }
0x8c: {  	[tilespmem:v27+s29+$0x0] =	vst.idx.msk $0xffff, v1  }
0x8d: {  	v27 =	vld [tilespmem:$0x120];
	_ =	sdelay $0x4  }
0x8e: {  	v27 =	vadd.s32 v19, v27;
	_ =	sdelay $0x4  }
0x8f: {  	[tilespmem:v27+s29+$0x0] =	vst.idx.msk $0xffff, v1  }
0x90: {  	v27 =	vld [tilespmem:$0x130];
	_ =	sdelay $0x4  }
0x91: {  	v27 =	vadd.s32 v20, v27;
	_ =	sdelay $0x4  }
0x92: {  	[tilespmem:v27+s29+$0x0] =	vst.idx.msk $0xffff, v1  }
0x93: {  	v27 =	vld [tilespmem:$0x140];
	_ =	sdelay $0x4  }
0x94: {  	v27 =	vadd.s32 v21, v27;
	_ =	sdelay $0x4  }
0x95: {  	[tilespmem:v27+s29+$0x0] =	vst.idx.msk $0xffff, v1  }
0x96: {  	v27 =	vld [tilespmem:$0x150];
	_ =	sdelay $0x4  }
0x97: {  	v27 =	vadd.s32 v22, v27;
	_ =	sdelay $0x4  }
0x98: {  	[tilespmem:v27+s29+$0x0] =	vst.idx.msk $0xffff, v1  }
0x99: {  	v27 =	vld [tilespmem:$0x160];
	_ =	sdelay $0x4  }
0x9a: {  	v27 =	vadd.s32 v23, v27;
	_ =	sdelay $0x4  }
0x9b: {  	[tilespmem:v27+s29+$0x0] =	vst.idx.msk $0xffff, v1  }
0x9c: {  	v27 =	vld [tilespmem:$0x170];
	_ =	sdelay $0x4  }
0x9d: {  	v27 =	vadd.s32 v24, v27;
	_ =	sdelay $0x4  }
0x9e: {  	[tilespmem:v27+s29+$0x0] =	vst.idx.msk $0xffff, v1  }
0x9f: {  	v27 =	vld [tilespmem:$0x180];
	_ =	sdelay $0x4  }
0xa0: {  	v27 =	vadd.s32 v25, v27;
	_ =	sdelay $0x4  }
0xa1: {  	[tilespmem:v27+s29+$0x0] =	vst.idx.msk $0xffff, v1  }
0xa2: {  	[hbm4b:s13+s3] =	stream.linear.scatter [tilespmem:s29], [sflag:$0x1], $0xC800, $0x38;
	[tilespmem:$0x1AC80] =	vst v63  }
0xa3: {  	_ =	swait.ge [sflag:s0], $0xC800  }
0xa4: {  	[sflag:s0] =	ssyncset.done $0x0  }
0xa5: {  	[sflag:s0] =	ssyncadd.s32 $0xFFFF3800  }
0xa6: {  	v27 =	vld [tilespmem:$0x200];
	_ =	sdelay $0x4  }
0xa7: {  	v27 =	vadd.s32 v0, v27;
	_ =	sdelay $0x4  }
0xa8: {  	[tilespmem:v27+s30+$0x0] =	vst.idx.msk $0xffff, v1  }
0xa9: {  	v27 =	vld [tilespmem:$0x210];
	_ =	sdelay $0x4  }
0xaa: {  	v27 =	vadd.s32 v2, v27;
	_ =	sdelay $0x4  }
0xab: {  	[tilespmem:v27+s30+$0x0] =	vst.idx.msk $0xffff, v1  }
0xac: {  	v27 =	vld [tilespmem:$0x220];
	_ =	sdelay $0x4  }
0xad: {  	v27 =	vadd.s32 v3, v27;
	_ =	sdelay $0x4  }
0xae: {  	[tilespmem:v27+s30+$0x0] =	vst.idx.msk $0xffff, v1  }
0xaf: {  	v27 =	vld [tilespmem:$0x230];
	_ =	sdelay $0x4  }
0xb0: {  	v27 =	vadd.s32 v4, v27;
	_ =	sdelay $0x4  }
0xb1: {  	[tilespmem:v27+s30+$0x0] =	vst.idx.msk $0xffff, v1  }
0xb2: {  	v27 =	vld [tilespmem:$0x240];
	_ =	sdelay $0x4  }
0xb3: {  	v27 =	vadd.s32 v5, v27;
	_ =	sdelay $0x4  }
0xb4: {  	[tilespmem:v27+s30+$0x0] =	vst.idx.msk $0xffff, v1  }
0xb5: {  	v27 =	vld [tilespmem:$0x250];
	_ =	sdelay $0x4  }
0xb6: {  	v27 =	vadd.s32 v6, v27;
	_ =	sdelay $0x4  }
0xb7: {  	[tilespmem:v27+s30+$0x0] =	vst.idx.msk $0xffff, v1  }
0xb8: {  	v27 =	vld [tilespmem:$0x260];
	_ =	sdelay $0x4  }
0xb9: {  	v27 =	vadd.s32 v7, v27;
	_ =	sdelay $0x4  }
0xba: {  	[tilespmem:v27+s30+$0x0] =	vst.idx.msk $0xffff, v1  }
0xbb: {  	v27 =	vld [tilespmem:$0x270];
	_ =	sdelay $0x4  }
0xbc: {  	v27 =	vadd.s32 v8, v27;
	_ =	sdelay $0x4  }
0xbd: {  	[tilespmem:v27+s30+$0x0] =	vst.idx.msk $0xffff, v1  }
0xbe: {  	v27 =	vld [tilespmem:$0x280];
	_ =	sdelay $0x4  }
0xbf: {  	v27 =	vadd.s32 v9, v27;
	_ =	sdelay $0x4  }
0xc0: {  	[tilespmem:v27+s30+$0x0] =	vst.idx.msk $0xffff, v1  }
0xc1: {  	v27 =	vld [tilespmem:$0x290];
	_ =	sdelay $0x4  }
0xc2: {  	v27 =	vadd.s32 v10, v27;
	_ =	sdelay $0x4  }
0xc3: {  	[tilespmem:v27+s30+$0x0] =	vst.idx.msk $0xffff, v1  }
0xc4: {  	v27 =	vld [tilespmem:$0x2A0];
	_ =	sdelay $0x4  }
0xc5: {  	v27 =	vadd.s32 v11, v27;
	_ =	sdelay $0x4  }
0xc6: {  	[tilespmem:v27+s30+$0x0] =	vst.idx.msk $0xffff, v1  }
0xc7: {  	v27 =	vld [tilespmem:$0x2B0];
	_ =	sdelay $0x4  }
0xc8: {  	v27 =	vadd.s32 v12, v27;
	_ =	sdelay $0x4  }
0xc9: {  	[tilespmem:v27+s30+$0x0] =	vst.idx.msk $0xffff, v1  }
0xca: {  	v27 =	vld [tilespmem:$0x2C0];
	_ =	sdelay $0x4  }
0xcb: {  	v27 =	vadd.s32 v13, v27;
	_ =	sdelay $0x4  }
0xcc: {  	[tilespmem:v27+s30+$0x0] =	vst.idx.msk $0xffff, v1  }
0xcd: {  	v27 =	vld [tilespmem:$0x2D0];
	_ =	sdelay $0x4  }
0xce: {  	v27 =	vadd.s32 v14, v27;
	_ =	sdelay $0x4  }
0xcf: {  	[tilespmem:v27+s30+$0x0] =	vst.idx.msk $0xffff, v1  }
0xd0: {  	v27 =	vld [tilespmem:$0x2E0];
	_ =	sdelay $0x4  }
0xd1: {  	v27 =	vadd.s32 v15, v27;
	_ =	sdelay $0x4  }
0xd2: {  	[tilespmem:v27+s30+$0x0] =	vst.idx.msk $0xffff, v1  }
0xd3: {  	v27 =	vld [tilespmem:$0x2F0];
	_ =	sdelay $0x4  }
0xd4: {  	v27 =	vadd.s32 v16, v27;
	_ =	sdelay $0x4  }
0xd5: {  	[tilespmem:v27+s30+$0x0] =	vst.idx.msk $0xffff, v1  }
0xd6: {  	v27 =	vld [tilespmem:$0x300];
	_ =	sdelay $0x4  }
0xd7: {  	v27 =	vadd.s32 v17, v27;
	_ =	sdelay $0x4  }
0xd8: {  	[tilespmem:v27+s30+$0x0] =	vst.idx.msk $0xffff, v1  }
0xd9: {  	v27 =	vld [tilespmem:$0x310];
	_ =	sdelay $0x4  }
0xda: {  	v27 =	vadd.s32 v18, v27;
	_ =	sdelay $0x4  }
0xdb: {  	[tilespmem:v27+s30+$0x0] =	vst.idx.msk $0xffff, v1  }
0xdc: {  	v27 =	vld [tilespmem:$0x320];
	_ =	sdelay $0x4  }
0xdd: {  	v27 =	vadd.s32 v19, v27;
	_ =	sdelay $0x4  }
0xde: {  	[tilespmem:v27+s30+$0x0] =	vst.idx.msk $0xffff, v1  }
0xdf: {  	v27 =	vld [tilespmem:$0x330];
	_ =	sdelay $0x4  }
0xe0: {  	v27 =	vadd.s32 v20, v27;
	_ =	sdelay $0x4  }
0xe1: {  	[tilespmem:v27+s30+$0x0] =	vst.idx.msk $0xffff, v1  }
0xe2: {  	v27 =	vld [tilespmem:$0x340];
	_ =	sdelay $0x4  }
0xe3: {  	v27 =	vadd.s32 v21, v27;
	_ =	sdelay $0x4  }
0xe4: {  	[tilespmem:v27+s30+$0x0] =	vst.idx.msk $0xffff, v1  }
0xe5: {  	v27 =	vld [tilespmem:$0x350];
	_ =	sdelay $0x4  }
0xe6: {  	v27 =	vadd.s32 v22, v27;
	_ =	sdelay $0x4  }
0xe7: {  	[tilespmem:v27+s30+$0x0] =	vst.idx.msk $0xffff, v1  }
0xe8: {  	v27 =	vld [tilespmem:$0x360];
	_ =	sdelay $0x4  }
0xe9: {  	v27 =	vadd.s32 v23, v27;
	_ =	sdelay $0x4  }
0xea: {  	[tilespmem:v27+s30+$0x0] =	vst.idx.msk $0xffff, v1  }
0xeb: {  	v27 =	vld [tilespmem:$0x370];
	_ =	sdelay $0x4  }
0xec: {  	v27 =	vadd.s32 v24, v27;
	_ =	sdelay $0x4  }
0xed: {  	[tilespmem:v27+s30+$0x0] =	vst.idx.msk $0xffff, v1  }
0xee: {  	v27 =	vld [tilespmem:$0x380];
	_ =	sdelay $0x4  }
0xef: {  	v27 =	vadd.s32 v25, v27;
	_ =	sdelay $0x4  }
0xf0: {  	[tilespmem:v27+s30+$0x0] =	vst.idx.msk $0xffff, v1  }
0xf1: {  	[hbm4b:s14+s3] =	stream.linear.scatter [tilespmem:s30], [sflag:$0x2], $0xC800, $0x38;
	[tilespmem:$0x1AC80] =	vst v63  }
0xf2: {  	_ =	swait.ge [sflag:s1], $0xC800  }
0xf3: {  	[sflag:s1] =	ssyncset.done $0x0  }
0xf4: {  	[sflag:s1] =	ssyncadd.s32 $0xFFFF3800  }
0xf5: {  	v27 =	vld [tilespmem:$0x0];
	_ =	sdelay $0x4  }
0xf6: {  	v27 =	vadd.s32 v0, v27;
	_ =	sdelay $0x4  }
0xf7: {  	[tilespmem:v27+s29+$0x0] =	vst.idx.msk $0xffff, v26  }
0xf8: {  	v27 =	vld [tilespmem:$0x10];
	_ =	sdelay $0x4  }
0xf9: {  	v27 =	vadd.s32 v2, v27;
	_ =	sdelay $0x4  }
0xfa: {  	[tilespmem:v27+s29+$0x0] =	vst.idx.msk $0xffff, v26  }
0xfb: {  	v27 =	vld [tilespmem:$0x20];
	_ =	sdelay $0x4  }
0xfc: {  	v27 =	vadd.s32 v3, v27;
	_ =	sdelay $0x4  }
0xfd: {  	[tilespmem:v27+s29+$0x0] =	vst.idx.msk $0xffff, v26  }
0xfe: {  	v27 =	vld [tilespmem:$0x30];
	_ =	sdelay $0x4  }
0xff: {  	v27 =	vadd.s32 v4, v27;
	_ =	sdelay $0x4  }
0x100: {  	[tilespmem:v27+s29+$0x0] =	vst.idx.msk $0xffff, v26  }
0x101: {  	v27 =	vld [tilespmem:$0x40];
	_ =	sdelay $0x4  }
0x102: {  	v27 =	vadd.s32 v5, v27;
	_ =	sdelay $0x4  }
0x103: {  	[tilespmem:v27+s29+$0x0] =	vst.idx.msk $0xffff, v26  }
0x104: {  	v27 =	vld [tilespmem:$0x50];
	_ =	sdelay $0x4  }
0x105: {  	v27 =	vadd.s32 v6, v27;
	_ =	sdelay $0x4  }
0x106: {  	[tilespmem:v27+s29+$0x0] =	vst.idx.msk $0xffff, v26  }
0x107: {  	v27 =	vld [tilespmem:$0x60];
	_ =	sdelay $0x4  }
0x108: {  	v27 =	vadd.s32 v7, v27;
	_ =	sdelay $0x4  }
0x109: {  	[tilespmem:v27+s29+$0x0] =	vst.idx.msk $0xffff, v26  }
0x10a: {  	v27 =	vld [tilespmem:$0x70];
	_ =	sdelay $0x4  }
0x10b: {  	v27 =	vadd.s32 v8, v27;
	_ =	sdelay $0x4  }
0x10c: {  	[tilespmem:v27+s29+$0x0] =	vst.idx.msk $0xffff, v26  }
0x10d: {  	v27 =	vld [tilespmem:$0x80];
	_ =	sdelay $0x4  }
0x10e: {  	v27 =	vadd.s32 v9, v27;
	_ =	sdelay $0x4  }
0x10f: {  	[tilespmem:v27+s29+$0x0] =	vst.idx.msk $0xffff, v26  }
0x110: {  	v27 =	vld [tilespmem:$0x90];
	_ =	sdelay $0x4  }
0x111: {  	v27 =	vadd.s32 v10, v27;
	_ =	sdelay $0x4  }
0x112: {  	[tilespmem:v27+s29+$0x0] =	vst.idx.msk $0xffff, v26  }
0x113: {  	v27 =	vld [tilespmem:$0xA0];
	_ =	sdelay $0x4  }
0x114: {  	v27 =	vadd.s32 v11, v27;
	_ =	sdelay $0x4  }
0x115: {  	[tilespmem:v27+s29+$0x0] =	vst.idx.msk $0xffff, v26  }
0x116: {  	v27 =	vld [tilespmem:$0xB0];
	_ =	sdelay $0x4  }
0x117: {  	v27 =	vadd.s32 v12, v27;
	_ =	sdelay $0x4  }
0x118: {  	[tilespmem:v27+s29+$0x0] =	vst.idx.msk $0xffff, v26  }
0x119: {  	v27 =	vld [tilespmem:$0xC0];
	_ =	sdelay $0x4  }
0x11a: {  	v27 =	vadd.s32 v13, v27;
	_ =	sdelay $0x4  }
0x11b: {  	[tilespmem:v27+s29+$0x0] =	vst.idx.msk $0xffff, v26  }
0x11c: {  	v27 =	vld [tilespmem:$0xD0];
	_ =	sdelay $0x4  }
0x11d: {  	v27 =	vadd.s32 v14, v27;
	_ =	sdelay $0x4  }
0x11e: {  	[tilespmem:v27+s29+$0x0] =	vst.idx.msk $0xffff, v26  }
0x11f: {  	v27 =	vld [tilespmem:$0xE0];
	_ =	sdelay $0x4  }
0x120: {  	v27 =	vadd.s32 v15, v27;
	_ =	sdelay $0x4  }
0x121: {  	[tilespmem:v27+s29+$0x0] =	vst.idx.msk $0xffff, v26  }
0x122: {  	v27 =	vld [tilespmem:$0xF0];
	_ =	sdelay $0x4  }
0x123: {  	v27 =	vadd.s32 v16, v27;
	_ =	sdelay $0x4  }
0x124: {  	[tilespmem:v27+s29+$0x0] =	vst.idx.msk $0xffff, v26  }
0x125: {  	v27 =	vld [tilespmem:$0x100];
	_ =	sdelay $0x4  }
0x126: {  	v27 =	vadd.s32 v17, v27;
	_ =	sdelay $0x4  }
0x127: {  	[tilespmem:v27+s29+$0x0] =	vst.idx.msk $0xffff, v26  }
0x128: {  	v27 =	vld [tilespmem:$0x110];
	_ =	sdelay $0x4  }
0x129: {  	v27 =	vadd.s32 v18, v27;
	_ =	sdelay $0x4  }
0x12a: {  	[tilespmem:v27+s29+$0x0] =	vst.idx.msk $0xffff, v26  }
0x12b: {  	v27 =	vld [tilespmem:$0x120];
	_ =	sdelay $0x4  }
0x12c: {  	v27 =	vadd.s32 v19, v27;
	_ =	sdelay $0x4  }
0x12d: {  	[tilespmem:v27+s29+$0x0] =	vst.idx.msk $0xffff, v26  }
0x12e: {  	v27 =	vld [tilespmem:$0x130];
	_ =	sdelay $0x4  }
0x12f: {  	v27 =	vadd.s32 v20, v27;
	_ =	sdelay $0x4  }
0x130: {  	[tilespmem:v27+s29+$0x0] =	vst.idx.msk $0xffff, v26  }
0x131: {  	v27 =	vld [tilespmem:$0x140];
	_ =	sdelay $0x4  }
0x132: {  	v27 =	vadd.s32 v21, v27;
	_ =	sdelay $0x4  }
0x133: {  	[tilespmem:v27+s29+$0x0] =	vst.idx.msk $0xffff, v26  }
0x134: {  	v27 =	vld [tilespmem:$0x150];
	_ =	sdelay $0x4  }
0x135: {  	v27 =	vadd.s32 v22, v27;
	_ =	sdelay $0x4  }
0x136: {  	[tilespmem:v27+s29+$0x0] =	vst.idx.msk $0xffff, v26  }
0x137: {  	v27 =	vld [tilespmem:$0x160];
	_ =	sdelay $0x4  }
0x138: {  	v27 =	vadd.s32 v23, v27;
	_ =	sdelay $0x4  }
0x139: {  	[tilespmem:v27+s29+$0x0] =	vst.idx.msk $0xffff, v26  }
0x13a: {  	v27 =	vld [tilespmem:$0x170];
	_ =	sdelay $0x4  }
0x13b: {  	v27 =	vadd.s32 v24, v27;
	_ =	sdelay $0x4  }
0x13c: {  	[tilespmem:v27+s29+$0x0] =	vst.idx.msk $0xffff, v26  }
0x13d: {  	v27 =	vld [tilespmem:$0x180];
	_ =	sdelay $0x4  }
0x13e: {  	v27 =	vadd.s32 v25, v27;
	_ =	sdelay $0x4  }
0x13f: {  	[tilespmem:v27+s29+$0x0] =	vst.idx.msk $0xffff, v26  }
0x140: {  	v27 =	vld [tilespmem:$0x400];
	_ =	sdelay $0x4  }
0x141: {  	v27 =	vadd.s32 v0, v27;
	_ =	sdelay $0x4  }
0x142: {  	[tilespmem:v27+s29+$0x0] =	vst.idx.msk $0xffff, v1  }
0x143: {  	v27 =	vld [tilespmem:$0x410];
	_ =	sdelay $0x4  }
0x144: {  	v27 =	vadd.s32 v2, v27;
	_ =	sdelay $0x4  }
0x145: {  	[tilespmem:v27+s29+$0x0] =	vst.idx.msk $0xffff, v1  }
0x146: {  	v27 =	vld [tilespmem:$0x420];
	_ =	sdelay $0x4  }
0x147: {  	v27 =	vadd.s32 v3, v27;
	_ =	sdelay $0x4  }
0x148: {  	[tilespmem:v27+s29+$0x0] =	vst.idx.msk $0xffff, v1  }
0x149: {  	v27 =	vld [tilespmem:$0x430];
	_ =	sdelay $0x4  }
0x14a: {  	v27 =	vadd.s32 v4, v27;
	_ =	sdelay $0x4  }
0x14b: {  	[tilespmem:v27+s29+$0x0] =	vst.idx.msk $0xffff, v1  }
0x14c: {  	v27 =	vld [tilespmem:$0x440];
	_ =	sdelay $0x4  }
0x14d: {  	v27 =	vadd.s32 v5, v27;
	_ =	sdelay $0x4  }
0x14e: {  	[tilespmem:v27+s29+$0x0] =	vst.idx.msk $0xffff, v1  }
0x14f: {  	v27 =	vld [tilespmem:$0x450];
	_ =	sdelay $0x4  }
0x150: {  	v27 =	vadd.s32 v6, v27;
	_ =	sdelay $0x4  }
0x151: {  	[tilespmem:v27+s29+$0x0] =	vst.idx.msk $0xffff, v1  }
0x152: {  	v27 =	vld [tilespmem:$0x460];
	_ =	sdelay $0x4  }
0x153: {  	v27 =	vadd.s32 v7, v27;
	_ =	sdelay $0x4  }
0x154: {  	[tilespmem:v27+s29+$0x0] =	vst.idx.msk $0xffff, v1  }
0x155: {  	v27 =	vld [tilespmem:$0x470];
	_ =	sdelay $0x4  }
0x156: {  	v27 =	vadd.s32 v8, v27;
	_ =	sdelay $0x4  }
0x157: {  	[tilespmem:v27+s29+$0x0] =	vst.idx.msk $0xffff, v1  }
0x158: {  	v27 =	vld [tilespmem:$0x480];
	_ =	sdelay $0x4  }
0x159: {  	v27 =	vadd.s32 v9, v27;
	_ =	sdelay $0x4  }
0x15a: {  	[tilespmem:v27+s29+$0x0] =	vst.idx.msk $0xffff, v1  }
0x15b: {  	v27 =	vld [tilespmem:$0x490];
	_ =	sdelay $0x4  }
0x15c: {  	v27 =	vadd.s32 v10, v27;
	_ =	sdelay $0x4  }
0x15d: {  	[tilespmem:v27+s29+$0x0] =	vst.idx.msk $0xffff, v1  }
0x15e: {  	v27 =	vld [tilespmem:$0x4A0];
	_ =	sdelay $0x4  }
0x15f: {  	v27 =	vadd.s32 v11, v27;
	_ =	sdelay $0x4  }
0x160: {  	[tilespmem:v27+s29+$0x0] =	vst.idx.msk $0xffff, v1  }
0x161: {  	v27 =	vld [tilespmem:$0x4B0];
	_ =	sdelay $0x4  }
0x162: {  	v27 =	vadd.s32 v12, v27;
	_ =	sdelay $0x4  }
0x163: {  	[tilespmem:v27+s29+$0x0] =	vst.idx.msk $0xffff, v1  }
0x164: {  	v27 =	vld [tilespmem:$0x4C0];
	_ =	sdelay $0x4  }
0x165: {  	v27 =	vadd.s32 v13, v27;
	_ =	sdelay $0x4  }
0x166: {  	[tilespmem:v27+s29+$0x0] =	vst.idx.msk $0xffff, v1  }
0x167: {  	v27 =	vld [tilespmem:$0x4D0];
	_ =	sdelay $0x4  }
0x168: {  	v27 =	vadd.s32 v14, v27;
	_ =	sdelay $0x4  }
0x169: {  	[tilespmem:v27+s29+$0x0] =	vst.idx.msk $0xffff, v1  }
0x16a: {  	v27 =	vld [tilespmem:$0x4E0];
	_ =	sdelay $0x4  }
0x16b: {  	v27 =	vadd.s32 v15, v27;
	_ =	sdelay $0x4  }
0x16c: {  	[tilespmem:v27+s29+$0x0] =	vst.idx.msk $0xffff, v1  }
0x16d: {  	v27 =	vld [tilespmem:$0x4F0];
	_ =	sdelay $0x4  }
0x16e: {  	v27 =	vadd.s32 v16, v27;
	_ =	sdelay $0x4  }
0x16f: {  	[tilespmem:v27+s29+$0x0] =	vst.idx.msk $0xffff, v1  }
0x170: {  	v27 =	vld [tilespmem:$0x500];
	_ =	sdelay $0x4  }
0x171: {  	v27 =	vadd.s32 v17, v27;
	_ =	sdelay $0x4  }
0x172: {  	[tilespmem:v27+s29+$0x0] =	vst.idx.msk $0xffff, v1  }
0x173: {  	v27 =	vld [tilespmem:$0x510];
	_ =	sdelay $0x4  }
0x174: {  	v27 =	vadd.s32 v18, v27;
	_ =	sdelay $0x4  }
0x175: {  	[tilespmem:v27+s29+$0x0] =	vst.idx.msk $0xffff, v1  }
0x176: {  	v27 =	vld [tilespmem:$0x520];
	_ =	sdelay $0x4  }
0x177: {  	v27 =	vadd.s32 v19, v27;
	_ =	sdelay $0x4  }
0x178: {  	[tilespmem:v27+s29+$0x0] =	vst.idx.msk $0xffff, v1  }
0x179: {  	v27 =	vld [tilespmem:$0x530];
	_ =	sdelay $0x4  }
0x17a: {  	v27 =	vadd.s32 v20, v27;
	_ =	sdelay $0x4  }
0x17b: {  	[tilespmem:v27+s29+$0x0] =	vst.idx.msk $0xffff, v1  }
0x17c: {  	v27 =	vld [tilespmem:$0x540];
	_ =	sdelay $0x4  }
0x17d: {  	v27 =	vadd.s32 v21, v27;
	_ =	sdelay $0x4  }
0x17e: {  	[tilespmem:v27+s29+$0x0] =	vst.idx.msk $0xffff, v1  }
0x17f: {  	v27 =	vld [tilespmem:$0x550];
	_ =	sdelay $0x4  }
0x180: {  	v27 =	vadd.s32 v22, v27;
	_ =	sdelay $0x4  }
0x181: {  	[tilespmem:v27+s29+$0x0] =	vst.idx.msk $0xffff, v1  }
0x182: {  	v27 =	vld [tilespmem:$0x560];
	_ =	sdelay $0x4  }
0x183: {  	v27 =	vadd.s32 v23, v27;
	_ =	sdelay $0x4  }
0x184: {  	[tilespmem:v27+s29+$0x0] =	vst.idx.msk $0xffff, v1  }
0x185: {  	v27 =	vld [tilespmem:$0x570];
	_ =	sdelay $0x4  }
0x186: {  	v27 =	vadd.s32 v24, v27;
	_ =	sdelay $0x4  }
0x187: {  	[tilespmem:v27+s29+$0x0] =	vst.idx.msk $0xffff, v1  }
0x188: {  	v27 =	vld [tilespmem:$0x580];
	_ =	sdelay $0x4  }
0x189: {  	v27 =	vadd.s32 v25, v27;
	_ =	sdelay $0x4  }
0x18a: {  	[tilespmem:v27+s29+$0x0] =	vst.idx.msk $0xffff, v1  }
0x18b: {  	[hbm4b:s15+s3] =	stream.linear.scatter [tilespmem:s29], [sflag:$0x1], $0xC800, $0x38;
	[tilespmem:$0x1AC80] =	vst v63  }
0x18c: {  	_ =	swait.ge [sflag:s0], $0xC800  }
0x18d: {  	[sflag:s0] =	ssyncset.done $0x0  }
0x18e: {  	[sflag:s0] =	ssyncadd.s32 $0xFFFF3800  }
0x18f: {  	v27 =	vld [tilespmem:$0x200];
	_ =	sdelay $0x4  }
0x190: {  	v27 =	vadd.s32 v0, v27;
	_ =	sdelay $0x4  }
0x191: {  	[tilespmem:v27+s30+$0x0] =	vst.idx.msk $0xffff, v26  }
0x192: {  	v27 =	vld [tilespmem:$0x210];
	_ =	sdelay $0x4  }
0x193: {  	v27 =	vadd.s32 v2, v27;
	_ =	sdelay $0x4  }
0x194: {  	[tilespmem:v27+s30+$0x0] =	vst.idx.msk $0xffff, v26  }
0x195: {  	v27 =	vld [tilespmem:$0x220];
	_ =	sdelay $0x4  }
0x196: {  	v27 =	vadd.s32 v3, v27;
	_ =	sdelay $0x4  }
0x197: {  	[tilespmem:v27+s30+$0x0] =	vst.idx.msk $0xffff, v26  }
0x198: {  	v27 =	vld [tilespmem:$0x230];
	_ =	sdelay $0x4  }
0x199: {  	v27 =	vadd.s32 v4, v27;
	_ =	sdelay $0x4  }
0x19a: {  	[tilespmem:v27+s30+$0x0] =	vst.idx.msk $0xffff, v26  }
0x19b: {  	v27 =	vld [tilespmem:$0x240];
	_ =	sdelay $0x4  }
0x19c: {  	v27 =	vadd.s32 v5, v27;
	_ =	sdelay $0x4  }
0x19d: {  	[tilespmem:v27+s30+$0x0] =	vst.idx.msk $0xffff, v26  }
0x19e: {  	v27 =	vld [tilespmem:$0x250];
	_ =	sdelay $0x4  }
0x19f: {  	v27 =	vadd.s32 v6, v27;
	_ =	sdelay $0x4  }
0x1a0: {  	[tilespmem:v27+s30+$0x0] =	vst.idx.msk $0xffff, v26  }
0x1a1: {  	v27 =	vld [tilespmem:$0x260];
	_ =	sdelay $0x4  }
0x1a2: {  	v27 =	vadd.s32 v7, v27;
	_ =	sdelay $0x4  }
0x1a3: {  	[tilespmem:v27+s30+$0x0] =	vst.idx.msk $0xffff, v26  }
0x1a4: {  	v27 =	vld [tilespmem:$0x270];
	_ =	sdelay $0x4  }
0x1a5: {  	v27 =	vadd.s32 v8, v27;
	_ =	sdelay $0x4  }
0x1a6: {  	[tilespmem:v27+s30+$0x0] =	vst.idx.msk $0xffff, v26  }
0x1a7: {  	v27 =	vld [tilespmem:$0x280];
	_ =	sdelay $0x4  }
0x1a8: {  	v27 =	vadd.s32 v9, v27;
	_ =	sdelay $0x4  }
0x1a9: {  	[tilespmem:v27+s30+$0x0] =	vst.idx.msk $0xffff, v26  }
0x1aa: {  	v27 =	vld [tilespmem:$0x290];
	_ =	sdelay $0x4  }
0x1ab: {  	v27 =	vadd.s32 v10, v27;
	_ =	sdelay $0x4  }
0x1ac: {  	[tilespmem:v27+s30+$0x0] =	vst.idx.msk $0xffff, v26  }
0x1ad: {  	v27 =	vld [tilespmem:$0x2A0];
	_ =	sdelay $0x4  }
0x1ae: {  	v27 =	vadd.s32 v11, v27;
	_ =	sdelay $0x4  }
0x1af: {  	[tilespmem:v27+s30+$0x0] =	vst.idx.msk $0xffff, v26  }
0x1b0: {  	v27 =	vld [tilespmem:$0x2B0];
	_ =	sdelay $0x4  }
0x1b1: {  	v27 =	vadd.s32 v12, v27;
	_ =	sdelay $0x4  }
0x1b2: {  	[tilespmem:v27+s30+$0x0] =	vst.idx.msk $0xffff, v26  }
0x1b3: {  	v27 =	vld [tilespmem:$0x2C0];
	_ =	sdelay $0x4  }
0x1b4: {  	v27 =	vadd.s32 v13, v27;
	_ =	sdelay $0x4  }
0x1b5: {  	[tilespmem:v27+s30+$0x0] =	vst.idx.msk $0xffff, v26  }
0x1b6: {  	v27 =	vld [tilespmem:$0x2D0];
	_ =	sdelay $0x4  }
0x1b7: {  	v27 =	vadd.s32 v14, v27;
	_ =	sdelay $0x4  }
0x1b8: {  	[tilespmem:v27+s30+$0x0] =	vst.idx.msk $0xffff, v26  }
0x1b9: {  	v27 =	vld [tilespmem:$0x2E0];
	_ =	sdelay $0x4  }
0x1ba: {  	v27 =	vadd.s32 v15, v27;
	_ =	sdelay $0x4  }
0x1bb: {  	[tilespmem:v27+s30+$0x0] =	vst.idx.msk $0xffff, v26  }
0x1bc: {  	v27 =	vld [tilespmem:$0x2F0];
	_ =	sdelay $0x4  }
0x1bd: {  	v27 =	vadd.s32 v16, v27;
	_ =	sdelay $0x4  }
0x1be: {  	[tilespmem:v27+s30+$0x0] =	vst.idx.msk $0xffff, v26  }
0x1bf: {  	v27 =	vld [tilespmem:$0x300];
	_ =	sdelay $0x4  }
0x1c0: {  	v27 =	vadd.s32 v17, v27;
	_ =	sdelay $0x4  }
0x1c1: {  	[tilespmem:v27+s30+$0x0] =	vst.idx.msk $0xffff, v26  }
0x1c2: {  	v27 =	vld [tilespmem:$0x310];
	_ =	sdelay $0x4  }
0x1c3: {  	v27 =	vadd.s32 v18, v27;
	_ =	sdelay $0x4  }
0x1c4: {  	[tilespmem:v27+s30+$0x0] =	vst.idx.msk $0xffff, v26  }
0x1c5: {  	v27 =	vld [tilespmem:$0x320];
	_ =	sdelay $0x4  }
0x1c6: {  	v27 =	vadd.s32 v19, v27;
	_ =	sdelay $0x4  }
0x1c7: {  	[tilespmem:v27+s30+$0x0] =	vst.idx.msk $0xffff, v26  }
0x1c8: {  	v27 =	vld [tilespmem:$0x330];
	_ =	sdelay $0x4  }
0x1c9: {  	v27 =	vadd.s32 v20, v27;
	_ =	sdelay $0x4  }
0x1ca: {  	[tilespmem:v27+s30+$0x0] =	vst.idx.msk $0xffff, v26  }
0x1cb: {  	v27 =	vld [tilespmem:$0x340];
	_ =	sdelay $0x4  }
0x1cc: {  	v27 =	vadd.s32 v21, v27;
	_ =	sdelay $0x4  }
0x1cd: {  	[tilespmem:v27+s30+$0x0] =	vst.idx.msk $0xffff, v26  }
0x1ce: {  	v27 =	vld [tilespmem:$0x350];
	_ =	sdelay $0x4  }
0x1cf: {  	v27 =	vadd.s32 v22, v27;
	_ =	sdelay $0x4  }
0x1d0: {  	[tilespmem:v27+s30+$0x0] =	vst.idx.msk $0xffff, v26  }
0x1d1: {  	v27 =	vld [tilespmem:$0x360];
	_ =	sdelay $0x4  }
0x1d2: {  	v27 =	vadd.s32 v23, v27;
	_ =	sdelay $0x4  }
0x1d3: {  	[tilespmem:v27+s30+$0x0] =	vst.idx.msk $0xffff, v26  }
0x1d4: {  	v27 =	vld [tilespmem:$0x370];
	_ =	sdelay $0x4  }
0x1d5: {  	v27 =	vadd.s32 v24, v27;
	_ =	sdelay $0x4  }
0x1d6: {  	[tilespmem:v27+s30+$0x0] =	vst.idx.msk $0xffff, v26  }
0x1d7: {  	v27 =	vld [tilespmem:$0x380];
	_ =	sdelay $0x4  }
0x1d8: {  	v27 =	vadd.s32 v25, v27;
	_ =	sdelay $0x4  }
0x1d9: {  	[tilespmem:v27+s30+$0x0] =	vst.idx.msk $0xffff, v26  }
0x1da: {  	v27 =	vld [tilespmem:$0x600];
	_ =	sdelay $0x4  }
0x1db: {  	v27 =	vadd.s32 v0, v27;
	_ =	sdelay $0x4  }
0x1dc: {  	[tilespmem:v27+s30+$0x0] =	vst.idx.msk $0xffff, v1  }
0x1dd: {  	v27 =	vld [tilespmem:$0x610];
	_ =	sdelay $0x4  }
0x1de: {  	v27 =	vadd.s32 v2, v27;
	_ =	sdelay $0x4  }
0x1df: {  	[tilespmem:v27+s30+$0x0] =	vst.idx.msk $0xffff, v1  }
0x1e0: {  	v27 =	vld [tilespmem:$0x620];
	_ =	sdelay $0x4  }
0x1e1: {  	v27 =	vadd.s32 v3, v27;
	_ =	sdelay $0x4  }
0x1e2: {  	[tilespmem:v27+s30+$0x0] =	vst.idx.msk $0xffff, v1  }
0x1e3: {  	v27 =	vld [tilespmem:$0x630];
	_ =	sdelay $0x4  }
0x1e4: {  	v27 =	vadd.s32 v4, v27;
	_ =	sdelay $0x4  }
0x1e5: {  	[tilespmem:v27+s30+$0x0] =	vst.idx.msk $0xffff, v1  }
0x1e6: {  	v27 =	vld [tilespmem:$0x640];
	_ =	sdelay $0x4  }
0x1e7: {  	v27 =	vadd.s32 v5, v27;
	_ =	sdelay $0x4  }
0x1e8: {  	[tilespmem:v27+s30+$0x0] =	vst.idx.msk $0xffff, v1  }
0x1e9: {  	v27 =	vld [tilespmem:$0x650];
	_ =	sdelay $0x4  }
0x1ea: {  	v27 =	vadd.s32 v6, v27;
	_ =	sdelay $0x4  }
0x1eb: {  	[tilespmem:v27+s30+$0x0] =	vst.idx.msk $0xffff, v1  }
0x1ec: {  	v27 =	vld [tilespmem:$0x660];
	_ =	sdelay $0x4  }
0x1ed: {  	v27 =	vadd.s32 v7, v27;
	_ =	sdelay $0x4  }
0x1ee: {  	[tilespmem:v27+s30+$0x0] =	vst.idx.msk $0xffff, v1  }
0x1ef: {  	v27 =	vld [tilespmem:$0x670];
	_ =	sdelay $0x4  }
0x1f0: {  	v27 =	vadd.s32 v8, v27;
	_ =	sdelay $0x4  }
0x1f1: {  	[tilespmem:v27+s30+$0x0] =	vst.idx.msk $0xffff, v1  }
0x1f2: {  	v27 =	vld [tilespmem:$0x680];
	_ =	sdelay $0x4  }
0x1f3: {  	v27 =	vadd.s32 v9, v27;
	_ =	sdelay $0x4  }
0x1f4: {  	[tilespmem:v27+s30+$0x0] =	vst.idx.msk $0xffff, v1  }
0x1f5: {  	v27 =	vld [tilespmem:$0x690];
	_ =	sdelay $0x4  }
0x1f6: {  	v27 =	vadd.s32 v10, v27;
	_ =	sdelay $0x4  }
0x1f7: {  	[tilespmem:v27+s30+$0x0] =	vst.idx.msk $0xffff, v1  }
0x1f8: {  	v27 =	vld [tilespmem:$0x6A0];
	_ =	sdelay $0x4  }
0x1f9: {  	v27 =	vadd.s32 v11, v27;
	_ =	sdelay $0x4  }
0x1fa: {  	[tilespmem:v27+s30+$0x0] =	vst.idx.msk $0xffff, v1  }
0x1fb: {  	v27 =	vld [tilespmem:$0x6B0];
	_ =	sdelay $0x4  }
0x1fc: {  	v27 =	vadd.s32 v12, v27;
	_ =	sdelay $0x4  }
0x1fd: {  	[tilespmem:v27+s30+$0x0] =	vst.idx.msk $0xffff, v1  }
0x1fe: {  	v27 =	vld [tilespmem:$0x6C0];
	_ =	sdelay $0x4  }
0x1ff: {  	v27 =	vadd.s32 v13, v27;
	_ =	sdelay $0x4  }
0x200: {  	[tilespmem:v27+s30+$0x0] =	vst.idx.msk $0xffff, v1  }
0x201: {  	v27 =	vld [tilespmem:$0x6D0];
	_ =	sdelay $0x4  }
0x202: {  	v27 =	vadd.s32 v14, v27;
	_ =	sdelay $0x4  }
0x203: {  	[tilespmem:v27+s30+$0x0] =	vst.idx.msk $0xffff, v1  }
0x204: {  	v27 =	vld [tilespmem:$0x6E0];
	_ =	sdelay $0x4  }
0x205: {  	v27 =	vadd.s32 v15, v27;
	_ =	sdelay $0x4  }
0x206: {  	[tilespmem:v27+s30+$0x0] =	vst.idx.msk $0xffff, v1  }
0x207: {  	v27 =	vld [tilespmem:$0x6F0];
	_ =	sdelay $0x4  }
0x208: {  	v27 =	vadd.s32 v16, v27;
	_ =	sdelay $0x4  }
0x209: {  	[tilespmem:v27+s30+$0x0] =	vst.idx.msk $0xffff, v1  }
0x20a: {  	v27 =	vld [tilespmem:$0x700];
	_ =	sdelay $0x4  }
0x20b: {  	v27 =	vadd.s32 v17, v27;
	_ =	sdelay $0x4  }
0x20c: {  	[tilespmem:v27+s30+$0x0] =	vst.idx.msk $0xffff, v1  }
0x20d: {  	v27 =	vld [tilespmem:$0x710];
	_ =	sdelay $0x4  }
0x20e: {  	v27 =	vadd.s32 v18, v27;
	_ =	sdelay $0x4  }
0x20f: {  	[tilespmem:v27+s30+$0x0] =	vst.idx.msk $0xffff, v1  }
0x210: {  	v27 =	vld [tilespmem:$0x720];
	_ =	sdelay $0x4  }
0x211: {  	v27 =	vadd.s32 v19, v27;
	_ =	sdelay $0x4  }
0x212: {  	[tilespmem:v27+s30+$0x0] =	vst.idx.msk $0xffff, v1  }
0x213: {  	v27 =	vld [tilespmem:$0x730];
	_ =	sdelay $0x4  }
0x214: {  	v27 =	vadd.s32 v20, v27;
	_ =	sdelay $0x4  }
0x215: {  	[tilespmem:v27+s30+$0x0] =	vst.idx.msk $0xffff, v1  }
0x216: {  	v27 =	vld [tilespmem:$0x740];
	_ =	sdelay $0x4  }
0x217: {  	v27 =	vadd.s32 v21, v27;
	_ =	sdelay $0x4  }
0x218: {  	[tilespmem:v27+s30+$0x0] =	vst.idx.msk $0xffff, v1  }
0x219: {  	v27 =	vld [tilespmem:$0x750];
	_ =	sdelay $0x4  }
0x21a: {  	v27 =	vadd.s32 v22, v27;
	_ =	sdelay $0x4  }
0x21b: {  	[tilespmem:v27+s30+$0x0] =	vst.idx.msk $0xffff, v1  }
0x21c: {  	v27 =	vld [tilespmem:$0x760];
	_ =	sdelay $0x4  }
0x21d: {  	v27 =	vadd.s32 v23, v27;
	_ =	sdelay $0x4  }
0x21e: {  	[tilespmem:v27+s30+$0x0] =	vst.idx.msk $0xffff, v1  }
0x21f: {  	v27 =	vld [tilespmem:$0x770];
	_ =	sdelay $0x4  }
0x220: {  	v27 =	vadd.s32 v24, v27;
	_ =	sdelay $0x4  }
0x221: {  	[tilespmem:v27+s30+$0x0] =	vst.idx.msk $0xffff, v1  }
0x222: {  	v27 =	vld [tilespmem:$0x780];
	_ =	sdelay $0x4  }
0x223: {  	v27 =	vadd.s32 v25, v27;
	_ =	sdelay $0x4  }
0x224: {  	[tilespmem:v27+s30+$0x0] =	vst.idx.msk $0xffff, v1  }
0x225: {  	[hbm4b:s16+s3] =	stream.linear.scatter [tilespmem:s30], [sflag:$0x2], $0xC800, $0x38;
	[tilespmem:$0x1AC80] =	vst v63  }
0x226: {  	_ =	swait.ge [sflag:s1], $0xC800  }
0x227: {  	[sflag:s1] =	ssyncset.done $0x0  }
0x228: {  	[sflag:s1] =	ssyncadd.s32 $0xFFFF3800  }
0x229: {  	v27 =	vld [tilespmem:$0x400];
	_ =	sdelay $0x4  }
0x22a: {  	v27 =	vadd.s32 v0, v27;
	_ =	sdelay $0x4  }
0x22b: {  	[tilespmem:v27+s29+$0x0] =	vst.idx.msk $0xffff, v26  }
0x22c: {  	v27 =	vld [tilespmem:$0x410];
	_ =	sdelay $0x4  }
0x22d: {  	v27 =	vadd.s32 v2, v27;
	_ =	sdelay $0x4  }
0x22e: {  	[tilespmem:v27+s29+$0x0] =	vst.idx.msk $0xffff, v26  }
0x22f: {  	v27 =	vld [tilespmem:$0x420];
	_ =	sdelay $0x4  }
0x230: {  	v27 =	vadd.s32 v3, v27;
	_ =	sdelay $0x4  }
0x231: {  	[tilespmem:v27+s29+$0x0] =	vst.idx.msk $0xffff, v26  }
0x232: {  	v27 =	vld [tilespmem:$0x430];
	_ =	sdelay $0x4  }
0x233: {  	v27 =	vadd.s32 v4, v27;
	_ =	sdelay $0x4  }
0x234: {  	[tilespmem:v27+s29+$0x0] =	vst.idx.msk $0xffff, v26  }
0x235: {  	v27 =	vld [tilespmem:$0x440];
	_ =	sdelay $0x4  }
0x236: {  	v27 =	vadd.s32 v5, v27;
	_ =	sdelay $0x4  }
0x237: {  	[tilespmem:v27+s29+$0x0] =	vst.idx.msk $0xffff, v26  }
0x238: {  	v27 =	vld [tilespmem:$0x450];
	_ =	sdelay $0x4  }
0x239: {  	v27 =	vadd.s32 v6, v27;
	_ =	sdelay $0x4  }
0x23a: {  	[tilespmem:v27+s29+$0x0] =	vst.idx.msk $0xffff, v26  }
0x23b: {  	v27 =	vld [tilespmem:$0x460];
	_ =	sdelay $0x4  }
0x23c: {  	v27 =	vadd.s32 v7, v27;
	_ =	sdelay $0x4  }
0x23d: {  	[tilespmem:v27+s29+$0x0] =	vst.idx.msk $0xffff, v26  }
0x23e: {  	v27 =	vld [tilespmem:$0x470];
	_ =	sdelay $0x4  }
0x23f: {  	v27 =	vadd.s32 v8, v27;
	_ =	sdelay $0x4  }
0x240: {  	[tilespmem:v27+s29+$0x0] =	vst.idx.msk $0xffff, v26  }
0x241: {  	v27 =	vld [tilespmem:$0x480];
	_ =	sdelay $0x4  }
0x242: {  	v27 =	vadd.s32 v9, v27;
	_ =	sdelay $0x4  }
0x243: {  	[tilespmem:v27+s29+$0x0] =	vst.idx.msk $0xffff, v26  }
0x244: {  	v27 =	vld [tilespmem:$0x490];
	_ =	sdelay $0x4  }
0x245: {  	v27 =	vadd.s32 v10, v27;
	_ =	sdelay $0x4  }
0x246: {  	[tilespmem:v27+s29+$0x0] =	vst.idx.msk $0xffff, v26  }
0x247: {  	v27 =	vld [tilespmem:$0x4A0];
	_ =	sdelay $0x4  }
0x248: {  	v27 =	vadd.s32 v11, v27;
	_ =	sdelay $0x4  }
0x249: {  	[tilespmem:v27+s29+$0x0] =	vst.idx.msk $0xffff, v26  }
0x24a: {  	v27 =	vld [tilespmem:$0x4B0];
	_ =	sdelay $0x4  }
0x24b: {  	v27 =	vadd.s32 v12, v27;
	_ =	sdelay $0x4  }
0x24c: {  	[tilespmem:v27+s29+$0x0] =	vst.idx.msk $0xffff, v26  }
0x24d: {  	v27 =	vld [tilespmem:$0x4C0];
	_ =	sdelay $0x4  }
0x24e: {  	v27 =	vadd.s32 v13, v27;
	_ =	sdelay $0x4  }
0x24f: {  	[tilespmem:v27+s29+$0x0] =	vst.idx.msk $0xffff, v26  }
0x250: {  	v27 =	vld [tilespmem:$0x4D0];
	_ =	sdelay $0x4  }
0x251: {  	v27 =	vadd.s32 v14, v27;
	_ =	sdelay $0x4  }
0x252: {  	[tilespmem:v27+s29+$0x0] =	vst.idx.msk $0xffff, v26  }
0x253: {  	v27 =	vld [tilespmem:$0x4E0];
	_ =	sdelay $0x4  }
0x254: {  	v27 =	vadd.s32 v15, v27;
	_ =	sdelay $0x4  }
0x255: {  	[tilespmem:v27+s29+$0x0] =	vst.idx.msk $0xffff, v26  }
0x256: {  	v27 =	vld [tilespmem:$0x4F0];
	_ =	sdelay $0x4  }
0x257: {  	v27 =	vadd.s32 v16, v27;
	_ =	sdelay $0x4  }
0x258: {  	[tilespmem:v27+s29+$0x0] =	vst.idx.msk $0xffff, v26  }
0x259: {  	v27 =	vld [tilespmem:$0x500];
	_ =	sdelay $0x4  }
0x25a: {  	v27 =	vadd.s32 v17, v27;
	_ =	sdelay $0x4  }
0x25b: {  	[tilespmem:v27+s29+$0x0] =	vst.idx.msk $0xffff, v26  }
0x25c: {  	v27 =	vld [tilespmem:$0x510];
	_ =	sdelay $0x4  }
0x25d: {  	v27 =	vadd.s32 v18, v27;
	_ =	sdelay $0x4  }
0x25e: {  	[tilespmem:v27+s29+$0x0] =	vst.idx.msk $0xffff, v26  }
0x25f: {  	v27 =	vld [tilespmem:$0x520];
	_ =	sdelay $0x4  }
0x260: {  	v27 =	vadd.s32 v19, v27;
	_ =	sdelay $0x4  }
0x261: {  	[tilespmem:v27+s29+$0x0] =	vst.idx.msk $0xffff, v26  }
0x262: {  	v27 =	vld [tilespmem:$0x530];
	_ =	sdelay $0x4  }
0x263: {  	v27 =	vadd.s32 v20, v27;
	_ =	sdelay $0x4  }
0x264: {  	[tilespmem:v27+s29+$0x0] =	vst.idx.msk $0xffff, v26  }
0x265: {  	v27 =	vld [tilespmem:$0x540];
	_ =	sdelay $0x4  }
0x266: {  	v27 =	vadd.s32 v21, v27;
	_ =	sdelay $0x4  }
0x267: {  	[tilespmem:v27+s29+$0x0] =	vst.idx.msk $0xffff, v26  }
0x268: {  	v27 =	vld [tilespmem:$0x550];
	_ =	sdelay $0x4  }
0x269: {  	v27 =	vadd.s32 v22, v27;
	_ =	sdelay $0x4  }
0x26a: {  	[tilespmem:v27+s29+$0x0] =	vst.idx.msk $0xffff, v26  }
0x26b: {  	v27 =	vld [tilespmem:$0x560];
	_ =	sdelay $0x4  }
0x26c: {  	v27 =	vadd.s32 v23, v27;
	_ =	sdelay $0x4  }
0x26d: {  	[tilespmem:v27+s29+$0x0] =	vst.idx.msk $0xffff, v26  }
0x26e: {  	v27 =	vld [tilespmem:$0x570];
	_ =	sdelay $0x4  }
0x26f: {  	v27 =	vadd.s32 v24, v27;
	_ =	sdelay $0x4  }
0x270: {  	[tilespmem:v27+s29+$0x0] =	vst.idx.msk $0xffff, v26  }
0x271: {  	v27 =	vld [tilespmem:$0x580];
	_ =	sdelay $0x4  }
0x272: {  	v27 =	vadd.s32 v25, v27;
	_ =	sdelay $0x4  }
0x273: {  	[tilespmem:v27+s29+$0x0] =	vst.idx.msk $0xffff, v26  }
0x274: {  	v27 =	vld [tilespmem:$0x800];
	_ =	sdelay $0x4  }
0x275: {  	v27 =	vadd.s32 v0, v27;
	_ =	sdelay $0x4  }
0x276: {  	[tilespmem:v27+s29+$0x0] =	vst.idx.msk $0xffff, v1  }
0x277: {  	v27 =	vld [tilespmem:$0x810];
	_ =	sdelay $0x4  }
0x278: {  	v27 =	vadd.s32 v2, v27;
	_ =	sdelay $0x4  }
0x279: {  	[tilespmem:v27+s29+$0x0] =	vst.idx.msk $0xffff, v1  }
0x27a: {  	v27 =	vld [tilespmem:$0x820];
	_ =	sdelay $0x4  }
0x27b: {  	v27 =	vadd.s32 v3, v27;
	_ =	sdelay $0x4  }
0x27c: {  	[tilespmem:v27+s29+$0x0] =	vst.idx.msk $0xffff, v1  }
0x27d: {  	v27 =	vld [tilespmem:$0x830];
	_ =	sdelay $0x4  }
0x27e: {  	v27 =	vadd.s32 v4, v27;
	_ =	sdelay $0x4  }
0x27f: {  	[tilespmem:v27+s29+$0x0] =	vst.idx.msk $0xffff, v1  }
0x280: {  	v27 =	vld [tilespmem:$0x840];
	_ =	sdelay $0x4  }
0x281: {  	v27 =	vadd.s32 v5, v27;
	_ =	sdelay $0x4  }
0x282: {  	[tilespmem:v27+s29+$0x0] =	vst.idx.msk $0xffff, v1  }
0x283: {  	v27 =	vld [tilespmem:$0x850];
	_ =	sdelay $0x4  }
0x284: {  	v27 =	vadd.s32 v6, v27;
	_ =	sdelay $0x4  }
0x285: {  	[tilespmem:v27+s29+$0x0] =	vst.idx.msk $0xffff, v1  }
0x286: {  	v27 =	vld [tilespmem:$0x860];
	_ =	sdelay $0x4  }
0x287: {  	v27 =	vadd.s32 v7, v27;
	_ =	sdelay $0x4  }
0x288: {  	[tilespmem:v27+s29+$0x0] =	vst.idx.msk $0xffff, v1  }
0x289: {  	v27 =	vld [tilespmem:$0x870];
	_ =	sdelay $0x4  }
0x28a: {  	v27 =	vadd.s32 v8, v27;
	_ =	sdelay $0x4  }
0x28b: {  	[tilespmem:v27+s29+$0x0] =	vst.idx.msk $0xffff, v1  }
0x28c: {  	v27 =	vld [tilespmem:$0x880];
	_ =	sdelay $0x4  }
0x28d: {  	v27 =	vadd.s32 v9, v27;
	_ =	sdelay $0x4  }
0x28e: {  	[tilespmem:v27+s29+$0x0] =	vst.idx.msk $0xffff, v1  }
0x28f: {  	v27 =	vld [tilespmem:$0x890];
	_ =	sdelay $0x4  }
0x290: {  	v27 =	vadd.s32 v10, v27;
	_ =	sdelay $0x4  }
0x291: {  	[tilespmem:v27+s29+$0x0] =	vst.idx.msk $0xffff, v1  }
0x292: {  	v27 =	vld [tilespmem:$0x8A0];
	_ =	sdelay $0x4  }
0x293: {  	v27 =	vadd.s32 v11, v27;
	_ =	sdelay $0x4  }
0x294: {  	[tilespmem:v27+s29+$0x0] =	vst.idx.msk $0xffff, v1  }
0x295: {  	v27 =	vld [tilespmem:$0x8B0];
	_ =	sdelay $0x4  }
0x296: {  	v27 =	vadd.s32 v12, v27;
	_ =	sdelay $0x4  }
0x297: {  	[tilespmem:v27+s29+$0x0] =	vst.idx.msk $0xffff, v1  }
0x298: {  	v27 =	vld [tilespmem:$0x8C0];
	_ =	sdelay $0x4  }
0x299: {  	v27 =	vadd.s32 v13, v27;
	_ =	sdelay $0x4  }
0x29a: {  	[tilespmem:v27+s29+$0x0] =	vst.idx.msk $0xffff, v1  }
0x29b: {  	v27 =	vld [tilespmem:$0x8D0];
	_ =	sdelay $0x4  }
0x29c: {  	v27 =	vadd.s32 v14, v27;
	_ =	sdelay $0x4  }
0x29d: {  	[tilespmem:v27+s29+$0x0] =	vst.idx.msk $0xffff, v1  }
0x29e: {  	v27 =	vld [tilespmem:$0x8E0];
	_ =	sdelay $0x4  }
0x29f: {  	v27 =	vadd.s32 v15, v27;
	_ =	sdelay $0x4  }
0x2a0: {  	[tilespmem:v27+s29+$0x0] =	vst.idx.msk $0xffff, v1  }
0x2a1: {  	v27 =	vld [tilespmem:$0x8F0];
	_ =	sdelay $0x4  }
0x2a2: {  	v27 =	vadd.s32 v16, v27;
	_ =	sdelay $0x4  }
0x2a3: {  	[tilespmem:v27+s29+$0x0] =	vst.idx.msk $0xffff, v1  }
0x2a4: {  	v27 =	vld [tilespmem:$0x900];
	_ =	sdelay $0x4  }
0x2a5: {  	v27 =	vadd.s32 v17, v27;
	_ =	sdelay $0x4  }
0x2a6: {  	[tilespmem:v27+s29+$0x0] =	vst.idx.msk $0xffff, v1  }
0x2a7: {  	v27 =	vld [tilespmem:$0x910];
	_ =	sdelay $0x4  }
0x2a8: {  	v27 =	vadd.s32 v18, v27;
	_ =	sdelay $0x4  }
0x2a9: {  	[tilespmem:v27+s29+$0x0] =	vst.idx.msk $0xffff, v1  }
0x2aa: {  	v27 =	vld [tilespmem:$0x920];
	_ =	sdelay $0x4  }
0x2ab: {  	v27 =	vadd.s32 v19, v27;
	_ =	sdelay $0x4  }
0x2ac: {  	[tilespmem:v27+s29+$0x0] =	vst.idx.msk $0xffff, v1  }
0x2ad: {  	v27 =	vld [tilespmem:$0x930];
	_ =	sdelay $0x4  }
0x2ae: {  	v27 =	vadd.s32 v20, v27;
	_ =	sdelay $0x4  }
0x2af: {  	[tilespmem:v27+s29+$0x0] =	vst.idx.msk $0xffff, v1  }
0x2b0: {  	v27 =	vld [tilespmem:$0x940];
	_ =	sdelay $0x4  }
0x2b1: {  	v27 =	vadd.s32 v21, v27;
	_ =	sdelay $0x4  }
0x2b2: {  	[tilespmem:v27+s29+$0x0] =	vst.idx.msk $0xffff, v1  }
0x2b3: {  	v27 =	vld [tilespmem:$0x950];
	_ =	sdelay $0x4  }
0x2b4: {  	v27 =	vadd.s32 v22, v27;
	_ =	sdelay $0x4  }
0x2b5: {  	[tilespmem:v27+s29+$0x0] =	vst.idx.msk $0xffff, v1  }
0x2b6: {  	v27 =	vld [tilespmem:$0x960];
	_ =	sdelay $0x4  }
0x2b7: {  	v27 =	vadd.s32 v23, v27;
	_ =	sdelay $0x4  }
0x2b8: {  	[tilespmem:v27+s29+$0x0] =	vst.idx.msk $0xffff, v1  }
0x2b9: {  	v27 =	vld [tilespmem:$0x970];
	_ =	sdelay $0x4  }
0x2ba: {  	v27 =	vadd.s32 v24, v27;
	_ =	sdelay $0x4  }
0x2bb: {  	[tilespmem:v27+s29+$0x0] =	vst.idx.msk $0xffff, v1  }
0x2bc: {  	v27 =	vld [tilespmem:$0x980];
	_ =	sdelay $0x4  }
0x2bd: {  	v27 =	vadd.s32 v25, v27;
	_ =	sdelay $0x4  }
0x2be: {  	[tilespmem:v27+s29+$0x0] =	vst.idx.msk $0xffff, v1  }
0x2bf: {  	[hbm4b:s17+s3] =	stream.linear.scatter [tilespmem:s29], [sflag:$0x1], $0xC800, $0x38;
	[tilespmem:$0x1AC80] =	vst v63  }
0x2c0: {  	_ =	swait.ge [sflag:s0], $0xC800  }
0x2c1: {  	[sflag:s0] =	ssyncset.done $0x0  }
0x2c2: {  	[sflag:s0] =	ssyncadd.s32 $0xFFFF3800  }
0x2c3: {  	v27 =	vld [tilespmem:$0x600];
	_ =	sdelay $0x4  }
0x2c4: {  	v27 =	vadd.s32 v0, v27;
	_ =	sdelay $0x4  }
0x2c5: {  	[tilespmem:v27+s30+$0x0] =	vst.idx.msk $0xffff, v26  }
0x2c6: {  	v27 =	vld [tilespmem:$0x610];
	_ =	sdelay $0x4  }
0x2c7: {  	v27 =	vadd.s32 v2, v27;
	_ =	sdelay $0x4  }
0x2c8: {  	[tilespmem:v27+s30+$0x0] =	vst.idx.msk $0xffff, v26  }
0x2c9: {  	v27 =	vld [tilespmem:$0x620];
	_ =	sdelay $0x4  }
0x2ca: {  	v27 =	vadd.s32 v3, v27;
	_ =	sdelay $0x4  }
0x2cb: {  	[tilespmem:v27+s30+$0x0] =	vst.idx.msk $0xffff, v26  }
0x2cc: {  	v27 =	vld [tilespmem:$0x630];
	_ =	sdelay $0x4  }
0x2cd: {  	v27 =	vadd.s32 v4, v27;
	_ =	sdelay $0x4  }
0x2ce: {  	[tilespmem:v27+s30+$0x0] =	vst.idx.msk $0xffff, v26  }
0x2cf: {  	v27 =	vld [tilespmem:$0x640];
	_ =	sdelay $0x4  }
0x2d0: {  	v27 =	vadd.s32 v5, v27;
	_ =	sdelay $0x4  }
0x2d1: {  	[tilespmem:v27+s30+$0x0] =	vst.idx.msk $0xffff, v26  }
0x2d2: {  	v27 =	vld [tilespmem:$0x650];
	_ =	sdelay $0x4  }
0x2d3: {  	v27 =	vadd.s32 v6, v27;
	_ =	sdelay $0x4  }
0x2d4: {  	[tilespmem:v27+s30+$0x0] =	vst.idx.msk $0xffff, v26  }
0x2d5: {  	v27 =	vld [tilespmem:$0x660];
	_ =	sdelay $0x4  }
0x2d6: {  	v27 =	vadd.s32 v7, v27;
	_ =	sdelay $0x4  }
0x2d7: {  	[tilespmem:v27+s30+$0x0] =	vst.idx.msk $0xffff, v26  }
0x2d8: {  	v27 =	vld [tilespmem:$0x670];
	_ =	sdelay $0x4  }
0x2d9: {  	v27 =	vadd.s32 v8, v27;
	_ =	sdelay $0x4  }
0x2da: {  	[tilespmem:v27+s30+$0x0] =	vst.idx.msk $0xffff, v26  }
0x2db: {  	v27 =	vld [tilespmem:$0x680];
	_ =	sdelay $0x4  }
0x2dc: {  	v27 =	vadd.s32 v9, v27;
	_ =	sdelay $0x4  }
0x2dd: {  	[tilespmem:v27+s30+$0x0] =	vst.idx.msk $0xffff, v26  }
0x2de: {  	v27 =	vld [tilespmem:$0x690];
	_ =	sdelay $0x4  }
0x2df: {  	v27 =	vadd.s32 v10, v27;
	_ =	sdelay $0x4  }
0x2e0: {  	[tilespmem:v27+s30+$0x0] =	vst.idx.msk $0xffff, v26  }
0x2e1: {  	v27 =	vld [tilespmem:$0x6A0];
	_ =	sdelay $0x4  }
0x2e2: {  	v27 =	vadd.s32 v11, v27;
	_ =	sdelay $0x4  }
0x2e3: {  	[tilespmem:v27+s30+$0x0] =	vst.idx.msk $0xffff, v26  }
0x2e4: {  	v27 =	vld [tilespmem:$0x6B0];
	_ =	sdelay $0x4  }
0x2e5: {  	v27 =	vadd.s32 v12, v27;
	_ =	sdelay $0x4  }
0x2e6: {  	[tilespmem:v27+s30+$0x0] =	vst.idx.msk $0xffff, v26  }
0x2e7: {  	v27 =	vld [tilespmem:$0x6C0];
	_ =	sdelay $0x4  }
0x2e8: {  	v27 =	vadd.s32 v13, v27;
	_ =	sdelay $0x4  }
0x2e9: {  	[tilespmem:v27+s30+$0x0] =	vst.idx.msk $0xffff, v26  }
0x2ea: {  	v27 =	vld [tilespmem:$0x6D0];
	_ =	sdelay $0x4  }
0x2eb: {  	v27 =	vadd.s32 v14, v27;
	_ =	sdelay $0x4  }
0x2ec: {  	[tilespmem:v27+s30+$0x0] =	vst.idx.msk $0xffff, v26  }
0x2ed: {  	v27 =	vld [tilespmem:$0x6E0];
	_ =	sdelay $0x4  }
0x2ee: {  	v27 =	vadd.s32 v15, v27;
	_ =	sdelay $0x4  }
0x2ef: {  	[tilespmem:v27+s30+$0x0] =	vst.idx.msk $0xffff, v26  }
0x2f0: {  	v27 =	vld [tilespmem:$0x6F0];
	_ =	sdelay $0x4  }
0x2f1: {  	v27 =	vadd.s32 v16, v27;
	_ =	sdelay $0x4  }
0x2f2: {  	[tilespmem:v27+s30+$0x0] =	vst.idx.msk $0xffff, v26  }
0x2f3: {  	v27 =	vld [tilespmem:$0x700];
	_ =	sdelay $0x4  }
0x2f4: {  	v27 =	vadd.s32 v17, v27;
	_ =	sdelay $0x4  }
0x2f5: {  	[tilespmem:v27+s30+$0x0] =	vst.idx.msk $0xffff, v26  }
0x2f6: {  	v27 =	vld [tilespmem:$0x710];
	_ =	sdelay $0x4  }
0x2f7: {  	v27 =	vadd.s32 v18, v27;
	_ =	sdelay $0x4  }
0x2f8: {  	[tilespmem:v27+s30+$0x0] =	vst.idx.msk $0xffff, v26  }
0x2f9: {  	v27 =	vld [tilespmem:$0x720];
	_ =	sdelay $0x4  }
0x2fa: {  	v27 =	vadd.s32 v19, v27;
	_ =	sdelay $0x4  }
0x2fb: {  	[tilespmem:v27+s30+$0x0] =	vst.idx.msk $0xffff, v26  }
0x2fc: {  	v27 =	vld [tilespmem:$0x730];
	_ =	sdelay $0x4  }
0x2fd: {  	v27 =	vadd.s32 v20, v27;
	_ =	sdelay $0x4  }
0x2fe: {  	[tilespmem:v27+s30+$0x0] =	vst.idx.msk $0xffff, v26  }
0x2ff: {  	v27 =	vld [tilespmem:$0x740];
	_ =	sdelay $0x4  }
0x300: {  	v27 =	vadd.s32 v21, v27;
	_ =	sdelay $0x4  }
0x301: {  	[tilespmem:v27+s30+$0x0] =	vst.idx.msk $0xffff, v26  }
0x302: {  	v27 =	vld [tilespmem:$0x750];
	_ =	sdelay $0x4  }
0x303: {  	v27 =	vadd.s32 v22, v27;
	_ =	sdelay $0x4  }
0x304: {  	[tilespmem:v27+s30+$0x0] =	vst.idx.msk $0xffff, v26  }
0x305: {  	v27 =	vld [tilespmem:$0x760];
	_ =	sdelay $0x4  }
0x306: {  	v27 =	vadd.s32 v23, v27;
	_ =	sdelay $0x4  }
0x307: {  	[tilespmem:v27+s30+$0x0] =	vst.idx.msk $0xffff, v26  }
0x308: {  	v27 =	vld [tilespmem:$0x770];
	_ =	sdelay $0x4  }
0x309: {  	v27 =	vadd.s32 v24, v27;
	_ =	sdelay $0x4  }
0x30a: {  	[tilespmem:v27+s30+$0x0] =	vst.idx.msk $0xffff, v26  }
0x30b: {  	v27 =	vld [tilespmem:$0x780];
	_ =	sdelay $0x4  }
0x30c: {  	v27 =	vadd.s32 v25, v27;
	_ =	sdelay $0x4  }
0x30d: {  	[tilespmem:v27+s30+$0x0] =	vst.idx.msk $0xffff, v26  }
0x30e: {  	v27 =	vld [tilespmem:$0xA00];
	_ =	sdelay $0x4  }
0x30f: {  	v27 =	vadd.s32 v0, v27;
	_ =	sdelay $0x4  }
0x310: {  	[tilespmem:v27+s30+$0x0] =	vst.idx.msk $0xffff, v1  }
0x311: {  	v27 =	vld [tilespmem:$0xA10];
	_ =	sdelay $0x4  }
0x312: {  	v27 =	vadd.s32 v2, v27;
	_ =	sdelay $0x4  }
0x313: {  	[tilespmem:v27+s30+$0x0] =	vst.idx.msk $0xffff, v1  }
0x314: {  	v27 =	vld [tilespmem:$0xA20];
	_ =	sdelay $0x4  }
0x315: {  	v27 =	vadd.s32 v3, v27;
	_ =	sdelay $0x4  }
0x316: {  	[tilespmem:v27+s30+$0x0] =	vst.idx.msk $0xffff, v1  }
0x317: {  	v27 =	vld [tilespmem:$0xA30];
	_ =	sdelay $0x4  }
0x318: {  	v27 =	vadd.s32 v4, v27;
	_ =	sdelay $0x4  }
0x319: {  	[tilespmem:v27+s30+$0x0] =	vst.idx.msk $0xffff, v1  }
0x31a: {  	v27 =	vld [tilespmem:$0xA40];
	_ =	sdelay $0x4  }
0x31b: {  	v27 =	vadd.s32 v5, v27;
	_ =	sdelay $0x4  }
0x31c: {  	[tilespmem:v27+s30+$0x0] =	vst.idx.msk $0xffff, v1  }
0x31d: {  	v27 =	vld [tilespmem:$0xA50];
	_ =	sdelay $0x4  }
0x31e: {  	v27 =	vadd.s32 v6, v27;
	_ =	sdelay $0x4  }
0x31f: {  	[tilespmem:v27+s30+$0x0] =	vst.idx.msk $0xffff, v1  }
0x320: {  	v27 =	vld [tilespmem:$0xA60];
	_ =	sdelay $0x4  }
0x321: {  	v27 =	vadd.s32 v7, v27;
	_ =	sdelay $0x4  }
0x322: {  	[tilespmem:v27+s30+$0x0] =	vst.idx.msk $0xffff, v1  }
0x323: {  	v27 =	vld [tilespmem:$0xA70];
	_ =	sdelay $0x4  }
0x324: {  	v27 =	vadd.s32 v8, v27;
	_ =	sdelay $0x4  }
0x325: {  	[tilespmem:v27+s30+$0x0] =	vst.idx.msk $0xffff, v1  }
0x326: {  	v27 =	vld [tilespmem:$0xA80];
	_ =	sdelay $0x4  }
0x327: {  	v27 =	vadd.s32 v9, v27;
	_ =	sdelay $0x4  }
0x328: {  	[tilespmem:v27+s30+$0x0] =	vst.idx.msk $0xffff, v1  }
0x329: {  	v27 =	vld [tilespmem:$0xA90];
	_ =	sdelay $0x4  }
0x32a: {  	v27 =	vadd.s32 v10, v27;
	_ =	sdelay $0x4  }
0x32b: {  	[tilespmem:v27+s30+$0x0] =	vst.idx.msk $0xffff, v1  }
0x32c: {  	v27 =	vld [tilespmem:$0xAA0];
	_ =	sdelay $0x4  }
0x32d: {  	v27 =	vadd.s32 v11, v27;
	_ =	sdelay $0x4  }
0x32e: {  	[tilespmem:v27+s30+$0x0] =	vst.idx.msk $0xffff, v1  }
0x32f: {  	v27 =	vld [tilespmem:$0xAB0];
	_ =	sdelay $0x4  }
0x330: {  	v27 =	vadd.s32 v12, v27;
	_ =	sdelay $0x4  }
0x331: {  	[tilespmem:v27+s30+$0x0] =	vst.idx.msk $0xffff, v1  }
0x332: {  	v27 =	vld [tilespmem:$0xAC0];
	_ =	sdelay $0x4  }
0x333: {  	v27 =	vadd.s32 v13, v27;
	_ =	sdelay $0x4  }
0x334: {  	[tilespmem:v27+s30+$0x0] =	vst.idx.msk $0xffff, v1  }
0x335: {  	v27 =	vld [tilespmem:$0xAD0];
	_ =	sdelay $0x4  }
0x336: {  	v27 =	vadd.s32 v14, v27;
	_ =	sdelay $0x4  }
0x337: {  	[tilespmem:v27+s30+$0x0] =	vst.idx.msk $0xffff, v1  }
0x338: {  	v27 =	vld [tilespmem:$0xAE0];
	_ =	sdelay $0x4  }
0x339: {  	v27 =	vadd.s32 v15, v27;
	_ =	sdelay $0x4  }
0x33a: {  	[tilespmem:v27+s30+$0x0] =	vst.idx.msk $0xffff, v1  }
0x33b: {  	v27 =	vld [tilespmem:$0xAF0];
	_ =	sdelay $0x4  }
0x33c: {  	v27 =	vadd.s32 v16, v27;
	_ =	sdelay $0x4  }
0x33d: {  	[tilespmem:v27+s30+$0x0] =	vst.idx.msk $0xffff, v1  }
0x33e: {  	v27 =	vld [tilespmem:$0xB00];
	_ =	sdelay $0x4  }
0x33f: {  	v27 =	vadd.s32 v17, v27;
	_ =	sdelay $0x4  }
0x340: {  	[tilespmem:v27+s30+$0x0] =	vst.idx.msk $0xffff, v1  }
0x341: {  	v27 =	vld [tilespmem:$0xB10];
	_ =	sdelay $0x4  }
0x342: {  	v27 =	vadd.s32 v18, v27;
	_ =	sdelay $0x4  }
0x343: {  	[tilespmem:v27+s30+$0x0] =	vst.idx.msk $0xffff, v1  }
0x344: {  	v27 =	vld [tilespmem:$0xB20];
	_ =	sdelay $0x4  }
0x345: {  	v27 =	vadd.s32 v19, v27;
	_ =	sdelay $0x4  }
0x346: {  	[tilespmem:v27+s30+$0x0] =	vst.idx.msk $0xffff, v1  }
0x347: {  	v27 =	vld [tilespmem:$0xB30];
	_ =	sdelay $0x4  }
0x348: {  	v27 =	vadd.s32 v20, v27;
	_ =	sdelay $0x4  }
0x349: {  	[tilespmem:v27+s30+$0x0] =	vst.idx.msk $0xffff, v1  }
0x34a: {  	v27 =	vld [tilespmem:$0xB40];
	_ =	sdelay $0x4  }
0x34b: {  	v27 =	vadd.s32 v21, v27;
	_ =	sdelay $0x4  }
0x34c: {  	[tilespmem:v27+s30+$0x0] =	vst.idx.msk $0xffff, v1  }
0x34d: {  	v27 =	vld [tilespmem:$0xB50];
	_ =	sdelay $0x4  }
0x34e: {  	v27 =	vadd.s32 v22, v27;
	_ =	sdelay $0x4  }
0x34f: {  	[tilespmem:v27+s30+$0x0] =	vst.idx.msk $0xffff, v1  }
0x350: {  	v27 =	vld [tilespmem:$0xB60];
	_ =	sdelay $0x4  }
0x351: {  	v27 =	vadd.s32 v23, v27;
	_ =	sdelay $0x4  }
0x352: {  	[tilespmem:v27+s30+$0x0] =	vst.idx.msk $0xffff, v1  }
0x353: {  	v27 =	vld [tilespmem:$0xB70];
	_ =	sdelay $0x4  }
0x354: {  	v27 =	vadd.s32 v24, v27;
	_ =	sdelay $0x4  }
0x355: {  	[tilespmem:v27+s30+$0x0] =	vst.idx.msk $0xffff, v1  }
0x356: {  	v27 =	vld [tilespmem:$0xB80];
	_ =	sdelay $0x4  }
0x357: {  	v27 =	vadd.s32 v25, v27;
	_ =	sdelay $0x4  }
0x358: {  	[tilespmem:v27+s30+$0x0] =	vst.idx.msk $0xffff, v1  }
0x359: {  	[hbm4b:s18+s3] =	stream.linear.scatter [tilespmem:s30], [sflag:$0x2], $0xC800, $0x38;
	[tilespmem:$0x1AC80] =	vst v63  }
0x35a: {  	_ =	swait.ge [sflag:s1], $0xC800  }
0x35b: {  	[sflag:s1] =	ssyncset.done $0x0  }
0x35c: {  	[sflag:s1] =	ssyncadd.s32 $0xFFFF3800  }
0x35d: {  	v27 =	vld [tilespmem:$0x800];
	_ =	sdelay $0x4  }
0x35e: {  	v27 =	vadd.s32 v0, v27;
	_ =	sdelay $0x4  }
0x35f: {  	[tilespmem:v27+s29+$0x0] =	vst.idx.msk $0xffff, v26  }
0x360: {  	v27 =	vld [tilespmem:$0x810];
	_ =	sdelay $0x4  }
0x361: {  	v27 =	vadd.s32 v2, v27;
	_ =	sdelay $0x4  }
0x362: {  	[tilespmem:v27+s29+$0x0] =	vst.idx.msk $0xffff, v26  }
0x363: {  	v27 =	vld [tilespmem:$0x820];
	_ =	sdelay $0x4  }
0x364: {  	v27 =	vadd.s32 v3, v27;
	_ =	sdelay $0x4  }
0x365: {  	[tilespmem:v27+s29+$0x0] =	vst.idx.msk $0xffff, v26  }
0x366: {  	v27 =	vld [tilespmem:$0x830];
	_ =	sdelay $0x4  }
0x367: {  	v27 =	vadd.s32 v4, v27;
	_ =	sdelay $0x4  }
0x368: {  	[tilespmem:v27+s29+$0x0] =	vst.idx.msk $0xffff, v26  }
0x369: {  	v27 =	vld [tilespmem:$0x840];
	_ =	sdelay $0x4  }
0x36a: {  	v27 =	vadd.s32 v5, v27;
	_ =	sdelay $0x4  }
0x36b: {  	[tilespmem:v27+s29+$0x0] =	vst.idx.msk $0xffff, v26  }
0x36c: {  	v27 =	vld [tilespmem:$0x850];
	_ =	sdelay $0x4  }
0x36d: {  	v27 =	vadd.s32 v6, v27;
	_ =	sdelay $0x4  }
0x36e: {  	[tilespmem:v27+s29+$0x0] =	vst.idx.msk $0xffff, v26  }
0x36f: {  	v27 =	vld [tilespmem:$0x860];
	_ =	sdelay $0x4  }
0x370: {  	v27 =	vadd.s32 v7, v27;
	_ =	sdelay $0x4  }
0x371: {  	[tilespmem:v27+s29+$0x0] =	vst.idx.msk $0xffff, v26  }
0x372: {  	v27 =	vld [tilespmem:$0x870];
	_ =	sdelay $0x4  }
0x373: {  	v27 =	vadd.s32 v8, v27;
	_ =	sdelay $0x4  }
0x374: {  	[tilespmem:v27+s29+$0x0] =	vst.idx.msk $0xffff, v26  }
0x375: {  	v27 =	vld [tilespmem:$0x880];
	_ =	sdelay $0x4  }
0x376: {  	v27 =	vadd.s32 v9, v27;
	_ =	sdelay $0x4  }
0x377: {  	[tilespmem:v27+s29+$0x0] =	vst.idx.msk $0xffff, v26  }
0x378: {  	v27 =	vld [tilespmem:$0x890];
	_ =	sdelay $0x4  }
0x379: {  	v27 =	vadd.s32 v10, v27;
	_ =	sdelay $0x4  }
0x37a: {  	[tilespmem:v27+s29+$0x0] =	vst.idx.msk $0xffff, v26  }
0x37b: {  	v27 =	vld [tilespmem:$0x8A0];
	_ =	sdelay $0x4  }
0x37c: {  	v27 =	vadd.s32 v11, v27;
	_ =	sdelay $0x4  }
0x37d: {  	[tilespmem:v27+s29+$0x0] =	vst.idx.msk $0xffff, v26  }
0x37e: {  	v27 =	vld [tilespmem:$0x8B0];
	_ =	sdelay $0x4  }
0x37f: {  	v27 =	vadd.s32 v12, v27;
	_ =	sdelay $0x4  }
0x380: {  	[tilespmem:v27+s29+$0x0] =	vst.idx.msk $0xffff, v26  }
0x381: {  	v27 =	vld [tilespmem:$0x8C0];
	_ =	sdelay $0x4  }
0x382: {  	v27 =	vadd.s32 v13, v27;
	_ =	sdelay $0x4  }
0x383: {  	[tilespmem:v27+s29+$0x0] =	vst.idx.msk $0xffff, v26  }
0x384: {  	v27 =	vld [tilespmem:$0x8D0];
	_ =	sdelay $0x4  }
0x385: {  	v27 =	vadd.s32 v14, v27;
	_ =	sdelay $0x4  }
0x386: {  	[tilespmem:v27+s29+$0x0] =	vst.idx.msk $0xffff, v26  }
0x387: {  	v27 =	vld [tilespmem:$0x8E0];
	_ =	sdelay $0x4  }
0x388: {  	v27 =	vadd.s32 v15, v27;
	_ =	sdelay $0x4  }
0x389: {  	[tilespmem:v27+s29+$0x0] =	vst.idx.msk $0xffff, v26  }
0x38a: {  	v27 =	vld [tilespmem:$0x8F0];
	_ =	sdelay $0x4  }
0x38b: {  	v27 =	vadd.s32 v16, v27;
	_ =	sdelay $0x4  }
0x38c: {  	[tilespmem:v27+s29+$0x0] =	vst.idx.msk $0xffff, v26  }
0x38d: {  	v27 =	vld [tilespmem:$0x900];
	_ =	sdelay $0x4  }
0x38e: {  	v27 =	vadd.s32 v17, v27;
	_ =	sdelay $0x4  }
0x38f: {  	[tilespmem:v27+s29+$0x0] =	vst.idx.msk $0xffff, v26  }
0x390: {  	v27 =	vld [tilespmem:$0x910];
	_ =	sdelay $0x4  }
0x391: {  	v27 =	vadd.s32 v18, v27;
	_ =	sdelay $0x4  }
0x392: {  	[tilespmem:v27+s29+$0x0] =	vst.idx.msk $0xffff, v26  }
0x393: {  	v27 =	vld [tilespmem:$0x920];
	_ =	sdelay $0x4  }
0x394: {  	v27 =	vadd.s32 v19, v27;
	_ =	sdelay $0x4  }
0x395: {  	[tilespmem:v27+s29+$0x0] =	vst.idx.msk $0xffff, v26  }
0x396: {  	v27 =	vld [tilespmem:$0x930];
	_ =	sdelay $0x4  }
0x397: {  	v27 =	vadd.s32 v20, v27;
	_ =	sdelay $0x4  }
0x398: {  	[tilespmem:v27+s29+$0x0] =	vst.idx.msk $0xffff, v26  }
0x399: {  	v27 =	vld [tilespmem:$0x940];
	_ =	sdelay $0x4  }
0x39a: {  	v27 =	vadd.s32 v21, v27;
	_ =	sdelay $0x4  }
0x39b: {  	[tilespmem:v27+s29+$0x0] =	vst.idx.msk $0xffff, v26  }
0x39c: {  	v27 =	vld [tilespmem:$0x950];
	_ =	sdelay $0x4  }
0x39d: {  	v27 =	vadd.s32 v22, v27;
	_ =	sdelay $0x4  }
0x39e: {  	[tilespmem:v27+s29+$0x0] =	vst.idx.msk $0xffff, v26  }
0x39f: {  	v27 =	vld [tilespmem:$0x960];
	_ =	sdelay $0x4  }
0x3a0: {  	v27 =	vadd.s32 v23, v27;
	_ =	sdelay $0x4  }
0x3a1: {  	[tilespmem:v27+s29+$0x0] =	vst.idx.msk $0xffff, v26  }
0x3a2: {  	v27 =	vld [tilespmem:$0x970];
	_ =	sdelay $0x4  }
0x3a3: {  	v27 =	vadd.s32 v24, v27;
	_ =	sdelay $0x4  }
0x3a4: {  	[tilespmem:v27+s29+$0x0] =	vst.idx.msk $0xffff, v26  }
0x3a5: {  	v27 =	vld [tilespmem:$0x980];
	_ =	sdelay $0x4  }
0x3a6: {  	v27 =	vadd.s32 v25, v27;
	_ =	sdelay $0x4  }
0x3a7: {  	[tilespmem:v27+s29+$0x0] =	vst.idx.msk $0xffff, v26  }
0x3a8: {  	v27 =	vld [tilespmem:$0xC00];
	_ =	sdelay $0x4  }
0x3a9: {  	v27 =	vadd.s32 v0, v27;
	_ =	sdelay $0x4  }
0x3aa: {  	[tilespmem:v27+s29+$0x0] =	vst.idx.msk $0xffff, v1  }
0x3ab: {  	v27 =	vld [tilespmem:$0xC10];
	_ =	sdelay $0x4  }
0x3ac: {  	v27 =	vadd.s32 v2, v27;
	_ =	sdelay $0x4  }
0x3ad: {  	[tilespmem:v27+s29+$0x0] =	vst.idx.msk $0xffff, v1  }
0x3ae: {  	v27 =	vld [tilespmem:$0xC20];
	_ =	sdelay $0x4  }
0x3af: {  	v27 =	vadd.s32 v3, v27;
	_ =	sdelay $0x4  }
0x3b0: {  	[tilespmem:v27+s29+$0x0] =	vst.idx.msk $0xffff, v1  }
0x3b1: {  	v27 =	vld [tilespmem:$0xC30];
	_ =	sdelay $0x4  }
0x3b2: {  	v27 =	vadd.s32 v4, v27;
	_ =	sdelay $0x4  }
0x3b3: {  	[tilespmem:v27+s29+$0x0] =	vst.idx.msk $0xffff, v1  }
0x3b4: {  	v27 =	vld [tilespmem:$0xC40];
	_ =	sdelay $0x4  }
0x3b5: {  	v27 =	vadd.s32 v5, v27;
	_ =	sdelay $0x4  }
0x3b6: {  	[tilespmem:v27+s29+$0x0] =	vst.idx.msk $0xffff, v1  }
0x3b7: {  	v27 =	vld [tilespmem:$0xC50];
	_ =	sdelay $0x4  }
0x3b8: {  	v27 =	vadd.s32 v6, v27;
	_ =	sdelay $0x4  }
0x3b9: {  	[tilespmem:v27+s29+$0x0] =	vst.idx.msk $0xffff, v1  }
0x3ba: {  	v27 =	vld [tilespmem:$0xC60];
	_ =	sdelay $0x4  }
0x3bb: {  	v27 =	vadd.s32 v7, v27;
	_ =	sdelay $0x4  }
0x3bc: {  	[tilespmem:v27+s29+$0x0] =	vst.idx.msk $0xffff, v1  }
0x3bd: {  	v27 =	vld [tilespmem:$0xC70];
	_ =	sdelay $0x4  }
0x3be: {  	v27 =	vadd.s32 v8, v27;
	_ =	sdelay $0x4  }
0x3bf: {  	[tilespmem:v27+s29+$0x0] =	vst.idx.msk $0xffff, v1  }
0x3c0: {  	v27 =	vld [tilespmem:$0xC80];
	_ =	sdelay $0x4  }
0x3c1: {  	v27 =	vadd.s32 v9, v27;
	_ =	sdelay $0x4  }
0x3c2: {  	[tilespmem:v27+s29+$0x0] =	vst.idx.msk $0xffff, v1  }
0x3c3: {  	v27 =	vld [tilespmem:$0xC90];
	_ =	sdelay $0x4  }
0x3c4: {  	v27 =	vadd.s32 v10, v27;
	_ =	sdelay $0x4  }
0x3c5: {  	[tilespmem:v27+s29+$0x0] =	vst.idx.msk $0xffff, v1  }
0x3c6: {  	v27 =	vld [tilespmem:$0xCA0];
	_ =	sdelay $0x4  }
0x3c7: {  	v27 =	vadd.s32 v11, v27;
	_ =	sdelay $0x4  }
0x3c8: {  	[tilespmem:v27+s29+$0x0] =	vst.idx.msk $0xffff, v1  }
0x3c9: {  	v27 =	vld [tilespmem:$0xCB0];
	_ =	sdelay $0x4  }
0x3ca: {  	v27 =	vadd.s32 v12, v27;
	_ =	sdelay $0x4  }
0x3cb: {  	[tilespmem:v27+s29+$0x0] =	vst.idx.msk $0xffff, v1  }
0x3cc: {  	v27 =	vld [tilespmem:$0xCC0];
	_ =	sdelay $0x4  }
0x3cd: {  	v27 =	vadd.s32 v13, v27;
	_ =	sdelay $0x4  }
0x3ce: {  	[tilespmem:v27+s29+$0x0] =	vst.idx.msk $0xffff, v1  }
0x3cf: {  	v27 =	vld [tilespmem:$0xCD0];
	_ =	sdelay $0x4  }
0x3d0: {  	v27 =	vadd.s32 v14, v27;
	_ =	sdelay $0x4  }
0x3d1: {  	[tilespmem:v27+s29+$0x0] =	vst.idx.msk $0xffff, v1  }
0x3d2: {  	v27 =	vld [tilespmem:$0xCE0];
	_ =	sdelay $0x4  }
0x3d3: {  	v27 =	vadd.s32 v15, v27;
	_ =	sdelay $0x4  }
0x3d4: {  	[tilespmem:v27+s29+$0x0] =	vst.idx.msk $0xffff, v1  }
0x3d5: {  	v27 =	vld [tilespmem:$0xCF0];
	_ =	sdelay $0x4  }
0x3d6: {  	v27 =	vadd.s32 v16, v27;
	_ =	sdelay $0x4  }
0x3d7: {  	[tilespmem:v27+s29+$0x0] =	vst.idx.msk $0xffff, v1  }
0x3d8: {  	v27 =	vld [tilespmem:$0xD00];
	_ =	sdelay $0x4  }
0x3d9: {  	v27 =	vadd.s32 v17, v27;
	_ =	sdelay $0x4  }
0x3da: {  	[tilespmem:v27+s29+$0x0] =	vst.idx.msk $0xffff, v1  }
0x3db: {  	v27 =	vld [tilespmem:$0xD10];
	_ =	sdelay $0x4  }
0x3dc: {  	v27 =	vadd.s32 v18, v27;
	_ =	sdelay $0x4  }
0x3dd: {  	[tilespmem:v27+s29+$0x0] =	vst.idx.msk $0xffff, v1  }
0x3de: {  	v27 =	vld [tilespmem:$0xD20];
	_ =	sdelay $0x4  }
0x3df: {  	v27 =	vadd.s32 v19, v27;
	_ =	sdelay $0x4  }
0x3e0: {  	[tilespmem:v27+s29+$0x0] =	vst.idx.msk $0xffff, v1  }
0x3e1: {  	v27 =	vld [tilespmem:$0xD30];
	_ =	sdelay $0x4  }
0x3e2: {  	v27 =	vadd.s32 v20, v27;
	_ =	sdelay $0x4  }
0x3e3: {  	[tilespmem:v27+s29+$0x0] =	vst.idx.msk $0xffff, v1  }
0x3e4: {  	v27 =	vld [tilespmem:$0xD40];
	_ =	sdelay $0x4  }
0x3e5: {  	v27 =	vadd.s32 v21, v27;
	_ =	sdelay $0x4  }
0x3e6: {  	[tilespmem:v27+s29+$0x0] =	vst.idx.msk $0xffff, v1  }
0x3e7: {  	v27 =	vld [tilespmem:$0xD50];
	_ =	sdelay $0x4  }
0x3e8: {  	v27 =	vadd.s32 v22, v27;
	_ =	sdelay $0x4  }
0x3e9: {  	[tilespmem:v27+s29+$0x0] =	vst.idx.msk $0xffff, v1  }
0x3ea: {  	v27 =	vld [tilespmem:$0xD60];
	_ =	sdelay $0x4  }
0x3eb: {  	v27 =	vadd.s32 v23, v27;
	_ =	sdelay $0x4  }
0x3ec: {  	[tilespmem:v27+s29+$0x0] =	vst.idx.msk $0xffff, v1  }
0x3ed: {  	v27 =	vld [tilespmem:$0xD70];
	_ =	sdelay $0x4  }
0x3ee: {  	v27 =	vadd.s32 v24, v27;
	_ =	sdelay $0x4  }
0x3ef: {  	[tilespmem:v27+s29+$0x0] =	vst.idx.msk $0xffff, v1  }
0x3f0: {  	v27 =	vld [tilespmem:$0xD80];
	_ =	sdelay $0x4  }
0x3f1: {  	v27 =	vadd.s32 v25, v27;
	_ =	sdelay $0x1  }
.Ltmp2:
0x3f2: {  	_ = 	snop;
	(pc) =	sbr.rel @p0 .LBB2_3-.Ltmp2, $3  }
0x3f3: {  	_ =	sdelay $0x1  }
0x3f4: {  	[tilespmem:v27+s29+$0x0] =	vst.idx.msk $0xffff, v1  }
0x3f5: {  	[hbm4b:s19+s3] =	stream.linear.scatter [tilespmem:s29], [sflag:$0x1], $0xC800, $0x38;
	[tilespmem:$0x1AC80] =	vst v63  }
0x3f6: {  	_ =	swait.ge [sflag:s0], $0xC800  }
0x3f7: {  	[sflag:s0] =	ssyncset.done $0x0  }
0x3f8: {  	[sflag:s0] =	ssyncadd.s32 $0xFFFF3800  }
0x3f9: {  	v27 =	vld [tilespmem:$0xA00];
	_ =	sdelay $0x4  }
0x3fa: {  	v27 =	vadd.s32 v0, v27;
	_ =	sdelay $0x4  }
0x3fb: {  	[tilespmem:v27+s30+$0x0] =	vst.idx.msk $0xffff, v26  }
0x3fc: {  	v27 =	vld [tilespmem:$0xA10];
	_ =	sdelay $0x4  }
0x3fd: {  	v27 =	vadd.s32 v2, v27;
	_ =	sdelay $0x4  }
0x3fe: {  	[tilespmem:v27+s30+$0x0] =	vst.idx.msk $0xffff, v26  }
0x3ff: {  	v27 =	vld [tilespmem:$0xA20];
	_ =	sdelay $0x4  }
0x400: {  	v27 =	vadd.s32 v3, v27;
	_ =	sdelay $0x4  }
0x401: {  	[tilespmem:v27+s30+$0x0] =	vst.idx.msk $0xffff, v26  }
0x402: {  	v27 =	vld [tilespmem:$0xA30];
	_ =	sdelay $0x4  }
0x403: {  	v27 =	vadd.s32 v4, v27;
	_ =	sdelay $0x4  }
0x404: {  	[tilespmem:v27+s30+$0x0] =	vst.idx.msk $0xffff, v26  }
0x405: {  	v27 =	vld [tilespmem:$0xA40];
	_ =	sdelay $0x4  }
0x406: {  	v27 =	vadd.s32 v5, v27;
	_ =	sdelay $0x4  }
0x407: {  	[tilespmem:v27+s30+$0x0] =	vst.idx.msk $0xffff, v26  }
0x408: {  	v27 =	vld [tilespmem:$0xA50];
	_ =	sdelay $0x4  }
0x409: {  	v27 =	vadd.s32 v6, v27;
	_ =	sdelay $0x4  }
0x40a: {  	[tilespmem:v27+s30+$0x0] =	vst.idx.msk $0xffff, v26  }
0x40b: {  	v27 =	vld [tilespmem:$0xA60];
	_ =	sdelay $0x4  }
0x40c: {  	v27 =	vadd.s32 v7, v27;
	_ =	sdelay $0x4  }
0x40d: {  	[tilespmem:v27+s30+$0x0] =	vst.idx.msk $0xffff, v26  }
0x40e: {  	v27 =	vld [tilespmem:$0xA70];
	_ =	sdelay $0x4  }
0x40f: {  	v27 =	vadd.s32 v8, v27;
	_ =	sdelay $0x4  }
0x410: {  	[tilespmem:v27+s30+$0x0] =	vst.idx.msk $0xffff, v26  }
0x411: {  	v27 =	vld [tilespmem:$0xA80];
	_ =	sdelay $0x4  }
0x412: {  	v27 =	vadd.s32 v9, v27;
	_ =	sdelay $0x4  }
0x413: {  	[tilespmem:v27+s30+$0x0] =	vst.idx.msk $0xffff, v26  }
0x414: {  	v27 =	vld [tilespmem:$0xA90];
	_ =	sdelay $0x4  }
0x415: {  	v27 =	vadd.s32 v10, v27;
	_ =	sdelay $0x4  }
0x416: {  	[tilespmem:v27+s30+$0x0] =	vst.idx.msk $0xffff, v26  }
0x417: {  	v27 =	vld [tilespmem:$0xAA0];
	_ =	sdelay $0x4  }
0x418: {  	v27 =	vadd.s32 v11, v27;
	_ =	sdelay $0x4  }
0x419: {  	[tilespmem:v27+s30+$0x0] =	vst.idx.msk $0xffff, v26  }
0x41a: {  	v27 =	vld [tilespmem:$0xAB0];
	_ =	sdelay $0x4  }
0x41b: {  	v27 =	vadd.s32 v12, v27;
	_ =	sdelay $0x4  }
0x41c: {  	[tilespmem:v27+s30+$0x0] =	vst.idx.msk $0xffff, v26  }
0x41d: {  	v27 =	vld [tilespmem:$0xAC0];
	_ =	sdelay $0x4  }
0x41e: {  	v27 =	vadd.s32 v13, v27;
	_ =	sdelay $0x4  }
0x41f: {  	[tilespmem:v27+s30+$0x0] =	vst.idx.msk $0xffff, v26  }
0x420: {  	v27 =	vld [tilespmem:$0xAD0];
	_ =	sdelay $0x4  }
0x421: {  	v27 =	vadd.s32 v14, v27;
	_ =	sdelay $0x4  }
0x422: {  	[tilespmem:v27+s30+$0x0] =	vst.idx.msk $0xffff, v26  }
0x423: {  	v27 =	vld [tilespmem:$0xAE0];
	_ =	sdelay $0x4  }
0x424: {  	v27 =	vadd.s32 v15, v27;
	_ =	sdelay $0x4  }
0x425: {  	[tilespmem:v27+s30+$0x0] =	vst.idx.msk $0xffff, v26  }
0x426: {  	v27 =	vld [tilespmem:$0xAF0];
	_ =	sdelay $0x4  }
0x427: {  	v27 =	vadd.s32 v16, v27;
	_ =	sdelay $0x4  }
0x428: {  	[tilespmem:v27+s30+$0x0] =	vst.idx.msk $0xffff, v26  }
0x429: {  	v27 =	vld [tilespmem:$0xB00];
	_ =	sdelay $0x4  }
0x42a: {  	v27 =	vadd.s32 v17, v27;
	_ =	sdelay $0x4  }
0x42b: {  	[tilespmem:v27+s30+$0x0] =	vst.idx.msk $0xffff, v26  }
0x42c: {  	v27 =	vld [tilespmem:$0xB10];
	_ =	sdelay $0x4  }
0x42d: {  	v27 =	vadd.s32 v18, v27;
	_ =	sdelay $0x4  }
0x42e: {  	[tilespmem:v27+s30+$0x0] =	vst.idx.msk $0xffff, v26  }
0x42f: {  	v27 =	vld [tilespmem:$0xB20];
	_ =	sdelay $0x4  }
0x430: {  	v27 =	vadd.s32 v19, v27;
	_ =	sdelay $0x4  }
0x431: {  	[tilespmem:v27+s30+$0x0] =	vst.idx.msk $0xffff, v26  }
0x432: {  	v27 =	vld [tilespmem:$0xB30];
	_ =	sdelay $0x4  }
0x433: {  	v27 =	vadd.s32 v20, v27;
	_ =	sdelay $0x4  }
0x434: {  	[tilespmem:v27+s30+$0x0] =	vst.idx.msk $0xffff, v26  }
0x435: {  	v27 =	vld [tilespmem:$0xB40];
	_ =	sdelay $0x4  }
0x436: {  	v27 =	vadd.s32 v21, v27;
	_ =	sdelay $0x4  }
0x437: {  	[tilespmem:v27+s30+$0x0] =	vst.idx.msk $0xffff, v26  }
0x438: {  	v27 =	vld [tilespmem:$0xB50];
	_ =	sdelay $0x4  }
0x439: {  	v27 =	vadd.s32 v22, v27;
	_ =	sdelay $0x4  }
0x43a: {  	[tilespmem:v27+s30+$0x0] =	vst.idx.msk $0xffff, v26  }
0x43b: {  	v27 =	vld [tilespmem:$0xB60];
	_ =	sdelay $0x4  }
0x43c: {  	v27 =	vadd.s32 v23, v27;
	_ =	sdelay $0x4  }
0x43d: {  	[tilespmem:v27+s30+$0x0] =	vst.idx.msk $0xffff, v26  }
0x43e: {  	v27 =	vld [tilespmem:$0xB70];
	_ =	sdelay $0x4  }
0x43f: {  	v27 =	vadd.s32 v24, v27;
	_ =	sdelay $0x4  }
0x440: {  	[tilespmem:v27+s30+$0x0] =	vst.idx.msk $0xffff, v26  }
0x441: {  	v27 =	vld [tilespmem:$0xB80];
	_ =	sdelay $0x4  }
0x442: {  	v27 =	vadd.s32 v25, v27;
	_ =	sdelay $0x4  }
0x443: {  	[tilespmem:v27+s30+$0x0] =	vst.idx.msk $0xffff, v26  }
0x444: {  	v27 =	vld [tilespmem:$0xE00];
	_ =	sdelay $0x4  }
0x445: {  	v27 =	vadd.s32 v0, v27;
	_ =	sdelay $0x4  }
0x446: {  	[tilespmem:v27+s30+$0x0] =	vst.idx.msk $0xffff, v1  }
0x447: {  	v27 =	vld [tilespmem:$0xE10];
	_ =	sdelay $0x4  }
0x448: {  	v27 =	vadd.s32 v2, v27;
	_ =	sdelay $0x4  }
0x449: {  	[tilespmem:v27+s30+$0x0] =	vst.idx.msk $0xffff, v1  }
0x44a: {  	v27 =	vld [tilespmem:$0xE20];
	_ =	sdelay $0x4  }
0x44b: {  	v27 =	vadd.s32 v3, v27;
	_ =	sdelay $0x4  }
0x44c: {  	[tilespmem:v27+s30+$0x0] =	vst.idx.msk $0xffff, v1  }
0x44d: {  	v27 =	vld [tilespmem:$0xE30];
	_ =	sdelay $0x4  }
0x44e: {  	v27 =	vadd.s32 v4, v27;
	_ =	sdelay $0x4  }
0x44f: {  	[tilespmem:v27+s30+$0x0] =	vst.idx.msk $0xffff, v1  }
0x450: {  	v27 =	vld [tilespmem:$0xE40];
	_ =	sdelay $0x4  }
0x451: {  	v27 =	vadd.s32 v5, v27;
	_ =	sdelay $0x4  }
0x452: {  	[tilespmem:v27+s30+$0x0] =	vst.idx.msk $0xffff, v1  }
0x453: {  	v27 =	vld [tilespmem:$0xE50];
	_ =	sdelay $0x4  }
0x454: {  	v27 =	vadd.s32 v6, v27;
	_ =	sdelay $0x4  }
0x455: {  	[tilespmem:v27+s30+$0x0] =	vst.idx.msk $0xffff, v1  }
0x456: {  	v27 =	vld [tilespmem:$0xE60];
	_ =	sdelay $0x4  }
0x457: {  	v27 =	vadd.s32 v7, v27;
	_ =	sdelay $0x4  }
0x458: {  	[tilespmem:v27+s30+$0x0] =	vst.idx.msk $0xffff, v1  }
0x459: {  	v27 =	vld [tilespmem:$0xE70];
	_ =	sdelay $0x4  }
0x45a: {  	v27 =	vadd.s32 v8, v27;
	_ =	sdelay $0x4  }
0x45b: {  	[tilespmem:v27+s30+$0x0] =	vst.idx.msk $0xffff, v1  }
0x45c: {  	v27 =	vld [tilespmem:$0xE80];
	_ =	sdelay $0x4  }
0x45d: {  	v27 =	vadd.s32 v9, v27;
	_ =	sdelay $0x4  }
0x45e: {  	[tilespmem:v27+s30+$0x0] =	vst.idx.msk $0xffff, v1  }
0x45f: {  	v27 =	vld [tilespmem:$0xE90];
	_ =	sdelay $0x4  }
0x460: {  	v27 =	vadd.s32 v10, v27;
	_ =	sdelay $0x4  }
0x461: {  	[tilespmem:v27+s30+$0x0] =	vst.idx.msk $0xffff, v1  }
0x462: {  	v27 =	vld [tilespmem:$0xEA0];
	_ =	sdelay $0x4  }
0x463: {  	v27 =	vadd.s32 v11, v27;
	_ =	sdelay $0x4  }
0x464: {  	[tilespmem:v27+s30+$0x0] =	vst.idx.msk $0xffff, v1  }
0x465: {  	v27 =	vld [tilespmem:$0xEB0];
	_ =	sdelay $0x4  }
0x466: {  	v27 =	vadd.s32 v12, v27;
	_ =	sdelay $0x4  }
0x467: {  	[tilespmem:v27+s30+$0x0] =	vst.idx.msk $0xffff, v1  }
0x468: {  	v27 =	vld [tilespmem:$0xEC0];
	_ =	sdelay $0x4  }
0x469: {  	v27 =	vadd.s32 v13, v27;
	_ =	sdelay $0x4  }
0x46a: {  	[tilespmem:v27+s30+$0x0] =	vst.idx.msk $0xffff, v1  }
0x46b: {  	v27 =	vld [tilespmem:$0xED0];
	_ =	sdelay $0x4  }
0x46c: {  	v27 =	vadd.s32 v14, v27;
	_ =	sdelay $0x4  }
0x46d: {  	[tilespmem:v27+s30+$0x0] =	vst.idx.msk $0xffff, v1  }
0x46e: {  	v27 =	vld [tilespmem:$0xEE0];
	_ =	sdelay $0x4  }
0x46f: {  	v27 =	vadd.s32 v15, v27;
	_ =	sdelay $0x4  }
0x470: {  	[tilespmem:v27+s30+$0x0] =	vst.idx.msk $0xffff, v1  }
0x471: {  	v27 =	vld [tilespmem:$0xEF0];
	_ =	sdelay $0x4  }
0x472: {  	v27 =	vadd.s32 v16, v27;
	_ =	sdelay $0x4  }
0x473: {  	[tilespmem:v27+s30+$0x0] =	vst.idx.msk $0xffff, v1  }
0x474: {  	v27 =	vld [tilespmem:$0xF00];
	_ =	sdelay $0x4  }
0x475: {  	v27 =	vadd.s32 v17, v27;
	_ =	sdelay $0x4  }
0x476: {  	[tilespmem:v27+s30+$0x0] =	vst.idx.msk $0xffff, v1  }
0x477: {  	v27 =	vld [tilespmem:$0xF10];
	_ =	sdelay $0x4  }
0x478: {  	v27 =	vadd.s32 v18, v27;
	_ =	sdelay $0x4  }
0x479: {  	[tilespmem:v27+s30+$0x0] =	vst.idx.msk $0xffff, v1  }
0x47a: {  	v27 =	vld [tilespmem:$0xF20];
	_ =	sdelay $0x4  }
0x47b: {  	v27 =	vadd.s32 v19, v27;
	_ =	sdelay $0x4  }
0x47c: {  	[tilespmem:v27+s30+$0x0] =	vst.idx.msk $0xffff, v1  }
0x47d: {  	v27 =	vld [tilespmem:$0xF30];
	_ =	sdelay $0x4  }
0x47e: {  	v27 =	vadd.s32 v20, v27;
	_ =	sdelay $0x4  }
0x47f: {  	[tilespmem:v27+s30+$0x0] =	vst.idx.msk $0xffff, v1  }
0x480: {  	v27 =	vld [tilespmem:$0xF40];
	_ =	sdelay $0x4  }
0x481: {  	v27 =	vadd.s32 v21, v27;
	_ =	sdelay $0x4  }
0x482: {  	[tilespmem:v27+s30+$0x0] =	vst.idx.msk $0xffff, v1  }
0x483: {  	v27 =	vld [tilespmem:$0xF50];
	_ =	sdelay $0x4  }
0x484: {  	v27 =	vadd.s32 v22, v27;
	_ =	sdelay $0x4  }
0x485: {  	[tilespmem:v27+s30+$0x0] =	vst.idx.msk $0xffff, v1  }
0x486: {  	v27 =	vld [tilespmem:$0xF60];
	_ =	sdelay $0x4  }
0x487: {  	v27 =	vadd.s32 v23, v27;
	_ =	sdelay $0x4  }
0x488: {  	[tilespmem:v27+s30+$0x0] =	vst.idx.msk $0xffff, v1  }
0x489: {  	v27 =	vld [tilespmem:$0xF70];
	_ =	sdelay $0x4  }
0x48a: {  	v27 =	vadd.s32 v24, v27;
	_ =	sdelay $0x4  }
0x48b: {  	[tilespmem:v27+s30+$0x0] =	vst.idx.msk $0xffff, v1  }
0x48c: {  	v27 =	vld [tilespmem:$0xF80];
	_ =	sdelay $0x4  }
0x48d: {  	v27 =	vadd.s32 v25, v27;
	_ =	sdelay $0x1  }
.Ltmp3:
0x48e: {  	_ = 	snop;
	(pc) =	sbr.rel .LBB2_3-.Ltmp3, $3  }
0x48f: {  	_ =	sdelay $0x1  }
0x490: {  	[tilespmem:v27+s30+$0x0] =	vst.idx.msk $0xffff, v1  }
0x491: {  	[hbm4b:s20+s3] =	stream.linear.scatter [tilespmem:s30], [sflag:$0x2], $0xC800, $0x38;
	[tilespmem:$0x1AC80] =	vst v63  }
.LBB2_4:
0x492: {  	_ =	sfence.sel $0x180000  }
0x493: {  	[bflag:$0x0] =	sbarrier.arrive $0xFFFF  }
0x494: {  	_ =	strace $0x90000047  }
0x495: {  	s0 =	stileid.u32;
	[bflag:$0x2] =	sbarrier.arrive $0xFFFF  }
0x496: {  	p0 =	sne.s32 s0, $0x0;
	s0 =	rddreg [dreg:$0x3]  }
0x497: {  	s0 =	sadd.s32 @!p0 $0x100000, s0  }
0x498: {  	[sflag:s0] =	ssyncadd.tile.s32 @!p0 $0x1;
	_ =	shalt  }
.Lfunc_end2:
_tile_overlayer_lowered:
.L_overlay_start_2:
0x499: {  	(tag) =	ssettag $0x2  }
0x49a: {  	s0 =	rddreg [dreg:$0x0];
	s2 =	stileid.u32  }
0x49b: {  	s1 =	rddreg [dreg:$0x1];
	p0 =	sne.s32 s2, $0x0  }
0x49c: {  	s3 =	rddreg [dreg:$0x2];
	[bflag:$0x3] =	sbarrier.arrive $0xFFFF;
	s2 =	simm.s32 @!p0 $0x1C04  }
0x49d: {  	[timem:s3], [sflag:s2] =	dma.local @!p0 [hbm:s0], s1  }
0x49e: {  	s0 =	simm.s32 @!p0 $0x4  }
0x49f: {  	_ =	swait.ge @!p0 [sflag:s0], s1  }
0x4a0: {  	s1 =	ssub.s32 @!p0 $0x0, s1;
	[sflag:s0] =	ssyncset.done @!p0 $0x0  }
0x4a1: {  	[sflag:s0] =	ssyncadd.s32 @!p0 s1  }
0x4a2: {  	[bflag:$0x3] =	sbarrier.arrive $0xFFFF  }
0x4a3: {  	_ =	shalt  }

</sc_bundles>
